<compile_context>
chip_gen: v7x
topology: tpu7x:2x2x1
jax: 0.10.2.dev20260603
libtpu: 0.0.44.dev20260713+nightly
codegen_flags: <defaults>
</compile_context>

<pallas_src>
import functools

import jax
import jax.numpy as jnp
from jax import lax
from jax.experimental import pallas as pl
from jax.experimental.pallas import tpu as pltpu
from jax.experimental.pallas import tpu_sc as plsc

N = 10000
E = 160000
IN_C = 128
HID = 8
H2 = IN_C * HID
W = 16

NW = 32
NC = 2
CHUNK = 128
NUM_CHUNKS = E // CHUNK
ITERS = (NUM_CHUNKS + NW - 1) // NW
ROWS_PER_TILE = N // 16
PIPE = 4


def _mesh():
    return plsc.VectorSubcoreMesh(core_axis_name="c", subcore_axis_name="s")


_SC_PARAMS = pltpu.CompilerParams(use_tc_tiling_on_sc=False,
                                  needs_layout_passes=False)


def _sc_gather_x(x, src):
    @functools.partial(
        pl.kernel,
        mesh=_mesh(),
        compiler_params=_SC_PARAMS,
        out_type=jax.ShapeDtypeStruct((E, IN_C), jnp.float32),
        scratch_types=[
            pltpu.VMEM((PIPE, CHUNK), jnp.int32),
            pltpu.VMEM((PIPE, CHUNK, IN_C), jnp.float32),
            pltpu.SemaphoreType.DMA,
            pltpu.SemaphoreType.DMA,
            pltpu.SemaphoreType.DMA,
        ],
    )
    def k(x_hbm, src_hbm, out_hbm, idx_v, rows_v, isem, gsem, osem):
        wid = lax.axis_index("s") * NC + lax.axis_index("c")

        def body(i, carry):
            def quad(stage):
                for b in range(PIPE):
                    c = wid + (i * PIPE + b) * NW

                    @pl.when(c < NUM_CHUNKS)
                    def _():
                        stage(b, c)

            quad(lambda b, c: pltpu.async_copy(
                src_hbm.at[pl.ds(c * CHUNK, CHUNK)], idx_v.at[b], isem))
            quad(lambda b, c: pltpu.make_async_copy(
                src_hbm.at[pl.ds(c * CHUNK, CHUNK)], idx_v.at[b], isem).wait())
            quad(lambda b, c: pltpu.async_copy(
                x_hbm.at[idx_v.at[b]], rows_v.at[b], gsem))
            quad(lambda b, c: pltpu.make_async_copy(
                x_hbm.at[idx_v.at[b]], rows_v.at[b], gsem).wait())
            quad(lambda b, c: pltpu.async_copy(
                rows_v.at[b], out_hbm.at[pl.ds(c * CHUNK, CHUNK)], osem))
            quad(lambda b, c: pltpu.make_async_copy(
                rows_v.at[b], out_hbm.at[pl.ds(c * CHUNK, CHUNK)], osem).wait())
            return carry

        lax.fori_loop(0, (ITERS + PIPE - 1) // PIPE, body, 0)

    return k(x, src)


TE = 640
GRID = E // TE
RPP = N // GRID


def _tc_nnconv(ea, xj, W1, b1r, W2p, b2pr, x, root, c1br):
    def body(ea_ref, xj_ref, w1_ref, b1_ref, w2_ref, b2_ref, x_ref, root_ref,
             c1b_ref, msg_ref, xroot_ref):
        r = jnp.dot(ea_ref[...], w1_ref[...], preferred_element_type=jnp.float32)
        r = jnp.maximum(r + b1_ref[...], 0.0).astype(jnp.bfloat16)
        h = jnp.dot(r, w2_ref[...], preferred_element_type=jnp.float32)
        h = h + b2_ref[...]
        xjv = xj_ref[...]
        cols = [jnp.sum(h[:, o * IN_C:(o + 1) * IN_C] * xjv, axis=1, keepdims=True)
                for o in range(HID)]
        cols.append(jnp.ones((TE, 1), jnp.float32))
        cols.append(jnp.zeros((TE, W - HID - 1), jnp.float32))
        msg_ref[...] = jnp.concatenate(cols, axis=1)
        xroot_ref[...] = (
            jnp.dot(x_ref[...], root_ref[...], preferred_element_type=jnp.float32)
            + c1b_ref[...])

    return pl.pallas_call(
        body,
        grid=(GRID,),
        in_specs=[
            pl.BlockSpec((TE, 16), lambda i: (i, 0)),
            pl.BlockSpec((TE, IN_C), lambda i: (i, 0)),
            pl.BlockSpec((16, H2), lambda i: (0, 0)),
            pl.BlockSpec((1, H2), lambda i: (0, 0)),
            pl.BlockSpec((H2, H2), lambda i: (0, 0)),
            pl.BlockSpec((1, H2), lambda i: (0, 0)),
            pl.BlockSpec((RPP, IN_C), lambda i: (i, 0)),
            pl.BlockSpec((IN_C, HID), lambda i: (0, 0)),
            pl.BlockSpec((1, HID), lambda i: (0, 0)),
        ],
        out_specs=[
            pl.BlockSpec((TE, W), lambda i: (i, 0)),
            pl.BlockSpec((RPP, HID), lambda i: (i, 0)),
        ],
        out_shape=[
            jax.ShapeDtypeStruct((E, W), jnp.float32),
            jax.ShapeDtypeStruct((N, HID), jnp.float32),
        ],
    )(ea, xj, W1, b1r, W2p, b2pr, x, root, c1br)


def _zero_spmem(z_v, acc_sh, sid):
    def zb(i, carry):
        for j in range(W // 16):
            z_v[i, pl.ds(j * 16, 16)] = jnp.zeros((16,), jnp.float32)
        return carry

    lax.fori_loop(0, ROWS_PER_TILE, zb, 0)
    pltpu.sync_copy(z_v, acc_sh.at[pl.ds(sid * ROWS_PER_TILE, ROWS_PER_TILE)])


def _sc_scatter_rows(vals, dst):
    @functools.partial(
        pl.kernel,
        mesh=_mesh(),
        compiler_params=_SC_PARAMS,
        out_type=jax.ShapeDtypeStruct((NC, N, W), jnp.float32),
        scratch_types=[
            pltpu.VMEM((PIPE, CHUNK), jnp.int32),
            pltpu.VMEM((PIPE, CHUNK, W), jnp.float32),
            pltpu.VMEM((ROWS_PER_TILE, W), jnp.float32),
            pltpu.VMEM_SHARED((N, W), jnp.float32),
            pltpu.SemaphoreType.DMA,
            pltpu.SemaphoreType.DMA,
        ],
    )
    def k(vals_hbm, dst_hbm, out_hbm, idx_v, m_v, z_v, acc_sh, isem, vsem):
        cid = lax.axis_index("c")
        sid = lax.axis_index("s")
        wid = sid * NC + cid

        _zero_spmem(z_v, acc_sh, sid)
        plsc.subcore_barrier()

        def body(i, carry):
            def quad(stage):
                for b in range(PIPE):
                    c = wid + (i * PIPE + b) * NW

                    @pl.when(c < NUM_CHUNKS)
                    def _():
                        stage(b, c * CHUNK)

            quad(lambda b, base: pltpu.async_copy(
                dst_hbm.at[pl.ds(base, CHUNK)], idx_v.at[b], isem))
            quad(lambda b, base: pltpu.async_copy(
                vals_hbm.at[pl.ds(base, CHUNK)], m_v.at[b], vsem))
            quad(lambda b, base: pltpu.make_async_copy(
                dst_hbm.at[pl.ds(base, CHUNK)], idx_v.at[b], isem).wait())
            quad(lambda b, base: pltpu.make_async_copy(
                vals_hbm.at[pl.ds(base, CHUNK)], m_v.at[b], vsem).wait())
            quad(lambda b, base: pltpu.sync_copy(
                m_v.at[b], acc_sh.at[idx_v.at[b]], add=True))
            return carry

        lax.fori_loop(0, (ITERS + PIPE - 1) // PIPE, body, 0)
        plsc.subcore_barrier()

        @pl.when(sid == 0)
        def _():
            pltpu.sync_copy(acc_sh, out_hbm.at[cid])

    return k(vals, dst)


def _tc_node1(p, xroot, gcn_W):
    def body(p_ref, xr_ref, gw_ref, out_ref):
        agg = p_ref[0, :, 0:HID] + p_ref[1, :, 0:HID]
        deg = p_ref[0, :, HID:HID + 1] + p_ref[1, :, HID:HID + 1] + 1.0
        h1 = jnp.maximum(agg + xr_ref[...], 0.0)
        dinv = lax.rsqrt(deg)
        xw = jnp.dot(h1, gw_ref[...], preferred_element_type=jnp.float32)
        xwd = xw * dinv
        out_ref[...] = jnp.concatenate(
            [xwd, dinv, jnp.zeros((N, W - HID - 1), jnp.float32)], axis=1)

    return pl.pallas_call(
        body,
        out_shape=jax.ShapeDtypeStruct((N, W), jnp.float32),
    )(p, xroot, gcn_W)


def _sc_gather_scatter(xwd, src, dst):
    @functools.partial(
        pl.kernel,
        mesh=_mesh(),
        compiler_params=_SC_PARAMS,
        out_type=jax.ShapeDtypeStruct((NC, N, W), jnp.float32),
        scratch_types=[
            pltpu.VMEM((PIPE, CHUNK), jnp.int32),
            pltpu.VMEM((PIPE, CHUNK), jnp.int32),
            pltpu.VMEM((PIPE, CHUNK, W), jnp.float32),
            pltpu.VMEM((ROWS_PER_TILE, W), jnp.float32),
            pltpu.VMEM_SHARED((N, W), jnp.float32),
            pltpu.SemaphoreType.DMA,
            pltpu.SemaphoreType.DMA,
            pltpu.SemaphoreType.DMA,
        ],
    )
    def k(xwd_hbm, src_hbm, dst_hbm, out_hbm, is_v, id_v, rows_v, z_v, acc_sh,
          ssem, dsem, gsem):
        cid = lax.axis_index("c")
        sid = lax.axis_index("s")
        wid = sid * NC + cid

        _zero_spmem(z_v, acc_sh, sid)
        plsc.subcore_barrier()

        def body(i, carry):
            def quad(stage):
                for b in range(PIPE):
                    c = wid + (i * PIPE + b) * NW

                    @pl.when(c < NUM_CHUNKS)
                    def _():
                        stage(b, c * CHUNK)

            quad(lambda b, base: pltpu.async_copy(
                src_hbm.at[pl.ds(base, CHUNK)], is_v.at[b], ssem))
            quad(lambda b, base: pltpu.async_copy(
                dst_hbm.at[pl.ds(base, CHUNK)], id_v.at[b], dsem))
            quad(lambda b, base: pltpu.make_async_copy(
                src_hbm.at[pl.ds(base, CHUNK)], is_v.at[b], ssem).wait())
            quad(lambda b, base: pltpu.async_copy(
                xwd_hbm.at[is_v.at[b]], rows_v.at[b], gsem))
            quad(lambda b, base: pltpu.make_async_copy(
                dst_hbm.at[pl.ds(base, CHUNK)], id_v.at[b], dsem).wait())
            quad(lambda b, base: pltpu.make_async_copy(
                xwd_hbm.at[is_v.at[b]], rows_v.at[b], gsem).wait())
            quad(lambda b, base: pltpu.sync_copy(
                rows_v.at[b], acc_sh.at[id_v.at[b]], add=True))
            return carry

        lax.fori_loop(0, (ITERS + PIPE - 1) // PIPE, body, 0)
        plsc.subcore_barrier()

        @pl.when(sid == 0)
        def _():
            pltpu.sync_copy(acc_sh, out_hbm.at[cid])

    return k(xwd, src, dst)


def _tc_node2(p2, xwd, gcn_br, lin_WT, lin_br):
    def body(p_ref, xwd_ref, gb_ref, lw_ref, lb_ref, out_ref):
        dinv = xwd_ref[:, HID:HID + 1]
        agg2 = p_ref[0, :, 0:HID] + p_ref[1, :, 0:HID] + xwd_ref[:, 0:HID]
        h2 = agg2 * dinv + gb_ref[...]
        wu = lw_ref[:, 0:HID]
        wv = lw_ref[:, HID:2 * HID]
        u = jnp.sum(h2 * wu, axis=1, keepdims=True) + lb_ref[...]
        v = jnp.sum(h2 * wv, axis=1, keepdims=True)
        out_ref[...] = jnp.concatenate(
            [u, v, jnp.zeros((N, 14), jnp.float32)], axis=1)

    return pl.pallas_call(
        body,
        out_shape=jax.ShapeDtypeStruct((N, 16), jnp.float32),
    )(p2, xwd, gcn_br, lin_WT, lin_br)


def _sc_edge_scores(u, v, src, dst):
    @functools.partial(
        pl.kernel,
        mesh=_mesh(),
        compiler_params=_SC_PARAMS,
        out_type=jax.ShapeDtypeStruct((E,), jnp.float32),
        scratch_types=[
            pltpu.VMEM((N,), jnp.float32),
            pltpu.VMEM((N,), jnp.float32),
            pltpu.VMEM((PIPE, CHUNK), jnp.int32),
            pltpu.VMEM((PIPE, CHUNK), jnp.int32),
            pltpu.VMEM((PIPE, CHUNK), jnp.float32),
            pltpu.SemaphoreType.DMA,
            pltpu.SemaphoreType.DMA,
            pltpu.SemaphoreType.DMA,
        ],
    )
    def k(u_hbm, v_hbm, src_hbm, dst_hbm, out_hbm, u_v, v_v, is_v, id_v, o_v,
          ssem, dsem, osem):
        wid = lax.axis_index("s") * NC + lax.axis_index("c")
        pltpu.sync_copy(u_hbm, u_v)
        pltpu.sync_copy(v_hbm, v_v)

        def body(i, carry):
            def quad(stage):
                for b in range(PIPE):
                    c = wid + (i * PIPE + b) * NW

                    @pl.when(c < NUM_CHUNKS)
                    def _():
                        stage(b, c * CHUNK)

            quad(lambda b, base: pltpu.async_copy(
                src_hbm.at[pl.ds(base, CHUNK)], is_v.at[b], ssem))
            quad(lambda b, base: pltpu.async_copy(
                dst_hbm.at[pl.ds(base, CHUNK)], id_v.at[b], dsem))
            quad(lambda b, base: pltpu.make_async_copy(
                src_hbm.at[pl.ds(base, CHUNK)], is_v.at[b], ssem).wait())
            quad(lambda b, base: pltpu.make_async_copy(
                dst_hbm.at[pl.ds(base, CHUNK)], id_v.at[b], dsem).wait())

            def compute(b, base):
                for g in range(CHUNK // 16):
                    s16 = is_v[b, pl.ds(g * 16, 16)]
                    d16 = id_v[b, pl.ds(g * 16, 16)]
                    us = plsc.load_gather(u_v, [s16])
                    vd = plsc.load_gather(v_v, [d16])
                    o_v[b, pl.ds(g * 16, 16)] = us + vd
                pltpu.async_copy(o_v.at[b], out_hbm.at[pl.ds(base, CHUNK)],
                                 osem)

            quad(compute)
            quad(lambda b, base: pltpu.make_async_copy(
                o_v.at[b], out_hbm.at[pl.ds(base, CHUNK)], osem).wait())
            return carry

        lax.fori_loop(0, (ITERS + PIPE - 1) // PIPE, body, 0)

    return k(u, v, src, dst)


def _tc_sigmoid(scores2d):
    def body(s_ref, out_ref):
        out_ref[...] = jax.nn.sigmoid(s_ref[...])

    return pl.pallas_call(
        body,
        out_shape=jax.ShapeDtypeStruct(scores2d.shape, jnp.float32),
    )(scores2d)


def kernel(x, edge_index, edge_attr, W1, b1, W2, b2, root, conv1_bias,
           gcn_W, gcn_b, lin_W, lin_b):
    src = edge_index[0]
    dst = edge_index[1]
    W2p = (W2.reshape(H2, IN_C, HID).transpose(0, 2, 1).reshape(H2, H2)
           .astype(jnp.bfloat16))
    b2pr = b2.reshape(IN_C, HID).T.reshape(1, H2)
    b1r = b1.reshape(1, H2)
    c1br = conv1_bias.reshape(1, HID)
    gcn_br = gcn_b.reshape(1, HID)
    lin_WT = lin_W.reshape(2 * HID, 1).T
    lin_br = lin_b.reshape(1, 1)

    xj = _sc_gather_x(x, src)
    msgc, xroot = _tc_nnconv(edge_attr, xj, W1, b1r, W2p, b2pr, x, root, c1br)
    p = _sc_scatter_rows(msgc, dst)
    xwd = _tc_node1(p, xroot, gcn_W)
    p2 = _sc_gather_scatter(xwd, src, dst)
    uv = _tc_node2(p2, xwd, gcn_br, lin_WT, lin_br)
    u = uv[:, 0]
    v = uv[:, 1]
    scores = _sc_edge_scores(u, v, src, dst)
    return _tc_sigmoid(scores.reshape(E // 128, 128)).reshape(E)

# --- scband reference (transcript-rebuilt; emitter-appended) ---
"""Pipeline reference for scband-gcnlink-predictor-69088843924173 (READ-ONLY COPY).

The authoritative reference and input builder live on the scoring server;
editing this copy changes nothing except your own understanding.
"""

import jax, jax.numpy as jnp
import numpy as np

N = 10000
E = 160000
IN_C = 128
HID = 8
EDGE_DIM = 16


def setup_inputs(seed: int = 0) -> dict:
    key = jax.random.key(seed)
    ks = jax.random.split(key, 10)
    x = jax.random.normal(ks[0], (N, IN_C), dtype=jnp.float32)
    edge_index = jax.random.randint(ks[1], (2, E), 0, N, dtype=jnp.int32)
    edge_attr = jax.random.normal(ks[2], (E, EDGE_DIM), dtype=jnp.float32)
    h = HID * IN_C
    W1 = jax.random.normal(ks[3], (EDGE_DIM, h), dtype=jnp.float32) / np.sqrt(EDGE_DIM)
    b1 = jnp.zeros((h,), dtype=jnp.float32)
    W2 = jax.random.normal(ks[4], (h, h), dtype=jnp.float32) / np.sqrt(h)
    b2 = jnp.zeros((h,), dtype=jnp.float32)
    root = jax.random.normal(ks[5], (IN_C, HID), dtype=jnp.float32) / np.sqrt(IN_C)
    conv1_bias = jnp.zeros((HID,), dtype=jnp.float32)
    gcn_W = jax.random.normal(ks[6], (HID, HID), dtype=jnp.float32) / np.sqrt(HID)
    gcn_b = jnp.zeros((HID,), dtype=jnp.float32)
    lin_W = jax.random.normal(ks[7], (2 * HID, 1), dtype=jnp.float32) / np.sqrt(2 * HID)
    lin_b = jnp.zeros((1,), dtype=jnp.float32)
    return {"x": x, "edge_index": edge_index, "edge_attr": edge_attr,
            "W1": W1, "b1": b1, "W2": W2, "b2": b2,
            "root": root, "conv1_bias": conv1_bias,
            "gcn_W": gcn_W, "gcn_b": gcn_b, "lin_W": lin_W, "lin_b": lin_b}


def _nn_conv(x, edge_index, edge_attr, W1, b1, W2, b2, root, conv1_bias):
    # edge network: edge_dim -> in*out -> in*out
    h = jax.nn.relu(edge_attr @ W1 + b1)
    h = h @ W2 + b2
    Wedge = h.reshape(E, IN_C, HID)  # per-edge weight matrix
    src = edge_index[0]
    dst = edge_index[1]
    x_j = x[src]                                  # gather [E, in]
    msg = jnp.einsum('ei,eio->eo', x_j, Wedge)    # per-edge matmul [E, out]
    agg = jnp.zeros((N, HID), dtype=x.dtype).at[dst].add(msg)  # scatter-add (aggr='add')
    return agg + x @ root + conv1_bias            # root weight + bias


def _gcn_conv(x, edge_index, W, b):
    src = edge_index[0]
    dst = edge_index[1]
    loop = jnp.arange(N, dtype=src.dtype)
    s = jnp.concatenate([src, loop])
    d = jnp.concatenate([dst, loop])
    deg = jnp.zeros((N,), dtype=x.dtype).at[d].add(1.0)
    dinv = jnp.where(deg > 0, 1.0 / jnp.sqrt(deg), 0.0)
    norm = dinv[s] * dinv[d]
    xw = x @ W
    msg = xw[s] * norm[:, None]
    out = jnp.zeros((N, xw.shape[1]), dtype=x.dtype).at[d].add(msg)
    return out + b


def reference(x, edge_index, edge_attr, W1, b1, W2, b2, root, conv1_bias, gcn_W, gcn_b, lin_W, lin_b):
    h1 = jax.nn.relu(_nn_conv(x, edge_index, edge_attr, W1, b1, W2, b2, root, conv1_bias))
    h2 = _gcn_conv(h1, edge_index, gcn_W, gcn_b)
    src = edge_index[0]
    dst = edge_index[1]
    edge_features = jnp.concatenate([h2[src], h2[dst]], axis=1)
    edge_scores = edge_features @ lin_W + lin_b
    edge_probs = jax.nn.sigmoid(edge_scores).squeeze(-1)
    return edge_probs

if __name__ == "__main__":
    import jax
    _d = setup_inputs()
    print(jax.jit(kernel)(*tuple(_d.values())))

</pallas_src>

<mosaic_0001>
#map = affine_map<(d0, d1) -> (0, 0)>
#map1 = affine_map<(d0, d1) -> (0)>
#map2 = affine_map<(d0, d1) -> (0, 0, 0)>
module attributes {stable_mosaic.version = 14 : i64} {
  func.func @k(%arg0: i32, %arg1: i32, %arg2: memref<10000x16xf32, #tpu.memory_space<hbm>>, %arg3: memref<160000xi32, #tpu.memory_space<hbm>>, %arg4: memref<160000xi32, #tpu.memory_space<hbm>>, %arg5: memref<2x10000x16xf32, #tpu.memory_space<hbm>>, %arg6: memref<4x128xi32, #tpu.memory_space<vmem>>, %arg7: memref<4x128xi32, #tpu.memory_space<vmem>>, %arg8: memref<4x128x16xf32, #tpu.memory_space<vmem>>, %arg9: memref<625x16xf32, #tpu.memory_space<vmem>>, %arg10: memref<10000x16xf32, #tpu.memory_space<vmem_shared>>, %arg11: memref<!tpu.dma_semaphore, #tpu.memory_space<semaphore_mem>>, %arg12: memref<!tpu.dma_semaphore, #tpu.memory_space<semaphore_mem>>, %arg13: memref<!tpu.dma_semaphore, #tpu.memory_space<semaphore_mem>>) attributes {dimension_semantics = [#tpu.dimension_semantics<core_parallel>, #tpu.dimension_semantics<subcore_parallel>], iteration_bounds = array<i64: 2, 16>, scalar_prefetch = 0 : i64, scratch_operands = 8 : i64, tpu.core_type = #tpu.core_type<sc_vector_subcore>, window_params = [{transform_indices = #map}, {transform_indices = #map1}, {transform_indices = #map1}, {transform_indices = #map2}]} {
    %mul3A = arith.constant 2 : i32
    %mul3A_0 = arith.muli %arg1, %mul3A : i32
    %add3A = arith.addi %mul3A_0, %arg0 : i32
    %scan3A = arith.constant 0 : i32
    %scan3A_1 = arith.constant 0 : i32
    %scan3A_2 = arith.constant 625 : i32
    %scan3A_3 = arith.addi %scan3A_1, %scan3A_2 : i32
    %scan3A_4 = arith.constant 1 : i32
    scf.for %scan3A_17 = %scan3A_1 to %scan3A_3 step %scan3A_4  : i32 {
      %broadcast_in_dim3A = arith.constant 0.000000e+00 : f32
      %broadcast_in_dim3A_18 = vector.broadcast %broadcast_in_dim3A : f32 to vector<16xf32>
      %swap3A = arith.index_cast %scan3A_17 : i32 to index
      %swap3A_19 = arith.constant 0 : index
      %swap3A_20 = tpu.vector_load %arg9[%swap3A, %swap3A_19] {strides = array<i32>} : memref<625x16xf32, #tpu.memory_space<vmem>>, vector<16xf32>,
      tpu.vector_store %arg9[%swap3A, %swap3A_19], %broadcast_in_dim3A_18 {strides = array<i32>} : memref<625x16xf32, #tpu.memory_space<vmem>>, vector<16xf32>,
    }
    %scan3A_5 = arith.constant 625 : i32
    %mul3A_6 = arith.constant 625 : i32
    %mul3A_7 = arith.muli %arg1, %mul3A_6 : i32
    "tpu.region"() ({
      %run_scoped3A = tpu.sem_alloc : memref<!tpu.dma_semaphore, #tpu.memory_space<semaphore_mem>>
      %dma_start3A = arith.constant 0 : i32
      %dma_start3A_17 = tpu.memref_slice %arg10[%mul3A_7, %dma_start3A] : memref<10000x16xf32, #tpu.memory_space<vmem_shared>> -> memref<625x16xf32, #tpu.memory_space<vmem_shared>>
      %dma_start3A_18 = arith.constant 0 : i32
      %dma_start3A_19 = tpu.memref_slice %arg10[%mul3A_7, %dma_start3A_18] : memref<10000x16xf32, #tpu.memory_space<vmem_shared>> -> memref<625x16xf32, #tpu.memory_space<vmem_shared>>
      tpu.enqueue_dma source(%arg9 : memref<625x16xf32, #tpu.memory_space<vmem>>) target(%dma_start3A_19 : memref<625x16xf32, #tpu.memory_space<vmem_shared>>) target_semaphore(%run_scoped3A : memref<!tpu.dma_semaphore, #tpu.memory_space<semaphore_mem>>)
      %dma_wait3A = arith.constant 0 : i32
      %dma_wait3A_20 = tpu.memref_slice %arg10[%mul3A_7, %dma_wait3A] : memref<10000x16xf32, #tpu.memory_space<vmem_shared>> -> memref<625x16xf32, #tpu.memory_space<vmem_shared>>
      %dma_wait3A_21 = arith.constant 0 : i32
      %dma_wait3A_22 = tpu.memref_slice %arg10[%mul3A_7, %dma_wait3A_21] : memref<10000x16xf32, #tpu.memory_space<vmem_shared>> -> memref<625x16xf32, #tpu.memory_space<vmem_shared>>
      tpu.wait_dma2 semaphore(%run_scoped3A : memref<!tpu.dma_semaphore, #tpu.memory_space<semaphore_mem>>) src(%arg9 : memref<625x16xf32, #tpu.memory_space<vmem>>) dst(%dma_wait3A_22 : memref<625x16xf32, #tpu.memory_space<vmem_shared>>)
      tpu.yield
    }) : () -> ()
    %barrier3A = arith.constant 0 : index
    tpu.barrier barrier_id(%barrier3A)
    %scan3A_8 = arith.constant 0 : i32
    %scan3A_9 = arith.constant 0 : i32
    %scan3A_10 = arith.constant 10 : i32
    %scan3A_11 = arith.addi %scan3A_9, %scan3A_10 : i32
    %scan3A_12 = arith.constant 1 : i32
    scf.for %scan3A_17 = %scan3A_9 to %scan3A_11 step %scan3A_12  : i32 {
      %mul3A_18 = arith.constant 4 : i32
      %mul3A_19 = arith.muli %scan3A_17, %mul3A_18 : i32
      %add3A_20 = arith.constant 0 : i32
      %add3A_21 = arith.addi %mul3A_19, %add3A_20 : i32
      %mul3A_22 = arith.constant 32 : i32
      %mul3A_23 = arith.muli %add3A_21, %mul3A_22 : i32
      %add3A_24 = arith.addi %add3A, %mul3A_23 : i32
      %lt3A = arith.constant 1250 : i32
      %lt3A_25 = arith.cmpi slt, %add3A_24, %lt3A : i32
      %convert_element_type3A_26 = arith.extui %lt3A_25 : i1 to i32
      %cond3A_27 = arith.constant 0 : i32
      %cond3A_28 = arith.cmpi ne, %convert_element_type3A_26, %cond3A_27 : i32
      scf.if %cond3A_28 {
        %mul3A_353 = arith.constant 128 : i32
        %mul3A_354 = arith.muli %add3A_24, %mul3A_353 : i32
        %dma_start3A = arith.constant 0 : i32
        %dma_start3A_355 = arith.constant 0 : i32
        %dma_start3A_356 = tpu.memref_slice %arg6[%dma_start3A, %dma_start3A_355] : memref<4x128xi32, #tpu.memory_space<vmem>> -> memref<1x128xi32, #tpu.memory_space<vmem>>
        %dma_start3A_357 = tpu.memref_squeeze %dma_start3A_356 : memref<1x128xi32, #tpu.memory_space<vmem>> -> memref<128xi32, #tpu.memory_space<vmem>>
        %dma_start3A_358 = tpu.memref_slice %arg3[%mul3A_354] : memref<160000xi32, #tpu.memory_space<hbm>> -> memref<128xi32, #tpu.memory_space<hbm>>
        %dma_start3A_359 = arith.constant 0 : i32
        %dma_start3A_360 = tpu.memref_slice %arg6[%dma_start3A, %dma_start3A_359] : memref<4x128xi32, #tpu.memory_space<vmem>> -> memref<1x128xi32, #tpu.memory_space<vmem>>
        %dma_start3A_361 = tpu.memref_squeeze %dma_start3A_360 : memref<1x128xi32, #tpu.memory_space<vmem>> -> memref<128xi32, #tpu.memory_space<vmem>>
        %dma_start3A_362 = tpu.memref_slice %arg3[%mul3A_354] : memref<160000xi32, #tpu.memory_space<hbm>> -> memref<128xi32, #tpu.memory_space<hbm>>
        tpu.enqueue_dma source(%dma_start3A_362 : memref<128xi32, #tpu.memory_space<hbm>>) target(%dma_start3A_361 : memref<128xi32, #tpu.memory_space<vmem>>) target_semaphore(%arg11 : memref<!tpu.dma_semaphore, #tpu.memory_space<semaphore_mem>>)
      } else {
      }
      %mul3A_29 = arith.constant 4 : i32
      %mul3A_30 = arith.muli %scan3A_17, %mul3A_29 : i32
      %add3A_31 = arith.constant 1 : i32
      %add3A_32 = arith.addi %mul3A_30, %add3A_31 : i32
      %mul3A_33 = arith.constant 32 : i32
      %mul3A_34 = arith.muli %add3A_32, %mul3A_33 : i32
      %add3A_35 = arith.addi %add3A, %mul3A_34 : i32
      %lt3A_36 = arith.constant 1250 : i32
      %lt3A_37 = arith.cmpi slt, %add3A_35, %lt3A_36 : i32
      %convert_element_type3A_38 = arith.extui %lt3A_37 : i1 to i32
      %cond3A_39 = arith.constant 0 : i32
      %cond3A_40 = arith.cmpi ne, %convert_element_type3A_38, %cond3A_39 : i32
      scf.if %cond3A_40 {
        %mul3A_353 = arith.constant 128 : i32
        %mul3A_354 = arith.muli %add3A_35, %mul3A_353 : i32
        %dma_start3A = arith.constant 1 : i32
        %dma_start3A_355 = arith.constant 0 : i32
        %dma_start3A_356 = tpu.memref_slice %arg6[%dma_start3A, %dma_start3A_355] : memref<4x128xi32, #tpu.memory_space<vmem>> -> memref<1x128xi32, #tpu.memory_space<vmem>>
        %dma_start3A_357 = tpu.memref_squeeze %dma_start3A_356 : memref<1x128xi32, #tpu.memory_space<vmem>> -> memref<128xi32, #tpu.memory_space<vmem>>
        %dma_start3A_358 = tpu.memref_slice %arg3[%mul3A_354] : memref<160000xi32, #tpu.memory_space<hbm>> -> memref<128xi32, #tpu.memory_space<hbm>>
        %dma_start3A_359 = arith.constant 0 : i32
        %dma_start3A_360 = tpu.memref_slice %arg6[%dma_start3A, %dma_start3A_359] : memref<4x128xi32, #tpu.memory_space<vmem>> -> memref<1x128xi32, #tpu.memory_space<vmem>>
        %dma_start3A_361 = tpu.memref_squeeze %dma_start3A_360 : memref<1x128xi32, #tpu.memory_space<vmem>> -> memref<128xi32, #tpu.memory_space<vmem>>
        %dma_start3A_362 = tpu.memref_slice %arg3[%mul3A_354] : memref<160000xi32, #tpu.memory_space<hbm>> -> memref<128xi32, #tpu.memory_space<hbm>>
        tpu.enqueue_dma source(%dma_start3A_362 : memref<128xi32, #tpu.memory_space<hbm>>) target(%dma_start3A_361 : memref<128xi32, #tpu.memory_space<vmem>>) target_semaphore(%arg11 : memref<!tpu.dma_semaphore, #tpu.memory_space<semaphore_mem>>)
      } else {
      }
      %mul3A_41 = arith.constant 4 : i32
      %mul3A_42 = arith.muli %scan3A_17, %mul3A_41 : i32
      %add3A_43 = arith.constant 2 : i32
      %add3A_44 = arith.addi %mul3A_42, %add3A_43 : i32
      %mul3A_45 = arith.constant 32 : i32
      %mul3A_46 = arith.muli %add3A_44, %mul3A_45 : i32
      %add3A_47 = arith.addi %add3A, %mul3A_46 : i32
      %lt3A_48 = arith.constant 1250 : i32
      %lt3A_49 = arith.cmpi slt, %add3A_47, %lt3A_48 : i32
      %convert_element_type3A_50 = arith.extui %lt3A_49 : i1 to i32
      %cond3A_51 = arith.constant 0 : i32
      %cond3A_52 = arith.cmpi ne, %convert_element_type3A_50, %cond3A_51 : i32
      scf.if %cond3A_52 {
        %mul3A_353 = arith.constant 128 : i32
        %mul3A_354 = arith.muli %add3A_47, %mul3A_353 : i32
        %dma_start3A = arith.constant 2 : i32
        %dma_start3A_355 = arith.constant 0 : i32
        %dma_start3A_356 = tpu.memref_slice %arg6[%dma_start3A, %dma_start3A_355] : memref<4x128xi32, #tpu.memory_space<vmem>> -> memref<1x128xi32, #tpu.memory_space<vmem>>
        %dma_start3A_357 = tpu.memref_squeeze %dma_start3A_356 : memref<1x128xi32, #tpu.memory_space<vmem>> -> memref<128xi32, #tpu.memory_space<vmem>>
        %dma_start3A_358 = tpu.memref_slice %arg3[%mul3A_354] : memref<160000xi32, #tpu.memory_space<hbm>> -> memref<128xi32, #tpu.memory_space<hbm>>
        %dma_start3A_359 = arith.constant 0 : i32
        %dma_start3A_360 = tpu.memref_slice %arg6[%dma_start3A, %dma_start3A_359] : memref<4x128xi32, #tpu.memory_space<vmem>> -> memref<1x128xi32, #tpu.memory_space<vmem>>
        %dma_start3A_361 = tpu.memref_squeeze %dma_start3A_360 : memref<1x128xi32, #tpu.memory_space<vmem>> -> memref<128xi32, #tpu.memory_space<vmem>>
        %dma_start3A_362 = tpu.memref_slice %arg3[%mul3A_354] : memref<160000xi32, #tpu.memory_space<hbm>> -> memref<128xi32, #tpu.memory_space<hbm>>
        tpu.enqueue_dma source(%dma_start3A_362 : memref<128xi32, #tpu.memory_space<hbm>>) target(%dma_start3A_361 : memref<128xi32, #tpu.memory_space<vmem>>) target_semaphore(%arg11 : memref<!tpu.dma_semaphore, #tpu.memory_space<semaphore_mem>>)
      } else {
      }
      %mul3A_53 = arith.constant 4 : i32
      %mul3A_54 = arith.muli %scan3A_17, %mul3A_53 : i32
      %add3A_55 = arith.constant 3 : i32
      %add3A_56 = arith.addi %mul3A_54, %add3A_55 : i32
      %mul3A_57 = arith.constant 32 : i32
      %mul3A_58 = arith.muli %add3A_56, %mul3A_57 : i32
      %add3A_59 = arith.addi %add3A, %mul3A_58 : i32
      %lt3A_60 = arith.constant 1250 : i32
      %lt3A_61 = arith.cmpi slt, %add3A_59, %lt3A_60 : i32
      %convert_element_type3A_62 = arith.extui %lt3A_61 : i1 to i32
      %cond3A_63 = arith.constant 0 : i32
      %cond3A_64 = arith.cmpi ne, %convert_element_type3A_62, %cond3A_63 : i32
      scf.if %cond3A_64 {
        %mul3A_353 = arith.constant 128 : i32
        %mul3A_354 = arith.muli %add3A_59, %mul3A_353 : i32
        %dma_start3A = arith.constant 3 : i32
        %dma_start3A_355 = arith.constant 0 : i32
        %dma_start3A_356 = tpu.memref_slice %arg6[%dma_start3A, %dma_start3A_355] : memref<4x128xi32, #tpu.memory_space<vmem>> -> memref<1x128xi32, #tpu.memory_space<vmem>>
        %dma_start3A_357 = tpu.memref_squeeze %dma_start3A_356 : memref<1x128xi32, #tpu.memory_space<vmem>> -> memref<128xi32, #tpu.memory_space<vmem>>
        %dma_start3A_358 = tpu.memref_slice %arg3[%mul3A_354] : memref<160000xi32, #tpu.memory_space<hbm>> -> memref<128xi32, #tpu.memory_space<hbm>>
        %dma_start3A_359 = arith.constant 0 : i32
        %dma_start3A_360 = tpu.memref_slice %arg6[%dma_start3A, %dma_start3A_359] : memref<4x128xi32, #tpu.memory_space<vmem>> -> memref<1x128xi32, #tpu.memory_space<vmem>>
        %dma_start3A_361 = tpu.memref_squeeze %dma_start3A_360 : memref<1x128xi32, #tpu.memory_space<vmem>> -> memref<128xi32, #tpu.memory_space<vmem>>
        %dma_start3A_362 = tpu.memref_slice %arg3[%mul3A_354] : memref<160000xi32, #tpu.memory_space<hbm>> -> memref<128xi32, #tpu.memory_space<hbm>>
        tpu.enqueue_dma source(%dma_start3A_362 : memref<128xi32, #tpu.memory_space<hbm>>) target(%dma_start3A_361 : memref<128xi32, #tpu.memory_space<vmem>>) target_semaphore(%arg11 : memref<!tpu.dma_semaphore, #tpu.memory_space<semaphore_mem>>)
      } else {
      }
      %mul3A_65 = arith.constant 4 : i32
      %mul3A_66 = arith.muli %scan3A_17, %mul3A_65 : i32
      %add3A_67 = arith.constant 0 : i32
      %add3A_68 = arith.addi %mul3A_66, %add3A_67 : i32
      %mul3A_69 = arith.constant 32 : i32
      %mul3A_70 = arith.muli %add3A_68, %mul3A_69 : i32
      %add3A_71 = arith.addi %add3A, %mul3A_70 : i32
      %lt3A_72 = arith.constant 1250 : i32
      %lt3A_73 = arith.cmpi slt, %add3A_71, %lt3A_72 : i32
      %convert_element_type3A_74 = arith.extui %lt3A_73 : i1 to i32
      %cond3A_75 = arith.constant 0 : i32
      %cond3A_76 = arith.cmpi ne, %convert_element_type3A_74, %cond3A_75 : i32
      scf.if %cond3A_76 {
        %mul3A_353 = arith.constant 128 : i32
        %mul3A_354 = arith.muli %add3A_71, %mul3A_353 : i32
        %dma_start3A = arith.constant 0 : i32
        %dma_start3A_355 = arith.constant 0 : i32
        %dma_start3A_356 = tpu.memref_slice %arg7[%dma_start3A, %dma_start3A_355] : memref<4x128xi32, #tpu.memory_space<vmem>> -> memref<1x128xi32, #tpu.memory_space<vmem>>
        %dma_start3A_357 = tpu.memref_squeeze %dma_start3A_356 : memref<1x128xi32, #tpu.memory_space<vmem>> -> memref<128xi32, #tpu.memory_space<vmem>>
        %dma_start3A_358 = tpu.memref_slice %arg4[%mul3A_354] : memref<160000xi32, #tpu.memory_space<hbm>> -> memref<128xi32, #tpu.memory_space<hbm>>
        %dma_start3A_359 = arith.constant 0 : i32
        %dma_start3A_360 = tpu.memref_slice %arg7[%dma_start3A, %dma_start3A_359] : memref<4x128xi32, #tpu.memory_space<vmem>> -> memref<1x128xi32, #tpu.memory_space<vmem>>
        %dma_start3A_361 = tpu.memref_squeeze %dma_start3A_360 : memref<1x128xi32, #tpu.memory_space<vmem>> -> memref<128xi32, #tpu.memory_space<vmem>>
        %dma_start3A_362 = tpu.memref_slice %arg4[%mul3A_354] : memref<160000xi32, #tpu.memory_space<hbm>> -> memref<128xi32, #tpu.memory_space<hbm>>
        tpu.enqueue_dma source(%dma_start3A_362 : memref<128xi32, #tpu.memory_space<hbm>>) target(%dma_start3A_361 : memref<128xi32, #tpu.memory_space<vmem>>) target_semaphore(%arg12 : memref<!tpu.dma_semaphore, #tpu.memory_space<semaphore_mem>>)
      } else {
      }
      %mul3A_77 = arith.constant 4 : i32
      %mul3A_78 = arith.muli %scan3A_17, %mul3A_77 : i32
      %add3A_79 = arith.constant 1 : i32
      %add3A_80 = arith.addi %mul3A_78, %add3A_79 : i32
      %mul3A_81 = arith.constant 32 : i32
      %mul3A_82 = arith.muli %add3A_80, %mul3A_81 : i32
      %add3A_83 = arith.addi %add3A, %mul3A_82 : i32
      %lt3A_84 = arith.constant 1250 : i32
      %lt3A_85 = arith.cmpi slt, %add3A_83, %lt3A_84 : i32
      %convert_element_type3A_86 = arith.extui %lt3A_85 : i1 to i32
      %cond3A_87 = arith.constant 0 : i32
      %cond3A_88 = arith.cmpi ne, %convert_element_type3A_86, %cond3A_87 : i32
      scf.if %cond3A_88 {
        %mul3A_353 = arith.constant 128 : i32
        %mul3A_354 = arith.muli %add3A_83, %mul3A_353 : i32
        %dma_start3A = arith.constant 1 : i32
        %dma_start3A_355 = arith.constant 0 : i32
        %dma_start3A_356 = tpu.memref_slice %arg7[%dma_start3A, %dma_start3A_355] : memref<4x128xi32, #tpu.memory_space<vmem>> -> memref<1x128xi32, #tpu.memory_space<vmem>>
        %dma_start3A_357 = tpu.memref_squeeze %dma_start3A_356 : memref<1x128xi32, #tpu.memory_space<vmem>> -> memref<128xi32, #tpu.memory_space<vmem>>
        %dma_start3A_358 = tpu.memref_slice %arg4[%mul3A_354] : memref<160000xi32, #tpu.memory_space<hbm>> -> memref<128xi32, #tpu.memory_space<hbm>>
        %dma_start3A_359 = arith.constant 0 : i32
        %dma_start3A_360 = tpu.memref_slice %arg7[%dma_start3A, %dma_start3A_359] : memref<4x128xi32, #tpu.memory_space<vmem>> -> memref<1x128xi32, #tpu.memory_space<vmem>>
        %dma_start3A_361 = tpu.memref_squeeze %dma_start3A_360 : memref<1x128xi32, #tpu.memory_space<vmem>> -> memref<128xi32, #tpu.memory_space<vmem>>
        %dma_start3A_362 = tpu.memref_slice %arg4[%mul3A_354] : memref<160000xi32, #tpu.memory_space<hbm>> -> memref<128xi32, #tpu.memory_space<hbm>>
        tpu.enqueue_dma source(%dma_start3A_362 : memref<128xi32, #tpu.memory_space<hbm>>) target(%dma_start3A_361 : memref<128xi32, #tpu.memory_space<vmem>>) target_semaphore(%arg12 : memref<!tpu.dma_semaphore, #tpu.memory_space<semaphore_mem>>)
      } else {
      }
      %mul3A_89 = arith.constant 4 : i32
      %mul3A_90 = arith.muli %scan3A_17, %mul3A_89 : i32
      %add3A_91 = arith.constant 2 : i32
      %add3A_92 = arith.addi %mul3A_90, %add3A_91 : i32
      %mul3A_93 = arith.constant 32 : i32
      %mul3A_94 = arith.muli %add3A_92, %mul3A_93 : i32
      %add3A_95 = arith.addi %add3A, %mul3A_94 : i32
      %lt3A_96 = arith.constant 1250 : i32
      %lt3A_97 = arith.cmpi slt, %add3A_95, %lt3A_96 : i32
      %convert_element_type3A_98 = arith.extui %lt3A_97 : i1 to i32
      %cond3A_99 = arith.constant 0 : i32
      %cond3A_100 = arith.cmpi ne, %convert_element_type3A_98, %cond3A_99 : i32
      scf.if %cond3A_100 {
        %mul3A_353 = arith.constant 128 : i32
        %mul3A_354 = arith.muli %add3A_95, %mul3A_353 : i32
        %dma_start3A = arith.constant 2 : i32
        %dma_start3A_355 = arith.constant 0 : i32
        %dma_start3A_356 = tpu.memref_slice %arg7[%dma_start3A, %dma_start3A_355] : memref<4x128xi32, #tpu.memory_space<vmem>> -> memref<1x128xi32, #tpu.memory_space<vmem>>
        %dma_start3A_357 = tpu.memref_squeeze %dma_start3A_356 : memref<1x128xi32, #tpu.memory_space<vmem>> -> memref<128xi32, #tpu.memory_space<vmem>>
        %dma_start3A_358 = tpu.memref_slice %arg4[%mul3A_354] : memref<160000xi32, #tpu.memory_space<hbm>> -> memref<128xi32, #tpu.memory_space<hbm>>
        %dma_start3A_359 = arith.constant 0 : i32
        %dma_start3A_360 = tpu.memref_slice %arg7[%dma_start3A, %dma_start3A_359] : memref<4x128xi32, #tpu.memory_space<vmem>> -> memref<1x128xi32, #tpu.memory_space<vmem>>
        %dma_start3A_361 = tpu.memref_squeeze %dma_start3A_360 : memref<1x128xi32, #tpu.memory_space<vmem>> -> memref<128xi32, #tpu.memory_space<vmem>>
        %dma_start3A_362 = tpu.memref_slice %arg4[%mul3A_354] : memref<160000xi32, #tpu.memory_space<hbm>> -> memref<128xi32, #tpu.memory_space<hbm>>
        tpu.enqueue_dma source(%dma_start3A_362 : memref<128xi32, #tpu.memory_space<hbm>>) target(%dma_start3A_361 : memref<128xi32, #tpu.memory_space<vmem>>) target_semaphore(%arg12 : memref<!tpu.dma_semaphore, #tpu.memory_space<semaphore_mem>>)
      } else {
      }
      %mul3A_101 = arith.constant 4 : i32
      %mul3A_102 = arith.muli %scan3A_17, %mul3A_101 : i32
      %add3A_103 = arith.constant 3 : i32
      %add3A_104 = arith.addi %mul3A_102, %add3A_103 : i32
      %mul3A_105 = arith.constant 32 : i32
      %mul3A_106 = arith.muli %add3A_104, %mul3A_105 : i32
      %add3A_107 = arith.addi %add3A, %mul3A_106 : i32
      %lt3A_108 = arith.constant 1250 : i32
      %lt3A_109 = arith.cmpi slt, %add3A_107, %lt3A_108 : i32
      %convert_element_type3A_110 = arith.extui %lt3A_109 : i1 to i32
      %cond3A_111 = arith.constant 0 : i32
      %cond3A_112 = arith.cmpi ne, %convert_element_type3A_110, %cond3A_111 : i32
      scf.if %cond3A_112 {
        %mul3A_353 = arith.constant 128 : i32
        %mul3A_354 = arith.muli %add3A_107, %mul3A_353 : i32
        %dma_start3A = arith.constant 3 : i32
        %dma_start3A_355 = arith.constant 0 : i32
        %dma_start3A_356 = tpu.memref_slice %arg7[%dma_start3A, %dma_start3A_355] : memref<4x128xi32, #tpu.memory_space<vmem>> -> memref<1x128xi32, #tpu.memory_space<vmem>>
        %dma_start3A_357 = tpu.memref_squeeze %dma_start3A_356 : memref<1x128xi32, #tpu.memory_space<vmem>> -> memref<128xi32, #tpu.memory_space<vmem>>
        %dma_start3A_358 = tpu.memref_slice %arg4[%mul3A_354] : memref<160000xi32, #tpu.memory_space<hbm>> -> memref<128xi32, #tpu.memory_space<hbm>>
        %dma_start3A_359 = arith.constant 0 : i32
        %dma_start3A_360 = tpu.memref_slice %arg7[%dma_start3A, %dma_start3A_359] : memref<4x128xi32, #tpu.memory_space<vmem>> -> memref<1x128xi32, #tpu.memory_space<vmem>>
        %dma_start3A_361 = tpu.memref_squeeze %dma_start3A_360 : memref<1x128xi32, #tpu.memory_space<vmem>> -> memref<128xi32, #tpu.memory_space<vmem>>
        %dma_start3A_362 = tpu.memref_slice %arg4[%mul3A_354] : memref<160000xi32, #tpu.memory_space<hbm>> -> memref<128xi32, #tpu.memory_space<hbm>>
        tpu.enqueue_dma source(%dma_start3A_362 : memref<128xi32, #tpu.memory_space<hbm>>) target(%dma_start3A_361 : memref<128xi32, #tpu.memory_space<vmem>>) target_semaphore(%arg12 : memref<!tpu.dma_semaphore, #tpu.memory_space<semaphore_mem>>)
      } else {
      }
      %mul3A_113 = arith.constant 4 : i32
      %mul3A_114 = arith.muli %scan3A_17, %mul3A_113 : i32
      %add3A_115 = arith.constant 0 : i32
      %add3A_116 = arith.addi %mul3A_114, %add3A_115 : i32
      %mul3A_117 = arith.constant 32 : i32
      %mul3A_118 = arith.muli %add3A_116, %mul3A_117 : i32
      %add3A_119 = arith.addi %add3A, %mul3A_118 : i32
      %lt3A_120 = arith.constant 1250 : i32
      %lt3A_121 = arith.cmpi slt, %add3A_119, %lt3A_120 : i32
      %convert_element_type3A_122 = arith.extui %lt3A_121 : i1 to i32
      %cond3A_123 = arith.constant 0 : i32
      %cond3A_124 = arith.cmpi ne, %convert_element_type3A_122, %cond3A_123 : i32
      scf.if %cond3A_124 {
        %mul3A_353 = arith.constant 128 : i32
        %mul3A_354 = arith.muli %add3A_119, %mul3A_353 : i32
        %dma_wait3A = arith.constant 0 : i32
        %dma_wait3A_355 = arith.constant 0 : i32
        %dma_wait3A_356 = tpu.memref_slice %arg6[%dma_wait3A, %dma_wait3A_355] : memref<4x128xi32, #tpu.memory_space<vmem>> -> memref<1x128xi32, #tpu.memory_space<vmem>>
        %dma_wait3A_357 = tpu.memref_squeeze %dma_wait3A_356 : memref<1x128xi32, #tpu.memory_space<vmem>> -> memref<128xi32, #tpu.memory_space<vmem>>
        %dma_wait3A_358 = tpu.memref_slice %arg3[%mul3A_354] : memref<160000xi32, #tpu.memory_space<hbm>> -> memref<128xi32, #tpu.memory_space<hbm>>
        %dma_wait3A_359 = arith.constant 0 : i32
        %dma_wait3A_360 = tpu.memref_slice %arg6[%dma_wait3A, %dma_wait3A_359] : memref<4x128xi32, #tpu.memory_space<vmem>> -> memref<1x128xi32, #tpu.memory_space<vmem>>
        %dma_wait3A_361 = tpu.memref_squeeze %dma_wait3A_360 : memref<1x128xi32, #tpu.memory_space<vmem>> -> memref<128xi32, #tpu.memory_space<vmem>>
        %dma_wait3A_362 = tpu.memref_slice %arg3[%mul3A_354] : memref<160000xi32, #tpu.memory_space<hbm>> -> memref<128xi32, #tpu.memory_space<hbm>>
        tpu.wait_dma2 semaphore(%arg11 : memref<!tpu.dma_semaphore, #tpu.memory_space<semaphore_mem>>) src(%dma_wait3A_362 : memref<128xi32, #tpu.memory_space<hbm>>) dst(%dma_wait3A_361 : memref<128xi32, #tpu.memory_space<vmem>>)
      } else {
      }
      %mul3A_125 = arith.constant 4 : i32
      %mul3A_126 = arith.muli %scan3A_17, %mul3A_125 : i32
      %add3A_127 = arith.constant 1 : i32
      %add3A_128 = arith.addi %mul3A_126, %add3A_127 : i32
      %mul3A_129 = arith.constant 32 : i32
      %mul3A_130 = arith.muli %add3A_128, %mul3A_129 : i32
      %add3A_131 = arith.addi %add3A, %mul3A_130 : i32
      %lt3A_132 = arith.constant 1250 : i32
      %lt3A_133 = arith.cmpi slt, %add3A_131, %lt3A_132 : i32
      %convert_element_type3A_134 = arith.extui %lt3A_133 : i1 to i32
      %cond3A_135 = arith.constant 0 : i32
      %cond3A_136 = arith.cmpi ne, %convert_element_type3A_134, %cond3A_135 : i32
      scf.if %cond3A_136 {
        %mul3A_353 = arith.constant 128 : i32
        %mul3A_354 = arith.muli %add3A_131, %mul3A_353 : i32
        %dma_wait3A = arith.constant 1 : i32
        %dma_wait3A_355 = arith.constant 0 : i32
        %dma_wait3A_356 = tpu.memref_slice %arg6[%dma_wait3A, %dma_wait3A_355] : memref<4x128xi32, #tpu.memory_space<vmem>> -> memref<1x128xi32, #tpu.memory_space<vmem>>
        %dma_wait3A_357 = tpu.memref_squeeze %dma_wait3A_356 : memref<1x128xi32, #tpu.memory_space<vmem>> -> memref<128xi32, #tpu.memory_space<vmem>>
        %dma_wait3A_358 = tpu.memref_slice %arg3[%mul3A_354] : memref<160000xi32, #tpu.memory_space<hbm>> -> memref<128xi32, #tpu.memory_space<hbm>>
        %dma_wait3A_359 = arith.constant 0 : i32
        %dma_wait3A_360 = tpu.memref_slice %arg6[%dma_wait3A, %dma_wait3A_359] : memref<4x128xi32, #tpu.memory_space<vmem>> -> memref<1x128xi32, #tpu.memory_space<vmem>>
        %dma_wait3A_361 = tpu.memref_squeeze %dma_wait3A_360 : memref<1x128xi32, #tpu.memory_space<vmem>> -> memref<128xi32, #tpu.memory_space<vmem>>
        %dma_wait3A_362 = tpu.memref_slice %arg3[%mul3A_354] : memref<160000xi32, #tpu.memory_space<hbm>> -> memref<128xi32, #tpu.memory_space<hbm>>
        tpu.wait_dma2 semaphore(%arg11 : memref<!tpu.dma_semaphore, #tpu.memory_space<semaphore_mem>>) src(%dma_wait3A_362 : memref<128xi32, #tpu.memory_space<hbm>>) dst(%dma_wait3A_361 : memref<128xi32, #tpu.memory_space<vmem>>)
      } else {
      }
      %mul3A_137 = arith.constant 4 : i32
      %mul3A_138 = arith.muli %scan3A_17, %mul3A_137 : i32
      %add3A_139 = arith.constant 2 : i32
      %add3A_140 = arith.addi %mul3A_138, %add3A_139 : i32
      %mul3A_141 = arith.constant 32 : i32
      %mul3A_142 = arith.muli %add3A_140, %mul3A_141 : i32
      %add3A_143 = arith.addi %add3A, %mul3A_142 : i32
      %lt3A_144 = arith.constant 1250 : i32
      %lt3A_145 = arith.cmpi slt, %add3A_143, %lt3A_144 : i32
      %convert_element_type3A_146 = arith.extui %lt3A_145 : i1 to i32
      %cond3A_147 = arith.constant 0 : i32
      %cond3A_148 = arith.cmpi ne, %convert_element_type3A_146, %cond3A_147 : i32
      scf.if %cond3A_148 {
        %mul3A_353 = arith.constant 128 : i32
        %mul3A_354 = arith.muli %add3A_143, %mul3A_353 : i32
        %dma_wait3A = arith.constant 2 : i32
        %dma_wait3A_355 = arith.constant 0 : i32
        %dma_wait3A_356 = tpu.memref_slice %arg6[%dma_wait3A, %dma_wait3A_355] : memref<4x128xi32, #tpu.memory_space<vmem>> -> memref<1x128xi32, #tpu.memory_space<vmem>>
        %dma_wait3A_357 = tpu.memref_squeeze %dma_wait3A_356 : memref<1x128xi32, #tpu.memory_space<vmem>> -> memref<128xi32, #tpu.memory_space<vmem>>
        %dma_wait3A_358 = tpu.memref_slice %arg3[%mul3A_354] : memref<160000xi32, #tpu.memory_space<hbm>> -> memref<128xi32, #tpu.memory_space<hbm>>
        %dma_wait3A_359 = arith.constant 0 : i32
        %dma_wait3A_360 = tpu.memref_slice %arg6[%dma_wait3A, %dma_wait3A_359] : memref<4x128xi32, #tpu.memory_space<vmem>> -> memref<1x128xi32, #tpu.memory_space<vmem>>
        %dma_wait3A_361 = tpu.memref_squeeze %dma_wait3A_360 : memref<1x128xi32, #tpu.memory_space<vmem>> -> memref<128xi32, #tpu.memory_space<vmem>>
        %dma_wait3A_362 = tpu.memref_slice %arg3[%mul3A_354] : memref<160000xi32, #tpu.memory_space<hbm>> -> memref<128xi32, #tpu.memory_space<hbm>>
        tpu.wait_dma2 semaphore(%arg11 : memref<!tpu.dma_semaphore, #tpu.memory_space<semaphore_mem>>) src(%dma_wait3A_362 : memref<128xi32, #tpu.memory_space<hbm>>) dst(%dma_wait3A_361 : memref<128xi32, #tpu.memory_space<vmem>>)
      } else {
      }
      %mul3A_149 = arith.constant 4 : i32
      %mul3A_150 = arith.muli %scan3A_17, %mul3A_149 : i32
      %add3A_151 = arith.constant 3 : i32
      %add3A_152 = arith.addi %mul3A_150, %add3A_151 : i32
      %mul3A_153 = arith.constant 32 : i32
      %mul3A_154 = arith.muli %add3A_152, %mul3A_153 : i32
      %add3A_155 = arith.addi %add3A, %mul3A_154 : i32
      %lt3A_156 = arith.constant 1250 : i32
      %lt3A_157 = arith.cmpi slt, %add3A_155, %lt3A_156 : i32
      %convert_element_type3A_158 = arith.extui %lt3A_157 : i1 to i32
      %cond3A_159 = arith.constant 0 : i32
      %cond3A_160 = arith.cmpi ne, %convert_element_type3A_158, %cond3A_159 : i32
      scf.if %cond3A_160 {
        %mul3A_353 = arith.constant 128 : i32
        %mul3A_354 = arith.muli %add3A_155, %mul3A_353 : i32
        %dma_wait3A = arith.constant 3 : i32
        %dma_wait3A_355 = arith.constant 0 : i32
        %dma_wait3A_356 = tpu.memref_slice %arg6[%dma_wait3A, %dma_wait3A_355] : memref<4x128xi32, #tpu.memory_space<vmem>> -> memref<1x128xi32, #tpu.memory_space<vmem>>
        %dma_wait3A_357 = tpu.memref_squeeze %dma_wait3A_356 : memref<1x128xi32, #tpu.memory_space<vmem>> -> memref<128xi32, #tpu.memory_space<vmem>>
        %dma_wait3A_358 = tpu.memref_slice %arg3[%mul3A_354] : memref<160000xi32, #tpu.memory_space<hbm>> -> memref<128xi32, #tpu.memory_space<hbm>>
        %dma_wait3A_359 = arith.constant 0 : i32
        %dma_wait3A_360 = tpu.memref_slice %arg6[%dma_wait3A, %dma_wait3A_359] : memref<4x128xi32, #tpu.memory_space<vmem>> -> memref<1x128xi32, #tpu.memory_space<vmem>>
        %dma_wait3A_361 = tpu.memref_squeeze %dma_wait3A_360 : memref<1x128xi32, #tpu.memory_space<vmem>> -> memref<128xi32, #tpu.memory_space<vmem>>
        %dma_wait3A_362 = tpu.memref_slice %arg3[%mul3A_354] : memref<160000xi32, #tpu.memory_space<hbm>> -> memref<128xi32, #tpu.memory_space<hbm>>
        tpu.wait_dma2 semaphore(%arg11 : memref<!tpu.dma_semaphore, #tpu.memory_space<semaphore_mem>>) src(%dma_wait3A_362 : memref<128xi32, #tpu.memory_space<hbm>>) dst(%dma_wait3A_361 : memref<128xi32, #tpu.memory_space<vmem>>)
      } else {
      }
      %mul3A_161 = arith.constant 4 : i32
      %mul3A_162 = arith.muli %scan3A_17, %mul3A_161 : i32
      %add3A_163 = arith.constant 0 : i32
      %add3A_164 = arith.addi %mul3A_162, %add3A_163 : i32
      %mul3A_165 = arith.constant 32 : i32
      %mul3A_166 = arith.muli %add3A_164, %mul3A_165 : i32
      %add3A_167 = arith.addi %add3A, %mul3A_166 : i32
      %lt3A_168 = arith.constant 1250 : i32
      %lt3A_169 = arith.cmpi slt, %add3A_167, %lt3A_168 : i32
      %convert_element_type3A_170 = arith.extui %lt3A_169 : i1 to i32
      %cond3A_171 = arith.constant 0 : i32
      %cond3A_172 = arith.cmpi ne, %convert_element_type3A_170, %cond3A_171 : i32
      scf.if %cond3A_172 {
        %mul3A_353 = arith.constant 128 : i32
        %mul3A_354 = arith.muli %add3A_167, %mul3A_353 : i32
        %dma_start3A = arith.constant 0 : i32
        %dma_start3A_355 = arith.constant 0 : i32
        %dma_start3A_356 = arith.constant 0 : i32
        %dma_start3A_357 = arith.constant 0 : i32
        %dma_start3A_358 = tpu.memref_slice %arg8[%dma_start3A_355, %dma_start3A_356, %dma_start3A_357] : memref<4x128x16xf32, #tpu.memory_space<vmem>> -> memref<1x128x16xf32, #tpu.memory_space<vmem>>
        %dma_start3A_359 = tpu.memref_squeeze %dma_start3A_358 : memref<1x128x16xf32, #tpu.memory_space<vmem>> -> memref<128x16xf32, #tpu.memory_space<vmem>>
        %dma_start3A_360 = arith.constant 0 : i32
        %dma_start3A_361 = tpu.memref_slice %arg6[%dma_start3A, %dma_start3A_360] : memref<4x128xi32, #tpu.memory_space<vmem>> -> memref<1x128xi32, #tpu.memory_space<vmem>>
        %dma_start3A_362 = tpu.memref_squeeze %dma_start3A_361 : memref<1x128xi32, #tpu.memory_space<vmem>> -> memref<128xi32, #tpu.memory_space<vmem>>
        %dma_start3A_363 = arith.constant 0 : i32
        %dma_start3A_364 = arith.constant 0 : i32
        %dma_start3A_365 = tpu.memref_slice %arg2[%dma_start3A_363, %dma_start3A_364] : memref<10000x16xf32, #tpu.memory_space<hbm>> -> memref<10000x16xf32, #tpu.memory_space<hbm>>
        tpu.enqueue_indirect_dma source(%dma_start3A_365 : memref<10000x16xf32, #tpu.memory_space<hbm>>) target(%dma_start3A_359 : memref<128x16xf32, #tpu.memory_space<vmem>>) offsets(%dma_start3A_362 : memref<128xi32, #tpu.memory_space<vmem>>) semaphore(%arg13 : memref<!tpu.dma_semaphore, #tpu.memory_space<semaphore_mem>>)
      } else {
      }
      %mul3A_173 = arith.constant 4 : i32
      %mul3A_174 = arith.muli %scan3A_17, %mul3A_173 : i32
      %add3A_175 = arith.constant 1 : i32
      %add3A_176 = arith.addi %mul3A_174, %add3A_175 : i32
      %mul3A_177 = arith.constant 32 : i32
      %mul3A_178 = arith.muli %add3A_176, %mul3A_177 : i32
      %add3A_179 = arith.addi %add3A, %mul3A_178 : i32
      %lt3A_180 = arith.constant 1250 : i32
      %lt3A_181 = arith.cmpi slt, %add3A_179, %lt3A_180 : i32
      %convert_element_type3A_182 = arith.extui %lt3A_181 : i1 to i32
      %cond3A_183 = arith.constant 0 : i32
      %cond3A_184 = arith.cmpi ne, %convert_element_type3A_182, %cond3A_183 : i32
      scf.if %cond3A_184 {
        %mul3A_353 = arith.constant 128 : i32
        %mul3A_354 = arith.muli %add3A_179, %mul3A_353 : i32
        %dma_start3A = arith.constant 1 : i32
        %dma_start3A_355 = arith.constant 1 : i32
        %dma_start3A_356 = arith.constant 0 : i32
        %dma_start3A_357 = arith.constant 0 : i32
        %dma_start3A_358 = tpu.memref_slice %arg8[%dma_start3A_355, %dma_start3A_356, %dma_start3A_357] : memref<4x128x16xf32, #tpu.memory_space<vmem>> -> memref<1x128x16xf32, #tpu.memory_space<vmem>>
        %dma_start3A_359 = tpu.memref_squeeze %dma_start3A_358 : memref<1x128x16xf32, #tpu.memory_space<vmem>> -> memref<128x16xf32, #tpu.memory_space<vmem>>
        %dma_start3A_360 = arith.constant 0 : i32
        %dma_start3A_361 = tpu.memref_slice %arg6[%dma_start3A, %dma_start3A_360] : memref<4x128xi32, #tpu.memory_space<vmem>> -> memref<1x128xi32, #tpu.memory_space<vmem>>
        %dma_start3A_362 = tpu.memref_squeeze %dma_start3A_361 : memref<1x128xi32, #tpu.memory_space<vmem>> -> memref<128xi32, #tpu.memory_space<vmem>>
        %dma_start3A_363 = arith.constant 0 : i32
        %dma_start3A_364 = arith.constant 0 : i32
        %dma_start3A_365 = tpu.memref_slice %arg2[%dma_start3A_363, %dma_start3A_364] : memref<10000x16xf32, #tpu.memory_space<hbm>> -> memref<10000x16xf32, #tpu.memory_space<hbm>>
        tpu.enqueue_indirect_dma source(%dma_start3A_365 : memref<10000x16xf32, #tpu.memory_space<hbm>>) target(%dma_start3A_359 : memref<128x16xf32, #tpu.memory_space<vmem>>) offsets(%dma_start3A_362 : memref<128xi32, #tpu.memory_space<vmem>>) semaphore(%arg13 : memref<!tpu.dma_semaphore, #tpu.memory_space<semaphore_mem>>)
      } else {
      }
      %mul3A_185 = arith.constant 4 : i32
      %mul3A_186 = arith.muli %scan3A_17, %mul3A_185 : i32
      %add3A_187 = arith.constant 2 : i32
      %add3A_188 = arith.addi %mul3A_186, %add3A_187 : i32
      %mul3A_189 = arith.constant 32 : i32
      %mul3A_190 = arith.muli %add3A_188, %mul3A_189 : i32
      %add3A_191 = arith.addi %add3A, %mul3A_190 : i32
      %lt3A_192 = arith.constant 1250 : i32
      %lt3A_193 = arith.cmpi slt, %add3A_191, %lt3A_192 : i32
      %convert_element_type3A_194 = arith.extui %lt3A_193 : i1 to i32
      %cond3A_195 = arith.constant 0 : i32
      %cond3A_196 = arith.cmpi ne, %convert_element_type3A_194, %cond3A_195 : i32
      scf.if %cond3A_196 {
        %mul3A_353 = arith.constant 128 : i32
        %mul3A_354 = arith.muli %add3A_191, %mul3A_353 : i32
        %dma_start3A = arith.constant 2 : i32
        %dma_start3A_355 = arith.constant 2 : i32
        %dma_start3A_356 = arith.constant 0 : i32
        %dma_start3A_357 = arith.constant 0 : i32
        %dma_start3A_358 = tpu.memref_slice %arg8[%dma_start3A_355, %dma_start3A_356, %dma_start3A_357] : memref<4x128x16xf32, #tpu.memory_space<vmem>> -> memref<1x128x16xf32, #tpu.memory_space<vmem>>
        %dma_start3A_359 = tpu.memref_squeeze %dma_start3A_358 : memref<1x128x16xf32, #tpu.memory_space<vmem>> -> memref<128x16xf32, #tpu.memory_space<vmem>>
        %dma_start3A_360 = arith.constant 0 : i32
        %dma_start3A_361 = tpu.memref_slice %arg6[%dma_start3A, %dma_start3A_360] : memref<4x128xi32, #tpu.memory_space<vmem>> -> memref<1x128xi32, #tpu.memory_space<vmem>>
        %dma_start3A_362 = tpu.memref_squeeze %dma_start3A_361 : memref<1x128xi32, #tpu.memory_space<vmem>> -> memref<128xi32, #tpu.memory_space<vmem>>
        %dma_start3A_363 = arith.constant 0 : i32
        %dma_start3A_364 = arith.constant 0 : i32
        %dma_start3A_365 = tpu.memref_slice %arg2[%dma_start3A_363, %dma_start3A_364] : memref<10000x16xf32, #tpu.memory_space<hbm>> -> memref<10000x16xf32, #tpu.memory_space<hbm>>
        tpu.enqueue_indirect_dma source(%dma_start3A_365 : memref<10000x16xf32, #tpu.memory_space<hbm>>) target(%dma_start3A_359 : memref<128x16xf32, #tpu.memory_space<vmem>>) offsets(%dma_start3A_362 : memref<128xi32, #tpu.memory_space<vmem>>) semaphore(%arg13 : memref<!tpu.dma_semaphore, #tpu.memory_space<semaphore_mem>>)
      } else {
      }
      %mul3A_197 = arith.constant 4 : i32
      %mul3A_198 = arith.muli %scan3A_17, %mul3A_197 : i32
      %add3A_199 = arith.constant 3 : i32
      %add3A_200 = arith.addi %mul3A_198, %add3A_199 : i32
      %mul3A_201 = arith.constant 32 : i32
      %mul3A_202 = arith.muli %add3A_200, %mul3A_201 : i32
      %add3A_203 = arith.addi %add3A, %mul3A_202 : i32
      %lt3A_204 = arith.constant 1250 : i32
      %lt3A_205 = arith.cmpi slt, %add3A_203, %lt3A_204 : i32
      %convert_element_type3A_206 = arith.extui %lt3A_205 : i1 to i32
      %cond3A_207 = arith.constant 0 : i32
      %cond3A_208 = arith.cmpi ne, %convert_element_type3A_206, %cond3A_207 : i32
      scf.if %cond3A_208 {
        %mul3A_353 = arith.constant 128 : i32
        %mul3A_354 = arith.muli %add3A_203, %mul3A_353 : i32
        %dma_start3A = arith.constant 3 : i32
        %dma_start3A_355 = arith.constant 3 : i32
        %dma_start3A_356 = arith.constant 0 : i32
        %dma_start3A_357 = arith.constant 0 : i32
        %dma_start3A_358 = tpu.memref_slice %arg8[%dma_start3A_355, %dma_start3A_356, %dma_start3A_357] : memref<4x128x16xf32, #tpu.memory_space<vmem>> -> memref<1x128x16xf32, #tpu.memory_space<vmem>>
        %dma_start3A_359 = tpu.memref_squeeze %dma_start3A_358 : memref<1x128x16xf32, #tpu.memory_space<vmem>> -> memref<128x16xf32, #tpu.memory_space<vmem>>
        %dma_start3A_360 = arith.constant 0 : i32
        %dma_start3A_361 = tpu.memref_slice %arg6[%dma_start3A, %dma_start3A_360] : memref<4x128xi32, #tpu.memory_space<vmem>> -> memref<1x128xi32, #tpu.memory_space<vmem>>
        %dma_start3A_362 = tpu.memref_squeeze %dma_start3A_361 : memref<1x128xi32, #tpu.memory_space<vmem>> -> memref<128xi32, #tpu.memory_space<vmem>>
        %dma_start3A_363 = arith.constant 0 : i32
        %dma_start3A_364 = arith.constant 0 : i32
        %dma_start3A_365 = tpu.memref_slice %arg2[%dma_start3A_363, %dma_start3A_364] : memref<10000x16xf32, #tpu.memory_space<hbm>> -> memref<10000x16xf32, #tpu.memory_space<hbm>>
        tpu.enqueue_indirect_dma source(%dma_start3A_365 : memref<10000x16xf32, #tpu.memory_space<hbm>>) target(%dma_start3A_359 : memref<128x16xf32, #tpu.memory_space<vmem>>) offsets(%dma_start3A_362 : memref<128xi32, #tpu.memory_space<vmem>>) semaphore(%arg13 : memref<!tpu.dma_semaphore, #tpu.memory_space<semaphore_mem>>)
      } else {
      }
      %mul3A_209 = arith.constant 4 : i32
      %mul3A_210 = arith.muli %scan3A_17, %mul3A_209 : i32
      %add3A_211 = arith.constant 0 : i32
      %add3A_212 = arith.addi %mul3A_210, %add3A_211 : i32
      %mul3A_213 = arith.constant 32 : i32
      %mul3A_214 = arith.muli %add3A_212, %mul3A_213 : i32
      %add3A_215 = arith.addi %add3A, %mul3A_214 : i32
      %lt3A_216 = arith.constant 1250 : i32
      %lt3A_217 = arith.cmpi slt, %add3A_215, %lt3A_216 : i32
      %convert_element_type3A_218 = arith.extui %lt3A_217 : i1 to i32
      %cond3A_219 = arith.constant 0 : i32
      %cond3A_220 = arith.cmpi ne, %convert_element_type3A_218, %cond3A_219 : i32
      scf.if %cond3A_220 {
        %mul3A_353 = arith.constant 128 : i32
        %mul3A_354 = arith.muli %add3A_215, %mul3A_353 : i32
        %dma_wait3A = arith.constant 0 : i32
        %dma_wait3A_355 = arith.constant 0 : i32
        %dma_wait3A_356 = tpu.memref_slice %arg7[%dma_wait3A, %dma_wait3A_355] : memref<4x128xi32, #tpu.memory_space<vmem>> -> memref<1x128xi32, #tpu.memory_space<vmem>>
        %dma_wait3A_357 = tpu.memref_squeeze %dma_wait3A_356 : memref<1x128xi32, #tpu.memory_space<vmem>> -> memref<128xi32, #tpu.memory_space<vmem>>
        %dma_wait3A_358 = tpu.memref_slice %arg4[%mul3A_354] : memref<160000xi32, #tpu.memory_space<hbm>> -> memref<128xi32, #tpu.memory_space<hbm>>
        %dma_wait3A_359 = arith.constant 0 : i32
        %dma_wait3A_360 = tpu.memref_slice %arg7[%dma_wait3A, %dma_wait3A_359] : memref<4x128xi32, #tpu.memory_space<vmem>> -> memref<1x128xi32, #tpu.memory_space<vmem>>
        %dma_wait3A_361 = tpu.memref_squeeze %dma_wait3A_360 : memref<1x128xi32, #tpu.memory_space<vmem>> -> memref<128xi32, #tpu.memory_space<vmem>>
        %dma_wait3A_362 = tpu.memref_slice %arg4[%mul3A_354] : memref<160000xi32, #tpu.memory_space<hbm>> -> memref<128xi32, #tpu.memory_space<hbm>>
        tpu.wait_dma2 semaphore(%arg12 : memref<!tpu.dma_semaphore, #tpu.memory_space<semaphore_mem>>) src(%dma_wait3A_362 : memref<128xi32, #tpu.memory_space<hbm>>) dst(%dma_wait3A_361 : memref<128xi32, #tpu.memory_space<vmem>>)
      } else {
      }
      %mul3A_221 = arith.constant 4 : i32
      %mul3A_222 = arith.muli %scan3A_17, %mul3A_221 : i32
      %add3A_223 = arith.constant 1 : i32
      %add3A_224 = arith.addi %mul3A_222, %add3A_223 : i32
      %mul3A_225 = arith.constant 32 : i32
      %mul3A_226 = arith.muli %add3A_224, %mul3A_225 : i32
      %add3A_227 = arith.addi %add3A, %mul3A_226 : i32
      %lt3A_228 = arith.constant 1250 : i32
      %lt3A_229 = arith.cmpi slt, %add3A_227, %lt3A_228 : i32
      %convert_element_type3A_230 = arith.extui %lt3A_229 : i1 to i32
      %cond3A_231 = arith.constant 0 : i32
      %cond3A_232 = arith.cmpi ne, %convert_element_type3A_230, %cond3A_231 : i32
      scf.if %cond3A_232 {
        %mul3A_353 = arith.constant 128 : i32
        %mul3A_354 = arith.muli %add3A_227, %mul3A_353 : i32
        %dma_wait3A = arith.constant 1 : i32
        %dma_wait3A_355 = arith.constant 0 : i32
        %dma_wait3A_356 = tpu.memref_slice %arg7[%dma_wait3A, %dma_wait3A_355] : memref<4x128xi32, #tpu.memory_space<vmem>> -> memref<1x128xi32, #tpu.memory_space<vmem>>
        %dma_wait3A_357 = tpu.memref_squeeze %dma_wait3A_356 : memref<1x128xi32, #tpu.memory_space<vmem>> -> memref<128xi32, #tpu.memory_space<vmem>>
        %dma_wait3A_358 = tpu.memref_slice %arg4[%mul3A_354] : memref<160000xi32, #tpu.memory_space<hbm>> -> memref<128xi32, #tpu.memory_space<hbm>>
        %dma_wait3A_359 = arith.constant 0 : i32
        %dma_wait3A_360 = tpu.memref_slice %arg7[%dma_wait3A, %dma_wait3A_359] : memref<4x128xi32, #tpu.memory_space<vmem>> -> memref<1x128xi32, #tpu.memory_space<vmem>>
        %dma_wait3A_361 = tpu.memref_squeeze %dma_wait3A_360 : memref<1x128xi32, #tpu.memory_space<vmem>> -> memref<128xi32, #tpu.memory_space<vmem>>
        %dma_wait3A_362 = tpu.memref_slice %arg4[%mul3A_354] : memref<160000xi32, #tpu.memory_space<hbm>> -> memref<128xi32, #tpu.memory_space<hbm>>
        tpu.wait_dma2 semaphore(%arg12 : memref<!tpu.dma_semaphore, #tpu.memory_space<semaphore_mem>>) src(%dma_wait3A_362 : memref<128xi32, #tpu.memory_space<hbm>>) dst(%dma_wait3A_361 : memref<128xi32, #tpu.memory_space<vmem>>)
      } else {
      }
      %mul3A_233 = arith.constant 4 : i32
      %mul3A_234 = arith.muli %scan3A_17, %mul3A_233 : i32
      %add3A_235 = arith.constant 2 : i32
      %add3A_236 = arith.addi %mul3A_234, %add3A_235 : i32
      %mul3A_237 = arith.constant 32 : i32
      %mul3A_238 = arith.muli %add3A_236, %mul3A_237 : i32
      %add3A_239 = arith.addi %add3A, %mul3A_238 : i32
      %lt3A_240 = arith.constant 1250 : i32
      %lt3A_241 = arith.cmpi slt, %add3A_239, %lt3A_240 : i32
      %convert_element_type3A_242 = arith.extui %lt3A_241 : i1 to i32
      %cond3A_243 = arith.constant 0 : i32
      %cond3A_244 = arith.cmpi ne, %convert_element_type3A_242, %cond3A_243 : i32
      scf.if %cond3A_244 {
        %mul3A_353 = arith.constant 128 : i32
        %mul3A_354 = arith.muli %add3A_239, %mul3A_353 : i32
        %dma_wait3A = arith.constant 2 : i32
        %dma_wait3A_355 = arith.constant 0 : i32
        %dma_wait3A_356 = tpu.memref_slice %arg7[%dma_wait3A, %dma_wait3A_355] : memref<4x128xi32, #tpu.memory_space<vmem>> -> memref<1x128xi32, #tpu.memory_space<vmem>>
        %dma_wait3A_357 = tpu.memref_squeeze %dma_wait3A_356 : memref<1x128xi32, #tpu.memory_space<vmem>> -> memref<128xi32, #tpu.memory_space<vmem>>
        %dma_wait3A_358 = tpu.memref_slice %arg4[%mul3A_354] : memref<160000xi32, #tpu.memory_space<hbm>> -> memref<128xi32, #tpu.memory_space<hbm>>
        %dma_wait3A_359 = arith.constant 0 : i32
        %dma_wait3A_360 = tpu.memref_slice %arg7[%dma_wait3A, %dma_wait3A_359] : memref<4x128xi32, #tpu.memory_space<vmem>> -> memref<1x128xi32, #tpu.memory_space<vmem>>
        %dma_wait3A_361 = tpu.memref_squeeze %dma_wait3A_360 : memref<1x128xi32, #tpu.memory_space<vmem>> -> memref<128xi32, #tpu.memory_space<vmem>>
        %dma_wait3A_362 = tpu.memref_slice %arg4[%mul3A_354] : memref<160000xi32, #tpu.memory_space<hbm>> -> memref<128xi32, #tpu.memory_space<hbm>>
        tpu.wait_dma2 semaphore(%arg12 : memref<!tpu.dma_semaphore, #tpu.memory_space<semaphore_mem>>) src(%dma_wait3A_362 : memref<128xi32, #tpu.memory_space<hbm>>) dst(%dma_wait3A_361 : memref<128xi32, #tpu.memory_space<vmem>>)
      } else {
      }
      %mul3A_245 = arith.constant 4 : i32
      %mul3A_246 = arith.muli %scan3A_17, %mul3A_245 : i32
      %add3A_247 = arith.constant 3 : i32
      %add3A_248 = arith.addi %mul3A_246, %add3A_247 : i32
      %mul3A_249 = arith.constant 32 : i32
      %mul3A_250 = arith.muli %add3A_248, %mul3A_249 : i32
      %add3A_251 = arith.addi %add3A, %mul3A_250 : i32
      %lt3A_252 = arith.constant 1250 : i32
      %lt3A_253 = arith.cmpi slt, %add3A_251, %lt3A_252 : i32
      %convert_element_type3A_254 = arith.extui %lt3A_253 : i1 to i32
      %cond3A_255 = arith.constant 0 : i32
      %cond3A_256 = arith.cmpi ne, %convert_element_type3A_254, %cond3A_255 : i32
      scf.if %cond3A_256 {
        %mul3A_353 = arith.constant 128 : i32
        %mul3A_354 = arith.muli %add3A_251, %mul3A_353 : i32
        %dma_wait3A = arith.constant 3 : i32
        %dma_wait3A_355 = arith.constant 0 : i32
        %dma_wait3A_356 = tpu.memref_slice %arg7[%dma_wait3A, %dma_wait3A_355] : memref<4x128xi32, #tpu.memory_space<vmem>> -> memref<1x128xi32, #tpu.memory_space<vmem>>
        %dma_wait3A_357 = tpu.memref_squeeze %dma_wait3A_356 : memref<1x128xi32, #tpu.memory_space<vmem>> -> memref<128xi32, #tpu.memory_space<vmem>>
        %dma_wait3A_358 = tpu.memref_slice %arg4[%mul3A_354] : memref<160000xi32, #tpu.memory_space<hbm>> -> memref<128xi32, #tpu.memory_space<hbm>>
        %dma_wait3A_359 = arith.constant 0 : i32
        %dma_wait3A_360 = tpu.memref_slice %arg7[%dma_wait3A, %dma_wait3A_359] : memref<4x128xi32, #tpu.memory_space<vmem>> -> memref<1x128xi32, #tpu.memory_space<vmem>>
        %dma_wait3A_361 = tpu.memref_squeeze %dma_wait3A_360 : memref<1x128xi32, #tpu.memory_space<vmem>> -> memref<128xi32, #tpu.memory_space<vmem>>
        %dma_wait3A_362 = tpu.memref_slice %arg4[%mul3A_354] : memref<160000xi32, #tpu.memory_space<hbm>> -> memref<128xi32, #tpu.memory_space<hbm>>
        tpu.wait_dma2 semaphore(%arg12 : memref<!tpu.dma_semaphore, #tpu.memory_space<semaphore_mem>>) src(%dma_wait3A_362 : memref<128xi32, #tpu.memory_space<hbm>>) dst(%dma_wait3A_361 : memref<128xi32, #tpu.memory_space<vmem>>)
      } else {
      }
      %mul3A_257 = arith.constant 4 : i32
      %mul3A_258 = arith.muli %scan3A_17, %mul3A_257 : i32
      %add3A_259 = arith.constant 0 : i32
      %add3A_260 = arith.addi %mul3A_258, %add3A_259 : i32
      %mul3A_261 = arith.constant 32 : i32
      %mul3A_262 = arith.muli %add3A_260, %mul3A_261 : i32
      %add3A_263 = arith.addi %add3A, %mul3A_262 : i32
      %lt3A_264 = arith.constant 1250 : i32
      %lt3A_265 = arith.cmpi slt, %add3A_263, %lt3A_264 : i32
      %convert_element_type3A_266 = arith.extui %lt3A_265 : i1 to i32
      %cond3A_267 = arith.constant 0 : i32
      %cond3A_268 = arith.cmpi ne, %convert_element_type3A_266, %cond3A_267 : i32
      scf.if %cond3A_268 {
        %mul3A_353 = arith.constant 128 : i32
        %mul3A_354 = arith.muli %add3A_263, %mul3A_353 : i32
        %dma_wait3A = arith.constant 0 : i32
        %dma_wait3A_355 = arith.constant 0 : i32
        %dma_wait3A_356 = arith.constant 0 : i32
        %dma_wait3A_357 = arith.constant 0 : i32
        %dma_wait3A_358 = tpu.memref_slice %arg8[%dma_wait3A_355, %dma_wait3A_356, %dma_wait3A_357] : memref<4x128x16xf32, #tpu.memory_space<vmem>> -> memref<1x128x16xf32, #tpu.memory_space<vmem>>
        %dma_wait3A_359 = tpu.memref_squeeze %dma_wait3A_358 : memref<1x128x16xf32, #tpu.memory_space<vmem>> -> memref<128x16xf32, #tpu.memory_space<vmem>>
        %dma_wait3A_360 = arith.constant 0 : i32
        %dma_wait3A_361 = tpu.memref_slice %arg6[%dma_wait3A, %dma_wait3A_360] : memref<4x128xi32, #tpu.memory_space<vmem>> -> memref<1x128xi32, #tpu.memory_space<vmem>>
        %dma_wait3A_362 = tpu.memref_squeeze %dma_wait3A_361 : memref<1x128xi32, #tpu.memory_space<vmem>> -> memref<128xi32, #tpu.memory_space<vmem>>
        %dma_wait3A_363 = arith.constant 0 : i32
        %dma_wait3A_364 = arith.constant 0 : i32
        %dma_wait3A_365 = tpu.memref_slice %arg2[%dma_wait3A_363, %dma_wait3A_364] : memref<10000x16xf32, #tpu.memory_space<hbm>> -> memref<10000x16xf32, #tpu.memory_space<hbm>>
        tpu.wait_indirect_dma semaphore(%arg13 : memref<!tpu.dma_semaphore, #tpu.memory_space<semaphore_mem>>) src(%dma_wait3A_365 : memref<10000x16xf32, #tpu.memory_space<hbm>>) dst(%dma_wait3A_359 : memref<128x16xf32, #tpu.memory_space<vmem>>)
      } else {
      }
      %mul3A_269 = arith.constant 4 : i32
      %mul3A_270 = arith.muli %scan3A_17, %mul3A_269 : i32
      %add3A_271 = arith.constant 1 : i32
      %add3A_272 = arith.addi %mul3A_270, %add3A_271 : i32
      %mul3A_273 = arith.constant 32 : i32
      %mul3A_274 = arith.muli %add3A_272, %mul3A_273 : i32
      %add3A_275 = arith.addi %add3A, %mul3A_274 : i32
      %lt3A_276 = arith.constant 1250 : i32
      %lt3A_277 = arith.cmpi slt, %add3A_275, %lt3A_276 : i32
      %convert_element_type3A_278 = arith.extui %lt3A_277 : i1 to i32
      %cond3A_279 = arith.constant 0 : i32
      %cond3A_280 = arith.cmpi ne, %convert_element_type3A_278, %cond3A_279 : i32
      scf.if %cond3A_280 {
        %mul3A_353 = arith.constant 128 : i32
        %mul3A_354 = arith.muli %add3A_275, %mul3A_353 : i32
        %dma_wait3A = arith.constant 1 : i32
        %dma_wait3A_355 = arith.constant 1 : i32
        %dma_wait3A_356 = arith.constant 0 : i32
        %dma_wait3A_357 = arith.constant 0 : i32
        %dma_wait3A_358 = tpu.memref_slice %arg8[%dma_wait3A_355, %dma_wait3A_356, %dma_wait3A_357] : memref<4x128x16xf32, #tpu.memory_space<vmem>> -> memref<1x128x16xf32, #tpu.memory_space<vmem>>
        %dma_wait3A_359 = tpu.memref_squeeze %dma_wait3A_358 : memref<1x128x16xf32, #tpu.memory_space<vmem>> -> memref<128x16xf32, #tpu.memory_space<vmem>>
        %dma_wait3A_360 = arith.constant 0 : i32
        %dma_wait3A_361 = tpu.memref_slice %arg6[%dma_wait3A, %dma_wait3A_360] : memref<4x128xi32, #tpu.memory_space<vmem>> -> memref<1x128xi32, #tpu.memory_space<vmem>>
        %dma_wait3A_362 = tpu.memref_squeeze %dma_wait3A_361 : memref<1x128xi32, #tpu.memory_space<vmem>> -> memref<128xi32, #tpu.memory_space<vmem>>
        %dma_wait3A_363 = arith.constant 0 : i32
        %dma_wait3A_364 = arith.constant 0 : i32
        %dma_wait3A_365 = tpu.memref_slice %arg2[%dma_wait3A_363, %dma_wait3A_364] : memref<10000x16xf32, #tpu.memory_space<hbm>> -> memref<10000x16xf32, #tpu.memory_space<hbm>>
        tpu.wait_indirect_dma semaphore(%arg13 : memref<!tpu.dma_semaphore, #tpu.memory_space<semaphore_mem>>) src(%dma_wait3A_365 : memref<10000x16xf32, #tpu.memory_space<hbm>>) dst(%dma_wait3A_359 : memref<128x16xf32, #tpu.memory_space<vmem>>)
      } else {
      }
      %mul3A_281 = arith.constant 4 : i32
      %mul3A_282 = arith.muli %scan3A_17, %mul3A_281 : i32
      %add3A_283 = arith.constant 2 : i32
      %add3A_284 = arith.addi %mul3A_282, %add3A_283 : i32
      %mul3A_285 = arith.constant 32 : i32
      %mul3A_286 = arith.muli %add3A_284, %mul3A_285 : i32
      %add3A_287 = arith.addi %add3A, %mul3A_286 : i32
      %lt3A_288 = arith.constant 1250 : i32
      %lt3A_289 = arith.cmpi slt, %add3A_287, %lt3A_288 : i32
      %convert_element_type3A_290 = arith.extui %lt3A_289 : i1 to i32
      %cond3A_291 = arith.constant 0 : i32
      %cond3A_292 = arith.cmpi ne, %convert_element_type3A_290, %cond3A_291 : i32
      scf.if %cond3A_292 {
        %mul3A_353 = arith.constant 128 : i32
        %mul3A_354 = arith.muli %add3A_287, %mul3A_353 : i32
        %dma_wait3A = arith.constant 2 : i32
        %dma_wait3A_355 = arith.constant 2 : i32
        %dma_wait3A_356 = arith.constant 0 : i32
        %dma_wait3A_357 = arith.constant 0 : i32
        %dma_wait3A_358 = tpu.memref_slice %arg8[%dma_wait3A_355, %dma_wait3A_356, %dma_wait3A_357] : memref<4x128x16xf32, #tpu.memory_space<vmem>> -> memref<1x128x16xf32, #tpu.memory_space<vmem>>
        %dma_wait3A_359 = tpu.memref_squeeze %dma_wait3A_358 : memref<1x128x16xf32, #tpu.memory_space<vmem>> -> memref<128x16xf32, #tpu.memory_space<vmem>>
        %dma_wait3A_360 = arith.constant 0 : i32
        %dma_wait3A_361 = tpu.memref_slice %arg6[%dma_wait3A, %dma_wait3A_360] : memref<4x128xi32, #tpu.memory_space<vmem>> -> memref<1x128xi32, #tpu.memory_space<vmem>>
        %dma_wait3A_362 = tpu.memref_squeeze %dma_wait3A_361 : memref<1x128xi32, #tpu.memory_space<vmem>> -> memref<128xi32, #tpu.memory_space<vmem>>
        %dma_wait3A_363 = arith.constant 0 : i32
        %dma_wait3A_364 = arith.constant 0 : i32
        %dma_wait3A_365 = tpu.memref_slice %arg2[%dma_wait3A_363, %dma_wait3A_364] : memref<10000x16xf32, #tpu.memory_space<hbm>> -> memref<10000x16xf32, #tpu.memory_space<hbm>>
        tpu.wait_indirect_dma semaphore(%arg13 : memref<!tpu.dma_semaphore, #tpu.memory_space<semaphore_mem>>) src(%dma_wait3A_365 : memref<10000x16xf32, #tpu.memory_space<hbm>>) dst(%dma_wait3A_359 : memref<128x16xf32, #tpu.memory_space<vmem>>)
      } else {
      }
      %mul3A_293 = arith.constant 4 : i32
      %mul3A_294 = arith.muli %scan3A_17, %mul3A_293 : i32
      %add3A_295 = arith.constant 3 : i32
      %add3A_296 = arith.addi %mul3A_294, %add3A_295 : i32
      %mul3A_297 = arith.constant 32 : i32
      %mul3A_298 = arith.muli %add3A_296, %mul3A_297 : i32
      %add3A_299 = arith.addi %add3A, %mul3A_298 : i32
      %lt3A_300 = arith.constant 1250 : i32
      %lt3A_301 = arith.cmpi slt, %add3A_299, %lt3A_300 : i32
      %convert_element_type3A_302 = arith.extui %lt3A_301 : i1 to i32
      %cond3A_303 = arith.constant 0 : i32
      %cond3A_304 = arith.cmpi ne, %convert_element_type3A_302, %cond3A_303 : i32
      scf.if %cond3A_304 {
        %mul3A_353 = arith.constant 128 : i32
        %mul3A_354 = arith.muli %add3A_299, %mul3A_353 : i32
        %dma_wait3A = arith.constant 3 : i32
        %dma_wait3A_355 = arith.constant 3 : i32
        %dma_wait3A_356 = arith.constant 0 : i32
        %dma_wait3A_357 = arith.constant 0 : i32
        %dma_wait3A_358 = tpu.memref_slice %arg8[%dma_wait3A_355, %dma_wait3A_356, %dma_wait3A_357] : memref<4x128x16xf32, #tpu.memory_space<vmem>> -> memref<1x128x16xf32, #tpu.memory_space<vmem>>
        %dma_wait3A_359 = tpu.memref_squeeze %dma_wait3A_358 : memref<1x128x16xf32, #tpu.memory_space<vmem>> -> memref<128x16xf32, #tpu.memory_space<vmem>>
        %dma_wait3A_360 = arith.constant 0 : i32
        %dma_wait3A_361 = tpu.memref_slice %arg6[%dma_wait3A, %dma_wait3A_360] : memref<4x128xi32, #tpu.memory_space<vmem>> -> memref<1x128xi32, #tpu.memory_space<vmem>>
        %dma_wait3A_362 = tpu.memref_squeeze %dma_wait3A_361 : memref<1x128xi32, #tpu.memory_space<vmem>> -> memref<128xi32, #tpu.memory_space<vmem>>
        %dma_wait3A_363 = arith.constant 0 : i32
        %dma_wait3A_364 = arith.constant 0 : i32
        %dma_wait3A_365 = tpu.memref_slice %arg2[%dma_wait3A_363, %dma_wait3A_364] : memref<10000x16xf32, #tpu.memory_space<hbm>> -> memref<10000x16xf32, #tpu.memory_space<hbm>>
        tpu.wait_indirect_dma semaphore(%arg13 : memref<!tpu.dma_semaphore, #tpu.memory_space<semaphore_mem>>) src(%dma_wait3A_365 : memref<10000x16xf32, #tpu.memory_space<hbm>>) dst(%dma_wait3A_359 : memref<128x16xf32, #tpu.memory_space<vmem>>)
      } else {
      }
      %mul3A_305 = arith.constant 4 : i32
      %mul3A_306 = arith.muli %scan3A_17, %mul3A_305 : i32
      %add3A_307 = arith.constant 0 : i32
      %add3A_308 = arith.addi %mul3A_306, %add3A_307 : i32
      %mul3A_309 = arith.constant 32 : i32
      %mul3A_310 = arith.muli %add3A_308, %mul3A_309 : i32
      %add3A_311 = arith.addi %add3A, %mul3A_310 : i32
      %lt3A_312 = arith.constant 1250 : i32
      %lt3A_313 = arith.cmpi slt, %add3A_311, %lt3A_312 : i32
      %convert_element_type3A_314 = arith.extui %lt3A_313 : i1 to i32
      %cond3A_315 = arith.constant 0 : i32
      %cond3A_316 = arith.cmpi ne, %convert_element_type3A_314, %cond3A_315 : i32
      scf.if %cond3A_316 {
        %mul3A_353 = arith.constant 128 : i32
        %mul3A_354 = arith.muli %add3A_311, %mul3A_353 : i32
        %run_scoped3A = arith.constant 0 : i32
        %run_scoped3A_355 = arith.constant 0 : i32
        "tpu.region"() ({
          %run_scoped3A_356 = tpu.sem_alloc : memref<!tpu.dma_semaphore, #tpu.memory_space<semaphore_mem>>
          %dma_start3A = arith.constant 0 : i32
          %dma_start3A_357 = arith.constant 0 : i32
          %dma_start3A_358 = tpu.memref_slice %arg8[%run_scoped3A, %dma_start3A, %dma_start3A_357] : memref<4x128x16xf32, #tpu.memory_space<vmem>> -> memref<1x128x16xf32, #tpu.memory_space<vmem>>
          %dma_start3A_359 = tpu.memref_squeeze %dma_start3A_358 : memref<1x128x16xf32, #tpu.memory_space<vmem>> -> memref<128x16xf32, #tpu.memory_space<vmem>>
          %dma_start3A_360 = arith.constant 0 : i32
          %dma_start3A_361 = tpu.memref_slice %arg7[%run_scoped3A_355, %dma_start3A_360] : memref<4x128xi32, #tpu.memory_space<vmem>> -> memref<1x128xi32, #tpu.memory_space<vmem>>
          %dma_start3A_362 = tpu.memref_squeeze %dma_start3A_361 : memref<1x128xi32, #tpu.memory_space<vmem>> -> memref<128xi32, #tpu.memory_space<vmem>>
          %dma_start3A_363 = arith.constant 0 : i32
          %dma_start3A_364 = arith.constant 0 : i32
          %dma_start3A_365 = tpu.memref_slice %arg10[%dma_start3A_363, %dma_start3A_364] : memref<10000x16xf32, #tpu.memory_space<vmem_shared>> -> memref<10000x16xf32, #tpu.memory_space<vmem_shared>>
          tpu.enqueue_indirect_dma source(%dma_start3A_359 : memref<128x16xf32, #tpu.memory_space<vmem>>) target(%dma_start3A_365 : memref<10000x16xf32, #tpu.memory_space<vmem_shared>>) offsets(%dma_start3A_362 : memref<128xi32, #tpu.memory_space<vmem>>) semaphore(%run_scoped3A_356 : memref<!tpu.dma_semaphore, #tpu.memory_space<semaphore_mem>>) {add = true}
          %dma_wait3A = arith.constant 0 : i32
          %dma_wait3A_366 = arith.constant 0 : i32
          %dma_wait3A_367 = tpu.memref_slice %arg8[%run_scoped3A, %dma_wait3A, %dma_wait3A_366] : memref<4x128x16xf32, #tpu.memory_space<vmem>> -> memref<1x128x16xf32, #tpu.memory_space<vmem>>
          %dma_wait3A_368 = tpu.memref_squeeze %dma_wait3A_367 : memref<1x128x16xf32, #tpu.memory_space<vmem>> -> memref<128x16xf32, #tpu.memory_space<vmem>>
          %dma_wait3A_369 = arith.constant 0 : i32
          %dma_wait3A_370 = tpu.memref_slice %arg7[%run_scoped3A_355, %dma_wait3A_369] : memref<4x128xi32, #tpu.memory_space<vmem>> -> memref<1x128xi32, #tpu.memory_space<vmem>>
          %dma_wait3A_371 = tpu.memref_squeeze %dma_wait3A_370 : memref<1x128xi32, #tpu.memory_space<vmem>> -> memref<128xi32, #tpu.memory_space<vmem>>
          %dma_wait3A_372 = arith.constant 0 : i32
          %dma_wait3A_373 = arith.constant 0 : i32
          %dma_wait3A_374 = tpu.memref_slice %arg10[%dma_wait3A_372, %dma_wait3A_373] : memref<10000x16xf32, #tpu.memory_space<vmem_shared>> -> memref<10000x16xf32, #tpu.memory_space<vmem_shared>>
          tpu.wait_indirect_dma semaphore(%run_scoped3A_356 : memref<!tpu.dma_semaphore, #tpu.memory_space<semaphore_mem>>) src(%dma_wait3A_368 : memref<128x16xf32, #tpu.memory_space<vmem>>) dst(%dma_wait3A_374 : memref<10000x16xf32, #tpu.memory_space<vmem_shared>>)
          tpu.yield
        }) : () -> ()
      } else {
      }
      %mul3A_317 = arith.constant 4 : i32
      %mul3A_318 = arith.muli %scan3A_17, %mul3A_317 : i32
      %add3A_319 = arith.constant 1 : i32
      %add3A_320 = arith.addi %mul3A_318, %add3A_319 : i32
      %mul3A_321 = arith.constant 32 : i32
      %mul3A_322 = arith.muli %add3A_320, %mul3A_321 : i32
      %add3A_323 = arith.addi %add3A, %mul3A_322 : i32
      %lt3A_324 = arith.constant 1250 : i32
      %lt3A_325 = arith.cmpi slt, %add3A_323, %lt3A_324 : i32
      %convert_element_type3A_326 = arith.extui %lt3A_325 : i1 to i32
      %cond3A_327 = arith.constant 0 : i32
      %cond3A_328 = arith.cmpi ne, %convert_element_type3A_326, %cond3A_327 : i32
      scf.if %cond3A_328 {
        %mul3A_353 = arith.constant 128 : i32
        %mul3A_354 = arith.muli %add3A_323, %mul3A_353 : i32
        %run_scoped3A = arith.constant 1 : i32
        %run_scoped3A_355 = arith.constant 1 : i32
        "tpu.region"() ({
          %run_scoped3A_356 = tpu.sem_alloc : memref<!tpu.dma_semaphore, #tpu.memory_space<semaphore_mem>>
          %dma_start3A = arith.constant 0 : i32
          %dma_start3A_357 = arith.constant 0 : i32
          %dma_start3A_358 = tpu.memref_slice %arg8[%run_scoped3A, %dma_start3A, %dma_start3A_357] : memref<4x128x16xf32, #tpu.memory_space<vmem>> -> memref<1x128x16xf32, #tpu.memory_space<vmem>>
          %dma_start3A_359 = tpu.memref_squeeze %dma_start3A_358 : memref<1x128x16xf32, #tpu.memory_space<vmem>> -> memref<128x16xf32, #tpu.memory_space<vmem>>
          %dma_start3A_360 = arith.constant 0 : i32
          %dma_start3A_361 = tpu.memref_slice %arg7[%run_scoped3A_355, %dma_start3A_360] : memref<4x128xi32, #tpu.memory_space<vmem>> -> memref<1x128xi32, #tpu.memory_space<vmem>>
          %dma_start3A_362 = tpu.memref_squeeze %dma_start3A_361 : memref<1x128xi32, #tpu.memory_space<vmem>> -> memref<128xi32, #tpu.memory_space<vmem>>
          %dma_start3A_363 = arith.constant 0 : i32
          %dma_start3A_364 = arith.constant 0 : i32
          %dma_start3A_365 = tpu.memref_slice %arg10[%dma_start3A_363, %dma_start3A_364] : memref<10000x16xf32, #tpu.memory_space<vmem_shared>> -> memref<10000x16xf32, #tpu.memory_space<vmem_shared>>
          tpu.enqueue_indirect_dma source(%dma_start3A_359 : memref<128x16xf32, #tpu.memory_space<vmem>>) target(%dma_start3A_365 : memref<10000x16xf32, #tpu.memory_space<vmem_shared>>) offsets(%dma_start3A_362 : memref<128xi32, #tpu.memory_space<vmem>>) semaphore(%run_scoped3A_356 : memref<!tpu.dma_semaphore, #tpu.memory_space<semaphore_mem>>) {add = true}
          %dma_wait3A = arith.constant 0 : i32
          %dma_wait3A_366 = arith.constant 0 : i32
          %dma_wait3A_367 = tpu.memref_slice %arg8[%run_scoped3A, %dma_wait3A, %dma_wait3A_366] : memref<4x128x16xf32, #tpu.memory_space<vmem>> -> memref<1x128x16xf32, #tpu.memory_space<vmem>>
          %dma_wait3A_368 = tpu.memref_squeeze %dma_wait3A_367 : memref<1x128x16xf32, #tpu.memory_space<vmem>> -> memref<128x16xf32, #tpu.memory_space<vmem>>
          %dma_wait3A_369 = arith.constant 0 : i32
          %dma_wait3A_370 = tpu.memref_slice %arg7[%run_scoped3A_355, %dma_wait3A_369] : memref<4x128xi32, #tpu.memory_space<vmem>> -> memref<1x128xi32, #tpu.memory_space<vmem>>
          %dma_wait3A_371 = tpu.memref_squeeze %dma_wait3A_370 : memref<1x128xi32, #tpu.memory_space<vmem>> -> memref<128xi32, #tpu.memory_space<vmem>>
          %dma_wait3A_372 = arith.constant 0 : i32
          %dma_wait3A_373 = arith.constant 0 : i32
          %dma_wait3A_374 = tpu.memref_slice %arg10[%dma_wait3A_372, %dma_wait3A_373] : memref<10000x16xf32, #tpu.memory_space<vmem_shared>> -> memref<10000x16xf32, #tpu.memory_space<vmem_shared>>
          tpu.wait_indirect_dma semaphore(%run_scoped3A_356 : memref<!tpu.dma_semaphore, #tpu.memory_space<semaphore_mem>>) src(%dma_wait3A_368 : memref<128x16xf32, #tpu.memory_space<vmem>>) dst(%dma_wait3A_374 : memref<10000x16xf32, #tpu.memory_space<vmem_shared>>)
          tpu.yield
        }) : () -> ()
      } else {
      }
      %mul3A_329 = arith.constant 4 : i32
      %mul3A_330 = arith.muli %scan3A_17, %mul3A_329 : i32
      %add3A_331 = arith.constant 2 : i32
      %add3A_332 = arith.addi %mul3A_330, %add3A_331 : i32
      %mul3A_333 = arith.constant 32 : i32
      %mul3A_334 = arith.muli %add3A_332, %mul3A_333 : i32
      %add3A_335 = arith.addi %add3A, %mul3A_334 : i32
      %lt3A_336 = arith.constant 1250 : i32
      %lt3A_337 = arith.cmpi slt, %add3A_335, %lt3A_336 : i32
      %convert_element_type3A_338 = arith.extui %lt3A_337 : i1 to i32
      %cond3A_339 = arith.constant 0 : i32
      %cond3A_340 = arith.cmpi ne, %convert_element_type3A_338, %cond3A_339 : i32
      scf.if %cond3A_340 {
        %mul3A_353 = arith.constant 128 : i32
        %mul3A_354 = arith.muli %add3A_335, %mul3A_353 : i32
        %run_scoped3A = arith.constant 2 : i32
        %run_scoped3A_355 = arith.constant 2 : i32
        "tpu.region"() ({
          %run_scoped3A_356 = tpu.sem_alloc : memref<!tpu.dma_semaphore, #tpu.memory_space<semaphore_mem>>
          %dma_start3A = arith.constant 0 : i32
          %dma_start3A_357 = arith.constant 0 : i32
          %dma_start3A_358 = tpu.memref_slice %arg8[%run_scoped3A, %dma_start3A, %dma_start3A_357] : memref<4x128x16xf32, #tpu.memory_space<vmem>> -> memref<1x128x16xf32, #tpu.memory_space<vmem>>
          %dma_start3A_359 = tpu.memref_squeeze %dma_start3A_358 : memref<1x128x16xf32, #tpu.memory_space<vmem>> -> memref<128x16xf32, #tpu.memory_space<vmem>>
          %dma_start3A_360 = arith.constant 0 : i32
          %dma_start3A_361 = tpu.memref_slice %arg7[%run_scoped3A_355, %dma_start3A_360] : memref<4x128xi32, #tpu.memory_space<vmem>> -> memref<1x128xi32, #tpu.memory_space<vmem>>
          %dma_start3A_362 = tpu.memref_squeeze %dma_start3A_361 : memref<1x128xi32, #tpu.memory_space<vmem>> -> memref<128xi32, #tpu.memory_space<vmem>>
          %dma_start3A_363 = arith.constant 0 : i32
          %dma_start3A_364 = arith.constant 0 : i32
          %dma_start3A_365 = tpu.memref_slice %arg10[%dma_start3A_363, %dma_start3A_364] : memref<10000x16xf32, #tpu.memory_space<vmem_shared>> -> memref<10000x16xf32, #tpu.memory_space<vmem_shared>>
          tpu.enqueue_indirect_dma source(%dma_start3A_359 : memref<128x16xf32, #tpu.memory_space<vmem>>) target(%dma_start3A_365 : memref<10000x16xf32, #tpu.memory_space<vmem_shared>>) offsets(%dma_start3A_362 : memref<128xi32, #tpu.memory_space<vmem>>) semaphore(%run_scoped3A_356 : memref<!tpu.dma_semaphore, #tpu.memory_space<semaphore_mem>>) {add = true}
          %dma_wait3A = arith.constant 0 : i32
          %dma_wait3A_366 = arith.constant 0 : i32
          %dma_wait3A_367 = tpu.memref_slice %arg8[%run_scoped3A, %dma_wait3A, %dma_wait3A_366] : memref<4x128x16xf32, #tpu.memory_space<vmem>> -> memref<1x128x16xf32, #tpu.memory_space<vmem>>
          %dma_wait3A_368 = tpu.memref_squeeze %dma_wait3A_367 : memref<1x128x16xf32, #tpu.memory_space<vmem>> -> memref<128x16xf32, #tpu.memory_space<vmem>>
          %dma_wait3A_369 = arith.constant 0 : i32
          %dma_wait3A_370 = tpu.memref_slice %arg7[%run_scoped3A_355, %dma_wait3A_369] : memref<4x128xi32, #tpu.memory_space<vmem>> -> memref<1x128xi32, #tpu.memory_space<vmem>>
          %dma_wait3A_371 = tpu.memref_squeeze %dma_wait3A_370 : memref<1x128xi32, #tpu.memory_space<vmem>> -> memref<128xi32, #tpu.memory_space<vmem>>
          %dma_wait3A_372 = arith.constant 0 : i32
          %dma_wait3A_373 = arith.constant 0 : i32
          %dma_wait3A_374 = tpu.memref_slice %arg10[%dma_wait3A_372, %dma_wait3A_373] : memref<10000x16xf32, #tpu.memory_space<vmem_shared>> -> memref<10000x16xf32, #tpu.memory_space<vmem_shared>>
          tpu.wait_indirect_dma semaphore(%run_scoped3A_356 : memref<!tpu.dma_semaphore, #tpu.memory_space<semaphore_mem>>) src(%dma_wait3A_368 : memref<128x16xf32, #tpu.memory_space<vmem>>) dst(%dma_wait3A_374 : memref<10000x16xf32, #tpu.memory_space<vmem_shared>>)
          tpu.yield
        }) : () -> ()
      } else {
      }
      %mul3A_341 = arith.constant 4 : i32
      %mul3A_342 = arith.muli %scan3A_17, %mul3A_341 : i32
      %add3A_343 = arith.constant 3 : i32
      %add3A_344 = arith.addi %mul3A_342, %add3A_343 : i32
      %mul3A_345 = arith.constant 32 : i32
      %mul3A_346 = arith.muli %add3A_344, %mul3A_345 : i32
      %add3A_347 = arith.addi %add3A, %mul3A_346 : i32
      %lt3A_348 = arith.constant 1250 : i32
      %lt3A_349 = arith.cmpi slt, %add3A_347, %lt3A_348 : i32
      %convert_element_type3A_350 = arith.extui %lt3A_349 : i1 to i32
      %cond3A_351 = arith.constant 0 : i32
      %cond3A_352 = arith.cmpi ne, %convert_element_type3A_350, %cond3A_351 : i32
      scf.if %cond3A_352 {
        %mul3A_353 = arith.constant 128 : i32
        %mul3A_354 = arith.muli %add3A_347, %mul3A_353 : i32
        %run_scoped3A = arith.constant 3 : i32
        %run_scoped3A_355 = arith.constant 3 : i32
        "tpu.region"() ({
          %run_scoped3A_356 = tpu.sem_alloc : memref<!tpu.dma_semaphore, #tpu.memory_space<semaphore_mem>>
          %dma_start3A = arith.constant 0 : i32
          %dma_start3A_357 = arith.constant 0 : i32
          %dma_start3A_358 = tpu.memref_slice %arg8[%run_scoped3A, %dma_start3A, %dma_start3A_357] : memref<4x128x16xf32, #tpu.memory_space<vmem>> -> memref<1x128x16xf32, #tpu.memory_space<vmem>>
          %dma_start3A_359 = tpu.memref_squeeze %dma_start3A_358 : memref<1x128x16xf32, #tpu.memory_space<vmem>> -> memref<128x16xf32, #tpu.memory_space<vmem>>
          %dma_start3A_360 = arith.constant 0 : i32
          %dma_start3A_361 = tpu.memref_slice %arg7[%run_scoped3A_355, %dma_start3A_360] : memref<4x128xi32, #tpu.memory_space<vmem>> -> memref<1x128xi32, #tpu.memory_space<vmem>>
          %dma_start3A_362 = tpu.memref_squeeze %dma_start3A_361 : memref<1x128xi32, #tpu.memory_space<vmem>> -> memref<128xi32, #tpu.memory_space<vmem>>
          %dma_start3A_363 = arith.constant 0 : i32
          %dma_start3A_364 = arith.constant 0 : i32
          %dma_start3A_365 = tpu.memref_slice %arg10[%dma_start3A_363, %dma_start3A_364] : memref<10000x16xf32, #tpu.memory_space<vmem_shared>> -> memref<10000x16xf32, #tpu.memory_space<vmem_shared>>
          tpu.enqueue_indirect_dma source(%dma_start3A_359 : memref<128x16xf32, #tpu.memory_space<vmem>>) target(%dma_start3A_365 : memref<10000x16xf32, #tpu.memory_space<vmem_shared>>) offsets(%dma_start3A_362 : memref<128xi32, #tpu.memory_space<vmem>>) semaphore(%run_scoped3A_356 : memref<!tpu.dma_semaphore, #tpu.memory_space<semaphore_mem>>) {add = true}
          %dma_wait3A = arith.constant 0 : i32
          %dma_wait3A_366 = arith.constant 0 : i32
          %dma_wait3A_367 = tpu.memref_slice %arg8[%run_scoped3A, %dma_wait3A, %dma_wait3A_366] : memref<4x128x16xf32, #tpu.memory_space<vmem>> -> memref<1x128x16xf32, #tpu.memory_space<vmem>>
          %dma_wait3A_368 = tpu.memref_squeeze %dma_wait3A_367 : memref<1x128x16xf32, #tpu.memory_space<vmem>> -> memref<128x16xf32, #tpu.memory_space<vmem>>
          %dma_wait3A_369 = arith.constant 0 : i32
          %dma_wait3A_370 = tpu.memref_slice %arg7[%run_scoped3A_355, %dma_wait3A_369] : memref<4x128xi32, #tpu.memory_space<vmem>> -> memref<1x128xi32, #tpu.memory_space<vmem>>
          %dma_wait3A_371 = tpu.memref_squeeze %dma_wait3A_370 : memref<1x128xi32, #tpu.memory_space<vmem>> -> memref<128xi32, #tpu.memory_space<vmem>>
          %dma_wait3A_372 = arith.constant 0 : i32
          %dma_wait3A_373 = arith.constant 0 : i32
          %dma_wait3A_374 = tpu.memref_slice %arg10[%dma_wait3A_372, %dma_wait3A_373] : memref<10000x16xf32, #tpu.memory_space<vmem_shared>> -> memref<10000x16xf32, #tpu.memory_space<vmem_shared>>
          tpu.wait_indirect_dma semaphore(%run_scoped3A_356 : memref<!tpu.dma_semaphore, #tpu.memory_space<semaphore_mem>>) src(%dma_wait3A_368 : memref<128x16xf32, #tpu.memory_space<vmem>>) dst(%dma_wait3A_374 : memref<10000x16xf32, #tpu.memory_space<vmem_shared>>)
          tpu.yield
        }) : () -> ()
      } else {
      }
    }
    %scan3A_13 = arith.constant 10 : i32
    %barrier3A_14 = arith.constant 0 : index
    tpu.barrier barrier_id(%barrier3A_14)
    %eq3A = arith.constant 0 : i32
    %eq3A_15 = arith.cmpi eq, %arg1, %eq3A : i32
    %convert_element_type3A = arith.extui %eq3A_15 : i1 to i32
    %cond3A = arith.constant 0 : i32
    %cond3A_16 = arith.cmpi ne, %convert_element_type3A, %cond3A : i32
    scf.if %cond3A_16 {
      "tpu.region"() ({
        %run_scoped3A = tpu.sem_alloc : memref<!tpu.dma_semaphore, #tpu.memory_space<semaphore_mem>>
        %dma_start3A = arith.constant 0 : i32
        %dma_start3A_17 = arith.constant 0 : i32
        %dma_start3A_18 = tpu.memref_slice %arg5[%arg0, %dma_start3A, %dma_start3A_17] : memref<2x10000x16xf32, #tpu.memory_space<hbm>> -> memref<1x10000x16xf32, #tpu.memory_space<hbm>>
        %dma_start3A_19 = tpu.memref_squeeze %dma_start3A_18 : memref<1x10000x16xf32, #tpu.memory_space<hbm>> -> memref<10000x16xf32, #tpu.memory_space<hbm>>
        tpu.enqueue_dma source(%arg10 : memref<10000x16xf32, #tpu.memory_space<vmem_shared>>) target(%dma_start3A_19 : memref<10000x16xf32, #tpu.memory_space<hbm>>) target_semaphore(%run_scoped3A : memref<!tpu.dma_semaphore, #tpu.memory_space<semaphore_mem>>)
        %dma_wait3A = arith.constant 0 : i32
        %dma_wait3A_20 = arith.constant 0 : i32
        %dma_wait3A_21 = tpu.memref_slice %arg5[%arg0, %dma_wait3A, %dma_wait3A_20] : memref<2x10000x16xf32, #tpu.memory_space<hbm>> -> memref<1x10000x16xf32, #tpu.memory_space<hbm>>
        %dma_wait3A_22 = tpu.memref_squeeze %dma_wait3A_21 : memref<1x10000x16xf32, #tpu.memory_space<hbm>> -> memref<10000x16xf32, #tpu.memory_space<hbm>>
        tpu.wait_dma2 semaphore(%run_scoped3A : memref<!tpu.dma_semaphore, #tpu.memory_space<semaphore_mem>>) src(%arg10 : memref<10000x16xf32, #tpu.memory_space<vmem_shared>>) dst(%dma_wait3A_22 : memref<10000x16xf32, #tpu.memory_space<hbm>>)
        tpu.yield
      }) : () -> ()
    } else {
    }
    return
  }
}

#map = affine_map<(d0, d1) -> (0, 0)>
#map1 = affine_map<(d0, d1) -> (0)>
module attributes {stable_mosaic.version = 14 : i64} {
  func.func @k(%arg0: i32, %arg1: i32, %arg2: memref<10000x128xf32, #tpu.memory_space<hbm>>, %arg3: memref<160000xi32, #tpu.memory_space<hbm>>, %arg4: memref<160000x128xf32, #tpu.memory_space<hbm>>, %arg5: memref<4x128xi32, #tpu.memory_space<vmem>>, %arg6: memref<4x128x128xf32, #tpu.memory_space<vmem>>, %arg7: memref<!tpu.dma_semaphore, #tpu.memory_space<semaphore_mem>>, %arg8: memref<!tpu.dma_semaphore, #tpu.memory_space<semaphore_mem>>, %arg9: memref<!tpu.dma_semaphore, #tpu.memory_space<semaphore_mem>>) attributes {dimension_semantics = [#tpu.dimension_semantics<core_parallel>, #tpu.dimension_semantics<subcore_parallel>], iteration_bounds = array<i64: 2, 16>, scalar_prefetch = 0 : i64, scratch_operands = 5 : i64, tpu.core_type = #tpu.core_type<sc_vector_subcore>, window_params = [{transform_indices = #map}, {transform_indices = #map1}, {transform_indices = #map}]} {
    %mul3A = arith.constant 2 : i32
    %mul3A_0 = arith.muli %arg1, %mul3A : i32
    %add3A = arith.addi %mul3A_0, %arg0 : i32
    %scan3A = arith.constant 0 : i32
    %scan3A_1 = arith.constant 0 : i32
    %scan3A_2 = arith.constant 10 : i32
    %scan3A_3 = arith.addi %scan3A_1, %scan3A_2 : i32
    %scan3A_4 = arith.constant 1 : i32
    scf.for %scan3A_6 = %scan3A_1 to %scan3A_3 step %scan3A_4  : i32 {
      %mul3A_7 = arith.constant 4 : i32
      %mul3A_8 = arith.muli %scan3A_6, %mul3A_7 : i32
      %add3A_9 = arith.constant 0 : i32
      %add3A_10 = arith.addi %mul3A_8, %add3A_9 : i32
      %mul3A_11 = arith.constant 32 : i32
      %mul3A_12 = arith.muli %add3A_10, %mul3A_11 : i32
      %add3A_13 = arith.addi %add3A, %mul3A_12 : i32
      %lt3A = arith.constant 1250 : i32
      %lt3A_14 = arith.cmpi slt, %add3A_13, %lt3A : i32
      %convert_element_type3A = arith.extui %lt3A_14 : i1 to i32
      %cond3A = arith.constant 0 : i32
      %cond3A_15 = arith.cmpi ne, %convert_element_type3A, %cond3A : i32
      scf.if %cond3A_15 {
        %mul3A_292 = arith.constant 128 : i32
        %mul3A_293 = arith.muli %add3A_13, %mul3A_292 : i32
        %dma_start3A = arith.constant 0 : i32
        %dma_start3A_294 = arith.constant 0 : i32
        %dma_start3A_295 = tpu.memref_slice %arg5[%dma_start3A, %dma_start3A_294] : memref<4x128xi32, #tpu.memory_space<vmem>> -> memref<1x128xi32, #tpu.memory_space<vmem>>
        %dma_start3A_296 = tpu.memref_squeeze %dma_start3A_295 : memref<1x128xi32, #tpu.memory_space<vmem>> -> memref<128xi32, #tpu.memory_space<vmem>>
        %dma_start3A_297 = tpu.memref_slice %arg3[%mul3A_293] : memref<160000xi32, #tpu.memory_space<hbm>> -> memref<128xi32, #tpu.memory_space<hbm>>
        %dma_start3A_298 = arith.constant 0 : i32
        %dma_start3A_299 = tpu.memref_slice %arg5[%dma_start3A, %dma_start3A_298] : memref<4x128xi32, #tpu.memory_space<vmem>> -> memref<1x128xi32, #tpu.memory_space<vmem>>
        %dma_start3A_300 = tpu.memref_squeeze %dma_start3A_299 : memref<1x128xi32, #tpu.memory_space<vmem>> -> memref<128xi32, #tpu.memory_space<vmem>>
        %dma_start3A_301 = tpu.memref_slice %arg3[%mul3A_293] : memref<160000xi32, #tpu.memory_space<hbm>> -> memref<128xi32, #tpu.memory_space<hbm>>
        tpu.enqueue_dma source(%dma_start3A_301 : memref<128xi32, #tpu.memory_space<hbm>>) target(%dma_start3A_300 : memref<128xi32, #tpu.memory_space<vmem>>) target_semaphore(%arg7 : memref<!tpu.dma_semaphore, #tpu.memory_space<semaphore_mem>>)
      } else {
      }
      %mul3A_16 = arith.constant 4 : i32
      %mul3A_17 = arith.muli %scan3A_6, %mul3A_16 : i32
      %add3A_18 = arith.constant 1 : i32
      %add3A_19 = arith.addi %mul3A_17, %add3A_18 : i32
      %mul3A_20 = arith.constant 32 : i32
      %mul3A_21 = arith.muli %add3A_19, %mul3A_20 : i32
      %add3A_22 = arith.addi %add3A, %mul3A_21 : i32
      %lt3A_23 = arith.constant 1250 : i32
      %lt3A_24 = arith.cmpi slt, %add3A_22, %lt3A_23 : i32
      %convert_element_type3A_25 = arith.extui %lt3A_24 : i1 to i32
      %cond3A_26 = arith.constant 0 : i32
      %cond3A_27 = arith.cmpi ne, %convert_element_type3A_25, %cond3A_26 : i32
      scf.if %cond3A_27 {
        %mul3A_292 = arith.constant 128 : i32
        %mul3A_293 = arith.muli %add3A_22, %mul3A_292 : i32
        %dma_start3A = arith.constant 1 : i32
        %dma_start3A_294 = arith.constant 0 : i32
        %dma_start3A_295 = tpu.memref_slice %arg5[%dma_start3A, %dma_start3A_294] : memref<4x128xi32, #tpu.memory_space<vmem>> -> memref<1x128xi32, #tpu.memory_space<vmem>>
        %dma_start3A_296 = tpu.memref_squeeze %dma_start3A_295 : memref<1x128xi32, #tpu.memory_space<vmem>> -> memref<128xi32, #tpu.memory_space<vmem>>
        %dma_start3A_297 = tpu.memref_slice %arg3[%mul3A_293] : memref<160000xi32, #tpu.memory_space<hbm>> -> memref<128xi32, #tpu.memory_space<hbm>>
        %dma_start3A_298 = arith.constant 0 : i32
        %dma_start3A_299 = tpu.memref_slice %arg5[%dma_start3A, %dma_start3A_298] : memref<4x128xi32, #tpu.memory_space<vmem>> -> memref<1x128xi32, #tpu.memory_space<vmem>>
        %dma_start3A_300 = tpu.memref_squeeze %dma_start3A_299 : memref<1x128xi32, #tpu.memory_space<vmem>> -> memref<128xi32, #tpu.memory_space<vmem>>
        %dma_start3A_301 = tpu.memref_slice %arg3[%mul3A_293] : memref<160000xi32, #tpu.memory_space<hbm>> -> memref<128xi32, #tpu.memory_space<hbm>>
        tpu.enqueue_dma source(%dma_start3A_301 : memref<128xi32, #tpu.memory_space<hbm>>) target(%dma_start3A_300 : memref<128xi32, #tpu.memory_space<vmem>>) target_semaphore(%arg7 : memref<!tpu.dma_semaphore, #tpu.memory_space<semaphore_mem>>)
      } else {
      }
      %mul3A_28 = arith.constant 4 : i32
      %mul3A_29 = arith.muli %scan3A_6, %mul3A_28 : i32
      %add3A_30 = arith.constant 2 : i32
      %add3A_31 = arith.addi %mul3A_29, %add3A_30 : i32
      %mul3A_32 = arith.constant 32 : i32
      %mul3A_33 = arith.muli %add3A_31, %mul3A_32 : i32
      %add3A_34 = arith.addi %add3A, %mul3A_33 : i32
      %lt3A_35 = arith.constant 1250 : i32
      %lt3A_36 = arith.cmpi slt, %add3A_34, %lt3A_35 : i32
      %convert_element_type3A_37 = arith.extui %lt3A_36 : i1 to i32
      %cond3A_38 = arith.constant 0 : i32
      %cond3A_39 = arith.cmpi ne, %convert_element_type3A_37, %cond3A_38 : i32
      scf.if %cond3A_39 {
        %mul3A_292 = arith.constant 128 : i32
        %mul3A_293 = arith.muli %add3A_34, %mul3A_292 : i32
        %dma_start3A = arith.constant 2 : i32
        %dma_start3A_294 = arith.constant 0 : i32
        %dma_start3A_295 = tpu.memref_slice %arg5[%dma_start3A, %dma_start3A_294] : memref<4x128xi32, #tpu.memory_space<vmem>> -> memref<1x128xi32, #tpu.memory_space<vmem>>
        %dma_start3A_296 = tpu.memref_squeeze %dma_start3A_295 : memref<1x128xi32, #tpu.memory_space<vmem>> -> memref<128xi32, #tpu.memory_space<vmem>>
        %dma_start3A_297 = tpu.memref_slice %arg3[%mul3A_293] : memref<160000xi32, #tpu.memory_space<hbm>> -> memref<128xi32, #tpu.memory_space<hbm>>
        %dma_start3A_298 = arith.constant 0 : i32
        %dma_start3A_299 = tpu.memref_slice %arg5[%dma_start3A, %dma_start3A_298] : memref<4x128xi32, #tpu.memory_space<vmem>> -> memref<1x128xi32, #tpu.memory_space<vmem>>
        %dma_start3A_300 = tpu.memref_squeeze %dma_start3A_299 : memref<1x128xi32, #tpu.memory_space<vmem>> -> memref<128xi32, #tpu.memory_space<vmem>>
        %dma_start3A_301 = tpu.memref_slice %arg3[%mul3A_293] : memref<160000xi32, #tpu.memory_space<hbm>> -> memref<128xi32, #tpu.memory_space<hbm>>
        tpu.enqueue_dma source(%dma_start3A_301 : memref<128xi32, #tpu.memory_space<hbm>>) target(%dma_start3A_300 : memref<128xi32, #tpu.memory_space<vmem>>) target_semaphore(%arg7 : memref<!tpu.dma_semaphore, #tpu.memory_space<semaphore_mem>>)
      } else {
      }
      %mul3A_40 = arith.constant 4 : i32
      %mul3A_41 = arith.muli %scan3A_6, %mul3A_40 : i32
      %add3A_42 = arith.constant 3 : i32
      %add3A_43 = arith.addi %mul3A_41, %add3A_42 : i32
      %mul3A_44 = arith.constant 32 : i32
      %mul3A_45 = arith.muli %add3A_43, %mul3A_44 : i32
      %add3A_46 = arith.addi %add3A, %mul3A_45 : i32
      %lt3A_47 = arith.constant 1250 : i32
      %lt3A_48 = arith.cmpi slt, %add3A_46, %lt3A_47 : i32
      %convert_element_type3A_49 = arith.extui %lt3A_48 : i1 to i32
      %cond3A_50 = arith.constant 0 : i32
      %cond3A_51 = arith.cmpi ne, %convert_element_type3A_49, %cond3A_50 : i32
      scf.if %cond3A_51 {
        %mul3A_292 = arith.constant 128 : i32
        %mul3A_293 = arith.muli %add3A_46, %mul3A_292 : i32
        %dma_start3A = arith.constant 3 : i32
        %dma_start3A_294 = arith.constant 0 : i32
        %dma_start3A_295 = tpu.memref_slice %arg5[%dma_start3A, %dma_start3A_294] : memref<4x128xi32, #tpu.memory_space<vmem>> -> memref<1x128xi32, #tpu.memory_space<vmem>>
        %dma_start3A_296 = tpu.memref_squeeze %dma_start3A_295 : memref<1x128xi32, #tpu.memory_space<vmem>> -> memref<128xi32, #tpu.memory_space<vmem>>
        %dma_start3A_297 = tpu.memref_slice %arg3[%mul3A_293] : memref<160000xi32, #tpu.memory_space<hbm>> -> memref<128xi32, #tpu.memory_space<hbm>>
        %dma_start3A_298 = arith.constant 0 : i32
        %dma_start3A_299 = tpu.memref_slice %arg5[%dma_start3A, %dma_start3A_298] : memref<4x128xi32, #tpu.memory_space<vmem>> -> memref<1x128xi32, #tpu.memory_space<vmem>>
        %dma_start3A_300 = tpu.memref_squeeze %dma_start3A_299 : memref<1x128xi32, #tpu.memory_space<vmem>> -> memref<128xi32, #tpu.memory_space<vmem>>
        %dma_start3A_301 = tpu.memref_slice %arg3[%mul3A_293] : memref<160000xi32, #tpu.memory_space<hbm>> -> memref<128xi32, #tpu.memory_space<hbm>>
        tpu.enqueue_dma source(%dma_start3A_301 : memref<128xi32, #tpu.memory_space<hbm>>) target(%dma_start3A_300 : memref<128xi32, #tpu.memory_space<vmem>>) target_semaphore(%arg7 : memref<!tpu.dma_semaphore, #tpu.memory_space<semaphore_mem>>)
      } else {
      }
      %mul3A_52 = arith.constant 4 : i32
      %mul3A_53 = arith.muli %scan3A_6, %mul3A_52 : i32
      %add3A_54 = arith.constant 0 : i32
      %add3A_55 = arith.addi %mul3A_53, %add3A_54 : i32
      %mul3A_56 = arith.constant 32 : i32
      %mul3A_57 = arith.muli %add3A_55, %mul3A_56 : i32
      %add3A_58 = arith.addi %add3A, %mul3A_57 : i32
      %lt3A_59 = arith.constant 1250 : i32
      %lt3A_60 = arith.cmpi slt, %add3A_58, %lt3A_59 : i32
      %convert_element_type3A_61 = arith.extui %lt3A_60 : i1 to i32
      %cond3A_62 = arith.constant 0 : i32
      %cond3A_63 = arith.cmpi ne, %convert_element_type3A_61, %cond3A_62 : i32
      scf.if %cond3A_63 {
        %mul3A_292 = arith.constant 128 : i32
        %mul3A_293 = arith.muli %add3A_58, %mul3A_292 : i32
        %dma_wait3A = arith.constant 0 : i32
        %dma_wait3A_294 = arith.constant 0 : i32
        %dma_wait3A_295 = tpu.memref_slice %arg5[%dma_wait3A, %dma_wait3A_294] : memref<4x128xi32, #tpu.memory_space<vmem>> -> memref<1x128xi32, #tpu.memory_space<vmem>>
        %dma_wait3A_296 = tpu.memref_squeeze %dma_wait3A_295 : memref<1x128xi32, #tpu.memory_space<vmem>> -> memref<128xi32, #tpu.memory_space<vmem>>
        %dma_wait3A_297 = tpu.memref_slice %arg3[%mul3A_293] : memref<160000xi32, #tpu.memory_space<hbm>> -> memref<128xi32, #tpu.memory_space<hbm>>
        %dma_wait3A_298 = arith.constant 0 : i32
        %dma_wait3A_299 = tpu.memref_slice %arg5[%dma_wait3A, %dma_wait3A_298] : memref<4x128xi32, #tpu.memory_space<vmem>> -> memref<1x128xi32, #tpu.memory_space<vmem>>
        %dma_wait3A_300 = tpu.memref_squeeze %dma_wait3A_299 : memref<1x128xi32, #tpu.memory_space<vmem>> -> memref<128xi32, #tpu.memory_space<vmem>>
        %dma_wait3A_301 = tpu.memref_slice %arg3[%mul3A_293] : memref<160000xi32, #tpu.memory_space<hbm>> -> memref<128xi32, #tpu.memory_space<hbm>>
        tpu.wait_dma2 semaphore(%arg7 : memref<!tpu.dma_semaphore, #tpu.memory_space<semaphore_mem>>) src(%dma_wait3A_301 : memref<128xi32, #tpu.memory_space<hbm>>) dst(%dma_wait3A_300 : memref<128xi32, #tpu.memory_space<vmem>>)
      } else {
      }
      %mul3A_64 = arith.constant 4 : i32
      %mul3A_65 = arith.muli %scan3A_6, %mul3A_64 : i32
      %add3A_66 = arith.constant 1 : i32
      %add3A_67 = arith.addi %mul3A_65, %add3A_66 : i32
      %mul3A_68 = arith.constant 32 : i32
      %mul3A_69 = arith.muli %add3A_67, %mul3A_68 : i32
      %add3A_70 = arith.addi %add3A, %mul3A_69 : i32
      %lt3A_71 = arith.constant 1250 : i32
      %lt3A_72 = arith.cmpi slt, %add3A_70, %lt3A_71 : i32
      %convert_element_type3A_73 = arith.extui %lt3A_72 : i1 to i32
      %cond3A_74 = arith.constant 0 : i32
      %cond3A_75 = arith.cmpi ne, %convert_element_type3A_73, %cond3A_74 : i32
      scf.if %cond3A_75 {
        %mul3A_292 = arith.constant 128 : i32
        %mul3A_293 = arith.muli %add3A_70, %mul3A_292 : i32
        %dma_wait3A = arith.constant 1 : i32
        %dma_wait3A_294 = arith.constant 0 : i32
        %dma_wait3A_295 = tpu.memref_slice %arg5[%dma_wait3A, %dma_wait3A_294] : memref<4x128xi32, #tpu.memory_space<vmem>> -> memref<1x128xi32, #tpu.memory_space<vmem>>
        %dma_wait3A_296 = tpu.memref_squeeze %dma_wait3A_295 : memref<1x128xi32, #tpu.memory_space<vmem>> -> memref<128xi32, #tpu.memory_space<vmem>>
        %dma_wait3A_297 = tpu.memref_slice %arg3[%mul3A_293] : memref<160000xi32, #tpu.memory_space<hbm>> -> memref<128xi32, #tpu.memory_space<hbm>>
        %dma_wait3A_298 = arith.constant 0 : i32
        %dma_wait3A_299 = tpu.memref_slice %arg5[%dma_wait3A, %dma_wait3A_298] : memref<4x128xi32, #tpu.memory_space<vmem>> -> memref<1x128xi32, #tpu.memory_space<vmem>>
        %dma_wait3A_300 = tpu.memref_squeeze %dma_wait3A_299 : memref<1x128xi32, #tpu.memory_space<vmem>> -> memref<128xi32, #tpu.memory_space<vmem>>
        %dma_wait3A_301 = tpu.memref_slice %arg3[%mul3A_293] : memref<160000xi32, #tpu.memory_space<hbm>> -> memref<128xi32, #tpu.memory_space<hbm>>
        tpu.wait_dma2 semaphore(%arg7 : memref<!tpu.dma_semaphore, #tpu.memory_space<semaphore_mem>>) src(%dma_wait3A_301 : memref<128xi32, #tpu.memory_space<hbm>>) dst(%dma_wait3A_300 : memref<128xi32, #tpu.memory_space<vmem>>)
      } else {
      }
      %mul3A_76 = arith.constant 4 : i32
      %mul3A_77 = arith.muli %scan3A_6, %mul3A_76 : i32
      %add3A_78 = arith.constant 2 : i32
      %add3A_79 = arith.addi %mul3A_77, %add3A_78 : i32
      %mul3A_80 = arith.constant 32 : i32
      %mul3A_81 = arith.muli %add3A_79, %mul3A_80 : i32
      %add3A_82 = arith.addi %add3A, %mul3A_81 : i32
      %lt3A_83 = arith.constant 1250 : i32
      %lt3A_84 = arith.cmpi slt, %add3A_82, %lt3A_83 : i32
      %convert_element_type3A_85 = arith.extui %lt3A_84 : i1 to i32
      %cond3A_86 = arith.constant 0 : i32
      %cond3A_87 = arith.cmpi ne, %convert_element_type3A_85, %cond3A_86 : i32
      scf.if %cond3A_87 {
        %mul3A_292 = arith.constant 128 : i32
        %mul3A_293 = arith.muli %add3A_82, %mul3A_292 : i32
        %dma_wait3A = arith.constant 2 : i32
        %dma_wait3A_294 = arith.constant 0 : i32
        %dma_wait3A_295 = tpu.memref_slice %arg5[%dma_wait3A, %dma_wait3A_294] : memref<4x128xi32, #tpu.memory_space<vmem>> -> memref<1x128xi32, #tpu.memory_space<vmem>>
        %dma_wait3A_296 = tpu.memref_squeeze %dma_wait3A_295 : memref<1x128xi32, #tpu.memory_space<vmem>> -> memref<128xi32, #tpu.memory_space<vmem>>
        %dma_wait3A_297 = tpu.memref_slice %arg3[%mul3A_293] : memref<160000xi32, #tpu.memory_space<hbm>> -> memref<128xi32, #tpu.memory_space<hbm>>
        %dma_wait3A_298 = arith.constant 0 : i32
        %dma_wait3A_299 = tpu.memref_slice %arg5[%dma_wait3A, %dma_wait3A_298] : memref<4x128xi32, #tpu.memory_space<vmem>> -> memref<1x128xi32, #tpu.memory_space<vmem>>
        %dma_wait3A_300 = tpu.memref_squeeze %dma_wait3A_299 : memref<1x128xi32, #tpu.memory_space<vmem>> -> memref<128xi32, #tpu.memory_space<vmem>>
        %dma_wait3A_301 = tpu.memref_slice %arg3[%mul3A_293] : memref<160000xi32, #tpu.memory_space<hbm>> -> memref<128xi32, #tpu.memory_space<hbm>>
        tpu.wait_dma2 semaphore(%arg7 : memref<!tpu.dma_semaphore, #tpu.memory_space<semaphore_mem>>) src(%dma_wait3A_301 : memref<128xi32, #tpu.memory_space<hbm>>) dst(%dma_wait3A_300 : memref<128xi32, #tpu.memory_space<vmem>>)
      } else {
      }
      %mul3A_88 = arith.constant 4 : i32
      %mul3A_89 = arith.muli %scan3A_6, %mul3A_88 : i32
      %add3A_90 = arith.constant 3 : i32
      %add3A_91 = arith.addi %mul3A_89, %add3A_90 : i32
      %mul3A_92 = arith.constant 32 : i32
      %mul3A_93 = arith.muli %add3A_91, %mul3A_92 : i32
      %add3A_94 = arith.addi %add3A, %mul3A_93 : i32
      %lt3A_95 = arith.constant 1250 : i32
      %lt3A_96 = arith.cmpi slt, %add3A_94, %lt3A_95 : i32
      %convert_element_type3A_97 = arith.extui %lt3A_96 : i1 to i32
      %cond3A_98 = arith.constant 0 : i32
      %cond3A_99 = arith.cmpi ne, %convert_element_type3A_97, %cond3A_98 : i32
      scf.if %cond3A_99 {
        %mul3A_292 = arith.constant 128 : i32
        %mul3A_293 = arith.muli %add3A_94, %mul3A_292 : i32
        %dma_wait3A = arith.constant 3 : i32
        %dma_wait3A_294 = arith.constant 0 : i32
        %dma_wait3A_295 = tpu.memref_slice %arg5[%dma_wait3A, %dma_wait3A_294] : memref<4x128xi32, #tpu.memory_space<vmem>> -> memref<1x128xi32, #tpu.memory_space<vmem>>
        %dma_wait3A_296 = tpu.memref_squeeze %dma_wait3A_295 : memref<1x128xi32, #tpu.memory_space<vmem>> -> memref<128xi32, #tpu.memory_space<vmem>>
        %dma_wait3A_297 = tpu.memref_slice %arg3[%mul3A_293] : memref<160000xi32, #tpu.memory_space<hbm>> -> memref<128xi32, #tpu.memory_space<hbm>>
        %dma_wait3A_298 = arith.constant 0 : i32
        %dma_wait3A_299 = tpu.memref_slice %arg5[%dma_wait3A, %dma_wait3A_298] : memref<4x128xi32, #tpu.memory_space<vmem>> -> memref<1x128xi32, #tpu.memory_space<vmem>>
        %dma_wait3A_300 = tpu.memref_squeeze %dma_wait3A_299 : memref<1x128xi32, #tpu.memory_space<vmem>> -> memref<128xi32, #tpu.memory_space<vmem>>
        %dma_wait3A_301 = tpu.memref_slice %arg3[%mul3A_293] : memref<160000xi32, #tpu.memory_space<hbm>> -> memref<128xi32, #tpu.memory_space<hbm>>
        tpu.wait_dma2 semaphore(%arg7 : memref<!tpu.dma_semaphore, #tpu.memory_space<semaphore_mem>>) src(%dma_wait3A_301 : memref<128xi32, #tpu.memory_space<hbm>>) dst(%dma_wait3A_300 : memref<128xi32, #tpu.memory_space<vmem>>)
      } else {
      }
      %mul3A_100 = arith.constant 4 : i32
      %mul3A_101 = arith.muli %scan3A_6, %mul3A_100 : i32
      %add3A_102 = arith.constant 0 : i32
      %add3A_103 = arith.addi %mul3A_101, %add3A_102 : i32
      %mul3A_104 = arith.constant 32 : i32
      %mul3A_105 = arith.muli %add3A_103, %mul3A_104 : i32
      %add3A_106 = arith.addi %add3A, %mul3A_105 : i32
      %lt3A_107 = arith.constant 1250 : i32
      %lt3A_108 = arith.cmpi slt, %add3A_106, %lt3A_107 : i32
      %convert_element_type3A_109 = arith.extui %lt3A_108 : i1 to i32
      %cond3A_110 = arith.constant 0 : i32
      %cond3A_111 = arith.cmpi ne, %convert_element_type3A_109, %cond3A_110 : i32
      scf.if %cond3A_111 {
        %dma_start3A = arith.constant 0 : i32
        %dma_start3A_292 = arith.constant 0 : i32
        %dma_start3A_293 = arith.constant 0 : i32
        %dma_start3A_294 = arith.constant 0 : i32
        %dma_start3A_295 = tpu.memref_slice %arg6[%dma_start3A_292, %dma_start3A_293, %dma_start3A_294] : memref<4x128x128xf32, #tpu.memory_space<vmem>> -> memref<1x128x128xf32, #tpu.memory_space<vmem>>
        %dma_start3A_296 = tpu.memref_squeeze %dma_start3A_295 : memref<1x128x128xf32, #tpu.memory_space<vmem>> -> memref<128x128xf32, #tpu.memory_space<vmem>>
        %dma_start3A_297 = arith.constant 0 : i32
        %dma_start3A_298 = tpu.memref_slice %arg5[%dma_start3A, %dma_start3A_297] : memref<4x128xi32, #tpu.memory_space<vmem>> -> memref<1x128xi32, #tpu.memory_space<vmem>>
        %dma_start3A_299 = tpu.memref_squeeze %dma_start3A_298 : memref<1x128xi32, #tpu.memory_space<vmem>> -> memref<128xi32, #tpu.memory_space<vmem>>
        %dma_start3A_300 = arith.constant 0 : i32
        %dma_start3A_301 = arith.constant 0 : i32
        %dma_start3A_302 = tpu.memref_slice %arg2[%dma_start3A_300, %dma_start3A_301] : memref<10000x128xf32, #tpu.memory_space<hbm>> -> memref<10000x128xf32, #tpu.memory_space<hbm>>
        tpu.enqueue_indirect_dma source(%dma_start3A_302 : memref<10000x128xf32, #tpu.memory_space<hbm>>) target(%dma_start3A_296 : memref<128x128xf32, #tpu.memory_space<vmem>>) offsets(%dma_start3A_299 : memref<128xi32, #tpu.memory_space<vmem>>) semaphore(%arg8 : memref<!tpu.dma_semaphore, #tpu.memory_space<semaphore_mem>>)
      } else {
      }
      %mul3A_112 = arith.constant 4 : i32
      %mul3A_113 = arith.muli %scan3A_6, %mul3A_112 : i32
      %add3A_114 = arith.constant 1 : i32
      %add3A_115 = arith.addi %mul3A_113, %add3A_114 : i32
      %mul3A_116 = arith.constant 32 : i32
      %mul3A_117 = arith.muli %add3A_115, %mul3A_116 : i32
      %add3A_118 = arith.addi %add3A, %mul3A_117 : i32
      %lt3A_119 = arith.constant 1250 : i32
      %lt3A_120 = arith.cmpi slt, %add3A_118, %lt3A_119 : i32
      %convert_element_type3A_121 = arith.extui %lt3A_120 : i1 to i32
      %cond3A_122 = arith.constant 0 : i32
      %cond3A_123 = arith.cmpi ne, %convert_element_type3A_121, %cond3A_122 : i32
      scf.if %cond3A_123 {
        %dma_start3A = arith.constant 1 : i32
        %dma_start3A_292 = arith.constant 1 : i32
        %dma_start3A_293 = arith.constant 0 : i32
        %dma_start3A_294 = arith.constant 0 : i32
        %dma_start3A_295 = tpu.memref_slice %arg6[%dma_start3A_292, %dma_start3A_293, %dma_start3A_294] : memref<4x128x128xf32, #tpu.memory_space<vmem>> -> memref<1x128x128xf32, #tpu.memory_space<vmem>>
        %dma_start3A_296 = tpu.memref_squeeze %dma_start3A_295 : memref<1x128x128xf32, #tpu.memory_space<vmem>> -> memref<128x128xf32, #tpu.memory_space<vmem>>
        %dma_start3A_297 = arith.constant 0 : i32
        %dma_start3A_298 = tpu.memref_slice %arg5[%dma_start3A, %dma_start3A_297] : memref<4x128xi32, #tpu.memory_space<vmem>> -> memref<1x128xi32, #tpu.memory_space<vmem>>
        %dma_start3A_299 = tpu.memref_squeeze %dma_start3A_298 : memref<1x128xi32, #tpu.memory_space<vmem>> -> memref<128xi32, #tpu.memory_space<vmem>>
        %dma_start3A_300 = arith.constant 0 : i32
        %dma_start3A_301 = arith.constant 0 : i32
        %dma_start3A_302 = tpu.memref_slice %arg2[%dma_start3A_300, %dma_start3A_301] : memref<10000x128xf32, #tpu.memory_space<hbm>> -> memref<10000x128xf32, #tpu.memory_space<hbm>>
        tpu.enqueue_indirect_dma source(%dma_start3A_302 : memref<10000x128xf32, #tpu.memory_space<hbm>>) target(%dma_start3A_296 : memref<128x128xf32, #tpu.memory_space<vmem>>) offsets(%dma_start3A_299 : memref<128xi32, #tpu.memory_space<vmem>>) semaphore(%arg8 : memref<!tpu.dma_semaphore, #tpu.memory_space<semaphore_mem>>)
      } else {
      }
      %mul3A_124 = arith.constant 4 : i32
      %mul3A_125 = arith.muli %scan3A_6, %mul3A_124 : i32
      %add3A_126 = arith.constant 2 : i32
      %add3A_127 = arith.addi %mul3A_125, %add3A_126 : i32
      %mul3A_128 = arith.constant 32 : i32
      %mul3A_129 = arith.muli %add3A_127, %mul3A_128 : i32
      %add3A_130 = arith.addi %add3A, %mul3A_129 : i32
      %lt3A_131 = arith.constant 1250 : i32
      %lt3A_132 = arith.cmpi slt, %add3A_130, %lt3A_131 : i32
      %convert_element_type3A_133 = arith.extui %lt3A_132 : i1 to i32
      %cond3A_134 = arith.constant 0 : i32
      %cond3A_135 = arith.cmpi ne, %convert_element_type3A_133, %cond3A_134 : i32
      scf.if %cond3A_135 {
        %dma_start3A = arith.constant 2 : i32
        %dma_start3A_292 = arith.constant 2 : i32
        %dma_start3A_293 = arith.constant 0 : i32
        %dma_start3A_294 = arith.constant 0 : i32
        %dma_start3A_295 = tpu.memref_slice %arg6[%dma_start3A_292, %dma_start3A_293, %dma_start3A_294] : memref<4x128x128xf32, #tpu.memory_space<vmem>> -> memref<1x128x128xf32, #tpu.memory_space<vmem>>
        %dma_start3A_296 = tpu.memref_squeeze %dma_start3A_295 : memref<1x128x128xf32, #tpu.memory_space<vmem>> -> memref<128x128xf32, #tpu.memory_space<vmem>>
        %dma_start3A_297 = arith.constant 0 : i32
        %dma_start3A_298 = tpu.memref_slice %arg5[%dma_start3A, %dma_start3A_297] : memref<4x128xi32, #tpu.memory_space<vmem>> -> memref<1x128xi32, #tpu.memory_space<vmem>>
        %dma_start3A_299 = tpu.memref_squeeze %dma_start3A_298 : memref<1x128xi32, #tpu.memory_space<vmem>> -> memref<128xi32, #tpu.memory_space<vmem>>
        %dma_start3A_300 = arith.constant 0 : i32
        %dma_start3A_301 = arith.constant 0 : i32
        %dma_start3A_302 = tpu.memref_slice %arg2[%dma_start3A_300, %dma_start3A_301] : memref<10000x128xf32, #tpu.memory_space<hbm>> -> memref<10000x128xf32, #tpu.memory_space<hbm>>
        tpu.enqueue_indirect_dma source(%dma_start3A_302 : memref<10000x128xf32, #tpu.memory_space<hbm>>) target(%dma_start3A_296 : memref<128x128xf32, #tpu.memory_space<vmem>>) offsets(%dma_start3A_299 : memref<128xi32, #tpu.memory_space<vmem>>) semaphore(%arg8 : memref<!tpu.dma_semaphore, #tpu.memory_space<semaphore_mem>>)
      } else {
      }
      %mul3A_136 = arith.constant 4 : i32
      %mul3A_137 = arith.muli %scan3A_6, %mul3A_136 : i32
      %add3A_138 = arith.constant 3 : i32
      %add3A_139 = arith.addi %mul3A_137, %add3A_138 : i32
      %mul3A_140 = arith.constant 32 : i32
      %mul3A_141 = arith.muli %add3A_139, %mul3A_140 : i32
      %add3A_142 = arith.addi %add3A, %mul3A_141 : i32
      %lt3A_143 = arith.constant 1250 : i32
      %lt3A_144 = arith.cmpi slt, %add3A_142, %lt3A_143 : i32
      %convert_element_type3A_145 = arith.extui %lt3A_144 : i1 to i32
      %cond3A_146 = arith.constant 0 : i32
      %cond3A_147 = arith.cmpi ne, %convert_element_type3A_145, %cond3A_146 : i32
      scf.if %cond3A_147 {
        %dma_start3A = arith.constant 3 : i32
        %dma_start3A_292 = arith.constant 3 : i32
        %dma_start3A_293 = arith.constant 0 : i32
        %dma_start3A_294 = arith.constant 0 : i32
        %dma_start3A_295 = tpu.memref_slice %arg6[%dma_start3A_292, %dma_start3A_293, %dma_start3A_294] : memref<4x128x128xf32, #tpu.memory_space<vmem>> -> memref<1x128x128xf32, #tpu.memory_space<vmem>>
        %dma_start3A_296 = tpu.memref_squeeze %dma_start3A_295 : memref<1x128x128xf32, #tpu.memory_space<vmem>> -> memref<128x128xf32, #tpu.memory_space<vmem>>
        %dma_start3A_297 = arith.constant 0 : i32
        %dma_start3A_298 = tpu.memref_slice %arg5[%dma_start3A, %dma_start3A_297] : memref<4x128xi32, #tpu.memory_space<vmem>> -> memref<1x128xi32, #tpu.memory_space<vmem>>
        %dma_start3A_299 = tpu.memref_squeeze %dma_start3A_298 : memref<1x128xi32, #tpu.memory_space<vmem>> -> memref<128xi32, #tpu.memory_space<vmem>>
        %dma_start3A_300 = arith.constant 0 : i32
        %dma_start3A_301 = arith.constant 0 : i32
        %dma_start3A_302 = tpu.memref_slice %arg2[%dma_start3A_300, %dma_start3A_301] : memref<10000x128xf32, #tpu.memory_space<hbm>> -> memref<10000x128xf32, #tpu.memory_space<hbm>>
        tpu.enqueue_indirect_dma source(%dma_start3A_302 : memref<10000x128xf32, #tpu.memory_space<hbm>>) target(%dma_start3A_296 : memref<128x128xf32, #tpu.memory_space<vmem>>) offsets(%dma_start3A_299 : memref<128xi32, #tpu.memory_space<vmem>>) semaphore(%arg8 : memref<!tpu.dma_semaphore, #tpu.memory_space<semaphore_mem>>)
      } else {
      }
      %mul3A_148 = arith.constant 4 : i32
      %mul3A_149 = arith.muli %scan3A_6, %mul3A_148 : i32
      %add3A_150 = arith.constant 0 : i32
      %add3A_151 = arith.addi %mul3A_149, %add3A_150 : i32
      %mul3A_152 = arith.constant 32 : i32
      %mul3A_153 = arith.muli %add3A_151, %mul3A_152 : i32
      %add3A_154 = arith.addi %add3A, %mul3A_153 : i32
      %lt3A_155 = arith.constant 1250 : i32
      %lt3A_156 = arith.cmpi slt, %add3A_154, %lt3A_155 : i32
      %convert_element_type3A_157 = arith.extui %lt3A_156 : i1 to i32
      %cond3A_158 = arith.constant 0 : i32
      %cond3A_159 = arith.cmpi ne, %convert_element_type3A_157, %cond3A_158 : i32
      scf.if %cond3A_159 {
        %dma_wait3A = arith.constant 0 : i32
        %dma_wait3A_292 = arith.constant 0 : i32
        %dma_wait3A_293 = arith.constant 0 : i32
        %dma_wait3A_294 = arith.constant 0 : i32
        %dma_wait3A_295 = tpu.memref_slice %arg6[%dma_wait3A_292, %dma_wait3A_293, %dma_wait3A_294] : memref<4x128x128xf32, #tpu.memory_space<vmem>> -> memref<1x128x128xf32, #tpu.memory_space<vmem>>
        %dma_wait3A_296 = tpu.memref_squeeze %dma_wait3A_295 : memref<1x128x128xf32, #tpu.memory_space<vmem>> -> memref<128x128xf32, #tpu.memory_space<vmem>>
        %dma_wait3A_297 = arith.constant 0 : i32
        %dma_wait3A_298 = tpu.memref_slice %arg5[%dma_wait3A, %dma_wait3A_297] : memref<4x128xi32, #tpu.memory_space<vmem>> -> memref<1x128xi32, #tpu.memory_space<vmem>>
        %dma_wait3A_299 = tpu.memref_squeeze %dma_wait3A_298 : memref<1x128xi32, #tpu.memory_space<vmem>> -> memref<128xi32, #tpu.memory_space<vmem>>
        %dma_wait3A_300 = arith.constant 0 : i32
        %dma_wait3A_301 = arith.constant 0 : i32
        %dma_wait3A_302 = tpu.memref_slice %arg2[%dma_wait3A_300, %dma_wait3A_301] : memref<10000x128xf32, #tpu.memory_space<hbm>> -> memref<10000x128xf32, #tpu.memory_space<hbm>>
        tpu.wait_indirect_dma semaphore(%arg8 : memref<!tpu.dma_semaphore, #tpu.memory_space<semaphore_mem>>) src(%dma_wait3A_302 : memref<10000x128xf32, #tpu.memory_space<hbm>>) dst(%dma_wait3A_296 : memref<128x128xf32, #tpu.memory_space<vmem>>)
      } else {
      }
      %mul3A_160 = arith.constant 4 : i32
      %mul3A_161 = arith.muli %scan3A_6, %mul3A_160 : i32
      %add3A_162 = arith.constant 1 : i32
      %add3A_163 = arith.addi %mul3A_161, %add3A_162 : i32
      %mul3A_164 = arith.constant 32 : i32
      %mul3A_165 = arith.muli %add3A_163, %mul3A_164 : i32
      %add3A_166 = arith.addi %add3A, %mul3A_165 : i32
      %lt3A_167 = arith.constant 1250 : i32
      %lt3A_168 = arith.cmpi slt, %add3A_166, %lt3A_167 : i32
      %convert_element_type3A_169 = arith.extui %lt3A_168 : i1 to i32
      %cond3A_170 = arith.constant 0 : i32
      %cond3A_171 = arith.cmpi ne, %convert_element_type3A_169, %cond3A_170 : i32
      scf.if %cond3A_171 {
        %dma_wait3A = arith.constant 1 : i32
        %dma_wait3A_292 = arith.constant 1 : i32
        %dma_wait3A_293 = arith.constant 0 : i32
        %dma_wait3A_294 = arith.constant 0 : i32
        %dma_wait3A_295 = tpu.memref_slice %arg6[%dma_wait3A_292, %dma_wait3A_293, %dma_wait3A_294] : memref<4x128x128xf32, #tpu.memory_space<vmem>> -> memref<1x128x128xf32, #tpu.memory_space<vmem>>
        %dma_wait3A_296 = tpu.memref_squeeze %dma_wait3A_295 : memref<1x128x128xf32, #tpu.memory_space<vmem>> -> memref<128x128xf32, #tpu.memory_space<vmem>>
        %dma_wait3A_297 = arith.constant 0 : i32
        %dma_wait3A_298 = tpu.memref_slice %arg5[%dma_wait3A, %dma_wait3A_297] : memref<4x128xi32, #tpu.memory_space<vmem>> -> memref<1x128xi32, #tpu.memory_space<vmem>>
        %dma_wait3A_299 = tpu.memref_squeeze %dma_wait3A_298 : memref<1x128xi32, #tpu.memory_space<vmem>> -> memref<128xi32, #tpu.memory_space<vmem>>
        %dma_wait3A_300 = arith.constant 0 : i32
        %dma_wait3A_301 = arith.constant 0 : i32
        %dma_wait3A_302 = tpu.memref_slice %arg2[%dma_wait3A_300, %dma_wait3A_301] : memref<10000x128xf32, #tpu.memory_space<hbm>> -> memref<10000x128xf32, #tpu.memory_space<hbm>>
        tpu.wait_indirect_dma semaphore(%arg8 : memref<!tpu.dma_semaphore, #tpu.memory_space<semaphore_mem>>) src(%dma_wait3A_302 : memref<10000x128xf32, #tpu.memory_space<hbm>>) dst(%dma_wait3A_296 : memref<128x128xf32, #tpu.memory_space<vmem>>)
      } else {
      }
      %mul3A_172 = arith.constant 4 : i32
      %mul3A_173 = arith.muli %scan3A_6, %mul3A_172 : i32
      %add3A_174 = arith.constant 2 : i32
      %add3A_175 = arith.addi %mul3A_173, %add3A_174 : i32
      %mul3A_176 = arith.constant 32 : i32
      %mul3A_177 = arith.muli %add3A_175, %mul3A_176 : i32
      %add3A_178 = arith.addi %add3A, %mul3A_177 : i32
      %lt3A_179 = arith.constant 1250 : i32
      %lt3A_180 = arith.cmpi slt, %add3A_178, %lt3A_179 : i32
      %convert_element_type3A_181 = arith.extui %lt3A_180 : i1 to i32
      %cond3A_182 = arith.constant 0 : i32
      %cond3A_183 = arith.cmpi ne, %convert_element_type3A_181, %cond3A_182 : i32
      scf.if %cond3A_183 {
        %dma_wait3A = arith.constant 2 : i32
        %dma_wait3A_292 = arith.constant 2 : i32
        %dma_wait3A_293 = arith.constant 0 : i32
        %dma_wait3A_294 = arith.constant 0 : i32
        %dma_wait3A_295 = tpu.memref_slice %arg6[%dma_wait3A_292, %dma_wait3A_293, %dma_wait3A_294] : memref<4x128x128xf32, #tpu.memory_space<vmem>> -> memref<1x128x128xf32, #tpu.memory_space<vmem>>
        %dma_wait3A_296 = tpu.memref_squeeze %dma_wait3A_295 : memref<1x128x128xf32, #tpu.memory_space<vmem>> -> memref<128x128xf32, #tpu.memory_space<vmem>>
        %dma_wait3A_297 = arith.constant 0 : i32
        %dma_wait3A_298 = tpu.memref_slice %arg5[%dma_wait3A, %dma_wait3A_297] : memref<4x128xi32, #tpu.memory_space<vmem>> -> memref<1x128xi32, #tpu.memory_space<vmem>>
        %dma_wait3A_299 = tpu.memref_squeeze %dma_wait3A_298 : memref<1x128xi32, #tpu.memory_space<vmem>> -> memref<128xi32, #tpu.memory_space<vmem>>
        %dma_wait3A_300 = arith.constant 0 : i32
        %dma_wait3A_301 = arith.constant 0 : i32
        %dma_wait3A_302 = tpu.memref_slice %arg2[%dma_wait3A_300, %dma_wait3A_301] : memref<10000x128xf32, #tpu.memory_space<hbm>> -> memref<10000x128xf32, #tpu.memory_space<hbm>>
        tpu.wait_indirect_dma semaphore(%arg8 : memref<!tpu.dma_semaphore, #tpu.memory_space<semaphore_mem>>) src(%dma_wait3A_302 : memref<10000x128xf32, #tpu.memory_space<hbm>>) dst(%dma_wait3A_296 : memref<128x128xf32, #tpu.memory_space<vmem>>)
      } else {
      }
      %mul3A_184 = arith.constant 4 : i32
      %mul3A_185 = arith.muli %scan3A_6, %mul3A_184 : i32
      %add3A_186 = arith.constant 3 : i32
      %add3A_187 = arith.addi %mul3A_185, %add3A_186 : i32
      %mul3A_188 = arith.constant 32 : i32
      %mul3A_189 = arith.muli %add3A_187, %mul3A_188 : i32
      %add3A_190 = arith.addi %add3A, %mul3A_189 : i32
      %lt3A_191 = arith.constant 1250 : i32
      %lt3A_192 = arith.cmpi slt, %add3A_190, %lt3A_191 : i32
      %convert_element_type3A_193 = arith.extui %lt3A_192 : i1 to i32
      %cond3A_194 = arith.constant 0 : i32
      %cond3A_195 = arith.cmpi ne, %convert_element_type3A_193, %cond3A_194 : i32
      scf.if %cond3A_195 {
        %dma_wait3A = arith.constant 3 : i32
        %dma_wait3A_292 = arith.constant 3 : i32
        %dma_wait3A_293 = arith.constant 0 : i32
        %dma_wait3A_294 = arith.constant 0 : i32
        %dma_wait3A_295 = tpu.memref_slice %arg6[%dma_wait3A_292, %dma_wait3A_293, %dma_wait3A_294] : memref<4x128x128xf32, #tpu.memory_space<vmem>> -> memref<1x128x128xf32, #tpu.memory_space<vmem>>
        %dma_wait3A_296 = tpu.memref_squeeze %dma_wait3A_295 : memref<1x128x128xf32, #tpu.memory_space<vmem>> -> memref<128x128xf32, #tpu.memory_space<vmem>>
        %dma_wait3A_297 = arith.constant 0 : i32
        %dma_wait3A_298 = tpu.memref_slice %arg5[%dma_wait3A, %dma_wait3A_297] : memref<4x128xi32, #tpu.memory_space<vmem>> -> memref<1x128xi32, #tpu.memory_space<vmem>>
        %dma_wait3A_299 = tpu.memref_squeeze %dma_wait3A_298 : memref<1x128xi32, #tpu.memory_space<vmem>> -> memref<128xi32, #tpu.memory_space<vmem>>
        %dma_wait3A_300 = arith.constant 0 : i32
        %dma_wait3A_301 = arith.constant 0 : i32
        %dma_wait3A_302 = tpu.memref_slice %arg2[%dma_wait3A_300, %dma_wait3A_301] : memref<10000x128xf32, #tpu.memory_space<hbm>> -> memref<10000x128xf32, #tpu.memory_space<hbm>>
        tpu.wait_indirect_dma semaphore(%arg8 : memref<!tpu.dma_semaphore, #tpu.memory_space<semaphore_mem>>) src(%dma_wait3A_302 : memref<10000x128xf32, #tpu.memory_space<hbm>>) dst(%dma_wait3A_296 : memref<128x128xf32, #tpu.memory_space<vmem>>)
      } else {
      }
      %mul3A_196 = arith.constant 4 : i32
      %mul3A_197 = arith.muli %scan3A_6, %mul3A_196 : i32
      %add3A_198 = arith.constant 0 : i32
      %add3A_199 = arith.addi %mul3A_197, %add3A_198 : i32
      %mul3A_200 = arith.constant 32 : i32
      %mul3A_201 = arith.muli %add3A_199, %mul3A_200 : i32
      %add3A_202 = arith.addi %add3A, %mul3A_201 : i32
      %lt3A_203 = arith.constant 1250 : i32
      %lt3A_204 = arith.cmpi slt, %add3A_202, %lt3A_203 : i32
      %convert_element_type3A_205 = arith.extui %lt3A_204 : i1 to i32
      %cond3A_206 = arith.constant 0 : i32
      %cond3A_207 = arith.cmpi ne, %convert_element_type3A_205, %cond3A_206 : i32
      scf.if %cond3A_207 {
        %mul3A_292 = arith.constant 128 : i32
        %mul3A_293 = arith.muli %add3A_202, %mul3A_292 : i32
        %dma_start3A = arith.constant 0 : i32
        %dma_start3A_294 = arith.constant 0 : i32
        %dma_start3A_295 = arith.constant 0 : i32
        %dma_start3A_296 = tpu.memref_slice %arg6[%dma_start3A, %dma_start3A_294, %dma_start3A_295] : memref<4x128x128xf32, #tpu.memory_space<vmem>> -> memref<1x128x128xf32, #tpu.memory_space<vmem>>
        %dma_start3A_297 = tpu.memref_squeeze %dma_start3A_296 : memref<1x128x128xf32, #tpu.memory_space<vmem>> -> memref<128x128xf32, #tpu.memory_space<vmem>>
        %dma_start3A_298 = arith.constant 0 : i32
        %dma_start3A_299 = tpu.memref_slice %arg4[%mul3A_293, %dma_start3A_298] : memref<160000x128xf32, #tpu.memory_space<hbm>> -> memref<128x128xf32, #tpu.memory_space<hbm>>
        %dma_start3A_300 = arith.constant 0 : i32
        %dma_start3A_301 = tpu.memref_slice %arg4[%mul3A_293, %dma_start3A_300] : memref<160000x128xf32, #tpu.memory_space<hbm>> -> memref<128x128xf32, #tpu.memory_space<hbm>>
        %dma_start3A_302 = arith.constant 0 : i32
        %dma_start3A_303 = arith.constant 0 : i32
        %dma_start3A_304 = tpu.memref_slice %arg6[%dma_start3A, %dma_start3A_302, %dma_start3A_303] : memref<4x128x128xf32, #tpu.memory_space<vmem>> -> memref<1x128x128xf32, #tpu.memory_space<vmem>>
        %dma_start3A_305 = tpu.memref_squeeze %dma_start3A_304 : memref<1x128x128xf32, #tpu.memory_space<vmem>> -> memref<128x128xf32, #tpu.memory_space<vmem>>
        tpu.enqueue_dma source(%dma_start3A_305 : memref<128x128xf32, #tpu.memory_space<vmem>>) target(%dma_start3A_301 : memref<128x128xf32, #tpu.memory_space<hbm>>) target_semaphore(%arg9 : memref<!tpu.dma_semaphore, #tpu.memory_space<semaphore_mem>>)
      } else {
      }
      %mul3A_208 = arith.constant 4 : i32
      %mul3A_209 = arith.muli %scan3A_6, %mul3A_208 : i32
      %add3A_210 = arith.constant 1 : i32
      %add3A_211 = arith.addi %mul3A_209, %add3A_210 : i32
      %mul3A_212 = arith.constant 32 : i32
      %mul3A_213 = arith.muli %add3A_211, %mul3A_212 : i32
      %add3A_214 = arith.addi %add3A, %mul3A_213 : i32
      %lt3A_215 = arith.constant 1250 : i32
      %lt3A_216 = arith.cmpi slt, %add3A_214, %lt3A_215 : i32
      %convert_element_type3A_217 = arith.extui %lt3A_216 : i1 to i32
      %cond3A_218 = arith.constant 0 : i32
      %cond3A_219 = arith.cmpi ne, %convert_element_type3A_217, %cond3A_218 : i32
      scf.if %cond3A_219 {
        %mul3A_292 = arith.constant 128 : i32
        %mul3A_293 = arith.muli %add3A_214, %mul3A_292 : i32
        %dma_start3A = arith.constant 1 : i32
        %dma_start3A_294 = arith.constant 0 : i32
        %dma_start3A_295 = arith.constant 0 : i32
        %dma_start3A_296 = tpu.memref_slice %arg6[%dma_start3A, %dma_start3A_294, %dma_start3A_295] : memref<4x128x128xf32, #tpu.memory_space<vmem>> -> memref<1x128x128xf32, #tpu.memory_space<vmem>>
        %dma_start3A_297 = tpu.memref_squeeze %dma_start3A_296 : memref<1x128x128xf32, #tpu.memory_space<vmem>> -> memref<128x128xf32, #tpu.memory_space<vmem>>
        %dma_start3A_298 = arith.constant 0 : i32
        %dma_start3A_299 = tpu.memref_slice %arg4[%mul3A_293, %dma_start3A_298] : memref<160000x128xf32, #tpu.memory_space<hbm>> -> memref<128x128xf32, #tpu.memory_space<hbm>>
        %dma_start3A_300 = arith.constant 0 : i32
        %dma_start3A_301 = tpu.memref_slice %arg4[%mul3A_293, %dma_start3A_300] : memref<160000x128xf32, #tpu.memory_space<hbm>> -> memref<128x128xf32, #tpu.memory_space<hbm>>
        %dma_start3A_302 = arith.constant 0 : i32
        %dma_start3A_303 = arith.constant 0 : i32
        %dma_start3A_304 = tpu.memref_slice %arg6[%dma_start3A, %dma_start3A_302, %dma_start3A_303] : memref<4x128x128xf32, #tpu.memory_space<vmem>> -> memref<1x128x128xf32, #tpu.memory_space<vmem>>
        %dma_start3A_305 = tpu.memref_squeeze %dma_start3A_304 : memref<1x128x128xf32, #tpu.memory_space<vmem>> -> memref<128x128xf32, #tpu.memory_space<vmem>>
        tpu.enqueue_dma source(%dma_start3A_305 : memref<128x128xf32, #tpu.memory_space<vmem>>) target(%dma_start3A_301 : memref<128x128xf32, #tpu.memory_space<hbm>>) target_semaphore(%arg9 : memref<!tpu.dma_semaphore, #tpu.memory_space<semaphore_mem>>)
      } else {
      }
      %mul3A_220 = arith.constant 4 : i32
      %mul3A_221 = arith.muli %scan3A_6, %mul3A_220 : i32
      %add3A_222 = arith.constant 2 : i32
      %add3A_223 = arith.addi %mul3A_221, %add3A_222 : i32
      %mul3A_224 = arith.constant 32 : i32
      %mul3A_225 = arith.muli %add3A_223, %mul3A_224 : i32
      %add3A_226 = arith.addi %add3A, %mul3A_225 : i32
      %lt3A_227 = arith.constant 1250 : i32
      %lt3A_228 = arith.cmpi slt, %add3A_226, %lt3A_227 : i32
      %convert_element_type3A_229 = arith.extui %lt3A_228 : i1 to i32
      %cond3A_230 = arith.constant 0 : i32
      %cond3A_231 = arith.cmpi ne, %convert_element_type3A_229, %cond3A_230 : i32
      scf.if %cond3A_231 {
        %mul3A_292 = arith.constant 128 : i32
        %mul3A_293 = arith.muli %add3A_226, %mul3A_292 : i32
        %dma_start3A = arith.constant 2 : i32
        %dma_start3A_294 = arith.constant 0 : i32
        %dma_start3A_295 = arith.constant 0 : i32
        %dma_start3A_296 = tpu.memref_slice %arg6[%dma_start3A, %dma_start3A_294, %dma_start3A_295] : memref<4x128x128xf32, #tpu.memory_space<vmem>> -> memref<1x128x128xf32, #tpu.memory_space<vmem>>
        %dma_start3A_297 = tpu.memref_squeeze %dma_start3A_296 : memref<1x128x128xf32, #tpu.memory_space<vmem>> -> memref<128x128xf32, #tpu.memory_space<vmem>>
        %dma_start3A_298 = arith.constant 0 : i32
        %dma_start3A_299 = tpu.memref_slice %arg4[%mul3A_293, %dma_start3A_298] : memref<160000x128xf32, #tpu.memory_space<hbm>> -> memref<128x128xf32, #tpu.memory_space<hbm>>
        %dma_start3A_300 = arith.constant 0 : i32
        %dma_start3A_301 = tpu.memref_slice %arg4[%mul3A_293, %dma_start3A_300] : memref<160000x128xf32, #tpu.memory_space<hbm>> -> memref<128x128xf32, #tpu.memory_space<hbm>>
        %dma_start3A_302 = arith.constant 0 : i32
        %dma_start3A_303 = arith.constant 0 : i32
        %dma_start3A_304 = tpu.memref_slice %arg6[%dma_start3A, %dma_start3A_302, %dma_start3A_303] : memref<4x128x128xf32, #tpu.memory_space<vmem>> -> memref<1x128x128xf32, #tpu.memory_space<vmem>>
        %dma_start3A_305 = tpu.memref_squeeze %dma_start3A_304 : memref<1x128x128xf32, #tpu.memory_space<vmem>> -> memref<128x128xf32, #tpu.memory_space<vmem>>
        tpu.enqueue_dma source(%dma_start3A_305 : memref<128x128xf32, #tpu.memory_space<vmem>>) target(%dma_start3A_301 : memref<128x128xf32, #tpu.memory_space<hbm>>) target_semaphore(%arg9 : memref<!tpu.dma_semaphore, #tpu.memory_space<semaphore_mem>>)
      } else {
      }
      %mul3A_232 = arith.constant 4 : i32
      %mul3A_233 = arith.muli %scan3A_6, %mul3A_232 : i32
      %add3A_234 = arith.constant 3 : i32
      %add3A_235 = arith.addi %mul3A_233, %add3A_234 : i32
      %mul3A_236 = arith.constant 32 : i32
      %mul3A_237 = arith.muli %add3A_235, %mul3A_236 : i32
      %add3A_238 = arith.addi %add3A, %mul3A_237 : i32
      %lt3A_239 = arith.constant 1250 : i32
      %lt3A_240 = arith.cmpi slt, %add3A_238, %lt3A_239 : i32
      %convert_element_type3A_241 = arith.extui %lt3A_240 : i1 to i32
      %cond3A_242 = arith.constant 0 : i32
      %cond3A_243 = arith.cmpi ne, %convert_element_type3A_241, %cond3A_242 : i32
      scf.if %cond3A_243 {
        %mul3A_292 = arith.constant 128 : i32
        %mul3A_293 = arith.muli %add3A_238, %mul3A_292 : i32
        %dma_start3A = arith.constant 3 : i32
        %dma_start3A_294 = arith.constant 0 : i32
        %dma_start3A_295 = arith.constant 0 : i32
        %dma_start3A_296 = tpu.memref_slice %arg6[%dma_start3A, %dma_start3A_294, %dma_start3A_295] : memref<4x128x128xf32, #tpu.memory_space<vmem>> -> memref<1x128x128xf32, #tpu.memory_space<vmem>>
        %dma_start3A_297 = tpu.memref_squeeze %dma_start3A_296 : memref<1x128x128xf32, #tpu.memory_space<vmem>> -> memref<128x128xf32, #tpu.memory_space<vmem>>
        %dma_start3A_298 = arith.constant 0 : i32
        %dma_start3A_299 = tpu.memref_slice %arg4[%mul3A_293, %dma_start3A_298] : memref<160000x128xf32, #tpu.memory_space<hbm>> -> memref<128x128xf32, #tpu.memory_space<hbm>>
        %dma_start3A_300 = arith.constant 0 : i32
        %dma_start3A_301 = tpu.memref_slice %arg4[%mul3A_293, %dma_start3A_300] : memref<160000x128xf32, #tpu.memory_space<hbm>> -> memref<128x128xf32, #tpu.memory_space<hbm>>
        %dma_start3A_302 = arith.constant 0 : i32
        %dma_start3A_303 = arith.constant 0 : i32
        %dma_start3A_304 = tpu.memref_slice %arg6[%dma_start3A, %dma_start3A_302, %dma_start3A_303] : memref<4x128x128xf32, #tpu.memory_space<vmem>> -> memref<1x128x128xf32, #tpu.memory_space<vmem>>
        %dma_start3A_305 = tpu.memref_squeeze %dma_start3A_304 : memref<1x128x128xf32, #tpu.memory_space<vmem>> -> memref<128x128xf32, #tpu.memory_space<vmem>>
        tpu.enqueue_dma source(%dma_start3A_305 : memref<128x128xf32, #tpu.memory_space<vmem>>) target(%dma_start3A_301 : memref<128x128xf32, #tpu.memory_space<hbm>>) target_semaphore(%arg9 : memref<!tpu.dma_semaphore, #tpu.memory_space<semaphore_mem>>)
      } else {
      }
      %mul3A_244 = arith.constant 4 : i32
      %mul3A_245 = arith.muli %scan3A_6, %mul3A_244 : i32
      %add3A_246 = arith.constant 0 : i32
      %add3A_247 = arith.addi %mul3A_245, %add3A_246 : i32
      %mul3A_248 = arith.constant 32 : i32
      %mul3A_249 = arith.muli %add3A_247, %mul3A_248 : i32
      %add3A_250 = arith.addi %add3A, %mul3A_249 : i32
      %lt3A_251 = arith.constant 1250 : i32
      %lt3A_252 = arith.cmpi slt, %add3A_250, %lt3A_251 : i32
      %convert_element_type3A_253 = arith.extui %lt3A_252 : i1 to i32
      %cond3A_254 = arith.constant 0 : i32
      %cond3A_255 = arith.cmpi ne, %convert_element_type3A_253, %cond3A_254 : i32
      scf.if %cond3A_255 {
        %mul3A_292 = arith.constant 128 : i32
        %mul3A_293 = arith.muli %add3A_250, %mul3A_292 : i32
        %dma_wait3A = arith.constant 0 : i32
        %dma_wait3A_294 = arith.constant 0 : i32
        %dma_wait3A_295 = arith.constant 0 : i32
        %dma_wait3A_296 = tpu.memref_slice %arg6[%dma_wait3A, %dma_wait3A_294, %dma_wait3A_295] : memref<4x128x128xf32, #tpu.memory_space<vmem>> -> memref<1x128x128xf32, #tpu.memory_space<vmem>>
        %dma_wait3A_297 = tpu.memref_squeeze %dma_wait3A_296 : memref<1x128x128xf32, #tpu.memory_space<vmem>> -> memref<128x128xf32, #tpu.memory_space<vmem>>
        %dma_wait3A_298 = arith.constant 0 : i32
        %dma_wait3A_299 = tpu.memref_slice %arg4[%mul3A_293, %dma_wait3A_298] : memref<160000x128xf32, #tpu.memory_space<hbm>> -> memref<128x128xf32, #tpu.memory_space<hbm>>
        %dma_wait3A_300 = arith.constant 0 : i32
        %dma_wait3A_301 = tpu.memref_slice %arg4[%mul3A_293, %dma_wait3A_300] : memref<160000x128xf32, #tpu.memory_space<hbm>> -> memref<128x128xf32, #tpu.memory_space<hbm>>
        %dma_wait3A_302 = arith.constant 0 : i32
        %dma_wait3A_303 = arith.constant 0 : i32
        %dma_wait3A_304 = tpu.memref_slice %arg6[%dma_wait3A, %dma_wait3A_302, %dma_wait3A_303] : memref<4x128x128xf32, #tpu.memory_space<vmem>> -> memref<1x128x128xf32, #tpu.memory_space<vmem>>
        %dma_wait3A_305 = tpu.memref_squeeze %dma_wait3A_304 : memref<1x128x128xf32, #tpu.memory_space<vmem>> -> memref<128x128xf32, #tpu.memory_space<vmem>>
        tpu.wait_dma2 semaphore(%arg9 : memref<!tpu.dma_semaphore, #tpu.memory_space<semaphore_mem>>) src(%dma_wait3A_305 : memref<128x128xf32, #tpu.memory_space<vmem>>) dst(%dma_wait3A_301 : memref<128x128xf32, #tpu.memory_space<hbm>>)
      } else {
      }
      %mul3A_256 = arith.constant 4 : i32
      %mul3A_257 = arith.muli %scan3A_6, %mul3A_256 : i32
      %add3A_258 = arith.constant 1 : i32
      %add3A_259 = arith.addi %mul3A_257, %add3A_258 : i32
      %mul3A_260 = arith.constant 32 : i32
      %mul3A_261 = arith.muli %add3A_259, %mul3A_260 : i32
      %add3A_262 = arith.addi %add3A, %mul3A_261 : i32
      %lt3A_263 = arith.constant 1250 : i32
      %lt3A_264 = arith.cmpi slt, %add3A_262, %lt3A_263 : i32
      %convert_element_type3A_265 = arith.extui %lt3A_264 : i1 to i32
      %cond3A_266 = arith.constant 0 : i32
      %cond3A_267 = arith.cmpi ne, %convert_element_type3A_265, %cond3A_266 : i32
      scf.if %cond3A_267 {
        %mul3A_292 = arith.constant 128 : i32
        %mul3A_293 = arith.muli %add3A_262, %mul3A_292 : i32
        %dma_wait3A = arith.constant 1 : i32
        %dma_wait3A_294 = arith.constant 0 : i32
        %dma_wait3A_295 = arith.constant 0 : i32
        %dma_wait3A_296 = tpu.memref_slice %arg6[%dma_wait3A, %dma_wait3A_294, %dma_wait3A_295] : memref<4x128x128xf32, #tpu.memory_space<vmem>> -> memref<1x128x128xf32, #tpu.memory_space<vmem>>
        %dma_wait3A_297 = tpu.memref_squeeze %dma_wait3A_296 : memref<1x128x128xf32, #tpu.memory_space<vmem>> -> memref<128x128xf32, #tpu.memory_space<vmem>>
        %dma_wait3A_298 = arith.constant 0 : i32
        %dma_wait3A_299 = tpu.memref_slice %arg4[%mul3A_293, %dma_wait3A_298] : memref<160000x128xf32, #tpu.memory_space<hbm>> -> memref<128x128xf32, #tpu.memory_space<hbm>>
        %dma_wait3A_300 = arith.constant 0 : i32
        %dma_wait3A_301 = tpu.memref_slice %arg4[%mul3A_293, %dma_wait3A_300] : memref<160000x128xf32, #tpu.memory_space<hbm>> -> memref<128x128xf32, #tpu.memory_space<hbm>>
        %dma_wait3A_302 = arith.constant 0 : i32
        %dma_wait3A_303 = arith.constant 0 : i32
        %dma_wait3A_304 = tpu.memref_slice %arg6[%dma_wait3A, %dma_wait3A_302, %dma_wait3A_303] : memref<4x128x128xf32, #tpu.memory_space<vmem>> -> memref<1x128x128xf32, #tpu.memory_space<vmem>>
        %dma_wait3A_305 = tpu.memref_squeeze %dma_wait3A_304 : memref<1x128x128xf32, #tpu.memory_space<vmem>> -> memref<128x128xf32, #tpu.memory_space<vmem>>
        tpu.wait_dma2 semaphore(%arg9 : memref<!tpu.dma_semaphore, #tpu.memory_space<semaphore_mem>>) src(%dma_wait3A_305 : memref<128x128xf32, #tpu.memory_space<vmem>>) dst(%dma_wait3A_301 : memref<128x128xf32, #tpu.memory_space<hbm>>)
      } else {
      }
      %mul3A_268 = arith.constant 4 : i32
      %mul3A_269 = arith.muli %scan3A_6, %mul3A_268 : i32
      %add3A_270 = arith.constant 2 : i32
      %add3A_271 = arith.addi %mul3A_269, %add3A_270 : i32
      %mul3A_272 = arith.constant 32 : i32
      %mul3A_273 = arith.muli %add3A_271, %mul3A_272 : i32
      %add3A_274 = arith.addi %add3A, %mul3A_273 : i32
      %lt3A_275 = arith.constant 1250 : i32
      %lt3A_276 = arith.cmpi slt, %add3A_274, %lt3A_275 : i32
      %convert_element_type3A_277 = arith.extui %lt3A_276 : i1 to i32
      %cond3A_278 = arith.constant 0 : i32
      %cond3A_279 = arith.cmpi ne, %convert_element_type3A_277, %cond3A_278 : i32
      scf.if %cond3A_279 {
        %mul3A_292 = arith.constant 128 : i32
        %mul3A_293 = arith.muli %add3A_274, %mul3A_292 : i32
        %dma_wait3A = arith.constant 2 : i32
        %dma_wait3A_294 = arith.constant 0 : i32
        %dma_wait3A_295 = arith.constant 0 : i32
        %dma_wait3A_296 = tpu.memref_slice %arg6[%dma_wait3A, %dma_wait3A_294, %dma_wait3A_295] : memref<4x128x128xf32, #tpu.memory_space<vmem>> -> memref<1x128x128xf32, #tpu.memory_space<vmem>>
        %dma_wait3A_297 = tpu.memref_squeeze %dma_wait3A_296 : memref<1x128x128xf32, #tpu.memory_space<vmem>> -> memref<128x128xf32, #tpu.memory_space<vmem>>
        %dma_wait3A_298 = arith.constant 0 : i32
        %dma_wait3A_299 = tpu.memref_slice %arg4[%mul3A_293, %dma_wait3A_298] : memref<160000x128xf32, #tpu.memory_space<hbm>> -> memref<128x128xf32, #tpu.memory_space<hbm>>
        %dma_wait3A_300 = arith.constant 0 : i32
        %dma_wait3A_301 = tpu.memref_slice %arg4[%mul3A_293, %dma_wait3A_300] : memref<160000x128xf32, #tpu.memory_space<hbm>> -> memref<128x128xf32, #tpu.memory_space<hbm>>
        %dma_wait3A_302 = arith.constant 0 : i32
        %dma_wait3A_303 = arith.constant 0 : i32
        %dma_wait3A_304 = tpu.memref_slice %arg6[%dma_wait3A, %dma_wait3A_302, %dma_wait3A_303] : memref<4x128x128xf32, #tpu.memory_space<vmem>> -> memref<1x128x128xf32, #tpu.memory_space<vmem>>
        %dma_wait3A_305 = tpu.memref_squeeze %dma_wait3A_304 : memref<1x128x128xf32, #tpu.memory_space<vmem>> -> memref<128x128xf32, #tpu.memory_space<vmem>>
        tpu.wait_dma2 semaphore(%arg9 : memref<!tpu.dma_semaphore, #tpu.memory_space<semaphore_mem>>) src(%dma_wait3A_305 : memref<128x128xf32, #tpu.memory_space<vmem>>) dst(%dma_wait3A_301 : memref<128x128xf32, #tpu.memory_space<hbm>>)
      } else {
      }
      %mul3A_280 = arith.constant 4 : i32
      %mul3A_281 = arith.muli %scan3A_6, %mul3A_280 : i32
      %add3A_282 = arith.constant 3 : i32
      %add3A_283 = arith.addi %mul3A_281, %add3A_282 : i32
      %mul3A_284 = arith.constant 32 : i32
      %mul3A_285 = arith.muli %add3A_283, %mul3A_284 : i32
      %add3A_286 = arith.addi %add3A, %mul3A_285 : i32
      %lt3A_287 = arith.constant 1250 : i32
      %lt3A_288 = arith.cmpi slt, %add3A_286, %lt3A_287 : i32
      %convert_element_type3A_289 = arith.extui %lt3A_288 : i1 to i32
      %cond3A_290 = arith.constant 0 : i32
      %cond3A_291 = arith.cmpi ne, %convert_element_type3A_289, %cond3A_290 : i32
      scf.if %cond3A_291 {
        %mul3A_292 = arith.constant 128 : i32
        %mul3A_293 = arith.muli %add3A_286, %mul3A_292 : i32
        %dma_wait3A = arith.constant 3 : i32
        %dma_wait3A_294 = arith.constant 0 : i32
        %dma_wait3A_295 = arith.constant 0 : i32
        %dma_wait3A_296 = tpu.memref_slice %arg6[%dma_wait3A, %dma_wait3A_294, %dma_wait3A_295] : memref<4x128x128xf32, #tpu.memory_space<vmem>> -> memref<1x128x128xf32, #tpu.memory_space<vmem>>
        %dma_wait3A_297 = tpu.memref_squeeze %dma_wait3A_296 : memref<1x128x128xf32, #tpu.memory_space<vmem>> -> memref<128x128xf32, #tpu.memory_space<vmem>>
        %dma_wait3A_298 = arith.constant 0 : i32
        %dma_wait3A_299 = tpu.memref_slice %arg4[%mul3A_293, %dma_wait3A_298] : memref<160000x128xf32, #tpu.memory_space<hbm>> -> memref<128x128xf32, #tpu.memory_space<hbm>>
        %dma_wait3A_300 = arith.constant 0 : i32
        %dma_wait3A_301 = tpu.memref_slice %arg4[%mul3A_293, %dma_wait3A_300] : memref<160000x128xf32, #tpu.memory_space<hbm>> -> memref<128x128xf32, #tpu.memory_space<hbm>>
        %dma_wait3A_302 = arith.constant 0 : i32
        %dma_wait3A_303 = arith.constant 0 : i32
        %dma_wait3A_304 = tpu.memref_slice %arg6[%dma_wait3A, %dma_wait3A_302, %dma_wait3A_303] : memref<4x128x128xf32, #tpu.memory_space<vmem>> -> memref<1x128x128xf32, #tpu.memory_space<vmem>>
        %dma_wait3A_305 = tpu.memref_squeeze %dma_wait3A_304 : memref<1x128x128xf32, #tpu.memory_space<vmem>> -> memref<128x128xf32, #tpu.memory_space<vmem>>
        tpu.wait_dma2 semaphore(%arg9 : memref<!tpu.dma_semaphore, #tpu.memory_space<semaphore_mem>>) src(%dma_wait3A_305 : memref<128x128xf32, #tpu.memory_space<vmem>>) dst(%dma_wait3A_301 : memref<128x128xf32, #tpu.memory_space<hbm>>)
      } else {
      }
    }
    %scan3A_5 = arith.constant 10 : i32
    return
  }
}

#map = affine_map<(d0, d1) -> (0)>
module attributes {stable_mosaic.version = 14 : i64} {
  func.func @k(%arg0: i32, %arg1: i32, %arg2: memref<10000xf32, #tpu.memory_space<hbm>>, %arg3: memref<10000xf32, #tpu.memory_space<hbm>>, %arg4: memref<160000xi32, #tpu.memory_space<hbm>>, %arg5: memref<160000xi32, #tpu.memory_space<hbm>>, %arg6: memref<160000xf32, #tpu.memory_space<hbm>>, %arg7: memref<10000xf32, #tpu.memory_space<vmem>>, %arg8: memref<10000xf32, #tpu.memory_space<vmem>>, %arg9: memref<4x128xi32, #tpu.memory_space<vmem>>, %arg10: memref<4x128xi32, #tpu.memory_space<vmem>>, %arg11: memref<4x128xf32, #tpu.memory_space<vmem>>, %arg12: memref<!tpu.dma_semaphore, #tpu.memory_space<semaphore_mem>>, %arg13: memref<!tpu.dma_semaphore, #tpu.memory_space<semaphore_mem>>, %arg14: memref<!tpu.dma_semaphore, #tpu.memory_space<semaphore_mem>>) attributes {dimension_semantics = [#tpu.dimension_semantics<core_parallel>, #tpu.dimension_semantics<subcore_parallel>], iteration_bounds = array<i64: 2, 16>, scalar_prefetch = 0 : i64, scratch_operands = 8 : i64, tpu.core_type = #tpu.core_type<sc_vector_subcore>, window_params = [{transform_indices = #map}, {transform_indices = #map}, {transform_indices = #map}, {transform_indices = #map}, {transform_indices = #map}]} {
    %mul3A = arith.constant 2 : i32
    %mul3A_0 = arith.muli %arg1, %mul3A : i32
    %add3A = arith.addi %mul3A_0, %arg0 : i32
    "tpu.region"() ({
      %run_scoped3A = tpu.sem_alloc : memref<!tpu.dma_semaphore, #tpu.memory_space<semaphore_mem>>
      tpu.enqueue_dma source(%arg2 : memref<10000xf32, #tpu.memory_space<hbm>>) target(%arg7 : memref<10000xf32, #tpu.memory_space<vmem>>) target_semaphore(%run_scoped3A : memref<!tpu.dma_semaphore, #tpu.memory_space<semaphore_mem>>)
      tpu.wait_dma2 semaphore(%run_scoped3A : memref<!tpu.dma_semaphore, #tpu.memory_space<semaphore_mem>>) src(%arg2 : memref<10000xf32, #tpu.memory_space<hbm>>) dst(%arg7 : memref<10000xf32, #tpu.memory_space<vmem>>)
      tpu.yield
    }) : () -> ()
    "tpu.region"() ({
      %run_scoped3A = tpu.sem_alloc : memref<!tpu.dma_semaphore, #tpu.memory_space<semaphore_mem>>
      tpu.enqueue_dma source(%arg3 : memref<10000xf32, #tpu.memory_space<hbm>>) target(%arg8 : memref<10000xf32, #tpu.memory_space<vmem>>) target_semaphore(%run_scoped3A : memref<!tpu.dma_semaphore, #tpu.memory_space<semaphore_mem>>)
      tpu.wait_dma2 semaphore(%run_scoped3A : memref<!tpu.dma_semaphore, #tpu.memory_space<semaphore_mem>>) src(%arg3 : memref<10000xf32, #tpu.memory_space<hbm>>) dst(%arg8 : memref<10000xf32, #tpu.memory_space<vmem>>)
      tpu.yield
    }) : () -> ()
    %scan3A = arith.constant 0 : i32
    %scan3A_1 = arith.constant 0 : i32
    %scan3A_2 = arith.constant 10 : i32
    %scan3A_3 = arith.addi %scan3A_1, %scan3A_2 : i32
    %scan3A_4 = arith.constant 1 : i32
    scf.for %scan3A_6 = %scan3A_1 to %scan3A_3 step %scan3A_4  : i32 {
      %mul3A_7 = arith.constant 4 : i32
      %mul3A_8 = arith.muli %scan3A_6, %mul3A_7 : i32
      %add3A_9 = arith.constant 0 : i32
      %add3A_10 = arith.addi %mul3A_8, %add3A_9 : i32
      %mul3A_11 = arith.constant 32 : i32
      %mul3A_12 = arith.muli %add3A_10, %mul3A_11 : i32
      %add3A_13 = arith.addi %add3A, %mul3A_12 : i32
      %lt3A = arith.constant 1250 : i32
      %lt3A_14 = arith.cmpi slt, %add3A_13, %lt3A : i32
      %convert_element_type3A = arith.extui %lt3A_14 : i1 to i32
      %cond3A = arith.constant 0 : i32
      %cond3A_15 = arith.cmpi ne, %convert_element_type3A, %cond3A : i32
      scf.if %cond3A_15 {
        %mul3A_292 = arith.constant 128 : i32
        %mul3A_293 = arith.muli %add3A_13, %mul3A_292 : i32
        %dma_start3A = arith.constant 0 : i32
        %dma_start3A_294 = arith.constant 0 : i32
        %dma_start3A_295 = tpu.memref_slice %arg9[%dma_start3A, %dma_start3A_294] : memref<4x128xi32, #tpu.memory_space<vmem>> -> memref<1x128xi32, #tpu.memory_space<vmem>>
        %dma_start3A_296 = tpu.memref_squeeze %dma_start3A_295 : memref<1x128xi32, #tpu.memory_space<vmem>> -> memref<128xi32, #tpu.memory_space<vmem>>
        %dma_start3A_297 = tpu.memref_slice %arg4[%mul3A_293] : memref<160000xi32, #tpu.memory_space<hbm>> -> memref<128xi32, #tpu.memory_space<hbm>>
        %dma_start3A_298 = arith.constant 0 : i32
        %dma_start3A_299 = tpu.memref_slice %arg9[%dma_start3A, %dma_start3A_298] : memref<4x128xi32, #tpu.memory_space<vmem>> -> memref<1x128xi32, #tpu.memory_space<vmem>>
        %dma_start3A_300 = tpu.memref_squeeze %dma_start3A_299 : memref<1x128xi32, #tpu.memory_space<vmem>> -> memref<128xi32, #tpu.memory_space<vmem>>
        %dma_start3A_301 = tpu.memref_slice %arg4[%mul3A_293] : memref<160000xi32, #tpu.memory_space<hbm>> -> memref<128xi32, #tpu.memory_space<hbm>>
        tpu.enqueue_dma source(%dma_start3A_301 : memref<128xi32, #tpu.memory_space<hbm>>) target(%dma_start3A_300 : memref<128xi32, #tpu.memory_space<vmem>>) target_semaphore(%arg12 : memref<!tpu.dma_semaphore, #tpu.memory_space<semaphore_mem>>)
      } else {
      }
      %mul3A_16 = arith.constant 4 : i32
      %mul3A_17 = arith.muli %scan3A_6, %mul3A_16 : i32
      %add3A_18 = arith.constant 1 : i32
      %add3A_19 = arith.addi %mul3A_17, %add3A_18 : i32
      %mul3A_20 = arith.constant 32 : i32
      %mul3A_21 = arith.muli %add3A_19, %mul3A_20 : i32
      %add3A_22 = arith.addi %add3A, %mul3A_21 : i32
      %lt3A_23 = arith.constant 1250 : i32
      %lt3A_24 = arith.cmpi slt, %add3A_22, %lt3A_23 : i32
      %convert_element_type3A_25 = arith.extui %lt3A_24 : i1 to i32
      %cond3A_26 = arith.constant 0 : i32
      %cond3A_27 = arith.cmpi ne, %convert_element_type3A_25, %cond3A_26 : i32
      scf.if %cond3A_27 {
        %mul3A_292 = arith.constant 128 : i32
        %mul3A_293 = arith.muli %add3A_22, %mul3A_292 : i32
        %dma_start3A = arith.constant 1 : i32
        %dma_start3A_294 = arith.constant 0 : i32
        %dma_start3A_295 = tpu.memref_slice %arg9[%dma_start3A, %dma_start3A_294] : memref<4x128xi32, #tpu.memory_space<vmem>> -> memref<1x128xi32, #tpu.memory_space<vmem>>
        %dma_start3A_296 = tpu.memref_squeeze %dma_start3A_295 : memref<1x128xi32, #tpu.memory_space<vmem>> -> memref<128xi32, #tpu.memory_space<vmem>>
        %dma_start3A_297 = tpu.memref_slice %arg4[%mul3A_293] : memref<160000xi32, #tpu.memory_space<hbm>> -> memref<128xi32, #tpu.memory_space<hbm>>
        %dma_start3A_298 = arith.constant 0 : i32
        %dma_start3A_299 = tpu.memref_slice %arg9[%dma_start3A, %dma_start3A_298] : memref<4x128xi32, #tpu.memory_space<vmem>> -> memref<1x128xi32, #tpu.memory_space<vmem>>
        %dma_start3A_300 = tpu.memref_squeeze %dma_start3A_299 : memref<1x128xi32, #tpu.memory_space<vmem>> -> memref<128xi32, #tpu.memory_space<vmem>>
        %dma_start3A_301 = tpu.memref_slice %arg4[%mul3A_293] : memref<160000xi32, #tpu.memory_space<hbm>> -> memref<128xi32, #tpu.memory_space<hbm>>
        tpu.enqueue_dma source(%dma_start3A_301 : memref<128xi32, #tpu.memory_space<hbm>>) target(%dma_start3A_300 : memref<128xi32, #tpu.memory_space<vmem>>) target_semaphore(%arg12 : memref<!tpu.dma_semaphore, #tpu.memory_space<semaphore_mem>>)
      } else {
      }
      %mul3A_28 = arith.constant 4 : i32
      %mul3A_29 = arith.muli %scan3A_6, %mul3A_28 : i32
      %add3A_30 = arith.constant 2 : i32
      %add3A_31 = arith.addi %mul3A_29, %add3A_30 : i32
      %mul3A_32 = arith.constant 32 : i32
      %mul3A_33 = arith.muli %add3A_31, %mul3A_32 : i32
      %add3A_34 = arith.addi %add3A, %mul3A_33 : i32
      %lt3A_35 = arith.constant 1250 : i32
      %lt3A_36 = arith.cmpi slt, %add3A_34, %lt3A_35 : i32
      %convert_element_type3A_37 = arith.extui %lt3A_36 : i1 to i32
      %cond3A_38 = arith.constant 0 : i32
      %cond3A_39 = arith.cmpi ne, %convert_element_type3A_37, %cond3A_38 : i32
      scf.if %cond3A_39 {
        %mul3A_292 = arith.constant 128 : i32
        %mul3A_293 = arith.muli %add3A_34, %mul3A_292 : i32
        %dma_start3A = arith.constant 2 : i32
        %dma_start3A_294 = arith.constant 0 : i32
        %dma_start3A_295 = tpu.memref_slice %arg9[%dma_start3A, %dma_start3A_294] : memref<4x128xi32, #tpu.memory_space<vmem>> -> memref<1x128xi32, #tpu.memory_space<vmem>>
        %dma_start3A_296 = tpu.memref_squeeze %dma_start3A_295 : memref<1x128xi32, #tpu.memory_space<vmem>> -> memref<128xi32, #tpu.memory_space<vmem>>
        %dma_start3A_297 = tpu.memref_slice %arg4[%mul3A_293] : memref<160000xi32, #tpu.memory_space<hbm>> -> memref<128xi32, #tpu.memory_space<hbm>>
        %dma_start3A_298 = arith.constant 0 : i32
        %dma_start3A_299 = tpu.memref_slice %arg9[%dma_start3A, %dma_start3A_298] : memref<4x128xi32, #tpu.memory_space<vmem>> -> memref<1x128xi32, #tpu.memory_space<vmem>>
        %dma_start3A_300 = tpu.memref_squeeze %dma_start3A_299 : memref<1x128xi32, #tpu.memory_space<vmem>> -> memref<128xi32, #tpu.memory_space<vmem>>
        %dma_start3A_301 = tpu.memref_slice %arg4[%mul3A_293] : memref<160000xi32, #tpu.memory_space<hbm>> -> memref<128xi32, #tpu.memory_space<hbm>>
        tpu.enqueue_dma source(%dma_start3A_301 : memref<128xi32, #tpu.memory_space<hbm>>) target(%dma_start3A_300 : memref<128xi32, #tpu.memory_space<vmem>>) target_semaphore(%arg12 : memref<!tpu.dma_semaphore, #tpu.memory_space<semaphore_mem>>)
      } else {
      }
      %mul3A_40 = arith.constant 4 : i32
      %mul3A_41 = arith.muli %scan3A_6, %mul3A_40 : i32
      %add3A_42 = arith.constant 3 : i32
      %add3A_43 = arith.addi %mul3A_41, %add3A_42 : i32
      %mul3A_44 = arith.constant 32 : i32
      %mul3A_45 = arith.muli %add3A_43, %mul3A_44 : i32
      %add3A_46 = arith.addi %add3A, %mul3A_45 : i32
      %lt3A_47 = arith.constant 1250 : i32
      %lt3A_48 = arith.cmpi slt, %add3A_46, %lt3A_47 : i32
      %convert_element_type3A_49 = arith.extui %lt3A_48 : i1 to i32
      %cond3A_50 = arith.constant 0 : i32
      %cond3A_51 = arith.cmpi ne, %convert_element_type3A_49, %cond3A_50 : i32
      scf.if %cond3A_51 {
        %mul3A_292 = arith.constant 128 : i32
        %mul3A_293 = arith.muli %add3A_46, %mul3A_292 : i32
        %dma_start3A = arith.constant 3 : i32
        %dma_start3A_294 = arith.constant 0 : i32
        %dma_start3A_295 = tpu.memref_slice %arg9[%dma_start3A, %dma_start3A_294] : memref<4x128xi32, #tpu.memory_space<vmem>> -> memref<1x128xi32, #tpu.memory_space<vmem>>
        %dma_start3A_296 = tpu.memref_squeeze %dma_start3A_295 : memref<1x128xi32, #tpu.memory_space<vmem>> -> memref<128xi32, #tpu.memory_space<vmem>>
        %dma_start3A_297 = tpu.memref_slice %arg4[%mul3A_293] : memref<160000xi32, #tpu.memory_space<hbm>> -> memref<128xi32, #tpu.memory_space<hbm>>
        %dma_start3A_298 = arith.constant 0 : i32
        %dma_start3A_299 = tpu.memref_slice %arg9[%dma_start3A, %dma_start3A_298] : memref<4x128xi32, #tpu.memory_space<vmem>> -> memref<1x128xi32, #tpu.memory_space<vmem>>
        %dma_start3A_300 = tpu.memref_squeeze %dma_start3A_299 : memref<1x128xi32, #tpu.memory_space<vmem>> -> memref<128xi32, #tpu.memory_space<vmem>>
        %dma_start3A_301 = tpu.memref_slice %arg4[%mul3A_293] : memref<160000xi32, #tpu.memory_space<hbm>> -> memref<128xi32, #tpu.memory_space<hbm>>
        tpu.enqueue_dma source(%dma_start3A_301 : memref<128xi32, #tpu.memory_space<hbm>>) target(%dma_start3A_300 : memref<128xi32, #tpu.memory_space<vmem>>) target_semaphore(%arg12 : memref<!tpu.dma_semaphore, #tpu.memory_space<semaphore_mem>>)
      } else {
      }
      %mul3A_52 = arith.constant 4 : i32
      %mul3A_53 = arith.muli %scan3A_6, %mul3A_52 : i32
      %add3A_54 = arith.constant 0 : i32
      %add3A_55 = arith.addi %mul3A_53, %add3A_54 : i32
      %mul3A_56 = arith.constant 32 : i32
      %mul3A_57 = arith.muli %add3A_55, %mul3A_56 : i32
      %add3A_58 = arith.addi %add3A, %mul3A_57 : i32
      %lt3A_59 = arith.constant 1250 : i32
      %lt3A_60 = arith.cmpi slt, %add3A_58, %lt3A_59 : i32
      %convert_element_type3A_61 = arith.extui %lt3A_60 : i1 to i32
      %cond3A_62 = arith.constant 0 : i32
      %cond3A_63 = arith.cmpi ne, %convert_element_type3A_61, %cond3A_62 : i32
      scf.if %cond3A_63 {
        %mul3A_292 = arith.constant 128 : i32
        %mul3A_293 = arith.muli %add3A_58, %mul3A_292 : i32
        %dma_start3A = arith.constant 0 : i32
        %dma_start3A_294 = arith.constant 0 : i32
        %dma_start3A_295 = tpu.memref_slice %arg10[%dma_start3A, %dma_start3A_294] : memref<4x128xi32, #tpu.memory_space<vmem>> -> memref<1x128xi32, #tpu.memory_space<vmem>>
        %dma_start3A_296 = tpu.memref_squeeze %dma_start3A_295 : memref<1x128xi32, #tpu.memory_space<vmem>> -> memref<128xi32, #tpu.memory_space<vmem>>
        %dma_start3A_297 = tpu.memref_slice %arg5[%mul3A_293] : memref<160000xi32, #tpu.memory_space<hbm>> -> memref<128xi32, #tpu.memory_space<hbm>>
        %dma_start3A_298 = arith.constant 0 : i32
        %dma_start3A_299 = tpu.memref_slice %arg10[%dma_start3A, %dma_start3A_298] : memref<4x128xi32, #tpu.memory_space<vmem>> -> memref<1x128xi32, #tpu.memory_space<vmem>>
        %dma_start3A_300 = tpu.memref_squeeze %dma_start3A_299 : memref<1x128xi32, #tpu.memory_space<vmem>> -> memref<128xi32, #tpu.memory_space<vmem>>
        %dma_start3A_301 = tpu.memref_slice %arg5[%mul3A_293] : memref<160000xi32, #tpu.memory_space<hbm>> -> memref<128xi32, #tpu.memory_space<hbm>>
        tpu.enqueue_dma source(%dma_start3A_301 : memref<128xi32, #tpu.memory_space<hbm>>) target(%dma_start3A_300 : memref<128xi32, #tpu.memory_space<vmem>>) target_semaphore(%arg13 : memref<!tpu.dma_semaphore, #tpu.memory_space<semaphore_mem>>)
      } else {
      }
      %mul3A_64 = arith.constant 4 : i32
      %mul3A_65 = arith.muli %scan3A_6, %mul3A_64 : i32
      %add3A_66 = arith.constant 1 : i32
      %add3A_67 = arith.addi %mul3A_65, %add3A_66 : i32
      %mul3A_68 = arith.constant 32 : i32
      %mul3A_69 = arith.muli %add3A_67, %mul3A_68 : i32
      %add3A_70 = arith.addi %add3A, %mul3A_69 : i32
      %lt3A_71 = arith.constant 1250 : i32
      %lt3A_72 = arith.cmpi slt, %add3A_70, %lt3A_71 : i32
      %convert_element_type3A_73 = arith.extui %lt3A_72 : i1 to i32
      %cond3A_74 = arith.constant 0 : i32
      %cond3A_75 = arith.cmpi ne, %convert_element_type3A_73, %cond3A_74 : i32
      scf.if %cond3A_75 {
        %mul3A_292 = arith.constant 128 : i32
        %mul3A_293 = arith.muli %add3A_70, %mul3A_292 : i32
        %dma_start3A = arith.constant 1 : i32
        %dma_start3A_294 = arith.constant 0 : i32
        %dma_start3A_295 = tpu.memref_slice %arg10[%dma_start3A, %dma_start3A_294] : memref<4x128xi32, #tpu.memory_space<vmem>> -> memref<1x128xi32, #tpu.memory_space<vmem>>
        %dma_start3A_296 = tpu.memref_squeeze %dma_start3A_295 : memref<1x128xi32, #tpu.memory_space<vmem>> -> memref<128xi32, #tpu.memory_space<vmem>>
        %dma_start3A_297 = tpu.memref_slice %arg5[%mul3A_293] : memref<160000xi32, #tpu.memory_space<hbm>> -> memref<128xi32, #tpu.memory_space<hbm>>
        %dma_start3A_298 = arith.constant 0 : i32
        %dma_start3A_299 = tpu.memref_slice %arg10[%dma_start3A, %dma_start3A_298] : memref<4x128xi32, #tpu.memory_space<vmem>> -> memref<1x128xi32, #tpu.memory_space<vmem>>
        %dma_start3A_300 = tpu.memref_squeeze %dma_start3A_299 : memref<1x128xi32, #tpu.memory_space<vmem>> -> memref<128xi32, #tpu.memory_space<vmem>>
        %dma_start3A_301 = tpu.memref_slice %arg5[%mul3A_293] : memref<160000xi32, #tpu.memory_space<hbm>> -> memref<128xi32, #tpu.memory_space<hbm>>
        tpu.enqueue_dma source(%dma_start3A_301 : memref<128xi32, #tpu.memory_space<hbm>>) target(%dma_start3A_300 : memref<128xi32, #tpu.memory_space<vmem>>) target_semaphore(%arg13 : memref<!tpu.dma_semaphore, #tpu.memory_space<semaphore_mem>>)
      } else {
      }
      %mul3A_76 = arith.constant 4 : i32
      %mul3A_77 = arith.muli %scan3A_6, %mul3A_76 : i32
      %add3A_78 = arith.constant 2 : i32
      %add3A_79 = arith.addi %mul3A_77, %add3A_78 : i32
      %mul3A_80 = arith.constant 32 : i32
      %mul3A_81 = arith.muli %add3A_79, %mul3A_80 : i32
      %add3A_82 = arith.addi %add3A, %mul3A_81 : i32
      %lt3A_83 = arith.constant 1250 : i32
      %lt3A_84 = arith.cmpi slt, %add3A_82, %lt3A_83 : i32
      %convert_element_type3A_85 = arith.extui %lt3A_84 : i1 to i32
      %cond3A_86 = arith.constant 0 : i32
      %cond3A_87 = arith.cmpi ne, %convert_element_type3A_85, %cond3A_86 : i32
      scf.if %cond3A_87 {
        %mul3A_292 = arith.constant 128 : i32
        %mul3A_293 = arith.muli %add3A_82, %mul3A_292 : i32
        %dma_start3A = arith.constant 2 : i32
        %dma_start3A_294 = arith.constant 0 : i32
        %dma_start3A_295 = tpu.memref_slice %arg10[%dma_start3A, %dma_start3A_294] : memref<4x128xi32, #tpu.memory_space<vmem>> -> memref<1x128xi32, #tpu.memory_space<vmem>>
        %dma_start3A_296 = tpu.memref_squeeze %dma_start3A_295 : memref<1x128xi32, #tpu.memory_space<vmem>> -> memref<128xi32, #tpu.memory_space<vmem>>
        %dma_start3A_297 = tpu.memref_slice %arg5[%mul3A_293] : memref<160000xi32, #tpu.memory_space<hbm>> -> memref<128xi32, #tpu.memory_space<hbm>>
        %dma_start3A_298 = arith.constant 0 : i32
        %dma_start3A_299 = tpu.memref_slice %arg10[%dma_start3A, %dma_start3A_298] : memref<4x128xi32, #tpu.memory_space<vmem>> -> memref<1x128xi32, #tpu.memory_space<vmem>>
        %dma_start3A_300 = tpu.memref_squeeze %dma_start3A_299 : memref<1x128xi32, #tpu.memory_space<vmem>> -> memref<128xi32, #tpu.memory_space<vmem>>
        %dma_start3A_301 = tpu.memref_slice %arg5[%mul3A_293] : memref<160000xi32, #tpu.memory_space<hbm>> -> memref<128xi32, #tpu.memory_space<hbm>>
        tpu.enqueue_dma source(%dma_start3A_301 : memref<128xi32, #tpu.memory_space<hbm>>) target(%dma_start3A_300 : memref<128xi32, #tpu.memory_space<vmem>>) target_semaphore(%arg13 : memref<!tpu.dma_semaphore, #tpu.memory_space<semaphore_mem>>)
      } else {
      }
      %mul3A_88 = arith.constant 4 : i32
      %mul3A_89 = arith.muli %scan3A_6, %mul3A_88 : i32
      %add3A_90 = arith.constant 3 : i32
      %add3A_91 = arith.addi %mul3A_89, %add3A_90 : i32
      %mul3A_92 = arith.constant 32 : i32
      %mul3A_93 = arith.muli %add3A_91, %mul3A_92 : i32
      %add3A_94 = arith.addi %add3A, %mul3A_93 : i32
      %lt3A_95 = arith.constant 1250 : i32
      %lt3A_96 = arith.cmpi slt, %add3A_94, %lt3A_95 : i32
      %convert_element_type3A_97 = arith.extui %lt3A_96 : i1 to i32
      %cond3A_98 = arith.constant 0 : i32
      %cond3A_99 = arith.cmpi ne, %convert_element_type3A_97, %cond3A_98 : i32
      scf.if %cond3A_99 {
        %mul3A_292 = arith.constant 128 : i32
        %mul3A_293 = arith.muli %add3A_94, %mul3A_292 : i32
        %dma_start3A = arith.constant 3 : i32
        %dma_start3A_294 = arith.constant 0 : i32
        %dma_start3A_295 = tpu.memref_slice %arg10[%dma_start3A, %dma_start3A_294] : memref<4x128xi32, #tpu.memory_space<vmem>> -> memref<1x128xi32, #tpu.memory_space<vmem>>
        %dma_start3A_296 = tpu.memref_squeeze %dma_start3A_295 : memref<1x128xi32, #tpu.memory_space<vmem>> -> memref<128xi32, #tpu.memory_space<vmem>>
        %dma_start3A_297 = tpu.memref_slice %arg5[%mul3A_293] : memref<160000xi32, #tpu.memory_space<hbm>> -> memref<128xi32, #tpu.memory_space<hbm>>
        %dma_start3A_298 = arith.constant 0 : i32
        %dma_start3A_299 = tpu.memref_slice %arg10[%dma_start3A, %dma_start3A_298] : memref<4x128xi32, #tpu.memory_space<vmem>> -> memref<1x128xi32, #tpu.memory_space<vmem>>
        %dma_start3A_300 = tpu.memref_squeeze %dma_start3A_299 : memref<1x128xi32, #tpu.memory_space<vmem>> -> memref<128xi32, #tpu.memory_space<vmem>>
        %dma_start3A_301 = tpu.memref_slice %arg5[%mul3A_293] : memref<160000xi32, #tpu.memory_space<hbm>> -> memref<128xi32, #tpu.memory_space<hbm>>
        tpu.enqueue_dma source(%dma_start3A_301 : memref<128xi32, #tpu.memory_space<hbm>>) target(%dma_start3A_300 : memref<128xi32, #tpu.memory_space<vmem>>) target_semaphore(%arg13 : memref<!tpu.dma_semaphore, #tpu.memory_space<semaphore_mem>>)
      } else {
      }
      %mul3A_100 = arith.constant 4 : i32
      %mul3A_101 = arith.muli %scan3A_6, %mul3A_100 : i32
      %add3A_102 = arith.constant 0 : i32
      %add3A_103 = arith.addi %mul3A_101, %add3A_102 : i32
      %mul3A_104 = arith.constant 32 : i32
      %mul3A_105 = arith.muli %add3A_103, %mul3A_104 : i32
      %add3A_106 = arith.addi %add3A, %mul3A_105 : i32
      %lt3A_107 = arith.constant 1250 : i32
      %lt3A_108 = arith.cmpi slt, %add3A_106, %lt3A_107 : i32
      %convert_element_type3A_109 = arith.extui %lt3A_108 : i1 to i32
      %cond3A_110 = arith.constant 0 : i32
      %cond3A_111 = arith.cmpi ne, %convert_element_type3A_109, %cond3A_110 : i32
      scf.if %cond3A_111 {
        %mul3A_292 = arith.constant 128 : i32
        %mul3A_293 = arith.muli %add3A_106, %mul3A_292 : i32
        %dma_wait3A = arith.constant 0 : i32
        %dma_wait3A_294 = arith.constant 0 : i32
        %dma_wait3A_295 = tpu.memref_slice %arg9[%dma_wait3A, %dma_wait3A_294] : memref<4x128xi32, #tpu.memory_space<vmem>> -> memref<1x128xi32, #tpu.memory_space<vmem>>
        %dma_wait3A_296 = tpu.memref_squeeze %dma_wait3A_295 : memref<1x128xi32, #tpu.memory_space<vmem>> -> memref<128xi32, #tpu.memory_space<vmem>>
        %dma_wait3A_297 = tpu.memref_slice %arg4[%mul3A_293] : memref<160000xi32, #tpu.memory_space<hbm>> -> memref<128xi32, #tpu.memory_space<hbm>>
        %dma_wait3A_298 = arith.constant 0 : i32
        %dma_wait3A_299 = tpu.memref_slice %arg9[%dma_wait3A, %dma_wait3A_298] : memref<4x128xi32, #tpu.memory_space<vmem>> -> memref<1x128xi32, #tpu.memory_space<vmem>>
        %dma_wait3A_300 = tpu.memref_squeeze %dma_wait3A_299 : memref<1x128xi32, #tpu.memory_space<vmem>> -> memref<128xi32, #tpu.memory_space<vmem>>
        %dma_wait3A_301 = tpu.memref_slice %arg4[%mul3A_293] : memref<160000xi32, #tpu.memory_space<hbm>> -> memref<128xi32, #tpu.memory_space<hbm>>
        tpu.wait_dma2 semaphore(%arg12 : memref<!tpu.dma_semaphore, #tpu.memory_space<semaphore_mem>>) src(%dma_wait3A_301 : memref<128xi32, #tpu.memory_space<hbm>>) dst(%dma_wait3A_300 : memref<128xi32, #tpu.memory_space<vmem>>)
      } else {
      }
      %mul3A_112 = arith.constant 4 : i32
      %mul3A_113 = arith.muli %scan3A_6, %mul3A_112 : i32
      %add3A_114 = arith.constant 1 : i32
      %add3A_115 = arith.addi %mul3A_113, %add3A_114 : i32
      %mul3A_116 = arith.constant 32 : i32
      %mul3A_117 = arith.muli %add3A_115, %mul3A_116 : i32
      %add3A_118 = arith.addi %add3A, %mul3A_117 : i32
      %lt3A_119 = arith.constant 1250 : i32
      %lt3A_120 = arith.cmpi slt, %add3A_118, %lt3A_119 : i32
      %convert_element_type3A_121 = arith.extui %lt3A_120 : i1 to i32
      %cond3A_122 = arith.constant 0 : i32
      %cond3A_123 = arith.cmpi ne, %convert_element_type3A_121, %cond3A_122 : i32
      scf.if %cond3A_123 {
        %mul3A_292 = arith.constant 128 : i32
        %mul3A_293 = arith.muli %add3A_118, %mul3A_292 : i32
        %dma_wait3A = arith.constant 1 : i32
        %dma_wait3A_294 = arith.constant 0 : i32
        %dma_wait3A_295 = tpu.memref_slice %arg9[%dma_wait3A, %dma_wait3A_294] : memref<4x128xi32, #tpu.memory_space<vmem>> -> memref<1x128xi32, #tpu.memory_space<vmem>>
        %dma_wait3A_296 = tpu.memref_squeeze %dma_wait3A_295 : memref<1x128xi32, #tpu.memory_space<vmem>> -> memref<128xi32, #tpu.memory_space<vmem>>
        %dma_wait3A_297 = tpu.memref_slice %arg4[%mul3A_293] : memref<160000xi32, #tpu.memory_space<hbm>> -> memref<128xi32, #tpu.memory_space<hbm>>
        %dma_wait3A_298 = arith.constant 0 : i32
        %dma_wait3A_299 = tpu.memref_slice %arg9[%dma_wait3A, %dma_wait3A_298] : memref<4x128xi32, #tpu.memory_space<vmem>> -> memref<1x128xi32, #tpu.memory_space<vmem>>
        %dma_wait3A_300 = tpu.memref_squeeze %dma_wait3A_299 : memref<1x128xi32, #tpu.memory_space<vmem>> -> memref<128xi32, #tpu.memory_space<vmem>>
        %dma_wait3A_301 = tpu.memref_slice %arg4[%mul3A_293] : memref<160000xi32, #tpu.memory_space<hbm>> -> memref<128xi32, #tpu.memory_space<hbm>>
        tpu.wait_dma2 semaphore(%arg12 : memref<!tpu.dma_semaphore, #tpu.memory_space<semaphore_mem>>) src(%dma_wait3A_301 : memref<128xi32, #tpu.memory_space<hbm>>) dst(%dma_wait3A_300 : memref<128xi32, #tpu.memory_space<vmem>>)
      } else {
      }
      %mul3A_124 = arith.constant 4 : i32
      %mul3A_125 = arith.muli %scan3A_6, %mul3A_124 : i32
      %add3A_126 = arith.constant 2 : i32
      %add3A_127 = arith.addi %mul3A_125, %add3A_126 : i32
      %mul3A_128 = arith.constant 32 : i32
      %mul3A_129 = arith.muli %add3A_127, %mul3A_128 : i32
      %add3A_130 = arith.addi %add3A, %mul3A_129 : i32
      %lt3A_131 = arith.constant 1250 : i32
      %lt3A_132 = arith.cmpi slt, %add3A_130, %lt3A_131 : i32
      %convert_element_type3A_133 = arith.extui %lt3A_132 : i1 to i32
      %cond3A_134 = arith.constant 0 : i32
      %cond3A_135 = arith.cmpi ne, %convert_element_type3A_133, %cond3A_134 : i32
      scf.if %cond3A_135 {
        %mul3A_292 = arith.constant 128 : i32
        %mul3A_293 = arith.muli %add3A_130, %mul3A_292 : i32
        %dma_wait3A = arith.constant 2 : i32
        %dma_wait3A_294 = arith.constant 0 : i32
        %dma_wait3A_295 = tpu.memref_slice %arg9[%dma_wait3A, %dma_wait3A_294] : memref<4x128xi32, #tpu.memory_space<vmem>> -> memref<1x128xi32, #tpu.memory_space<vmem>>
        %dma_wait3A_296 = tpu.memref_squeeze %dma_wait3A_295 : memref<1x128xi32, #tpu.memory_space<vmem>> -> memref<128xi32, #tpu.memory_space<vmem>>
        %dma_wait3A_297 = tpu.memref_slice %arg4[%mul3A_293] : memref<160000xi32, #tpu.memory_space<hbm>> -> memref<128xi32, #tpu.memory_space<hbm>>
        %dma_wait3A_298 = arith.constant 0 : i32
        %dma_wait3A_299 = tpu.memref_slice %arg9[%dma_wait3A, %dma_wait3A_298] : memref<4x128xi32, #tpu.memory_space<vmem>> -> memref<1x128xi32, #tpu.memory_space<vmem>>
        %dma_wait3A_300 = tpu.memref_squeeze %dma_wait3A_299 : memref<1x128xi32, #tpu.memory_space<vmem>> -> memref<128xi32, #tpu.memory_space<vmem>>
        %dma_wait3A_301 = tpu.memref_slice %arg4[%mul3A_293] : memref<160000xi32, #tpu.memory_space<hbm>> -> memref<128xi32, #tpu.memory_space<hbm>>
        tpu.wait_dma2 semaphore(%arg12 : memref<!tpu.dma_semaphore, #tpu.memory_space<semaphore_mem>>) src(%dma_wait3A_301 : memref<128xi32, #tpu.memory_space<hbm>>) dst(%dma_wait3A_300 : memref<128xi32, #tpu.memory_space<vmem>>)
      } else {
      }
      %mul3A_136 = arith.constant 4 : i32
      %mul3A_137 = arith.muli %scan3A_6, %mul3A_136 : i32
      %add3A_138 = arith.constant 3 : i32
      %add3A_139 = arith.addi %mul3A_137, %add3A_138 : i32
      %mul3A_140 = arith.constant 32 : i32
      %mul3A_141 = arith.muli %add3A_139, %mul3A_140 : i32
      %add3A_142 = arith.addi %add3A, %mul3A_141 : i32
      %lt3A_143 = arith.constant 1250 : i32
      %lt3A_144 = arith.cmpi slt, %add3A_142, %lt3A_143 : i32
      %convert_element_type3A_145 = arith.extui %lt3A_144 : i1 to i32
      %cond3A_146 = arith.constant 0 : i32
      %cond3A_147 = arith.cmpi ne, %convert_element_type3A_145, %cond3A_146 : i32
      scf.if %cond3A_147 {
        %mul3A_292 = arith.constant 128 : i32
        %mul3A_293 = arith.muli %add3A_142, %mul3A_292 : i32
        %dma_wait3A = arith.constant 3 : i32
        %dma_wait3A_294 = arith.constant 0 : i32
        %dma_wait3A_295 = tpu.memref_slice %arg9[%dma_wait3A, %dma_wait3A_294] : memref<4x128xi32, #tpu.memory_space<vmem>> -> memref<1x128xi32, #tpu.memory_space<vmem>>
        %dma_wait3A_296 = tpu.memref_squeeze %dma_wait3A_295 : memref<1x128xi32, #tpu.memory_space<vmem>> -> memref<128xi32, #tpu.memory_space<vmem>>
        %dma_wait3A_297 = tpu.memref_slice %arg4[%mul3A_293] : memref<160000xi32, #tpu.memory_space<hbm>> -> memref<128xi32, #tpu.memory_space<hbm>>
        %dma_wait3A_298 = arith.constant 0 : i32
        %dma_wait3A_299 = tpu.memref_slice %arg9[%dma_wait3A, %dma_wait3A_298] : memref<4x128xi32, #tpu.memory_space<vmem>> -> memref<1x128xi32, #tpu.memory_space<vmem>>
        %dma_wait3A_300 = tpu.memref_squeeze %dma_wait3A_299 : memref<1x128xi32, #tpu.memory_space<vmem>> -> memref<128xi32, #tpu.memory_space<vmem>>
        %dma_wait3A_301 = tpu.memref_slice %arg4[%mul3A_293] : memref<160000xi32, #tpu.memory_space<hbm>> -> memref<128xi32, #tpu.memory_space<hbm>>
        tpu.wait_dma2 semaphore(%arg12 : memref<!tpu.dma_semaphore, #tpu.memory_space<semaphore_mem>>) src(%dma_wait3A_301 : memref<128xi32, #tpu.memory_space<hbm>>) dst(%dma_wait3A_300 : memref<128xi32, #tpu.memory_space<vmem>>)
      } else {
      }
      %mul3A_148 = arith.constant 4 : i32
      %mul3A_149 = arith.muli %scan3A_6, %mul3A_148 : i32
      %add3A_150 = arith.constant 0 : i32
      %add3A_151 = arith.addi %mul3A_149, %add3A_150 : i32
      %mul3A_152 = arith.constant 32 : i32
      %mul3A_153 = arith.muli %add3A_151, %mul3A_152 : i32
      %add3A_154 = arith.addi %add3A, %mul3A_153 : i32
      %lt3A_155 = arith.constant 1250 : i32
      %lt3A_156 = arith.cmpi slt, %add3A_154, %lt3A_155 : i32
      %convert_element_type3A_157 = arith.extui %lt3A_156 : i1 to i32
      %cond3A_158 = arith.constant 0 : i32
      %cond3A_159 = arith.cmpi ne, %convert_element_type3A_157, %cond3A_158 : i32
      scf.if %cond3A_159 {
        %mul3A_292 = arith.constant 128 : i32
        %mul3A_293 = arith.muli %add3A_154, %mul3A_292 : i32
        %dma_wait3A = arith.constant 0 : i32
        %dma_wait3A_294 = arith.constant 0 : i32
        %dma_wait3A_295 = tpu.memref_slice %arg10[%dma_wait3A, %dma_wait3A_294] : memref<4x128xi32, #tpu.memory_space<vmem>> -> memref<1x128xi32, #tpu.memory_space<vmem>>
        %dma_wait3A_296 = tpu.memref_squeeze %dma_wait3A_295 : memref<1x128xi32, #tpu.memory_space<vmem>> -> memref<128xi32, #tpu.memory_space<vmem>>
        %dma_wait3A_297 = tpu.memref_slice %arg5[%mul3A_293] : memref<160000xi32, #tpu.memory_space<hbm>> -> memref<128xi32, #tpu.memory_space<hbm>>
        %dma_wait3A_298 = arith.constant 0 : i32
        %dma_wait3A_299 = tpu.memref_slice %arg10[%dma_wait3A, %dma_wait3A_298] : memref<4x128xi32, #tpu.memory_space<vmem>> -> memref<1x128xi32, #tpu.memory_space<vmem>>
        %dma_wait3A_300 = tpu.memref_squeeze %dma_wait3A_299 : memref<1x128xi32, #tpu.memory_space<vmem>> -> memref<128xi32, #tpu.memory_space<vmem>>
        %dma_wait3A_301 = tpu.memref_slice %arg5[%mul3A_293] : memref<160000xi32, #tpu.memory_space<hbm>> -> memref<128xi32, #tpu.memory_space<hbm>>
        tpu.wait_dma2 semaphore(%arg13 : memref<!tpu.dma_semaphore, #tpu.memory_space<semaphore_mem>>) src(%dma_wait3A_301 : memref<128xi32, #tpu.memory_space<hbm>>) dst(%dma_wait3A_300 : memref<128xi32, #tpu.memory_space<vmem>>)
      } else {
      }
      %mul3A_160 = arith.constant 4 : i32
      %mul3A_161 = arith.muli %scan3A_6, %mul3A_160 : i32
      %add3A_162 = arith.constant 1 : i32
      %add3A_163 = arith.addi %mul3A_161, %add3A_162 : i32
      %mul3A_164 = arith.constant 32 : i32
      %mul3A_165 = arith.muli %add3A_163, %mul3A_164 : i32
      %add3A_166 = arith.addi %add3A, %mul3A_165 : i32
      %lt3A_167 = arith.constant 1250 : i32
      %lt3A_168 = arith.cmpi slt, %add3A_166, %lt3A_167 : i32
      %convert_element_type3A_169 = arith.extui %lt3A_168 : i1 to i32
      %cond3A_170 = arith.constant 0 : i32
      %cond3A_171 = arith.cmpi ne, %convert_element_type3A_169, %cond3A_170 : i32
      scf.if %cond3A_171 {
        %mul3A_292 = arith.constant 128 : i32
        %mul3A_293 = arith.muli %add3A_166, %mul3A_292 : i32
        %dma_wait3A = arith.constant 1 : i32
        %dma_wait3A_294 = arith.constant 0 : i32
        %dma_wait3A_295 = tpu.memref_slice %arg10[%dma_wait3A, %dma_wait3A_294] : memref<4x128xi32, #tpu.memory_space<vmem>> -> memref<1x128xi32, #tpu.memory_space<vmem>>
        %dma_wait3A_296 = tpu.memref_squeeze %dma_wait3A_295 : memref<1x128xi32, #tpu.memory_space<vmem>> -> memref<128xi32, #tpu.memory_space<vmem>>
        %dma_wait3A_297 = tpu.memref_slice %arg5[%mul3A_293] : memref<160000xi32, #tpu.memory_space<hbm>> -> memref<128xi32, #tpu.memory_space<hbm>>
        %dma_wait3A_298 = arith.constant 0 : i32
        %dma_wait3A_299 = tpu.memref_slice %arg10[%dma_wait3A, %dma_wait3A_298] : memref<4x128xi32, #tpu.memory_space<vmem>> -> memref<1x128xi32, #tpu.memory_space<vmem>>
        %dma_wait3A_300 = tpu.memref_squeeze %dma_wait3A_299 : memref<1x128xi32, #tpu.memory_space<vmem>> -> memref<128xi32, #tpu.memory_space<vmem>>
        %dma_wait3A_301 = tpu.memref_slice %arg5[%mul3A_293] : memref<160000xi32, #tpu.memory_space<hbm>> -> memref<128xi32, #tpu.memory_space<hbm>>
        tpu.wait_dma2 semaphore(%arg13 : memref<!tpu.dma_semaphore, #tpu.memory_space<semaphore_mem>>) src(%dma_wait3A_301 : memref<128xi32, #tpu.memory_space<hbm>>) dst(%dma_wait3A_300 : memref<128xi32, #tpu.memory_space<vmem>>)
      } else {
      }
      %mul3A_172 = arith.constant 4 : i32
      %mul3A_173 = arith.muli %scan3A_6, %mul3A_172 : i32
      %add3A_174 = arith.constant 2 : i32
      %add3A_175 = arith.addi %mul3A_173, %add3A_174 : i32
      %mul3A_176 = arith.constant 32 : i32
      %mul3A_177 = arith.muli %add3A_175, %mul3A_176 : i32
      %add3A_178 = arith.addi %add3A, %mul3A_177 : i32
      %lt3A_179 = arith.constant 1250 : i32
      %lt3A_180 = arith.cmpi slt, %add3A_178, %lt3A_179 : i32
      %convert_element_type3A_181 = arith.extui %lt3A_180 : i1 to i32
      %cond3A_182 = arith.constant 0 : i32
      %cond3A_183 = arith.cmpi ne, %convert_element_type3A_181, %cond3A_182 : i32
      scf.if %cond3A_183 {
        %mul3A_292 = arith.constant 128 : i32
        %mul3A_293 = arith.muli %add3A_178, %mul3A_292 : i32
        %dma_wait3A = arith.constant 2 : i32
        %dma_wait3A_294 = arith.constant 0 : i32
        %dma_wait3A_295 = tpu.memref_slice %arg10[%dma_wait3A, %dma_wait3A_294] : memref<4x128xi32, #tpu.memory_space<vmem>> -> memref<1x128xi32, #tpu.memory_space<vmem>>
        %dma_wait3A_296 = tpu.memref_squeeze %dma_wait3A_295 : memref<1x128xi32, #tpu.memory_space<vmem>> -> memref<128xi32, #tpu.memory_space<vmem>>
        %dma_wait3A_297 = tpu.memref_slice %arg5[%mul3A_293] : memref<160000xi32, #tpu.memory_space<hbm>> -> memref<128xi32, #tpu.memory_space<hbm>>
        %dma_wait3A_298 = arith.constant 0 : i32
        %dma_wait3A_299 = tpu.memref_slice %arg10[%dma_wait3A, %dma_wait3A_298] : memref<4x128xi32, #tpu.memory_space<vmem>> -> memref<1x128xi32, #tpu.memory_space<vmem>>
        %dma_wait3A_300 = tpu.memref_squeeze %dma_wait3A_299 : memref<1x128xi32, #tpu.memory_space<vmem>> -> memref<128xi32, #tpu.memory_space<vmem>>
        %dma_wait3A_301 = tpu.memref_slice %arg5[%mul3A_293] : memref<160000xi32, #tpu.memory_space<hbm>> -> memref<128xi32, #tpu.memory_space<hbm>>
        tpu.wait_dma2 semaphore(%arg13 : memref<!tpu.dma_semaphore, #tpu.memory_space<semaphore_mem>>) src(%dma_wait3A_301 : memref<128xi32, #tpu.memory_space<hbm>>) dst(%dma_wait3A_300 : memref<128xi32, #tpu.memory_space<vmem>>)
      } else {
      }
      %mul3A_184 = arith.constant 4 : i32
      %mul3A_185 = arith.muli %scan3A_6, %mul3A_184 : i32
      %add3A_186 = arith.constant 3 : i32
      %add3A_187 = arith.addi %mul3A_185, %add3A_186 : i32
      %mul3A_188 = arith.constant 32 : i32
      %mul3A_189 = arith.muli %add3A_187, %mul3A_188 : i32
      %add3A_190 = arith.addi %add3A, %mul3A_189 : i32
      %lt3A_191 = arith.constant 1250 : i32
      %lt3A_192 = arith.cmpi slt, %add3A_190, %lt3A_191 : i32
      %convert_element_type3A_193 = arith.extui %lt3A_192 : i1 to i32
      %cond3A_194 = arith.constant 0 : i32
      %cond3A_195 = arith.cmpi ne, %convert_element_type3A_193, %cond3A_194 : i32
      scf.if %cond3A_195 {
        %mul3A_292 = arith.constant 128 : i32
        %mul3A_293 = arith.muli %add3A_190, %mul3A_292 : i32
        %dma_wait3A = arith.constant 3 : i32
        %dma_wait3A_294 = arith.constant 0 : i32
        %dma_wait3A_295 = tpu.memref_slice %arg10[%dma_wait3A, %dma_wait3A_294] : memref<4x128xi32, #tpu.memory_space<vmem>> -> memref<1x128xi32, #tpu.memory_space<vmem>>
        %dma_wait3A_296 = tpu.memref_squeeze %dma_wait3A_295 : memref<1x128xi32, #tpu.memory_space<vmem>> -> memref<128xi32, #tpu.memory_space<vmem>>
        %dma_wait3A_297 = tpu.memref_slice %arg5[%mul3A_293] : memref<160000xi32, #tpu.memory_space<hbm>> -> memref<128xi32, #tpu.memory_space<hbm>>
        %dma_wait3A_298 = arith.constant 0 : i32
        %dma_wait3A_299 = tpu.memref_slice %arg10[%dma_wait3A, %dma_wait3A_298] : memref<4x128xi32, #tpu.memory_space<vmem>> -> memref<1x128xi32, #tpu.memory_space<vmem>>
        %dma_wait3A_300 = tpu.memref_squeeze %dma_wait3A_299 : memref<1x128xi32, #tpu.memory_space<vmem>> -> memref<128xi32, #tpu.memory_space<vmem>>
        %dma_wait3A_301 = tpu.memref_slice %arg5[%mul3A_293] : memref<160000xi32, #tpu.memory_space<hbm>> -> memref<128xi32, #tpu.memory_space<hbm>>
        tpu.wait_dma2 semaphore(%arg13 : memref<!tpu.dma_semaphore, #tpu.memory_space<semaphore_mem>>) src(%dma_wait3A_301 : memref<128xi32, #tpu.memory_space<hbm>>) dst(%dma_wait3A_300 : memref<128xi32, #tpu.memory_space<vmem>>)
      } else {
      }
      %mul3A_196 = arith.constant 4 : i32
      %mul3A_197 = arith.muli %scan3A_6, %mul3A_196 : i32
      %add3A_198 = arith.constant 0 : i32
      %add3A_199 = arith.addi %mul3A_197, %add3A_198 : i32
      %mul3A_200 = arith.constant 32 : i32
      %mul3A_201 = arith.muli %add3A_199, %mul3A_200 : i32
      %add3A_202 = arith.addi %add3A, %mul3A_201 : i32
      %lt3A_203 = arith.constant 1250 : i32
      %lt3A_204 = arith.cmpi slt, %add3A_202, %lt3A_203 : i32
      %convert_element_type3A_205 = arith.extui %lt3A_204 : i1 to i32
      %cond3A_206 = arith.constant 0 : i32
      %cond3A_207 = arith.cmpi ne, %convert_element_type3A_205, %cond3A_206 : i32
      scf.if %cond3A_207 {
        %mul3A_292 = arith.constant 128 : i32
        %mul3A_293 = arith.muli %add3A_202, %mul3A_292 : i32
        %get3A = arith.constant 0 : i32
        %get3A_294 = arith.index_cast %get3A : i32 to index
        %get3A_295 = arith.constant 0 : index
        %get3A_296 = tpu.vector_load %arg9[%get3A_294, %get3A_295] {strides = array<i32>} : memref<4x128xi32, #tpu.memory_space<vmem>>, vector<16xi32>,
        %get3A_297 = arith.constant 0 : i32
        %get3A_298 = arith.index_cast %get3A_297 : i32 to index
        %get3A_299 = arith.constant 0 : index
        %get3A_300 = tpu.vector_load %arg10[%get3A_298, %get3A_299] {strides = array<i32>} : memref<4x128xi32, #tpu.memory_space<vmem>>, vector<16xi32>,
        %gather3A = tpu.vector_load_idx %arg7[%get3A_296] : memref<10000xf32, #tpu.memory_space<vmem>>[vector<16xi32>], vector<16xf32>,
        %gather3A_301 = tpu.vector_load_idx %arg8[%get3A_300] : memref<10000xf32, #tpu.memory_space<vmem>>[vector<16xi32>], vector<16xf32>,
        %add3A_302 = arith.addf %gather3A, %gather3A_301 : vector<16xf32>
        %swap3A = arith.constant 0 : i32
        %swap3A_303 = arith.index_cast %swap3A : i32 to index
        %swap3A_304 = arith.constant 0 : index
        %swap3A_305 = tpu.vector_load %arg11[%swap3A_303, %swap3A_304] {strides = array<i32>} : memref<4x128xf32, #tpu.memory_space<vmem>>, vector<16xf32>,
        tpu.vector_store %arg11[%swap3A_303, %swap3A_304], %add3A_302 {strides = array<i32>} : memref<4x128xf32, #tpu.memory_space<vmem>>, vector<16xf32>,
        %get3A_306 = arith.constant 0 : i32
        %get3A_307 = arith.index_cast %get3A_306 : i32 to index
        %get3A_308 = arith.constant 16 : index
        %get3A_309 = tpu.vector_load %arg9[%get3A_307, %get3A_308] {strides = array<i32>} : memref<4x128xi32, #tpu.memory_space<vmem>>, vector<16xi32>,
        %get3A_310 = arith.constant 0 : i32
        %get3A_311 = arith.index_cast %get3A_310 : i32 to index
        %get3A_312 = arith.constant 16 : index
        %get3A_313 = tpu.vector_load %arg10[%get3A_311, %get3A_312] {strides = array<i32>} : memref<4x128xi32, #tpu.memory_space<vmem>>, vector<16xi32>,
        %gather3A_314 = tpu.vector_load_idx %arg7[%get3A_309] : memref<10000xf32, #tpu.memory_space<vmem>>[vector<16xi32>], vector<16xf32>,
        %gather3A_315 = tpu.vector_load_idx %arg8[%get3A_313] : memref<10000xf32, #tpu.memory_space<vmem>>[vector<16xi32>], vector<16xf32>,
        %add3A_316 = arith.addf %gather3A_314, %gather3A_315 : vector<16xf32>
        %swap3A_317 = arith.constant 0 : i32
        %swap3A_318 = arith.index_cast %swap3A_317 : i32 to index
        %swap3A_319 = arith.constant 16 : index
        %swap3A_320 = tpu.vector_load %arg11[%swap3A_318, %swap3A_319] {strides = array<i32>} : memref<4x128xf32, #tpu.memory_space<vmem>>, vector<16xf32>,
        tpu.vector_store %arg11[%swap3A_318, %swap3A_319], %add3A_316 {strides = array<i32>} : memref<4x128xf32, #tpu.memory_space<vmem>>, vector<16xf32>,
        %get3A_321 = arith.constant 0 : i32
        %get3A_322 = arith.index_cast %get3A_321 : i32 to index
        %get3A_323 = arith.constant 32 : index
        %get3A_324 = tpu.vector_load %arg9[%get3A_322, %get3A_323] {strides = array<i32>} : memref<4x128xi32, #tpu.memory_space<vmem>>, vector<16xi32>,
        %get3A_325 = arith.constant 0 : i32
        %get3A_326 = arith.index_cast %get3A_325 : i32 to index
        %get3A_327 = arith.constant 32 : index
        %get3A_328 = tpu.vector_load %arg10[%get3A_326, %get3A_327] {strides = array<i32>} : memref<4x128xi32, #tpu.memory_space<vmem>>, vector<16xi32>,
        %gather3A_329 = tpu.vector_load_idx %arg7[%get3A_324] : memref<10000xf32, #tpu.memory_space<vmem>>[vector<16xi32>], vector<16xf32>,
        %gather3A_330 = tpu.vector_load_idx %arg8[%get3A_328] : memref<10000xf32, #tpu.memory_space<vmem>>[vector<16xi32>], vector<16xf32>,
        %add3A_331 = arith.addf %gather3A_329, %gather3A_330 : vector<16xf32>
        %swap3A_332 = arith.constant 0 : i32
        %swap3A_333 = arith.index_cast %swap3A_332 : i32 to index
        %swap3A_334 = arith.constant 32 : index
        %swap3A_335 = tpu.vector_load %arg11[%swap3A_333, %swap3A_334] {strides = array<i32>} : memref<4x128xf32, #tpu.memory_space<vmem>>, vector<16xf32>,
        tpu.vector_store %arg11[%swap3A_333, %swap3A_334], %add3A_331 {strides = array<i32>} : memref<4x128xf32, #tpu.memory_space<vmem>>, vector<16xf32>,
        %get3A_336 = arith.constant 0 : i32
        %get3A_337 = arith.index_cast %get3A_336 : i32 to index
        %get3A_338 = arith.constant 48 : index
        %get3A_339 = tpu.vector_load %arg9[%get3A_337, %get3A_338] {strides = array<i32>} : memref<4x128xi32, #tpu.memory_space<vmem>>, vector<16xi32>,
        %get3A_340 = arith.constant 0 : i32
        %get3A_341 = arith.index_cast %get3A_340 : i32 to index
        %get3A_342 = arith.constant 48 : index
        %get3A_343 = tpu.vector_load %arg10[%get3A_341, %get3A_342] {strides = array<i32>} : memref<4x128xi32, #tpu.memory_space<vmem>>, vector<16xi32>,
        %gather3A_344 = tpu.vector_load_idx %arg7[%get3A_339] : memref<10000xf32, #tpu.memory_space<vmem>>[vector<16xi32>], vector<16xf32>,
        %gather3A_345 = tpu.vector_load_idx %arg8[%get3A_343] : memref<10000xf32, #tpu.memory_space<vmem>>[vector<16xi32>], vector<16xf32>,
        %add3A_346 = arith.addf %gather3A_344, %gather3A_345 : vector<16xf32>
        %swap3A_347 = arith.constant 0 : i32
        %swap3A_348 = arith.index_cast %swap3A_347 : i32 to index
        %swap3A_349 = arith.constant 48 : index
        %swap3A_350 = tpu.vector_load %arg11[%swap3A_348, %swap3A_349] {strides = array<i32>} : memref<4x128xf32, #tpu.memory_space<vmem>>, vector<16xf32>,
        tpu.vector_store %arg11[%swap3A_348, %swap3A_349], %add3A_346 {strides = array<i32>} : memref<4x128xf32, #tpu.memory_space<vmem>>, vector<16xf32>,
        %get3A_351 = arith.constant 0 : i32
        %get3A_352 = arith.index_cast %get3A_351 : i32 to index
        %get3A_353 = arith.constant 64 : index
        %get3A_354 = tpu.vector_load %arg9[%get3A_352, %get3A_353] {strides = array<i32>} : memref<4x128xi32, #tpu.memory_space<vmem>>, vector<16xi32>,
        %get3A_355 = arith.constant 0 : i32
        %get3A_356 = arith.index_cast %get3A_355 : i32 to index
        %get3A_357 = arith.constant 64 : index
        %get3A_358 = tpu.vector_load %arg10[%get3A_356, %get3A_357] {strides = array<i32>} : memref<4x128xi32, #tpu.memory_space<vmem>>, vector<16xi32>,
        %gather3A_359 = tpu.vector_load_idx %arg7[%get3A_354] : memref<10000xf32, #tpu.memory_space<vmem>>[vector<16xi32>], vector<16xf32>,
        %gather3A_360 = tpu.vector_load_idx %arg8[%get3A_358] : memref<10000xf32, #tpu.memory_space<vmem>>[vector<16xi32>], vector<16xf32>,
        %add3A_361 = arith.addf %gather3A_359, %gather3A_360 : vector<16xf32>
        %swap3A_362 = arith.constant 0 : i32
        %swap3A_363 = arith.index_cast %swap3A_362 : i32 to index
        %swap3A_364 = arith.constant 64 : index
        %swap3A_365 = tpu.vector_load %arg11[%swap3A_363, %swap3A_364] {strides = array<i32>} : memref<4x128xf32, #tpu.memory_space<vmem>>, vector<16xf32>,
        tpu.vector_store %arg11[%swap3A_363, %swap3A_364], %add3A_361 {strides = array<i32>} : memref<4x128xf32, #tpu.memory_space<vmem>>, vector<16xf32>,
        %get3A_366 = arith.constant 0 : i32
        %get3A_367 = arith.index_cast %get3A_366 : i32 to index
        %get3A_368 = arith.constant 80 : index
        %get3A_369 = tpu.vector_load %arg9[%get3A_367, %get3A_368] {strides = array<i32>} : memref<4x128xi32, #tpu.memory_space<vmem>>, vector<16xi32>,
        %get3A_370 = arith.constant 0 : i32
        %get3A_371 = arith.index_cast %get3A_370 : i32 to index
        %get3A_372 = arith.constant 80 : index
        %get3A_373 = tpu.vector_load %arg10[%get3A_371, %get3A_372] {strides = array<i32>} : memref<4x128xi32, #tpu.memory_space<vmem>>, vector<16xi32>,
        %gather3A_374 = tpu.vector_load_idx %arg7[%get3A_369] : memref<10000xf32, #tpu.memory_space<vmem>>[vector<16xi32>], vector<16xf32>,
        %gather3A_375 = tpu.vector_load_idx %arg8[%get3A_373] : memref<10000xf32, #tpu.memory_space<vmem>>[vector<16xi32>], vector<16xf32>,
        %add3A_376 = arith.addf %gather3A_374, %gather3A_375 : vector<16xf32>
        %swap3A_377 = arith.constant 0 : i32
        %swap3A_378 = arith.index_cast %swap3A_377 : i32 to index
        %swap3A_379 = arith.constant 80 : index
        %swap3A_380 = tpu.vector_load %arg11[%swap3A_378, %swap3A_379] {strides = array<i32>} : memref<4x128xf32, #tpu.memory_space<vmem>>, vector<16xf32>,
        tpu.vector_store %arg11[%swap3A_378, %swap3A_379], %add3A_376 {strides = array<i32>} : memref<4x128xf32, #tpu.memory_space<vmem>>, vector<16xf32>,
        %get3A_381 = arith.constant 0 : i32
        %get3A_382 = arith.index_cast %get3A_381 : i32 to index
        %get3A_383 = arith.constant 96 : index
        %get3A_384 = tpu.vector_load %arg9[%get3A_382, %get3A_383] {strides = array<i32>} : memref<4x128xi32, #tpu.memory_space<vmem>>, vector<16xi32>,
        %get3A_385 = arith.constant 0 : i32
        %get3A_386 = arith.index_cast %get3A_385 : i32 to index
        %get3A_387 = arith.constant 96 : index
        %get3A_388 = tpu.vector_load %arg10[%get3A_386, %get3A_387] {strides = array<i32>} : memref<4x128xi32, #tpu.memory_space<vmem>>, vector<16xi32>,
        %gather3A_389 = tpu.vector_load_idx %arg7[%get3A_384] : memref<10000xf32, #tpu.memory_space<vmem>>[vector<16xi32>], vector<16xf32>,
        %gather3A_390 = tpu.vector_load_idx %arg8[%get3A_388] : memref<10000xf32, #tpu.memory_space<vmem>>[vector<16xi32>], vector<16xf32>,
        %add3A_391 = arith.addf %gather3A_389, %gather3A_390 : vector<16xf32>
        %swap3A_392 = arith.constant 0 : i32
        %swap3A_393 = arith.index_cast %swap3A_392 : i32 to index
        %swap3A_394 = arith.constant 96 : index
        %swap3A_395 = tpu.vector_load %arg11[%swap3A_393, %swap3A_394] {strides = array<i32>} : memref<4x128xf32, #tpu.memory_space<vmem>>, vector<16xf32>,
        tpu.vector_store %arg11[%swap3A_393, %swap3A_394], %add3A_391 {strides = array<i32>} : memref<4x128xf32, #tpu.memory_space<vmem>>, vector<16xf32>,
        %get3A_396 = arith.constant 0 : i32
        %get3A_397 = arith.index_cast %get3A_396 : i32 to index
        %get3A_398 = arith.constant 112 : index
        %get3A_399 = tpu.vector_load %arg9[%get3A_397, %get3A_398] {strides = array<i32>} : memref<4x128xi32, #tpu.memory_space<vmem>>, vector<16xi32>,
        %get3A_400 = arith.constant 0 : i32
        %get3A_401 = arith.index_cast %get3A_400 : i32 to index
        %get3A_402 = arith.constant 112 : index
        %get3A_403 = tpu.vector_load %arg10[%get3A_401, %get3A_402] {strides = array<i32>} : memref<4x128xi32, #tpu.memory_space<vmem>>, vector<16xi32>,
        %gather3A_404 = tpu.vector_load_idx %arg7[%get3A_399] : memref<10000xf32, #tpu.memory_space<vmem>>[vector<16xi32>], vector<16xf32>,
        %gather3A_405 = tpu.vector_load_idx %arg8[%get3A_403] : memref<10000xf32, #tpu.memory_space<vmem>>[vector<16xi32>], vector<16xf32>,
        %add3A_406 = arith.addf %gather3A_404, %gather3A_405 : vector<16xf32>
        %swap3A_407 = arith.constant 0 : i32
        %swap3A_408 = arith.index_cast %swap3A_407 : i32 to index
        %swap3A_409 = arith.constant 112 : index
        %swap3A_410 = tpu.vector_load %arg11[%swap3A_408, %swap3A_409] {strides = array<i32>} : memref<4x128xf32, #tpu.memory_space<vmem>>, vector<16xf32>,
        tpu.vector_store %arg11[%swap3A_408, %swap3A_409], %add3A_406 {strides = array<i32>} : memref<4x128xf32, #tpu.memory_space<vmem>>, vector<16xf32>,
        %dma_start3A = arith.constant 0 : i32
        %dma_start3A_411 = arith.constant 0 : i32
        %dma_start3A_412 = tpu.memref_slice %arg11[%dma_start3A, %dma_start3A_411] : memref<4x128xf32, #tpu.memory_space<vmem>> -> memref<1x128xf32, #tpu.memory_space<vmem>>
        %dma_start3A_413 = tpu.memref_squeeze %dma_start3A_412 : memref<1x128xf32, #tpu.memory_space<vmem>> -> memref<128xf32, #tpu.memory_space<vmem>>
        %dma_start3A_414 = tpu.memref_slice %arg6[%mul3A_293] : memref<160000xf32, #tpu.memory_space<hbm>> -> memref<128xf32, #tpu.memory_space<hbm>>
        %dma_start3A_415 = tpu.memref_slice %arg6[%mul3A_293] : memref<160000xf32, #tpu.memory_space<hbm>> -> memref<128xf32, #tpu.memory_space<hbm>>
        %dma_start3A_416 = arith.constant 0 : i32
        %dma_start3A_417 = tpu.memref_slice %arg11[%dma_start3A, %dma_start3A_416] : memref<4x128xf32, #tpu.memory_space<vmem>> -> memref<1x128xf32, #tpu.memory_space<vmem>>
        %dma_start3A_418 = tpu.memref_squeeze %dma_start3A_417 : memref<1x128xf32, #tpu.memory_space<vmem>> -> memref<128xf32, #tpu.memory_space<vmem>>
        tpu.enqueue_dma source(%dma_start3A_418 : memref<128xf32, #tpu.memory_space<vmem>>) target(%dma_start3A_415 : memref<128xf32, #tpu.memory_space<hbm>>) target_semaphore(%arg14 : memref<!tpu.dma_semaphore, #tpu.memory_space<semaphore_mem>>)
      } else {
      }
      %mul3A_208 = arith.constant 4 : i32
      %mul3A_209 = arith.muli %scan3A_6, %mul3A_208 : i32
      %add3A_210 = arith.constant 1 : i32
      %add3A_211 = arith.addi %mul3A_209, %add3A_210 : i32
      %mul3A_212 = arith.constant 32 : i32
      %mul3A_213 = arith.muli %add3A_211, %mul3A_212 : i32
      %add3A_214 = arith.addi %add3A, %mul3A_213 : i32
      %lt3A_215 = arith.constant 1250 : i32
      %lt3A_216 = arith.cmpi slt, %add3A_214, %lt3A_215 : i32
      %convert_element_type3A_217 = arith.extui %lt3A_216 : i1 to i32
      %cond3A_218 = arith.constant 0 : i32
      %cond3A_219 = arith.cmpi ne, %convert_element_type3A_217, %cond3A_218 : i32
      scf.if %cond3A_219 {
        %mul3A_292 = arith.constant 128 : i32
        %mul3A_293 = arith.muli %add3A_214, %mul3A_292 : i32
        %get3A = arith.constant 1 : i32
        %get3A_294 = arith.index_cast %get3A : i32 to index
        %get3A_295 = arith.constant 0 : index
        %get3A_296 = tpu.vector_load %arg9[%get3A_294, %get3A_295] {strides = array<i32>} : memref<4x128xi32, #tpu.memory_space<vmem>>, vector<16xi32>,
        %get3A_297 = arith.constant 1 : i32
        %get3A_298 = arith.index_cast %get3A_297 : i32 to index
        %get3A_299 = arith.constant 0 : index
        %get3A_300 = tpu.vector_load %arg10[%get3A_298, %get3A_299] {strides = array<i32>} : memref<4x128xi32, #tpu.memory_space<vmem>>, vector<16xi32>,
        %gather3A = tpu.vector_load_idx %arg7[%get3A_296] : memref<10000xf32, #tpu.memory_space<vmem>>[vector<16xi32>], vector<16xf32>,
        %gather3A_301 = tpu.vector_load_idx %arg8[%get3A_300] : memref<10000xf32, #tpu.memory_space<vmem>>[vector<16xi32>], vector<16xf32>,
        %add3A_302 = arith.addf %gather3A, %gather3A_301 : vector<16xf32>
        %swap3A = arith.constant 1 : i32
        %swap3A_303 = arith.index_cast %swap3A : i32 to index
        %swap3A_304 = arith.constant 0 : index
        %swap3A_305 = tpu.vector_load %arg11[%swap3A_303, %swap3A_304] {strides = array<i32>} : memref<4x128xf32, #tpu.memory_space<vmem>>, vector<16xf32>,
        tpu.vector_store %arg11[%swap3A_303, %swap3A_304], %add3A_302 {strides = array<i32>} : memref<4x128xf32, #tpu.memory_space<vmem>>, vector<16xf32>,
        %get3A_306 = arith.constant 1 : i32
        %get3A_307 = arith.index_cast %get3A_306 : i32 to index
        %get3A_308 = arith.constant 16 : index
        %get3A_309 = tpu.vector_load %arg9[%get3A_307, %get3A_308] {strides = array<i32>} : memref<4x128xi32, #tpu.memory_space<vmem>>, vector<16xi32>,
        %get3A_310 = arith.constant 1 : i32
        %get3A_311 = arith.index_cast %get3A_310 : i32 to index
        %get3A_312 = arith.constant 16 : index
        %get3A_313 = tpu.vector_load %arg10[%get3A_311, %get3A_312] {strides = array<i32>} : memref<4x128xi32, #tpu.memory_space<vmem>>, vector<16xi32>,
        %gather3A_314 = tpu.vector_load_idx %arg7[%get3A_309] : memref<10000xf32, #tpu.memory_space<vmem>>[vector<16xi32>], vector<16xf32>,
        %gather3A_315 = tpu.vector_load_idx %arg8[%get3A_313] : memref<10000xf32, #tpu.memory_space<vmem>>[vector<16xi32>], vector<16xf32>,
        %add3A_316 = arith.addf %gather3A_314, %gather3A_315 : vector<16xf32>
        %swap3A_317 = arith.constant 1 : i32
        %swap3A_318 = arith.index_cast %swap3A_317 : i32 to index
        %swap3A_319 = arith.constant 16 : index
        %swap3A_320 = tpu.vector_load %arg11[%swap3A_318, %swap3A_319] {strides = array<i32>} : memref<4x128xf32, #tpu.memory_space<vmem>>, vector<16xf32>,
        tpu.vector_store %arg11[%swap3A_318, %swap3A_319], %add3A_316 {strides = array<i32>} : memref<4x128xf32, #tpu.memory_space<vmem>>, vector<16xf32>,
        %get3A_321 = arith.constant 1 : i32
        %get3A_322 = arith.index_cast %get3A_321 : i32 to index
        %get3A_323 = arith.constant 32 : index
        %get3A_324 = tpu.vector_load %arg9[%get3A_322, %get3A_323] {strides = array<i32>} : memref<4x128xi32, #tpu.memory_space<vmem>>, vector<16xi32>,
        %get3A_325 = arith.constant 1 : i32
        %get3A_326 = arith.index_cast %get3A_325 : i32 to index
        %get3A_327 = arith.constant 32 : index
        %get3A_328 = tpu.vector_load %arg10[%get3A_326, %get3A_327] {strides = array<i32>} : memref<4x128xi32, #tpu.memory_space<vmem>>, vector<16xi32>,
        %gather3A_329 = tpu.vector_load_idx %arg7[%get3A_324] : memref<10000xf32, #tpu.memory_space<vmem>>[vector<16xi32>], vector<16xf32>,
        %gather3A_330 = tpu.vector_load_idx %arg8[%get3A_328] : memref<10000xf32, #tpu.memory_space<vmem>>[vector<16xi32>], vector<16xf32>,
        %add3A_331 = arith.addf %gather3A_329, %gather3A_330 : vector<16xf32>
        %swap3A_332 = arith.constant 1 : i32
        %swap3A_333 = arith.index_cast %swap3A_332 : i32 to index
        %swap3A_334 = arith.constant 32 : index
        %swap3A_335 = tpu.vector_load %arg11[%swap3A_333, %swap3A_334] {strides = array<i32>} : memref<4x128xf32, #tpu.memory_space<vmem>>, vector<16xf32>,
        tpu.vector_store %arg11[%swap3A_333, %swap3A_334], %add3A_331 {strides = array<i32>} : memref<4x128xf32, #tpu.memory_space<vmem>>, vector<16xf32>,
        %get3A_336 = arith.constant 1 : i32
        %get3A_337 = arith.index_cast %get3A_336 : i32 to index
        %get3A_338 = arith.constant 48 : index
        %get3A_339 = tpu.vector_load %arg9[%get3A_337, %get3A_338] {strides = array<i32>} : memref<4x128xi32, #tpu.memory_space<vmem>>, vector<16xi32>,
        %get3A_340 = arith.constant 1 : i32
        %get3A_341 = arith.index_cast %get3A_340 : i32 to index
        %get3A_342 = arith.constant 48 : index
        %get3A_343 = tpu.vector_load %arg10[%get3A_341, %get3A_342] {strides = array<i32>} : memref<4x128xi32, #tpu.memory_space<vmem>>, vector<16xi32>,
        %gather3A_344 = tpu.vector_load_idx %arg7[%get3A_339] : memref<10000xf32, #tpu.memory_space<vmem>>[vector<16xi32>], vector<16xf32>,
        %gather3A_345 = tpu.vector_load_idx %arg8[%get3A_343] : memref<10000xf32, #tpu.memory_space<vmem>>[vector<16xi32>], vector<16xf32>,
        %add3A_346 = arith.addf %gather3A_344, %gather3A_345 : vector<16xf32>
        %swap3A_347 = arith.constant 1 : i32
        %swap3A_348 = arith.index_cast %swap3A_347 : i32 to index
        %swap3A_349 = arith.constant 48 : index
        %swap3A_350 = tpu.vector_load %arg11[%swap3A_348, %swap3A_349] {strides = array<i32>} : memref<4x128xf32, #tpu.memory_space<vmem>>, vector<16xf32>,
        tpu.vector_store %arg11[%swap3A_348, %swap3A_349], %add3A_346 {strides = array<i32>} : memref<4x128xf32, #tpu.memory_space<vmem>>, vector<16xf32>,
        %get3A_351 = arith.constant 1 : i32
        %get3A_352 = arith.index_cast %get3A_351 : i32 to index
        %get3A_353 = arith.constant 64 : index
        %get3A_354 = tpu.vector_load %arg9[%get3A_352, %get3A_353] {strides = array<i32>} : memref<4x128xi32, #tpu.memory_space<vmem>>, vector<16xi32>,
        %get3A_355 = arith.constant 1 : i32
        %get3A_356 = arith.index_cast %get3A_355 : i32 to index
        %get3A_357 = arith.constant 64 : index
        %get3A_358 = tpu.vector_load %arg10[%get3A_356, %get3A_357] {strides = array<i32>} : memref<4x128xi32, #tpu.memory_space<vmem>>, vector<16xi32>,
        %gather3A_359 = tpu.vector_load_idx %arg7[%get3A_354] : memref<10000xf32, #tpu.memory_space<vmem>>[vector<16xi32>], vector<16xf32>,
        %gather3A_360 = tpu.vector_load_idx %arg8[%get3A_358] : memref<10000xf32, #tpu.memory_space<vmem>>[vector<16xi32>], vector<16xf32>,
        %add3A_361 = arith.addf %gather3A_359, %gather3A_360 : vector<16xf32>
        %swap3A_362 = arith.constant 1 : i32
        %swap3A_363 = arith.index_cast %swap3A_362 : i32 to index
        %swap3A_364 = arith.constant 64 : index
        %swap3A_365 = tpu.vector_load %arg11[%swap3A_363, %swap3A_364] {strides = array<i32>} : memref<4x128xf32, #tpu.memory_space<vmem>>, vector<16xf32>,
        tpu.vector_store %arg11[%swap3A_363, %swap3A_364], %add3A_361 {strides = array<i32>} : memref<4x128xf32, #tpu.memory_space<vmem>>, vector<16xf32>,
        %get3A_366 = arith.constant 1 : i32
        %get3A_367 = arith.index_cast %get3A_366 : i32 to index
        %get3A_368 = arith.constant 80 : index
        %get3A_369 = tpu.vector_load %arg9[%get3A_367, %get3A_368] {strides = array<i32>} : memref<4x128xi32, #tpu.memory_space<vmem>>, vector<16xi32>,
        %get3A_370 = arith.constant 1 : i32
        %get3A_371 = arith.index_cast %get3A_370 : i32 to index
        %get3A_372 = arith.constant 80 : index
        %get3A_373 = tpu.vector_load %arg10[%get3A_371, %get3A_372] {strides = array<i32>} : memref<4x128xi32, #tpu.memory_space<vmem>>, vector<16xi32>,
        %gather3A_374 = tpu.vector_load_idx %arg7[%get3A_369] : memref<10000xf32, #tpu.memory_space<vmem>>[vector<16xi32>], vector<16xf32>,
        %gather3A_375 = tpu.vector_load_idx %arg8[%get3A_373] : memref<10000xf32, #tpu.memory_space<vmem>>[vector<16xi32>], vector<16xf32>,
        %add3A_376 = arith.addf %gather3A_374, %gather3A_375 : vector<16xf32>
        %swap3A_377 = arith.constant 1 : i32
        %swap3A_378 = arith.index_cast %swap3A_377 : i32 to index
        %swap3A_379 = arith.constant 80 : index
        %swap3A_380 = tpu.vector_load %arg11[%swap3A_378, %swap3A_379] {strides = array<i32>} : memref<4x128xf32, #tpu.memory_space<vmem>>, vector<16xf32>,
        tpu.vector_store %arg11[%swap3A_378, %swap3A_379], %add3A_376 {strides = array<i32>} : memref<4x128xf32, #tpu.memory_space<vmem>>, vector<16xf32>,
        %get3A_381 = arith.constant 1 : i32
        %get3A_382 = arith.index_cast %get3A_381 : i32 to index
        %get3A_383 = arith.constant 96 : index
        %get3A_384 = tpu.vector_load %arg9[%get3A_382, %get3A_383] {strides = array<i32>} : memref<4x128xi32, #tpu.memory_space<vmem>>, vector<16xi32>,
        %get3A_385 = arith.constant 1 : i32
        %get3A_386 = arith.index_cast %get3A_385 : i32 to index
        %get3A_387 = arith.constant 96 : index
        %get3A_388 = tpu.vector_load %arg10[%get3A_386, %get3A_387] {strides = array<i32>} : memref<4x128xi32, #tpu.memory_space<vmem>>, vector<16xi32>,
        %gather3A_389 = tpu.vector_load_idx %arg7[%get3A_384] : memref<10000xf32, #tpu.memory_space<vmem>>[vector<16xi32>], vector<16xf32>,
        %gather3A_390 = tpu.vector_load_idx %arg8[%get3A_388] : memref<10000xf32, #tpu.memory_space<vmem>>[vector<16xi32>], vector<16xf32>,
        %add3A_391 = arith.addf %gather3A_389, %gather3A_390 : vector<16xf32>
        %swap3A_392 = arith.constant 1 : i32
        %swap3A_393 = arith.index_cast %swap3A_392 : i32 to index
        %swap3A_394 = arith.constant 96 : index
        %swap3A_395 = tpu.vector_load %arg11[%swap3A_393, %swap3A_394] {strides = array<i32>} : memref<4x128xf32, #tpu.memory_space<vmem>>, vector<16xf32>,
        tpu.vector_store %arg11[%swap3A_393, %swap3A_394], %add3A_391 {strides = array<i32>} : memref<4x128xf32, #tpu.memory_space<vmem>>, vector<16xf32>,
        %get3A_396 = arith.constant 1 : i32
        %get3A_397 = arith.index_cast %get3A_396 : i32 to index
        %get3A_398 = arith.constant 112 : index
        %get3A_399 = tpu.vector_load %arg9[%get3A_397, %get3A_398] {strides = array<i32>} : memref<4x128xi32, #tpu.memory_space<vmem>>, vector<16xi32>,
        %get3A_400 = arith.constant 1 : i32
        %get3A_401 = arith.index_cast %get3A_400 : i32 to index
        %get3A_402 = arith.constant 112 : index
        %get3A_403 = tpu.vector_load %arg10[%get3A_401, %get3A_402] {strides = array<i32>} : memref<4x128xi32, #tpu.memory_space<vmem>>, vector<16xi32>,
        %gather3A_404 = tpu.vector_load_idx %arg7[%get3A_399] : memref<10000xf32, #tpu.memory_space<vmem>>[vector<16xi32>], vector<16xf32>,
        %gather3A_405 = tpu.vector_load_idx %arg8[%get3A_403] : memref<10000xf32, #tpu.memory_space<vmem>>[vector<16xi32>], vector<16xf32>,
        %add3A_406 = arith.addf %gather3A_404, %gather3A_405 : vector<16xf32>
        %swap3A_407 = arith.constant 1 : i32
        %swap3A_408 = arith.index_cast %swap3A_407 : i32 to index
        %swap3A_409 = arith.constant 112 : index
        %swap3A_410 = tpu.vector_load %arg11[%swap3A_408, %swap3A_409] {strides = array<i32>} : memref<4x128xf32, #tpu.memory_space<vmem>>, vector<16xf32>,
        tpu.vector_store %arg11[%swap3A_408, %swap3A_409], %add3A_406 {strides = array<i32>} : memref<4x128xf32, #tpu.memory_space<vmem>>, vector<16xf32>,
        %dma_start3A = arith.constant 1 : i32
        %dma_start3A_411 = arith.constant 0 : i32
        %dma_start3A_412 = tpu.memref_slice %arg11[%dma_start3A, %dma_start3A_411] : memref<4x128xf32, #tpu.memory_space<vmem>> -> memref<1x128xf32, #tpu.memory_space<vmem>>
        %dma_start3A_413 = tpu.memref_squeeze %dma_start3A_412 : memref<1x128xf32, #tpu.memory_space<vmem>> -> memref<128xf32, #tpu.memory_space<vmem>>
        %dma_start3A_414 = tpu.memref_slice %arg6[%mul3A_293] : memref<160000xf32, #tpu.memory_space<hbm>> -> memref<128xf32, #tpu.memory_space<hbm>>
        %dma_start3A_415 = tpu.memref_slice %arg6[%mul3A_293] : memref<160000xf32, #tpu.memory_space<hbm>> -> memref<128xf32, #tpu.memory_space<hbm>>
        %dma_start3A_416 = arith.constant 0 : i32
        %dma_start3A_417 = tpu.memref_slice %arg11[%dma_start3A, %dma_start3A_416] : memref<4x128xf32, #tpu.memory_space<vmem>> -> memref<1x128xf32, #tpu.memory_space<vmem>>
        %dma_start3A_418 = tpu.memref_squeeze %dma_start3A_417 : memref<1x128xf32, #tpu.memory_space<vmem>> -> memref<128xf32, #tpu.memory_space<vmem>>
        tpu.enqueue_dma source(%dma_start3A_418 : memref<128xf32, #tpu.memory_space<vmem>>) target(%dma_start3A_415 : memref<128xf32, #tpu.memory_space<hbm>>) target_semaphore(%arg14 : memref<!tpu.dma_semaphore, #tpu.memory_space<semaphore_mem>>)
      } else {
      }
      %mul3A_220 = arith.constant 4 : i32
      %mul3A_221 = arith.muli %scan3A_6, %mul3A_220 : i32
      %add3A_222 = arith.constant 2 : i32
      %add3A_223 = arith.addi %mul3A_221, %add3A_222 : i32
      %mul3A_224 = arith.constant 32 : i32
      %mul3A_225 = arith.muli %add3A_223, %mul3A_224 : i32
      %add3A_226 = arith.addi %add3A, %mul3A_225 : i32
      %lt3A_227 = arith.constant 1250 : i32
      %lt3A_228 = arith.cmpi slt, %add3A_226, %lt3A_227 : i32
      %convert_element_type3A_229 = arith.extui %lt3A_228 : i1 to i32
      %cond3A_230 = arith.constant 0 : i32
      %cond3A_231 = arith.cmpi ne, %convert_element_type3A_229, %cond3A_230 : i32
      scf.if %cond3A_231 {
        %mul3A_292 = arith.constant 128 : i32
        %mul3A_293 = arith.muli %add3A_226, %mul3A_292 : i32
        %get3A = arith.constant 2 : i32
        %get3A_294 = arith.index_cast %get3A : i32 to index
        %get3A_295 = arith.constant 0 : index
        %get3A_296 = tpu.vector_load %arg9[%get3A_294, %get3A_295] {strides = array<i32>} : memref<4x128xi32, #tpu.memory_space<vmem>>, vector<16xi32>,
        %get3A_297 = arith.constant 2 : i32
        %get3A_298 = arith.index_cast %get3A_297 : i32 to index
        %get3A_299 = arith.constant 0 : index
        %get3A_300 = tpu.vector_load %arg10[%get3A_298, %get3A_299] {strides = array<i32>} : memref<4x128xi32, #tpu.memory_space<vmem>>, vector<16xi32>,
        %gather3A = tpu.vector_load_idx %arg7[%get3A_296] : memref<10000xf32, #tpu.memory_space<vmem>>[vector<16xi32>], vector<16xf32>,
        %gather3A_301 = tpu.vector_load_idx %arg8[%get3A_300] : memref<10000xf32, #tpu.memory_space<vmem>>[vector<16xi32>], vector<16xf32>,
        %add3A_302 = arith.addf %gather3A, %gather3A_301 : vector<16xf32>
        %swap3A = arith.constant 2 : i32
        %swap3A_303 = arith.index_cast %swap3A : i32 to index
        %swap3A_304 = arith.constant 0 : index
        %swap3A_305 = tpu.vector_load %arg11[%swap3A_303, %swap3A_304] {strides = array<i32>} : memref<4x128xf32, #tpu.memory_space<vmem>>, vector<16xf32>,
        tpu.vector_store %arg11[%swap3A_303, %swap3A_304], %add3A_302 {strides = array<i32>} : memref<4x128xf32, #tpu.memory_space<vmem>>, vector<16xf32>,
        %get3A_306 = arith.constant 2 : i32
        %get3A_307 = arith.index_cast %get3A_306 : i32 to index
        %get3A_308 = arith.constant 16 : index
        %get3A_309 = tpu.vector_load %arg9[%get3A_307, %get3A_308] {strides = array<i32>} : memref<4x128xi32, #tpu.memory_space<vmem>>, vector<16xi32>,
        %get3A_310 = arith.constant 2 : i32
        %get3A_311 = arith.index_cast %get3A_310 : i32 to index
        %get3A_312 = arith.constant 16 : index
        %get3A_313 = tpu.vector_load %arg10[%get3A_311, %get3A_312] {strides = array<i32>} : memref<4x128xi32, #tpu.memory_space<vmem>>, vector<16xi32>,
        %gather3A_314 = tpu.vector_load_idx %arg7[%get3A_309] : memref<10000xf32, #tpu.memory_space<vmem>>[vector<16xi32>], vector<16xf32>,
        %gather3A_315 = tpu.vector_load_idx %arg8[%get3A_313] : memref<10000xf32, #tpu.memory_space<vmem>>[vector<16xi32>], vector<16xf32>,
        %add3A_316 = arith.addf %gather3A_314, %gather3A_315 : vector<16xf32>
        %swap3A_317 = arith.constant 2 : i32
        %swap3A_318 = arith.index_cast %swap3A_317 : i32 to index
        %swap3A_319 = arith.constant 16 : index
        %swap3A_320 = tpu.vector_load %arg11[%swap3A_318, %swap3A_319] {strides = array<i32>} : memref<4x128xf32, #tpu.memory_space<vmem>>, vector<16xf32>,
        tpu.vector_store %arg11[%swap3A_318, %swap3A_319], %add3A_316 {strides = array<i32>} : memref<4x128xf32, #tpu.memory_space<vmem>>, vector<16xf32>,
        %get3A_321 = arith.constant 2 : i32
        %get3A_322 = arith.index_cast %get3A_321 : i32 to index
        %get3A_323 = arith.constant 32 : index
        %get3A_324 = tpu.vector_load %arg9[%get3A_322, %get3A_323] {strides = array<i32>} : memref<4x128xi32, #tpu.memory_space<vmem>>, vector<16xi32>,
        %get3A_325 = arith.constant 2 : i32
        %get3A_326 = arith.index_cast %get3A_325 : i32 to index
        %get3A_327 = arith.constant 32 : index
        %get3A_328 = tpu.vector_load %arg10[%get3A_326, %get3A_327] {strides = array<i32>} : memref<4x128xi32, #tpu.memory_space<vmem>>, vector<16xi32>,
        %gather3A_329 = tpu.vector_load_idx %arg7[%get3A_324] : memref<10000xf32, #tpu.memory_space<vmem>>[vector<16xi32>], vector<16xf32>,
        %gather3A_330 = tpu.vector_load_idx %arg8[%get3A_328] : memref<10000xf32, #tpu.memory_space<vmem>>[vector<16xi32>], vector<16xf32>,
        %add3A_331 = arith.addf %gather3A_329, %gather3A_330 : vector<16xf32>
        %swap3A_332 = arith.constant 2 : i32
        %swap3A_333 = arith.index_cast %swap3A_332 : i32 to index
        %swap3A_334 = arith.constant 32 : index
        %swap3A_335 = tpu.vector_load %arg11[%swap3A_333, %swap3A_334] {strides = array<i32>} : memref<4x128xf32, #tpu.memory_space<vmem>>, vector<16xf32>,
        tpu.vector_store %arg11[%swap3A_333, %swap3A_334], %add3A_331 {strides = array<i32>} : memref<4x128xf32, #tpu.memory_space<vmem>>, vector<16xf32>,
        %get3A_336 = arith.constant 2 : i32
        %get3A_337 = arith.index_cast %get3A_336 : i32 to index
        %get3A_338 = arith.constant 48 : index
        %get3A_339 = tpu.vector_load %arg9[%get3A_337, %get3A_338] {strides = array<i32>} : memref<4x128xi32, #tpu.memory_space<vmem>>, vector<16xi32>,
        %get3A_340 = arith.constant 2 : i32
        %get3A_341 = arith.index_cast %get3A_340 : i32 to index
        %get3A_342 = arith.constant 48 : index
        %get3A_343 = tpu.vector_load %arg10[%get3A_341, %get3A_342] {strides = array<i32>} : memref<4x128xi32, #tpu.memory_space<vmem>>, vector<16xi32>,
        %gather3A_344 = tpu.vector_load_idx %arg7[%get3A_339] : memref<10000xf32, #tpu.memory_space<vmem>>[vector<16xi32>], vector<16xf32>,
        %gather3A_345 = tpu.vector_load_idx %arg8[%get3A_343] : memref<10000xf32, #tpu.memory_space<vmem>>[vector<16xi32>], vector<16xf32>,
        %add3A_346 = arith.addf %gather3A_344, %gather3A_345 : vector<16xf32>
        %swap3A_347 = arith.constant 2 : i32
        %swap3A_348 = arith.index_cast %swap3A_347 : i32 to index
        %swap3A_349 = arith.constant 48 : index
        %swap3A_350 = tpu.vector_load %arg11[%swap3A_348, %swap3A_349] {strides = array<i32>} : memref<4x128xf32, #tpu.memory_space<vmem>>, vector<16xf32>,
        tpu.vector_store %arg11[%swap3A_348, %swap3A_349], %add3A_346 {strides = array<i32>} : memref<4x128xf32, #tpu.memory_space<vmem>>, vector<16xf32>,
        %get3A_351 = arith.constant 2 : i32
        %get3A_352 = arith.index_cast %get3A_351 : i32 to index
        %get3A_353 = arith.constant 64 : index
        %get3A_354 = tpu.vector_load %arg9[%get3A_352, %get3A_353] {strides = array<i32>} : memref<4x128xi32, #tpu.memory_space<vmem>>, vector<16xi32>,
        %get3A_355 = arith.constant 2 : i32
        %get3A_356 = arith.index_cast %get3A_355 : i32 to index
        %get3A_357 = arith.constant 64 : index
        %get3A_358 = tpu.vector_load %arg10[%get3A_356, %get3A_357] {strides = array<i32>} : memref<4x128xi32, #tpu.memory_space<vmem>>, vector<16xi32>,
        %gather3A_359 = tpu.vector_load_idx %arg7[%get3A_354] : memref<10000xf32, #tpu.memory_space<vmem>>[vector<16xi32>], vector<16xf32>,
        %gather3A_360 = tpu.vector_load_idx %arg8[%get3A_358] : memref<10000xf32, #tpu.memory_space<vmem>>[vector<16xi32>], vector<16xf32>,
        %add3A_361 = arith.addf %gather3A_359, %gather3A_360 : vector<16xf32>
        %swap3A_362 = arith.constant 2 : i32
        %swap3A_363 = arith.index_cast %swap3A_362 : i32 to index
        %swap3A_364 = arith.constant 64 : index
        %swap3A_365 = tpu.vector_load %arg11[%swap3A_363, %swap3A_364] {strides = array<i32>} : memref<4x128xf32, #tpu.memory_space<vmem>>, vector<16xf32>,
        tpu.vector_store %arg11[%swap3A_363, %swap3A_364], %add3A_361 {strides = array<i32>} : memref<4x128xf32, #tpu.memory_space<vmem>>, vector<16xf32>,
        %get3A_366 = arith.constant 2 : i32
        %get3A_367 = arith.index_cast %get3A_366 : i32 to index
        %get3A_368 = arith.constant 80 : index
        %get3A_369 = tpu.vector_load %arg9[%get3A_367, %get3A_368] {strides = array<i32>} : memref<4x128xi32, #tpu.memory_space<vmem>>, vector<16xi32>,
        %get3A_370 = arith.constant 2 : i32
        %get3A_371 = arith.index_cast %get3A_370 : i32 to index
        %get3A_372 = arith.constant 80 : index
        %get3A_373 = tpu.vector_load %arg10[%get3A_371, %get3A_372] {strides = array<i32>} : memref<4x128xi32, #tpu.memory_space<vmem>>, vector<16xi32>,
        %gather3A_374 = tpu.vector_load_idx %arg7[%get3A_369] : memref<10000xf32, #tpu.memory_space<vmem>>[vector<16xi32>], vector<16xf32>,
        %gather3A_375 = tpu.vector_load_idx %arg8[%get3A_373] : memref<10000xf32, #tpu.memory_space<vmem>>[vector<16xi32>], vector<16xf32>,
        %add3A_376 = arith.addf %gather3A_374, %gather3A_375 : vector<16xf32>
        %swap3A_377 = arith.constant 2 : i32
        %swap3A_378 = arith.index_cast %swap3A_377 : i32 to index
        %swap3A_379 = arith.constant 80 : index
        %swap3A_380 = tpu.vector_load %arg11[%swap3A_378, %swap3A_379] {strides = array<i32>} : memref<4x128xf32, #tpu.memory_space<vmem>>, vector<16xf32>,
        tpu.vector_store %arg11[%swap3A_378, %swap3A_379], %add3A_376 {strides = array<i32>} : memref<4x128xf32, #tpu.memory_space<vmem>>, vector<16xf32>,
        %get3A_381 = arith.constant 2 : i32
        %get3A_382 = arith.index_cast %get3A_381 : i32 to index
        %get3A_383 = arith.constant 96 : index
        %get3A_384 = tpu.vector_load %arg9[%get3A_382, %get3A_383] {strides = array<i32>} : memref<4x128xi32, #tpu.memory_space<vmem>>, vector<16xi32>,
        %get3A_385 = arith.constant 2 : i32
        %get3A_386 = arith.index_cast %get3A_385 : i32 to index
        %get3A_387 = arith.constant 96 : index
        %get3A_388 = tpu.vector_load %arg10[%get3A_386, %get3A_387] {strides = array<i32>} : memref<4x128xi32, #tpu.memory_space<vmem>>, vector<16xi32>,
        %gather3A_389 = tpu.vector_load_idx %arg7[%get3A_384] : memref<10000xf32, #tpu.memory_space<vmem>>[vector<16xi32>], vector<16xf32>,
        %gather3A_390 = tpu.vector_load_idx %arg8[%get3A_388] : memref<10000xf32, #tpu.memory_space<vmem>>[vector<16xi32>], vector<16xf32>,
        %add3A_391 = arith.addf %gather3A_389, %gather3A_390 : vector<16xf32>
        %swap3A_392 = arith.constant 2 : i32
        %swap3A_393 = arith.index_cast %swap3A_392 : i32 to index
        %swap3A_394 = arith.constant 96 : index
        %swap3A_395 = tpu.vector_load %arg11[%swap3A_393, %swap3A_394] {strides = array<i32>} : memref<4x128xf32, #tpu.memory_space<vmem>>, vector<16xf32>,
        tpu.vector_store %arg11[%swap3A_393, %swap3A_394], %add3A_391 {strides = array<i32>} : memref<4x128xf32, #tpu.memory_space<vmem>>, vector<16xf32>,
        %get3A_396 = arith.constant 2 : i32
        %get3A_397 = arith.index_cast %get3A_396 : i32 to index
        %get3A_398 = arith.constant 112 : index
        %get3A_399 = tpu.vector_load %arg9[%get3A_397, %get3A_398] {strides = array<i32>} : memref<4x128xi32, #tpu.memory_space<vmem>>, vector<16xi32>,
        %get3A_400 = arith.constant 2 : i32
        %get3A_401 = arith.index_cast %get3A_400 : i32 to index
        %get3A_402 = arith.constant 112 : index
        %get3A_403 = tpu.vector_load %arg10[%get3A_401, %get3A_402] {strides = array<i32>} : memref<4x128xi32, #tpu.memory_space<vmem>>, vector<16xi32>,
        %gather3A_404 = tpu.vector_load_idx %arg7[%get3A_399] : memref<10000xf32, #tpu.memory_space<vmem>>[vector<16xi32>], vector<16xf32>,
        %gather3A_405 = tpu.vector_load_idx %arg8[%get3A_403] : memref<10000xf32, #tpu.memory_space<vmem>>[vector<16xi32>], vector<16xf32>,
        %add3A_406 = arith.addf %gather3A_404, %gather3A_405 : vector<16xf32>
        %swap3A_407 = arith.constant 2 : i32
        %swap3A_408 = arith.index_cast %swap3A_407 : i32 to index
        %swap3A_409 = arith.constant 112 : index
        %swap3A_410 = tpu.vector_load %arg11[%swap3A_408, %swap3A_409] {strides = array<i32>} : memref<4x128xf32, #tpu.memory_space<vmem>>, vector<16xf32>,
        tpu.vector_store %arg11[%swap3A_408, %swap3A_409], %add3A_406 {strides = array<i32>} : memref<4x128xf32, #tpu.memory_space<vmem>>, vector<16xf32>,
        %dma_start3A = arith.constant 2 : i32
        %dma_start3A_411 = arith.constant 0 : i32
        %dma_start3A_412 = tpu.memref_slice %arg11[%dma_start3A, %dma_start3A_411] : memref<4x128xf32, #tpu.memory_space<vmem>> -> memref<1x128xf32, #tpu.memory_space<vmem>>
        %dma_start3A_413 = tpu.memref_squeeze %dma_start3A_412 : memref<1x128xf32, #tpu.memory_space<vmem>> -> memref<128xf32, #tpu.memory_space<vmem>>
        %dma_start3A_414 = tpu.memref_slice %arg6[%mul3A_293] : memref<160000xf32, #tpu.memory_space<hbm>> -> memref<128xf32, #tpu.memory_space<hbm>>
        %dma_start3A_415 = tpu.memref_slice %arg6[%mul3A_293] : memref<160000xf32, #tpu.memory_space<hbm>> -> memref<128xf32, #tpu.memory_space<hbm>>
        %dma_start3A_416 = arith.constant 0 : i32
        %dma_start3A_417 = tpu.memref_slice %arg11[%dma_start3A, %dma_start3A_416] : memref<4x128xf32, #tpu.memory_space<vmem>> -> memref<1x128xf32, #tpu.memory_space<vmem>>
        %dma_start3A_418 = tpu.memref_squeeze %dma_start3A_417 : memref<1x128xf32, #tpu.memory_space<vmem>> -> memref<128xf32, #tpu.memory_space<vmem>>
        tpu.enqueue_dma source(%dma_start3A_418 : memref<128xf32, #tpu.memory_space<vmem>>) target(%dma_start3A_415 : memref<128xf32, #tpu.memory_space<hbm>>) target_semaphore(%arg14 : memref<!tpu.dma_semaphore, #tpu.memory_space<semaphore_mem>>)
      } else {
      }
      %mul3A_232 = arith.constant 4 : i32
      %mul3A_233 = arith.muli %scan3A_6, %mul3A_232 : i32
      %add3A_234 = arith.constant 3 : i32
      %add3A_235 = arith.addi %mul3A_233, %add3A_234 : i32
      %mul3A_236 = arith.constant 32 : i32
      %mul3A_237 = arith.muli %add3A_235, %mul3A_236 : i32
      %add3A_238 = arith.addi %add3A, %mul3A_237 : i32
      %lt3A_239 = arith.constant 1250 : i32
      %lt3A_240 = arith.cmpi slt, %add3A_238, %lt3A_239 : i32
      %convert_element_type3A_241 = arith.extui %lt3A_240 : i1 to i32
      %cond3A_242 = arith.constant 0 : i32
      %cond3A_243 = arith.cmpi ne, %convert_element_type3A_241, %cond3A_242 : i32
      scf.if %cond3A_243 {
        %mul3A_292 = arith.constant 128 : i32
        %mul3A_293 = arith.muli %add3A_238, %mul3A_292 : i32
        %get3A = arith.constant 3 : i32
        %get3A_294 = arith.index_cast %get3A : i32 to index
        %get3A_295 = arith.constant 0 : index
        %get3A_296 = tpu.vector_load %arg9[%get3A_294, %get3A_295] {strides = array<i32>} : memref<4x128xi32, #tpu.memory_space<vmem>>, vector<16xi32>,
        %get3A_297 = arith.constant 3 : i32
        %get3A_298 = arith.index_cast %get3A_297 : i32 to index
        %get3A_299 = arith.constant 0 : index
        %get3A_300 = tpu.vector_load %arg10[%get3A_298, %get3A_299] {strides = array<i32>} : memref<4x128xi32, #tpu.memory_space<vmem>>, vector<16xi32>,
        %gather3A = tpu.vector_load_idx %arg7[%get3A_296] : memref<10000xf32, #tpu.memory_space<vmem>>[vector<16xi32>], vector<16xf32>,
        %gather3A_301 = tpu.vector_load_idx %arg8[%get3A_300] : memref<10000xf32, #tpu.memory_space<vmem>>[vector<16xi32>], vector<16xf32>,
        %add3A_302 = arith.addf %gather3A, %gather3A_301 : vector<16xf32>
        %swap3A = arith.constant 3 : i32
        %swap3A_303 = arith.index_cast %swap3A : i32 to index
        %swap3A_304 = arith.constant 0 : index
        %swap3A_305 = tpu.vector_load %arg11[%swap3A_303, %swap3A_304] {strides = array<i32>} : memref<4x128xf32, #tpu.memory_space<vmem>>, vector<16xf32>,
        tpu.vector_store %arg11[%swap3A_303, %swap3A_304], %add3A_302 {strides = array<i32>} : memref<4x128xf32, #tpu.memory_space<vmem>>, vector<16xf32>,
        %get3A_306 = arith.constant 3 : i32
        %get3A_307 = arith.index_cast %get3A_306 : i32 to index
        %get3A_308 = arith.constant 16 : index
        %get3A_309 = tpu.vector_load %arg9[%get3A_307, %get3A_308] {strides = array<i32>} : memref<4x128xi32, #tpu.memory_space<vmem>>, vector<16xi32>,
        %get3A_310 = arith.constant 3 : i32
        %get3A_311 = arith.index_cast %get3A_310 : i32 to index
        %get3A_312 = arith.constant 16 : index
        %get3A_313 = tpu.vector_load %arg10[%get3A_311, %get3A_312] {strides = array<i32>} : memref<4x128xi32, #tpu.memory_space<vmem>>, vector<16xi32>,
        %gather3A_314 = tpu.vector_load_idx %arg7[%get3A_309] : memref<10000xf32, #tpu.memory_space<vmem>>[vector<16xi32>], vector<16xf32>,
        %gather3A_315 = tpu.vector_load_idx %arg8[%get3A_313] : memref<10000xf32, #tpu.memory_space<vmem>>[vector<16xi32>], vector<16xf32>,
        %add3A_316 = arith.addf %gather3A_314, %gather3A_315 : vector<16xf32>
        %swap3A_317 = arith.constant 3 : i32
        %swap3A_318 = arith.index_cast %swap3A_317 : i32 to index
        %swap3A_319 = arith.constant 16 : index
        %swap3A_320 = tpu.vector_load %arg11[%swap3A_318, %swap3A_319] {strides = array<i32>} : memref<4x128xf32, #tpu.memory_space<vmem>>, vector<16xf32>,
        tpu.vector_store %arg11[%swap3A_318, %swap3A_319], %add3A_316 {strides = array<i32>} : memref<4x128xf32, #tpu.memory_space<vmem>>, vector<16xf32>,
        %get3A_321 = arith.constant 3 : i32
        %get3A_322 = arith.index_cast %get3A_321 : i32 to index
        %get3A_323 = arith.constant 32 : index
        %get3A_324 = tpu.vector_load %arg9[%get3A_322, %get3A_323] {strides = array<i32>} : memref<4x128xi32, #tpu.memory_space<vmem>>, vector<16xi32>,
        %get3A_325 = arith.constant 3 : i32
        %get3A_326 = arith.index_cast %get3A_325 : i32 to index
        %get3A_327 = arith.constant 32 : index
        %get3A_328 = tpu.vector_load %arg10[%get3A_326, %get3A_327] {strides = array<i32>} : memref<4x128xi32, #tpu.memory_space<vmem>>, vector<16xi32>,
        %gather3A_329 = tpu.vector_load_idx %arg7[%get3A_324] : memref<10000xf32, #tpu.memory_space<vmem>>[vector<16xi32>], vector<16xf32>,
        %gather3A_330 = tpu.vector_load_idx %arg8[%get3A_328] : memref<10000xf32, #tpu.memory_space<vmem>>[vector<16xi32>], vector<16xf32>,
        %add3A_331 = arith.addf %gather3A_329, %gather3A_330 : vector<16xf32>
        %swap3A_332 = arith.constant 3 : i32
        %swap3A_333 = arith.index_cast %swap3A_332 : i32 to index
        %swap3A_334 = arith.constant 32 : index
        %swap3A_335 = tpu.vector_load %arg11[%swap3A_333, %swap3A_334] {strides = array<i32>} : memref<4x128xf32, #tpu.memory_space<vmem>>, vector<16xf32>,
        tpu.vector_store %arg11[%swap3A_333, %swap3A_334], %add3A_331 {strides = array<i32>} : memref<4x128xf32, #tpu.memory_space<vmem>>, vector<16xf32>,
        %get3A_336 = arith.constant 3 : i32
        %get3A_337 = arith.index_cast %get3A_336 : i32 to index
        %get3A_338 = arith.constant 48 : index
        %get3A_339 = tpu.vector_load %arg9[%get3A_337, %get3A_338] {strides = array<i32>} : memref<4x128xi32, #tpu.memory_space<vmem>>, vector<16xi32>,
        %get3A_340 = arith.constant 3 : i32
        %get3A_341 = arith.index_cast %get3A_340 : i32 to index
        %get3A_342 = arith.constant 48 : index
        %get3A_343 = tpu.vector_load %arg10[%get3A_341, %get3A_342] {strides = array<i32>} : memref<4x128xi32, #tpu.memory_space<vmem>>, vector<16xi32>,
        %gather3A_344 = tpu.vector_load_idx %arg7[%get3A_339] : memref<10000xf32, #tpu.memory_space<vmem>>[vector<16xi32>], vector<16xf32>,
        %gather3A_345 = tpu.vector_load_idx %arg8[%get3A_343] : memref<10000xf32, #tpu.memory_space<vmem>>[vector<16xi32>], vector<16xf32>,
        %add3A_346 = arith.addf %gather3A_344, %gather3A_345 : vector<16xf32>
        %swap3A_347 = arith.constant 3 : i32
        %swap3A_348 = arith.index_cast %swap3A_347 : i32 to index
        %swap3A_349 = arith.constant 48 : index
        %swap3A_350 = tpu.vector_load %arg11[%swap3A_348, %swap3A_349] {strides = array<i32>} : memref<4x128xf32, #tpu.memory_space<vmem>>, vector<16xf32>,
        tpu.vector_store %arg11[%swap3A_348, %swap3A_349], %add3A_346 {strides = array<i32>} : memref<4x128xf32, #tpu.memory_space<vmem>>, vector<16xf32>,
        %get3A_351 = arith.constant 3 : i32
        %get3A_352 = arith.index_cast %get3A_351 : i32 to index
        %get3A_353 = arith.constant 64 : index
        %get3A_354 = tpu.vector_load %arg9[%get3A_352, %get3A_353] {strides = array<i32>} : memref<4x128xi32, #tpu.memory_space<vmem>>, vector<16xi32>,
        %get3A_355 = arith.constant 3 : i32
        %get3A_356 = arith.index_cast %get3A_355 : i32 to index
        %get3A_357 = arith.constant 64 : index
        %get3A_358 = tpu.vector_load %arg10[%get3A_356, %get3A_357] {strides = array<i32>} : memref<4x128xi32, #tpu.memory_space<vmem>>, vector<16xi32>,
        %gather3A_359 = tpu.vector_load_idx %arg7[%get3A_354] : memref<10000xf32, #tpu.memory_space<vmem>>[vector<16xi32>], vector<16xf32>,
        %gather3A_360 = tpu.vector_load_idx %arg8[%get3A_358] : memref<10000xf32, #tpu.memory_space<vmem>>[vector<16xi32>], vector<16xf32>,
        %add3A_361 = arith.addf %gather3A_359, %gather3A_360 : vector<16xf32>
        %swap3A_362 = arith.constant 3 : i32
        %swap3A_363 = arith.index_cast %swap3A_362 : i32 to index
        %swap3A_364 = arith.constant 64 : index
        %swap3A_365 = tpu.vector_load %arg11[%swap3A_363, %swap3A_364] {strides = array<i32>} : memref<4x128xf32, #tpu.memory_space<vmem>>, vector<16xf32>,
        tpu.vector_store %arg11[%swap3A_363, %swap3A_364], %add3A_361 {strides = array<i32>} : memref<4x128xf32, #tpu.memory_space<vmem>>, vector<16xf32>,
        %get3A_366 = arith.constant 3 : i32
        %get3A_367 = arith.index_cast %get3A_366 : i32 to index
        %get3A_368 = arith.constant 80 : index
        %get3A_369 = tpu.vector_load %arg9[%get3A_367, %get3A_368] {strides = array<i32>} : memref<4x128xi32, #tpu.memory_space<vmem>>, vector<16xi32>,
        %get3A_370 = arith.constant 3 : i32
        %get3A_371 = arith.index_cast %get3A_370 : i32 to index
        %get3A_372 = arith.constant 80 : index
        %get3A_373 = tpu.vector_load %arg10[%get3A_371, %get3A_372] {strides = array<i32>} : memref<4x128xi32, #tpu.memory_space<vmem>>, vector<16xi32>,
        %gather3A_374 = tpu.vector_load_idx %arg7[%get3A_369] : memref<10000xf32, #tpu.memory_space<vmem>>[vector<16xi32>], vector<16xf32>,
        %gather3A_375 = tpu.vector_load_idx %arg8[%get3A_373] : memref<10000xf32, #tpu.memory_space<vmem>>[vector<16xi32>], vector<16xf32>,
        %add3A_376 = arith.addf %gather3A_374, %gather3A_375 : vector<16xf32>
        %swap3A_377 = arith.constant 3 : i32
        %swap3A_378 = arith.index_cast %swap3A_377 : i32 to index
        %swap3A_379 = arith.constant 80 : index
        %swap3A_380 = tpu.vector_load %arg11[%swap3A_378, %swap3A_379] {strides = array<i32>} : memref<4x128xf32, #tpu.memory_space<vmem>>, vector<16xf32>,
        tpu.vector_store %arg11[%swap3A_378, %swap3A_379], %add3A_376 {strides = array<i32>} : memref<4x128xf32, #tpu.memory_space<vmem>>, vector<16xf32>,
        %get3A_381 = arith.constant 3 : i32
        %get3A_382 = arith.index_cast %get3A_381 : i32 to index
        %get3A_383 = arith.constant 96 : index
        %get3A_384 = tpu.vector_load %arg9[%get3A_382, %get3A_383] {strides = array<i32>} : memref<4x128xi32, #tpu.memory_space<vmem>>, vector<16xi32>,
        %get3A_385 = arith.constant 3 : i32
        %get3A_386 = arith.index_cast %get3A_385 : i32 to index
        %get3A_387 = arith.constant 96 : index
        %get3A_388 = tpu.vector_load %arg10[%get3A_386, %get3A_387] {strides = array<i32>} : memref<4x128xi32, #tpu.memory_space<vmem>>, vector<16xi32>,
        %gather3A_389 = tpu.vector_load_idx %arg7[%get3A_384] : memref<10000xf32, #tpu.memory_space<vmem>>[vector<16xi32>], vector<16xf32>,
        %gather3A_390 = tpu.vector_load_idx %arg8[%get3A_388] : memref<10000xf32, #tpu.memory_space<vmem>>[vector<16xi32>], vector<16xf32>,
        %add3A_391 = arith.addf %gather3A_389, %gather3A_390 : vector<16xf32>
        %swap3A_392 = arith.constant 3 : i32
        %swap3A_393 = arith.index_cast %swap3A_392 : i32 to index
        %swap3A_394 = arith.constant 96 : index
        %swap3A_395 = tpu.vector_load %arg11[%swap3A_393, %swap3A_394] {strides = array<i32>} : memref<4x128xf32, #tpu.memory_space<vmem>>, vector<16xf32>,
        tpu.vector_store %arg11[%swap3A_393, %swap3A_394], %add3A_391 {strides = array<i32>} : memref<4x128xf32, #tpu.memory_space<vmem>>, vector<16xf32>,
        %get3A_396 = arith.constant 3 : i32
        %get3A_397 = arith.index_cast %get3A_396 : i32 to index
        %get3A_398 = arith.constant 112 : index
        %get3A_399 = tpu.vector_load %arg9[%get3A_397, %get3A_398] {strides = array<i32>} : memref<4x128xi32, #tpu.memory_space<vmem>>, vector<16xi32>,
        %get3A_400 = arith.constant 3 : i32
        %get3A_401 = arith.index_cast %get3A_400 : i32 to index
        %get3A_402 = arith.constant 112 : index
        %get3A_403 = tpu.vector_load %arg10[%get3A_401, %get3A_402] {strides = array<i32>} : memref<4x128xi32, #tpu.memory_space<vmem>>, vector<16xi32>,
        %gather3A_404 = tpu.vector_load_idx %arg7[%get3A_399] : memref<10000xf32, #tpu.memory_space<vmem>>[vector<16xi32>], vector<16xf32>,
        %gather3A_405 = tpu.vector_load_idx %arg8[%get3A_403] : memref<10000xf32, #tpu.memory_space<vmem>>[vector<16xi32>], vector<16xf32>,
        %add3A_406 = arith.addf %gather3A_404, %gather3A_405 : vector<16xf32>
        %swap3A_407 = arith.constant 3 : i32
        %swap3A_408 = arith.index_cast %swap3A_407 : i32 to index
        %swap3A_409 = arith.constant 112 : index
        %swap3A_410 = tpu.vector_load %arg11[%swap3A_408, %swap3A_409] {strides = array<i32>} : memref<4x128xf32, #tpu.memory_space<vmem>>, vector<16xf32>,
        tpu.vector_store %arg11[%swap3A_408, %swap3A_409], %add3A_406 {strides = array<i32>} : memref<4x128xf32, #tpu.memory_space<vmem>>, vector<16xf32>,
        %dma_start3A = arith.constant 3 : i32
        %dma_start3A_411 = arith.constant 0 : i32
        %dma_start3A_412 = tpu.memref_slice %arg11[%dma_start3A, %dma_start3A_411] : memref<4x128xf32, #tpu.memory_space<vmem>> -> memref<1x128xf32, #tpu.memory_space<vmem>>
        %dma_start3A_413 = tpu.memref_squeeze %dma_start3A_412 : memref<1x128xf32, #tpu.memory_space<vmem>> -> memref<128xf32, #tpu.memory_space<vmem>>
        %dma_start3A_414 = tpu.memref_slice %arg6[%mul3A_293] : memref<160000xf32, #tpu.memory_space<hbm>> -> memref<128xf32, #tpu.memory_space<hbm>>
        %dma_start3A_415 = tpu.memref_slice %arg6[%mul3A_293] : memref<160000xf32, #tpu.memory_space<hbm>> -> memref<128xf32, #tpu.memory_space<hbm>>
        %dma_start3A_416 = arith.constant 0 : i32
        %dma_start3A_417 = tpu.memref_slice %arg11[%dma_start3A, %dma_start3A_416] : memref<4x128xf32, #tpu.memory_space<vmem>> -> memref<1x128xf32, #tpu.memory_space<vmem>>
        %dma_start3A_418 = tpu.memref_squeeze %dma_start3A_417 : memref<1x128xf32, #tpu.memory_space<vmem>> -> memref<128xf32, #tpu.memory_space<vmem>>
        tpu.enqueue_dma source(%dma_start3A_418 : memref<128xf32, #tpu.memory_space<vmem>>) target(%dma_start3A_415 : memref<128xf32, #tpu.memory_space<hbm>>) target_semaphore(%arg14 : memref<!tpu.dma_semaphore, #tpu.memory_space<semaphore_mem>>)
      } else {
      }
      %mul3A_244 = arith.constant 4 : i32
      %mul3A_245 = arith.muli %scan3A_6, %mul3A_244 : i32
      %add3A_246 = arith.constant 0 : i32
      %add3A_247 = arith.addi %mul3A_245, %add3A_246 : i32
      %mul3A_248 = arith.constant 32 : i32
      %mul3A_249 = arith.muli %add3A_247, %mul3A_248 : i32
      %add3A_250 = arith.addi %add3A, %mul3A_249 : i32
      %lt3A_251 = arith.constant 1250 : i32
      %lt3A_252 = arith.cmpi slt, %add3A_250, %lt3A_251 : i32
      %convert_element_type3A_253 = arith.extui %lt3A_252 : i1 to i32
      %cond3A_254 = arith.constant 0 : i32
      %cond3A_255 = arith.cmpi ne, %convert_element_type3A_253, %cond3A_254 : i32
      scf.if %cond3A_255 {
        %mul3A_292 = arith.constant 128 : i32
        %mul3A_293 = arith.muli %add3A_250, %mul3A_292 : i32
        %dma_wait3A = arith.constant 0 : i32
        %dma_wait3A_294 = arith.constant 0 : i32
        %dma_wait3A_295 = tpu.memref_slice %arg11[%dma_wait3A, %dma_wait3A_294] : memref<4x128xf32, #tpu.memory_space<vmem>> -> memref<1x128xf32, #tpu.memory_space<vmem>>
        %dma_wait3A_296 = tpu.memref_squeeze %dma_wait3A_295 : memref<1x128xf32, #tpu.memory_space<vmem>> -> memref<128xf32, #tpu.memory_space<vmem>>
        %dma_wait3A_297 = tpu.memref_slice %arg6[%mul3A_293] : memref<160000xf32, #tpu.memory_space<hbm>> -> memref<128xf32, #tpu.memory_space<hbm>>
        %dma_wait3A_298 = tpu.memref_slice %arg6[%mul3A_293] : memref<160000xf32, #tpu.memory_space<hbm>> -> memref<128xf32, #tpu.memory_space<hbm>>
        %dma_wait3A_299 = arith.constant 0 : i32
        %dma_wait3A_300 = tpu.memref_slice %arg11[%dma_wait3A, %dma_wait3A_299] : memref<4x128xf32, #tpu.memory_space<vmem>> -> memref<1x128xf32, #tpu.memory_space<vmem>>
        %dma_wait3A_301 = tpu.memref_squeeze %dma_wait3A_300 : memref<1x128xf32, #tpu.memory_space<vmem>> -> memref<128xf32, #tpu.memory_space<vmem>>
        tpu.wait_dma2 semaphore(%arg14 : memref<!tpu.dma_semaphore, #tpu.memory_space<semaphore_mem>>) src(%dma_wait3A_301 : memref<128xf32, #tpu.memory_space<vmem>>) dst(%dma_wait3A_298 : memref<128xf32, #tpu.memory_space<hbm>>)
      } else {
      }
      %mul3A_256 = arith.constant 4 : i32
      %mul3A_257 = arith.muli %scan3A_6, %mul3A_256 : i32
      %add3A_258 = arith.constant 1 : i32
      %add3A_259 = arith.addi %mul3A_257, %add3A_258 : i32
      %mul3A_260 = arith.constant 32 : i32
      %mul3A_261 = arith.muli %add3A_259, %mul3A_260 : i32
      %add3A_262 = arith.addi %add3A, %mul3A_261 : i32
      %lt3A_263 = arith.constant 1250 : i32
      %lt3A_264 = arith.cmpi slt, %add3A_262, %lt3A_263 : i32
      %convert_element_type3A_265 = arith.extui %lt3A_264 : i1 to i32
      %cond3A_266 = arith.constant 0 : i32
      %cond3A_267 = arith.cmpi ne, %convert_element_type3A_265, %cond3A_266 : i32
      scf.if %cond3A_267 {
        %mul3A_292 = arith.constant 128 : i32
        %mul3A_293 = arith.muli %add3A_262, %mul3A_292 : i32
        %dma_wait3A = arith.constant 1 : i32
        %dma_wait3A_294 = arith.constant 0 : i32
        %dma_wait3A_295 = tpu.memref_slice %arg11[%dma_wait3A, %dma_wait3A_294] : memref<4x128xf32, #tpu.memory_space<vmem>> -> memref<1x128xf32, #tpu.memory_space<vmem>>
        %dma_wait3A_296 = tpu.memref_squeeze %dma_wait3A_295 : memref<1x128xf32, #tpu.memory_space<vmem>> -> memref<128xf32, #tpu.memory_space<vmem>>
        %dma_wait3A_297 = tpu.memref_slice %arg6[%mul3A_293] : memref<160000xf32, #tpu.memory_space<hbm>> -> memref<128xf32, #tpu.memory_space<hbm>>
        %dma_wait3A_298 = tpu.memref_slice %arg6[%mul3A_293] : memref<160000xf32, #tpu.memory_space<hbm>> -> memref<128xf32, #tpu.memory_space<hbm>>
        %dma_wait3A_299 = arith.constant 0 : i32
        %dma_wait3A_300 = tpu.memref_slice %arg11[%dma_wait3A, %dma_wait3A_299] : memref<4x128xf32, #tpu.memory_space<vmem>> -> memref<1x128xf32, #tpu.memory_space<vmem>>
        %dma_wait3A_301 = tpu.memref_squeeze %dma_wait3A_300 : memref<1x128xf32, #tpu.memory_space<vmem>> -> memref<128xf32, #tpu.memory_space<vmem>>
        tpu.wait_dma2 semaphore(%arg14 : memref<!tpu.dma_semaphore, #tpu.memory_space<semaphore_mem>>) src(%dma_wait3A_301 : memref<128xf32, #tpu.memory_space<vmem>>) dst(%dma_wait3A_298 : memref<128xf32, #tpu.memory_space<hbm>>)
      } else {
      }
      %mul3A_268 = arith.constant 4 : i32
      %mul3A_269 = arith.muli %scan3A_6, %mul3A_268 : i32
      %add3A_270 = arith.constant 2 : i32
      %add3A_271 = arith.addi %mul3A_269, %add3A_270 : i32
      %mul3A_272 = arith.constant 32 : i32
      %mul3A_273 = arith.muli %add3A_271, %mul3A_272 : i32
      %add3A_274 = arith.addi %add3A, %mul3A_273 : i32
      %lt3A_275 = arith.constant 1250 : i32
      %lt3A_276 = arith.cmpi slt, %add3A_274, %lt3A_275 : i32
      %convert_element_type3A_277 = arith.extui %lt3A_276 : i1 to i32
      %cond3A_278 = arith.constant 0 : i32
      %cond3A_279 = arith.cmpi ne, %convert_element_type3A_277, %cond3A_278 : i32
      scf.if %cond3A_279 {
        %mul3A_292 = arith.constant 128 : i32
        %mul3A_293 = arith.muli %add3A_274, %mul3A_292 : i32
        %dma_wait3A = arith.constant 2 : i32
        %dma_wait3A_294 = arith.constant 0 : i32
        %dma_wait3A_295 = tpu.memref_slice %arg11[%dma_wait3A, %dma_wait3A_294] : memref<4x128xf32, #tpu.memory_space<vmem>> -> memref<1x128xf32, #tpu.memory_space<vmem>>
        %dma_wait3A_296 = tpu.memref_squeeze %dma_wait3A_295 : memref<1x128xf32, #tpu.memory_space<vmem>> -> memref<128xf32, #tpu.memory_space<vmem>>
        %dma_wait3A_297 = tpu.memref_slice %arg6[%mul3A_293] : memref<160000xf32, #tpu.memory_space<hbm>> -> memref<128xf32, #tpu.memory_space<hbm>>
        %dma_wait3A_298 = tpu.memref_slice %arg6[%mul3A_293] : memref<160000xf32, #tpu.memory_space<hbm>> -> memref<128xf32, #tpu.memory_space<hbm>>
        %dma_wait3A_299 = arith.constant 0 : i32
        %dma_wait3A_300 = tpu.memref_slice %arg11[%dma_wait3A, %dma_wait3A_299] : memref<4x128xf32, #tpu.memory_space<vmem>> -> memref<1x128xf32, #tpu.memory_space<vmem>>
        %dma_wait3A_301 = tpu.memref_squeeze %dma_wait3A_300 : memref<1x128xf32, #tpu.memory_space<vmem>> -> memref<128xf32, #tpu.memory_space<vmem>>
        tpu.wait_dma2 semaphore(%arg14 : memref<!tpu.dma_semaphore, #tpu.memory_space<semaphore_mem>>) src(%dma_wait3A_301 : memref<128xf32, #tpu.memory_space<vmem>>) dst(%dma_wait3A_298 : memref<128xf32, #tpu.memory_space<hbm>>)
      } else {
      }
      %mul3A_280 = arith.constant 4 : i32
      %mul3A_281 = arith.muli %scan3A_6, %mul3A_280 : i32
      %add3A_282 = arith.constant 3 : i32
      %add3A_283 = arith.addi %mul3A_281, %add3A_282 : i32
      %mul3A_284 = arith.constant 32 : i32
      %mul3A_285 = arith.muli %add3A_283, %mul3A_284 : i32
      %add3A_286 = arith.addi %add3A, %mul3A_285 : i32
      %lt3A_287 = arith.constant 1250 : i32
      %lt3A_288 = arith.cmpi slt, %add3A_286, %lt3A_287 : i32
      %convert_element_type3A_289 = arith.extui %lt3A_288 : i1 to i32
      %cond3A_290 = arith.constant 0 : i32
      %cond3A_291 = arith.cmpi ne, %convert_element_type3A_289, %cond3A_290 : i32
      scf.if %cond3A_291 {
        %mul3A_292 = arith.constant 128 : i32
        %mul3A_293 = arith.muli %add3A_286, %mul3A_292 : i32
        %dma_wait3A = arith.constant 3 : i32
        %dma_wait3A_294 = arith.constant 0 : i32
        %dma_wait3A_295 = tpu.memref_slice %arg11[%dma_wait3A, %dma_wait3A_294] : memref<4x128xf32, #tpu.memory_space<vmem>> -> memref<1x128xf32, #tpu.memory_space<vmem>>
        %dma_wait3A_296 = tpu.memref_squeeze %dma_wait3A_295 : memref<1x128xf32, #tpu.memory_space<vmem>> -> memref<128xf32, #tpu.memory_space<vmem>>
        %dma_wait3A_297 = tpu.memref_slice %arg6[%mul3A_293] : memref<160000xf32, #tpu.memory_space<hbm>> -> memref<128xf32, #tpu.memory_space<hbm>>
        %dma_wait3A_298 = tpu.memref_slice %arg6[%mul3A_293] : memref<160000xf32, #tpu.memory_space<hbm>> -> memref<128xf32, #tpu.memory_space<hbm>>
        %dma_wait3A_299 = arith.constant 0 : i32
        %dma_wait3A_300 = tpu.memref_slice %arg11[%dma_wait3A, %dma_wait3A_299] : memref<4x128xf32, #tpu.memory_space<vmem>> -> memref<1x128xf32, #tpu.memory_space<vmem>>
        %dma_wait3A_301 = tpu.memref_squeeze %dma_wait3A_300 : memref<1x128xf32, #tpu.memory_space<vmem>> -> memref<128xf32, #tpu.memory_space<vmem>>
        tpu.wait_dma2 semaphore(%arg14 : memref<!tpu.dma_semaphore, #tpu.memory_space<semaphore_mem>>) src(%dma_wait3A_301 : memref<128xf32, #tpu.memory_space<vmem>>) dst(%dma_wait3A_298 : memref<128xf32, #tpu.memory_space<hbm>>)
      } else {
      }
    }
    %scan3A_5 = arith.constant 10 : i32
    return
  }
}

#map = affine_map<(d0, d1) -> (0, 0)>
#map1 = affine_map<(d0, d1) -> (0)>
#map2 = affine_map<(d0, d1) -> (0, 0, 0)>
module attributes {stable_mosaic.version = 14 : i64} {
  func.func @k(%arg0: i32, %arg1: i32, %arg2: memref<160000x16xf32, #tpu.memory_space<hbm>>, %arg3: memref<160000xi32, #tpu.memory_space<hbm>>, %arg4: memref<2x10000x16xf32, #tpu.memory_space<hbm>>, %arg5: memref<4x128xi32, #tpu.memory_space<vmem>>, %arg6: memref<4x128x16xf32, #tpu.memory_space<vmem>>, %arg7: memref<625x16xf32, #tpu.memory_space<vmem>>, %arg8: memref<10000x16xf32, #tpu.memory_space<vmem_shared>>, %arg9: memref<!tpu.dma_semaphore, #tpu.memory_space<semaphore_mem>>, %arg10: memref<!tpu.dma_semaphore, #tpu.memory_space<semaphore_mem>>) attributes {dimension_semantics = [#tpu.dimension_semantics<core_parallel>, #tpu.dimension_semantics<subcore_parallel>], iteration_bounds = array<i64: 2, 16>, scalar_prefetch = 0 : i64, scratch_operands = 6 : i64, tpu.core_type = #tpu.core_type<sc_vector_subcore>, window_params = [{transform_indices = #map}, {transform_indices = #map1}, {transform_indices = #map2}]} {
    %mul3A = arith.constant 2 : i32
    %mul3A_0 = arith.muli %arg1, %mul3A : i32
    %add3A = arith.addi %mul3A_0, %arg0 : i32
    %scan3A = arith.constant 0 : i32
    %scan3A_1 = arith.constant 0 : i32
    %scan3A_2 = arith.constant 625 : i32
    %scan3A_3 = arith.addi %scan3A_1, %scan3A_2 : i32
    %scan3A_4 = arith.constant 1 : i32
    scf.for %scan3A_17 = %scan3A_1 to %scan3A_3 step %scan3A_4  : i32 {
      %broadcast_in_dim3A = arith.constant 0.000000e+00 : f32
      %broadcast_in_dim3A_18 = vector.broadcast %broadcast_in_dim3A : f32 to vector<16xf32>
      %swap3A = arith.index_cast %scan3A_17 : i32 to index
      %swap3A_19 = arith.constant 0 : index
      %swap3A_20 = tpu.vector_load %arg7[%swap3A, %swap3A_19] {strides = array<i32>} : memref<625x16xf32, #tpu.memory_space<vmem>>, vector<16xf32>,
      tpu.vector_store %arg7[%swap3A, %swap3A_19], %broadcast_in_dim3A_18 {strides = array<i32>} : memref<625x16xf32, #tpu.memory_space<vmem>>, vector<16xf32>,
    }
    %scan3A_5 = arith.constant 625 : i32
    %mul3A_6 = arith.constant 625 : i32
    %mul3A_7 = arith.muli %arg1, %mul3A_6 : i32
    "tpu.region"() ({
      %run_scoped3A = tpu.sem_alloc : memref<!tpu.dma_semaphore, #tpu.memory_space<semaphore_mem>>
      %dma_start3A = arith.constant 0 : i32
      %dma_start3A_17 = tpu.memref_slice %arg8[%mul3A_7, %dma_start3A] : memref<10000x16xf32, #tpu.memory_space<vmem_shared>> -> memref<625x16xf32, #tpu.memory_space<vmem_shared>>
      %dma_start3A_18 = arith.constant 0 : i32
      %dma_start3A_19 = tpu.memref_slice %arg8[%mul3A_7, %dma_start3A_18] : memref<10000x16xf32, #tpu.memory_space<vmem_shared>> -> memref<625x16xf32, #tpu.memory_space<vmem_shared>>
      tpu.enqueue_dma source(%arg7 : memref<625x16xf32, #tpu.memory_space<vmem>>) target(%dma_start3A_19 : memref<625x16xf32, #tpu.memory_space<vmem_shared>>) target_semaphore(%run_scoped3A : memref<!tpu.dma_semaphore, #tpu.memory_space<semaphore_mem>>)
      %dma_wait3A = arith.constant 0 : i32
      %dma_wait3A_20 = tpu.memref_slice %arg8[%mul3A_7, %dma_wait3A] : memref<10000x16xf32, #tpu.memory_space<vmem_shared>> -> memref<625x16xf32, #tpu.memory_space<vmem_shared>>
      %dma_wait3A_21 = arith.constant 0 : i32
      %dma_wait3A_22 = tpu.memref_slice %arg8[%mul3A_7, %dma_wait3A_21] : memref<10000x16xf32, #tpu.memory_space<vmem_shared>> -> memref<625x16xf32, #tpu.memory_space<vmem_shared>>
      tpu.wait_dma2 semaphore(%run_scoped3A : memref<!tpu.dma_semaphore, #tpu.memory_space<semaphore_mem>>) src(%arg7 : memref<625x16xf32, #tpu.memory_space<vmem>>) dst(%dma_wait3A_22 : memref<625x16xf32, #tpu.memory_space<vmem_shared>>)
      tpu.yield
    }) : () -> ()
    %barrier3A = arith.constant 0 : index
    tpu.barrier barrier_id(%barrier3A)
    %scan3A_8 = arith.constant 0 : i32
    %scan3A_9 = arith.constant 0 : i32
    %scan3A_10 = arith.constant 10 : i32
    %scan3A_11 = arith.addi %scan3A_9, %scan3A_10 : i32
    %scan3A_12 = arith.constant 1 : i32
    scf.for %scan3A_17 = %scan3A_9 to %scan3A_11 step %scan3A_12  : i32 {
      %mul3A_18 = arith.constant 4 : i32
      %mul3A_19 = arith.muli %scan3A_17, %mul3A_18 : i32
      %add3A_20 = arith.constant 0 : i32
      %add3A_21 = arith.addi %mul3A_19, %add3A_20 : i32
      %mul3A_22 = arith.constant 32 : i32
      %mul3A_23 = arith.muli %add3A_21, %mul3A_22 : i32
      %add3A_24 = arith.addi %add3A, %mul3A_23 : i32
      %lt3A = arith.constant 1250 : i32
      %lt3A_25 = arith.cmpi slt, %add3A_24, %lt3A : i32
      %convert_element_type3A_26 = arith.extui %lt3A_25 : i1 to i32
      %cond3A_27 = arith.constant 0 : i32
      %cond3A_28 = arith.cmpi ne, %convert_element_type3A_26, %cond3A_27 : i32
      scf.if %cond3A_28 {
        %mul3A_257 = arith.constant 128 : i32
        %mul3A_258 = arith.muli %add3A_24, %mul3A_257 : i32
        %dma_start3A = arith.constant 0 : i32
        %dma_start3A_259 = arith.constant 0 : i32
        %dma_start3A_260 = tpu.memref_slice %arg5[%dma_start3A, %dma_start3A_259] : memref<4x128xi32, #tpu.memory_space<vmem>> -> memref<1x128xi32, #tpu.memory_space<vmem>>
        %dma_start3A_261 = tpu.memref_squeeze %dma_start3A_260 : memref<1x128xi32, #tpu.memory_space<vmem>> -> memref<128xi32, #tpu.memory_space<vmem>>
        %dma_start3A_262 = tpu.memref_slice %arg3[%mul3A_258] : memref<160000xi32, #tpu.memory_space<hbm>> -> memref<128xi32, #tpu.memory_space<hbm>>
        %dma_start3A_263 = arith.constant 0 : i32
        %dma_start3A_264 = tpu.memref_slice %arg5[%dma_start3A, %dma_start3A_263] : memref<4x128xi32, #tpu.memory_space<vmem>> -> memref<1x128xi32, #tpu.memory_space<vmem>>
        %dma_start3A_265 = tpu.memref_squeeze %dma_start3A_264 : memref<1x128xi32, #tpu.memory_space<vmem>> -> memref<128xi32, #tpu.memory_space<vmem>>
        %dma_start3A_266 = tpu.memref_slice %arg3[%mul3A_258] : memref<160000xi32, #tpu.memory_space<hbm>> -> memref<128xi32, #tpu.memory_space<hbm>>
        tpu.enqueue_dma source(%dma_start3A_266 : memref<128xi32, #tpu.memory_space<hbm>>) target(%dma_start3A_265 : memref<128xi32, #tpu.memory_space<vmem>>) target_semaphore(%arg9 : memref<!tpu.dma_semaphore, #tpu.memory_space<semaphore_mem>>)
      } else {
      }
      %mul3A_29 = arith.constant 4 : i32
      %mul3A_30 = arith.muli %scan3A_17, %mul3A_29 : i32
      %add3A_31 = arith.constant 1 : i32
      %add3A_32 = arith.addi %mul3A_30, %add3A_31 : i32
      %mul3A_33 = arith.constant 32 : i32
      %mul3A_34 = arith.muli %add3A_32, %mul3A_33 : i32
      %add3A_35 = arith.addi %add3A, %mul3A_34 : i32
      %lt3A_36 = arith.constant 1250 : i32
      %lt3A_37 = arith.cmpi slt, %add3A_35, %lt3A_36 : i32
      %convert_element_type3A_38 = arith.extui %lt3A_37 : i1 to i32
      %cond3A_39 = arith.constant 0 : i32
      %cond3A_40 = arith.cmpi ne, %convert_element_type3A_38, %cond3A_39 : i32
      scf.if %cond3A_40 {
        %mul3A_257 = arith.constant 128 : i32
        %mul3A_258 = arith.muli %add3A_35, %mul3A_257 : i32
        %dma_start3A = arith.constant 1 : i32
        %dma_start3A_259 = arith.constant 0 : i32
        %dma_start3A_260 = tpu.memref_slice %arg5[%dma_start3A, %dma_start3A_259] : memref<4x128xi32, #tpu.memory_space<vmem>> -> memref<1x128xi32, #tpu.memory_space<vmem>>
        %dma_start3A_261 = tpu.memref_squeeze %dma_start3A_260 : memref<1x128xi32, #tpu.memory_space<vmem>> -> memref<128xi32, #tpu.memory_space<vmem>>
        %dma_start3A_262 = tpu.memref_slice %arg3[%mul3A_258] : memref<160000xi32, #tpu.memory_space<hbm>> -> memref<128xi32, #tpu.memory_space<hbm>>
        %dma_start3A_263 = arith.constant 0 : i32
        %dma_start3A_264 = tpu.memref_slice %arg5[%dma_start3A, %dma_start3A_263] : memref<4x128xi32, #tpu.memory_space<vmem>> -> memref<1x128xi32, #tpu.memory_space<vmem>>
        %dma_start3A_265 = tpu.memref_squeeze %dma_start3A_264 : memref<1x128xi32, #tpu.memory_space<vmem>> -> memref<128xi32, #tpu.memory_space<vmem>>
        %dma_start3A_266 = tpu.memref_slice %arg3[%mul3A_258] : memref<160000xi32, #tpu.memory_space<hbm>> -> memref<128xi32, #tpu.memory_space<hbm>>
        tpu.enqueue_dma source(%dma_start3A_266 : memref<128xi32, #tpu.memory_space<hbm>>) target(%dma_start3A_265 : memref<128xi32, #tpu.memory_space<vmem>>) target_semaphore(%arg9 : memref<!tpu.dma_semaphore, #tpu.memory_space<semaphore_mem>>)
      } else {
      }
      %mul3A_41 = arith.constant 4 : i32
      %mul3A_42 = arith.muli %scan3A_17, %mul3A_41 : i32
      %add3A_43 = arith.constant 2 : i32
      %add3A_44 = arith.addi %mul3A_42, %add3A_43 : i32
      %mul3A_45 = arith.constant 32 : i32
      %mul3A_46 = arith.muli %add3A_44, %mul3A_45 : i32
      %add3A_47 = arith.addi %add3A, %mul3A_46 : i32
      %lt3A_48 = arith.constant 1250 : i32
      %lt3A_49 = arith.cmpi slt, %add3A_47, %lt3A_48 : i32
      %convert_element_type3A_50 = arith.extui %lt3A_49 : i1 to i32
      %cond3A_51 = arith.constant 0 : i32
      %cond3A_52 = arith.cmpi ne, %convert_element_type3A_50, %cond3A_51 : i32
      scf.if %cond3A_52 {
        %mul3A_257 = arith.constant 128 : i32
        %mul3A_258 = arith.muli %add3A_47, %mul3A_257 : i32
        %dma_start3A = arith.constant 2 : i32
        %dma_start3A_259 = arith.constant 0 : i32
        %dma_start3A_260 = tpu.memref_slice %arg5[%dma_start3A, %dma_start3A_259] : memref<4x128xi32, #tpu.memory_space<vmem>> -> memref<1x128xi32, #tpu.memory_space<vmem>>
        %dma_start3A_261 = tpu.memref_squeeze %dma_start3A_260 : memref<1x128xi32, #tpu.memory_space<vmem>> -> memref<128xi32, #tpu.memory_space<vmem>>
        %dma_start3A_262 = tpu.memref_slice %arg3[%mul3A_258] : memref<160000xi32, #tpu.memory_space<hbm>> -> memref<128xi32, #tpu.memory_space<hbm>>
        %dma_start3A_263 = arith.constant 0 : i32
        %dma_start3A_264 = tpu.memref_slice %arg5[%dma_start3A, %dma_start3A_263] : memref<4x128xi32, #tpu.memory_space<vmem>> -> memref<1x128xi32, #tpu.memory_space<vmem>>
        %dma_start3A_265 = tpu.memref_squeeze %dma_start3A_264 : memref<1x128xi32, #tpu.memory_space<vmem>> -> memref<128xi32, #tpu.memory_space<vmem>>
        %dma_start3A_266 = tpu.memref_slice %arg3[%mul3A_258] : memref<160000xi32, #tpu.memory_space<hbm>> -> memref<128xi32, #tpu.memory_space<hbm>>
        tpu.enqueue_dma source(%dma_start3A_266 : memref<128xi32, #tpu.memory_space<hbm>>) target(%dma_start3A_265 : memref<128xi32, #tpu.memory_space<vmem>>) target_semaphore(%arg9 : memref<!tpu.dma_semaphore, #tpu.memory_space<semaphore_mem>>)
      } else {
      }
      %mul3A_53 = arith.constant 4 : i32
      %mul3A_54 = arith.muli %scan3A_17, %mul3A_53 : i32
      %add3A_55 = arith.constant 3 : i32
      %add3A_56 = arith.addi %mul3A_54, %add3A_55 : i32
      %mul3A_57 = arith.constant 32 : i32
      %mul3A_58 = arith.muli %add3A_56, %mul3A_57 : i32
      %add3A_59 = arith.addi %add3A, %mul3A_58 : i32
      %lt3A_60 = arith.constant 1250 : i32
      %lt3A_61 = arith.cmpi slt, %add3A_59, %lt3A_60 : i32
      %convert_element_type3A_62 = arith.extui %lt3A_61 : i1 to i32
      %cond3A_63 = arith.constant 0 : i32
      %cond3A_64 = arith.cmpi ne, %convert_element_type3A_62, %cond3A_63 : i32
      scf.if %cond3A_64 {
        %mul3A_257 = arith.constant 128 : i32
        %mul3A_258 = arith.muli %add3A_59, %mul3A_257 : i32
        %dma_start3A = arith.constant 3 : i32
        %dma_start3A_259 = arith.constant 0 : i32
        %dma_start3A_260 = tpu.memref_slice %arg5[%dma_start3A, %dma_start3A_259] : memref<4x128xi32, #tpu.memory_space<vmem>> -> memref<1x128xi32, #tpu.memory_space<vmem>>
        %dma_start3A_261 = tpu.memref_squeeze %dma_start3A_260 : memref<1x128xi32, #tpu.memory_space<vmem>> -> memref<128xi32, #tpu.memory_space<vmem>>
        %dma_start3A_262 = tpu.memref_slice %arg3[%mul3A_258] : memref<160000xi32, #tpu.memory_space<hbm>> -> memref<128xi32, #tpu.memory_space<hbm>>
        %dma_start3A_263 = arith.constant 0 : i32
        %dma_start3A_264 = tpu.memref_slice %arg5[%dma_start3A, %dma_start3A_263] : memref<4x128xi32, #tpu.memory_space<vmem>> -> memref<1x128xi32, #tpu.memory_space<vmem>>
        %dma_start3A_265 = tpu.memref_squeeze %dma_start3A_264 : memref<1x128xi32, #tpu.memory_space<vmem>> -> memref<128xi32, #tpu.memory_space<vmem>>
        %dma_start3A_266 = tpu.memref_slice %arg3[%mul3A_258] : memref<160000xi32, #tpu.memory_space<hbm>> -> memref<128xi32, #tpu.memory_space<hbm>>
        tpu.enqueue_dma source(%dma_start3A_266 : memref<128xi32, #tpu.memory_space<hbm>>) target(%dma_start3A_265 : memref<128xi32, #tpu.memory_space<vmem>>) target_semaphore(%arg9 : memref<!tpu.dma_semaphore, #tpu.memory_space<semaphore_mem>>)
      } else {
      }
      %mul3A_65 = arith.constant 4 : i32
      %mul3A_66 = arith.muli %scan3A_17, %mul3A_65 : i32
      %add3A_67 = arith.constant 0 : i32
      %add3A_68 = arith.addi %mul3A_66, %add3A_67 : i32
      %mul3A_69 = arith.constant 32 : i32
      %mul3A_70 = arith.muli %add3A_68, %mul3A_69 : i32
      %add3A_71 = arith.addi %add3A, %mul3A_70 : i32
      %lt3A_72 = arith.constant 1250 : i32
      %lt3A_73 = arith.cmpi slt, %add3A_71, %lt3A_72 : i32
      %convert_element_type3A_74 = arith.extui %lt3A_73 : i1 to i32
      %cond3A_75 = arith.constant 0 : i32
      %cond3A_76 = arith.cmpi ne, %convert_element_type3A_74, %cond3A_75 : i32
      scf.if %cond3A_76 {
        %mul3A_257 = arith.constant 128 : i32
        %mul3A_258 = arith.muli %add3A_71, %mul3A_257 : i32
        %dma_start3A = arith.constant 0 : i32
        %dma_start3A_259 = arith.constant 0 : i32
        %dma_start3A_260 = arith.constant 0 : i32
        %dma_start3A_261 = tpu.memref_slice %arg6[%dma_start3A, %dma_start3A_259, %dma_start3A_260] : memref<4x128x16xf32, #tpu.memory_space<vmem>> -> memref<1x128x16xf32, #tpu.memory_space<vmem>>
        %dma_start3A_262 = tpu.memref_squeeze %dma_start3A_261 : memref<1x128x16xf32, #tpu.memory_space<vmem>> -> memref<128x16xf32, #tpu.memory_space<vmem>>
        %dma_start3A_263 = arith.constant 0 : i32
        %dma_start3A_264 = tpu.memref_slice %arg2[%mul3A_258, %dma_start3A_263] : memref<160000x16xf32, #tpu.memory_space<hbm>> -> memref<128x16xf32, #tpu.memory_space<hbm>>
        %dma_start3A_265 = arith.constant 0 : i32
        %dma_start3A_266 = arith.constant 0 : i32
        %dma_start3A_267 = tpu.memref_slice %arg6[%dma_start3A, %dma_start3A_265, %dma_start3A_266] : memref<4x128x16xf32, #tpu.memory_space<vmem>> -> memref<1x128x16xf32, #tpu.memory_space<vmem>>
        %dma_start3A_268 = tpu.memref_squeeze %dma_start3A_267 : memref<1x128x16xf32, #tpu.memory_space<vmem>> -> memref<128x16xf32, #tpu.memory_space<vmem>>
        %dma_start3A_269 = arith.constant 0 : i32
        %dma_start3A_270 = tpu.memref_slice %arg2[%mul3A_258, %dma_start3A_269] : memref<160000x16xf32, #tpu.memory_space<hbm>> -> memref<128x16xf32, #tpu.memory_space<hbm>>
        tpu.enqueue_dma source(%dma_start3A_270 : memref<128x16xf32, #tpu.memory_space<hbm>>) target(%dma_start3A_268 : memref<128x16xf32, #tpu.memory_space<vmem>>) target_semaphore(%arg10 : memref<!tpu.dma_semaphore, #tpu.memory_space<semaphore_mem>>)
      } else {
      }
      %mul3A_77 = arith.constant 4 : i32
      %mul3A_78 = arith.muli %scan3A_17, %mul3A_77 : i32
      %add3A_79 = arith.constant 1 : i32
      %add3A_80 = arith.addi %mul3A_78, %add3A_79 : i32
      %mul3A_81 = arith.constant 32 : i32
      %mul3A_82 = arith.muli %add3A_80, %mul3A_81 : i32
      %add3A_83 = arith.addi %add3A, %mul3A_82 : i32
      %lt3A_84 = arith.constant 1250 : i32
      %lt3A_85 = arith.cmpi slt, %add3A_83, %lt3A_84 : i32
      %convert_element_type3A_86 = arith.extui %lt3A_85 : i1 to i32
      %cond3A_87 = arith.constant 0 : i32
      %cond3A_88 = arith.cmpi ne, %convert_element_type3A_86, %cond3A_87 : i32
      scf.if %cond3A_88 {
        %mul3A_257 = arith.constant 128 : i32
        %mul3A_258 = arith.muli %add3A_83, %mul3A_257 : i32
        %dma_start3A = arith.constant 1 : i32
        %dma_start3A_259 = arith.constant 0 : i32
        %dma_start3A_260 = arith.constant 0 : i32
        %dma_start3A_261 = tpu.memref_slice %arg6[%dma_start3A, %dma_start3A_259, %dma_start3A_260] : memref<4x128x16xf32, #tpu.memory_space<vmem>> -> memref<1x128x16xf32, #tpu.memory_space<vmem>>
        %dma_start3A_262 = tpu.memref_squeeze %dma_start3A_261 : memref<1x128x16xf32, #tpu.memory_space<vmem>> -> memref<128x16xf32, #tpu.memory_space<vmem>>
        %dma_start3A_263 = arith.constant 0 : i32
        %dma_start3A_264 = tpu.memref_slice %arg2[%mul3A_258, %dma_start3A_263] : memref<160000x16xf32, #tpu.memory_space<hbm>> -> memref<128x16xf32, #tpu.memory_space<hbm>>
        %dma_start3A_265 = arith.constant 0 : i32
        %dma_start3A_266 = arith.constant 0 : i32
        %dma_start3A_267 = tpu.memref_slice %arg6[%dma_start3A, %dma_start3A_265, %dma_start3A_266] : memref<4x128x16xf32, #tpu.memory_space<vmem>> -> memref<1x128x16xf32, #tpu.memory_space<vmem>>
        %dma_start3A_268 = tpu.memref_squeeze %dma_start3A_267 : memref<1x128x16xf32, #tpu.memory_space<vmem>> -> memref<128x16xf32, #tpu.memory_space<vmem>>
        %dma_start3A_269 = arith.constant 0 : i32
        %dma_start3A_270 = tpu.memref_slice %arg2[%mul3A_258, %dma_start3A_269] : memref<160000x16xf32, #tpu.memory_space<hbm>> -> memref<128x16xf32, #tpu.memory_space<hbm>>
        tpu.enqueue_dma source(%dma_start3A_270 : memref<128x16xf32, #tpu.memory_space<hbm>>) target(%dma_start3A_268 : memref<128x16xf32, #tpu.memory_space<vmem>>) target_semaphore(%arg10 : memref<!tpu.dma_semaphore, #tpu.memory_space<semaphore_mem>>)
      } else {
      }
      %mul3A_89 = arith.constant 4 : i32
      %mul3A_90 = arith.muli %scan3A_17, %mul3A_89 : i32
      %add3A_91 = arith.constant 2 : i32
      %add3A_92 = arith.addi %mul3A_90, %add3A_91 : i32
      %mul3A_93 = arith.constant 32 : i32
      %mul3A_94 = arith.muli %add3A_92, %mul3A_93 : i32
      %add3A_95 = arith.addi %add3A, %mul3A_94 : i32
      %lt3A_96 = arith.constant 1250 : i32
      %lt3A_97 = arith.cmpi slt, %add3A_95, %lt3A_96 : i32
      %convert_element_type3A_98 = arith.extui %lt3A_97 : i1 to i32
      %cond3A_99 = arith.constant 0 : i32
      %cond3A_100 = arith.cmpi ne, %convert_element_type3A_98, %cond3A_99 : i32
      scf.if %cond3A_100 {
        %mul3A_257 = arith.constant 128 : i32
        %mul3A_258 = arith.muli %add3A_95, %mul3A_257 : i32
        %dma_start3A = arith.constant 2 : i32
        %dma_start3A_259 = arith.constant 0 : i32
        %dma_start3A_260 = arith.constant 0 : i32
        %dma_start3A_261 = tpu.memref_slice %arg6[%dma_start3A, %dma_start3A_259, %dma_start3A_260] : memref<4x128x16xf32, #tpu.memory_space<vmem>> -> memref<1x128x16xf32, #tpu.memory_space<vmem>>
        %dma_start3A_262 = tpu.memref_squeeze %dma_start3A_261 : memref<1x128x16xf32, #tpu.memory_space<vmem>> -> memref<128x16xf32, #tpu.memory_space<vmem>>
        %dma_start3A_263 = arith.constant 0 : i32
        %dma_start3A_264 = tpu.memref_slice %arg2[%mul3A_258, %dma_start3A_263] : memref<160000x16xf32, #tpu.memory_space<hbm>> -> memref<128x16xf32, #tpu.memory_space<hbm>>
        %dma_start3A_265 = arith.constant 0 : i32
        %dma_start3A_266 = arith.constant 0 : i32
        %dma_start3A_267 = tpu.memref_slice %arg6[%dma_start3A, %dma_start3A_265, %dma_start3A_266] : memref<4x128x16xf32, #tpu.memory_space<vmem>> -> memref<1x128x16xf32, #tpu.memory_space<vmem>>
        %dma_start3A_268 = tpu.memref_squeeze %dma_start3A_267 : memref<1x128x16xf32, #tpu.memory_space<vmem>> -> memref<128x16xf32, #tpu.memory_space<vmem>>
        %dma_start3A_269 = arith.constant 0 : i32
        %dma_start3A_270 = tpu.memref_slice %arg2[%mul3A_258, %dma_start3A_269] : memref<160000x16xf32, #tpu.memory_space<hbm>> -> memref<128x16xf32, #tpu.memory_space<hbm>>
        tpu.enqueue_dma source(%dma_start3A_270 : memref<128x16xf32, #tpu.memory_space<hbm>>) target(%dma_start3A_268 : memref<128x16xf32, #tpu.memory_space<vmem>>) target_semaphore(%arg10 : memref<!tpu.dma_semaphore, #tpu.memory_space<semaphore_mem>>)
      } else {
      }
      %mul3A_101 = arith.constant 4 : i32
      %mul3A_102 = arith.muli %scan3A_17, %mul3A_101 : i32
      %add3A_103 = arith.constant 3 : i32
      %add3A_104 = arith.addi %mul3A_102, %add3A_103 : i32
      %mul3A_105 = arith.constant 32 : i32
      %mul3A_106 = arith.muli %add3A_104, %mul3A_105 : i32
      %add3A_107 = arith.addi %add3A, %mul3A_106 : i32
      %lt3A_108 = arith.constant 1250 : i32
      %lt3A_109 = arith.cmpi slt, %add3A_107, %lt3A_108 : i32
      %convert_element_type3A_110 = arith.extui %lt3A_109 : i1 to i32
      %cond3A_111 = arith.constant 0 : i32
      %cond3A_112 = arith.cmpi ne, %convert_element_type3A_110, %cond3A_111 : i32
      scf.if %cond3A_112 {
        %mul3A_257 = arith.constant 128 : i32
        %mul3A_258 = arith.muli %add3A_107, %mul3A_257 : i32
        %dma_start3A = arith.constant 3 : i32
        %dma_start3A_259 = arith.constant 0 : i32
        %dma_start3A_260 = arith.constant 0 : i32
        %dma_start3A_261 = tpu.memref_slice %arg6[%dma_start3A, %dma_start3A_259, %dma_start3A_260] : memref<4x128x16xf32, #tpu.memory_space<vmem>> -> memref<1x128x16xf32, #tpu.memory_space<vmem>>
        %dma_start3A_262 = tpu.memref_squeeze %dma_start3A_261 : memref<1x128x16xf32, #tpu.memory_space<vmem>> -> memref<128x16xf32, #tpu.memory_space<vmem>>
        %dma_start3A_263 = arith.constant 0 : i32
        %dma_start3A_264 = tpu.memref_slice %arg2[%mul3A_258, %dma_start3A_263] : memref<160000x16xf32, #tpu.memory_space<hbm>> -> memref<128x16xf32, #tpu.memory_space<hbm>>
        %dma_start3A_265 = arith.constant 0 : i32
        %dma_start3A_266 = arith.constant 0 : i32
        %dma_start3A_267 = tpu.memref_slice %arg6[%dma_start3A, %dma_start3A_265, %dma_start3A_266] : memref<4x128x16xf32, #tpu.memory_space<vmem>> -> memref<1x128x16xf32, #tpu.memory_space<vmem>>
        %dma_start3A_268 = tpu.memref_squeeze %dma_start3A_267 : memref<1x128x16xf32, #tpu.memory_space<vmem>> -> memref<128x16xf32, #tpu.memory_space<vmem>>
        %dma_start3A_269 = arith.constant 0 : i32
        %dma_start3A_270 = tpu.memref_slice %arg2[%mul3A_258, %dma_start3A_269] : memref<160000x16xf32, #tpu.memory_space<hbm>> -> memref<128x16xf32, #tpu.memory_space<hbm>>
        tpu.enqueue_dma source(%dma_start3A_270 : memref<128x16xf32, #tpu.memory_space<hbm>>) target(%dma_start3A_268 : memref<128x16xf32, #tpu.memory_space<vmem>>) target_semaphore(%arg10 : memref<!tpu.dma_semaphore, #tpu.memory_space<semaphore_mem>>)
      } else {
      }
      %mul3A_113 = arith.constant 4 : i32
      %mul3A_114 = arith.muli %scan3A_17, %mul3A_113 : i32
      %add3A_115 = arith.constant 0 : i32
      %add3A_116 = arith.addi %mul3A_114, %add3A_115 : i32
      %mul3A_117 = arith.constant 32 : i32
      %mul3A_118 = arith.muli %add3A_116, %mul3A_117 : i32
      %add3A_119 = arith.addi %add3A, %mul3A_118 : i32
      %lt3A_120 = arith.constant 1250 : i32
      %lt3A_121 = arith.cmpi slt, %add3A_119, %lt3A_120 : i32
      %convert_element_type3A_122 = arith.extui %lt3A_121 : i1 to i32
      %cond3A_123 = arith.constant 0 : i32
      %cond3A_124 = arith.cmpi ne, %convert_element_type3A_122, %cond3A_123 : i32
      scf.if %cond3A_124 {
        %mul3A_257 = arith.constant 128 : i32
        %mul3A_258 = arith.muli %add3A_119, %mul3A_257 : i32
        %dma_wait3A = arith.constant 0 : i32
        %dma_wait3A_259 = arith.constant 0 : i32
        %dma_wait3A_260 = tpu.memref_slice %arg5[%dma_wait3A, %dma_wait3A_259] : memref<4x128xi32, #tpu.memory_space<vmem>> -> memref<1x128xi32, #tpu.memory_space<vmem>>
        %dma_wait3A_261 = tpu.memref_squeeze %dma_wait3A_260 : memref<1x128xi32, #tpu.memory_space<vmem>> -> memref<128xi32, #tpu.memory_space<vmem>>
        %dma_wait3A_262 = tpu.memref_slice %arg3[%mul3A_258] : memref<160000xi32, #tpu.memory_space<hbm>> -> memref<128xi32, #tpu.memory_space<hbm>>
        %dma_wait3A_263 = arith.constant 0 : i32
        %dma_wait3A_264 = tpu.memref_slice %arg5[%dma_wait3A, %dma_wait3A_263] : memref<4x128xi32, #tpu.memory_space<vmem>> -> memref<1x128xi32, #tpu.memory_space<vmem>>
        %dma_wait3A_265 = tpu.memref_squeeze %dma_wait3A_264 : memref<1x128xi32, #tpu.memory_space<vmem>> -> memref<128xi32, #tpu.memory_space<vmem>>
        %dma_wait3A_266 = tpu.memref_slice %arg3[%mul3A_258] : memref<160000xi32, #tpu.memory_space<hbm>> -> memref<128xi32, #tpu.memory_space<hbm>>
        tpu.wait_dma2 semaphore(%arg9 : memref<!tpu.dma_semaphore, #tpu.memory_space<semaphore_mem>>) src(%dma_wait3A_266 : memref<128xi32, #tpu.memory_space<hbm>>) dst(%dma_wait3A_265 : memref<128xi32, #tpu.memory_space<vmem>>)
      } else {
      }
      %mul3A_125 = arith.constant 4 : i32
      %mul3A_126 = arith.muli %scan3A_17, %mul3A_125 : i32
      %add3A_127 = arith.constant 1 : i32
      %add3A_128 = arith.addi %mul3A_126, %add3A_127 : i32
      %mul3A_129 = arith.constant 32 : i32
      %mul3A_130 = arith.muli %add3A_128, %mul3A_129 : i32
      %add3A_131 = arith.addi %add3A, %mul3A_130 : i32
      %lt3A_132 = arith.constant 1250 : i32
      %lt3A_133 = arith.cmpi slt, %add3A_131, %lt3A_132 : i32
      %convert_element_type3A_134 = arith.extui %lt3A_133 : i1 to i32
      %cond3A_135 = arith.constant 0 : i32
      %cond3A_136 = arith.cmpi ne, %convert_element_type3A_134, %cond3A_135 : i32
      scf.if %cond3A_136 {
        %mul3A_257 = arith.constant 128 : i32
        %mul3A_258 = arith.muli %add3A_131, %mul3A_257 : i32
        %dma_wait3A = arith.constant 1 : i32
        %dma_wait3A_259 = arith.constant 0 : i32
        %dma_wait3A_260 = tpu.memref_slice %arg5[%dma_wait3A, %dma_wait3A_259] : memref<4x128xi32, #tpu.memory_space<vmem>> -> memref<1x128xi32, #tpu.memory_space<vmem>>
        %dma_wait3A_261 = tpu.memref_squeeze %dma_wait3A_260 : memref<1x128xi32, #tpu.memory_space<vmem>> -> memref<128xi32, #tpu.memory_space<vmem>>
        %dma_wait3A_262 = tpu.memref_slice %arg3[%mul3A_258] : memref<160000xi32, #tpu.memory_space<hbm>> -> memref<128xi32, #tpu.memory_space<hbm>>
        %dma_wait3A_263 = arith.constant 0 : i32
        %dma_wait3A_264 = tpu.memref_slice %arg5[%dma_wait3A, %dma_wait3A_263] : memref<4x128xi32, #tpu.memory_space<vmem>> -> memref<1x128xi32, #tpu.memory_space<vmem>>
        %dma_wait3A_265 = tpu.memref_squeeze %dma_wait3A_264 : memref<1x128xi32, #tpu.memory_space<vmem>> -> memref<128xi32, #tpu.memory_space<vmem>>
        %dma_wait3A_266 = tpu.memref_slice %arg3[%mul3A_258] : memref<160000xi32, #tpu.memory_space<hbm>> -> memref<128xi32, #tpu.memory_space<hbm>>
        tpu.wait_dma2 semaphore(%arg9 : memref<!tpu.dma_semaphore, #tpu.memory_space<semaphore_mem>>) src(%dma_wait3A_266 : memref<128xi32, #tpu.memory_space<hbm>>) dst(%dma_wait3A_265 : memref<128xi32, #tpu.memory_space<vmem>>)
      } else {
      }
      %mul3A_137 = arith.constant 4 : i32
      %mul3A_138 = arith.muli %scan3A_17, %mul3A_137 : i32
      %add3A_139 = arith.constant 2 : i32
      %add3A_140 = arith.addi %mul3A_138, %add3A_139 : i32
      %mul3A_141 = arith.constant 32 : i32
      %mul3A_142 = arith.muli %add3A_140, %mul3A_141 : i32
      %add3A_143 = arith.addi %add3A, %mul3A_142 : i32
      %lt3A_144 = arith.constant 1250 : i32
      %lt3A_145 = arith.cmpi slt, %add3A_143, %lt3A_144 : i32
      %convert_element_type3A_146 = arith.extui %lt3A_145 : i1 to i32
      %cond3A_147 = arith.constant 0 : i32
      %cond3A_148 = arith.cmpi ne, %convert_element_type3A_146, %cond3A_147 : i32
      scf.if %cond3A_148 {
        %mul3A_257 = arith.constant 128 : i32
        %mul3A_258 = arith.muli %add3A_143, %mul3A_257 : i32
        %dma_wait3A = arith.constant 2 : i32
        %dma_wait3A_259 = arith.constant 0 : i32
        %dma_wait3A_260 = tpu.memref_slice %arg5[%dma_wait3A, %dma_wait3A_259] : memref<4x128xi32, #tpu.memory_space<vmem>> -> memref<1x128xi32, #tpu.memory_space<vmem>>
        %dma_wait3A_261 = tpu.memref_squeeze %dma_wait3A_260 : memref<1x128xi32, #tpu.memory_space<vmem>> -> memref<128xi32, #tpu.memory_space<vmem>>
        %dma_wait3A_262 = tpu.memref_slice %arg3[%mul3A_258] : memref<160000xi32, #tpu.memory_space<hbm>> -> memref<128xi32, #tpu.memory_space<hbm>>
        %dma_wait3A_263 = arith.constant 0 : i32
        %dma_wait3A_264 = tpu.memref_slice %arg5[%dma_wait3A, %dma_wait3A_263] : memref<4x128xi32, #tpu.memory_space<vmem>> -> memref<1x128xi32, #tpu.memory_space<vmem>>
        %dma_wait3A_265 = tpu.memref_squeeze %dma_wait3A_264 : memref<1x128xi32, #tpu.memory_space<vmem>> -> memref<128xi32, #tpu.memory_space<vmem>>
        %dma_wait3A_266 = tpu.memref_slice %arg3[%mul3A_258] : memref<160000xi32, #tpu.memory_space<hbm>> -> memref<128xi32, #tpu.memory_space<hbm>>
        tpu.wait_dma2 semaphore(%arg9 : memref<!tpu.dma_semaphore, #tpu.memory_space<semaphore_mem>>) src(%dma_wait3A_266 : memref<128xi32, #tpu.memory_space<hbm>>) dst(%dma_wait3A_265 : memref<128xi32, #tpu.memory_space<vmem>>)
      } else {
      }
      %mul3A_149 = arith.constant 4 : i32
      %mul3A_150 = arith.muli %scan3A_17, %mul3A_149 : i32
      %add3A_151 = arith.constant 3 : i32
      %add3A_152 = arith.addi %mul3A_150, %add3A_151 : i32
      %mul3A_153 = arith.constant 32 : i32
      %mul3A_154 = arith.muli %add3A_152, %mul3A_153 : i32
      %add3A_155 = arith.addi %add3A, %mul3A_154 : i32
      %lt3A_156 = arith.constant 1250 : i32
      %lt3A_157 = arith.cmpi slt, %add3A_155, %lt3A_156 : i32
      %convert_element_type3A_158 = arith.extui %lt3A_157 : i1 to i32
      %cond3A_159 = arith.constant 0 : i32
      %cond3A_160 = arith.cmpi ne, %convert_element_type3A_158, %cond3A_159 : i32
      scf.if %cond3A_160 {
        %mul3A_257 = arith.constant 128 : i32
        %mul3A_258 = arith.muli %add3A_155, %mul3A_257 : i32
        %dma_wait3A = arith.constant 3 : i32
        %dma_wait3A_259 = arith.constant 0 : i32
        %dma_wait3A_260 = tpu.memref_slice %arg5[%dma_wait3A, %dma_wait3A_259] : memref<4x128xi32, #tpu.memory_space<vmem>> -> memref<1x128xi32, #tpu.memory_space<vmem>>
        %dma_wait3A_261 = tpu.memref_squeeze %dma_wait3A_260 : memref<1x128xi32, #tpu.memory_space<vmem>> -> memref<128xi32, #tpu.memory_space<vmem>>
        %dma_wait3A_262 = tpu.memref_slice %arg3[%mul3A_258] : memref<160000xi32, #tpu.memory_space<hbm>> -> memref<128xi32, #tpu.memory_space<hbm>>
        %dma_wait3A_263 = arith.constant 0 : i32
        %dma_wait3A_264 = tpu.memref_slice %arg5[%dma_wait3A, %dma_wait3A_263] : memref<4x128xi32, #tpu.memory_space<vmem>> -> memref<1x128xi32, #tpu.memory_space<vmem>>
        %dma_wait3A_265 = tpu.memref_squeeze %dma_wait3A_264 : memref<1x128xi32, #tpu.memory_space<vmem>> -> memref<128xi32, #tpu.memory_space<vmem>>
        %dma_wait3A_266 = tpu.memref_slice %arg3[%mul3A_258] : memref<160000xi32, #tpu.memory_space<hbm>> -> memref<128xi32, #tpu.memory_space<hbm>>
        tpu.wait_dma2 semaphore(%arg9 : memref<!tpu.dma_semaphore, #tpu.memory_space<semaphore_mem>>) src(%dma_wait3A_266 : memref<128xi32, #tpu.memory_space<hbm>>) dst(%dma_wait3A_265 : memref<128xi32, #tpu.memory_space<vmem>>)
      } else {
      }
      %mul3A_161 = arith.constant 4 : i32
      %mul3A_162 = arith.muli %scan3A_17, %mul3A_161 : i32
      %add3A_163 = arith.constant 0 : i32
      %add3A_164 = arith.addi %mul3A_162, %add3A_163 : i32
      %mul3A_165 = arith.constant 32 : i32
      %mul3A_166 = arith.muli %add3A_164, %mul3A_165 : i32
      %add3A_167 = arith.addi %add3A, %mul3A_166 : i32
      %lt3A_168 = arith.constant 1250 : i32
      %lt3A_169 = arith.cmpi slt, %add3A_167, %lt3A_168 : i32
      %convert_element_type3A_170 = arith.extui %lt3A_169 : i1 to i32
      %cond3A_171 = arith.constant 0 : i32
      %cond3A_172 = arith.cmpi ne, %convert_element_type3A_170, %cond3A_171 : i32
      scf.if %cond3A_172 {
        %mul3A_257 = arith.constant 128 : i32
        %mul3A_258 = arith.muli %add3A_167, %mul3A_257 : i32
        %dma_wait3A = arith.constant 0 : i32
        %dma_wait3A_259 = arith.constant 0 : i32
        %dma_wait3A_260 = arith.constant 0 : i32
        %dma_wait3A_261 = tpu.memref_slice %arg6[%dma_wait3A, %dma_wait3A_259, %dma_wait3A_260] : memref<4x128x16xf32, #tpu.memory_space<vmem>> -> memref<1x128x16xf32, #tpu.memory_space<vmem>>
        %dma_wait3A_262 = tpu.memref_squeeze %dma_wait3A_261 : memref<1x128x16xf32, #tpu.memory_space<vmem>> -> memref<128x16xf32, #tpu.memory_space<vmem>>
        %dma_wait3A_263 = arith.constant 0 : i32
        %dma_wait3A_264 = tpu.memref_slice %arg2[%mul3A_258, %dma_wait3A_263] : memref<160000x16xf32, #tpu.memory_space<hbm>> -> memref<128x16xf32, #tpu.memory_space<hbm>>
        %dma_wait3A_265 = arith.constant 0 : i32
        %dma_wait3A_266 = arith.constant 0 : i32
        %dma_wait3A_267 = tpu.memref_slice %arg6[%dma_wait3A, %dma_wait3A_265, %dma_wait3A_266] : memref<4x128x16xf32, #tpu.memory_space<vmem>> -> memref<1x128x16xf32, #tpu.memory_space<vmem>>
        %dma_wait3A_268 = tpu.memref_squeeze %dma_wait3A_267 : memref<1x128x16xf32, #tpu.memory_space<vmem>> -> memref<128x16xf32, #tpu.memory_space<vmem>>
        %dma_wait3A_269 = arith.constant 0 : i32
        %dma_wait3A_270 = tpu.memref_slice %arg2[%mul3A_258, %dma_wait3A_269] : memref<160000x16xf32, #tpu.memory_space<hbm>> -> memref<128x16xf32, #tpu.memory_space<hbm>>
        tpu.wait_dma2 semaphore(%arg10 : memref<!tpu.dma_semaphore, #tpu.memory_space<semaphore_mem>>) src(%dma_wait3A_270 : memref<128x16xf32, #tpu.memory_space<hbm>>) dst(%dma_wait3A_268 : memref<128x16xf32, #tpu.memory_space<vmem>>)
      } else {
      }
      %mul3A_173 = arith.constant 4 : i32
      %mul3A_174 = arith.muli %scan3A_17, %mul3A_173 : i32
      %add3A_175 = arith.constant 1 : i32
      %add3A_176 = arith.addi %mul3A_174, %add3A_175 : i32
      %mul3A_177 = arith.constant 32 : i32
      %mul3A_178 = arith.muli %add3A_176, %mul3A_177 : i32
      %add3A_179 = arith.addi %add3A, %mul3A_178 : i32
      %lt3A_180 = arith.constant 1250 : i32
      %lt3A_181 = arith.cmpi slt, %add3A_179, %lt3A_180 : i32
      %convert_element_type3A_182 = arith.extui %lt3A_181 : i1 to i32
      %cond3A_183 = arith.constant 0 : i32
      %cond3A_184 = arith.cmpi ne, %convert_element_type3A_182, %cond3A_183 : i32
      scf.if %cond3A_184 {
        %mul3A_257 = arith.constant 128 : i32
        %mul3A_258 = arith.muli %add3A_179, %mul3A_257 : i32
        %dma_wait3A = arith.constant 1 : i32
        %dma_wait3A_259 = arith.constant 0 : i32
        %dma_wait3A_260 = arith.constant 0 : i32
        %dma_wait3A_261 = tpu.memref_slice %arg6[%dma_wait3A, %dma_wait3A_259, %dma_wait3A_260] : memref<4x128x16xf32, #tpu.memory_space<vmem>> -> memref<1x128x16xf32, #tpu.memory_space<vmem>>
        %dma_wait3A_262 = tpu.memref_squeeze %dma_wait3A_261 : memref<1x128x16xf32, #tpu.memory_space<vmem>> -> memref<128x16xf32, #tpu.memory_space<vmem>>
        %dma_wait3A_263 = arith.constant 0 : i32
        %dma_wait3A_264 = tpu.memref_slice %arg2[%mul3A_258, %dma_wait3A_263] : memref<160000x16xf32, #tpu.memory_space<hbm>> -> memref<128x16xf32, #tpu.memory_space<hbm>>
        %dma_wait3A_265 = arith.constant 0 : i32
        %dma_wait3A_266 = arith.constant 0 : i32
        %dma_wait3A_267 = tpu.memref_slice %arg6[%dma_wait3A, %dma_wait3A_265, %dma_wait3A_266] : memref<4x128x16xf32, #tpu.memory_space<vmem>> -> memref<1x128x16xf32, #tpu.memory_space<vmem>>
        %dma_wait3A_268 = tpu.memref_squeeze %dma_wait3A_267 : memref<1x128x16xf32, #tpu.memory_space<vmem>> -> memref<128x16xf32, #tpu.memory_space<vmem>>
        %dma_wait3A_269 = arith.constant 0 : i32
        %dma_wait3A_270 = tpu.memref_slice %arg2[%mul3A_258, %dma_wait3A_269] : memref<160000x16xf32, #tpu.memory_space<hbm>> -> memref<128x16xf32, #tpu.memory_space<hbm>>
        tpu.wait_dma2 semaphore(%arg10 : memref<!tpu.dma_semaphore, #tpu.memory_space<semaphore_mem>>) src(%dma_wait3A_270 : memref<128x16xf32, #tpu.memory_space<hbm>>) dst(%dma_wait3A_268 : memref<128x16xf32, #tpu.memory_space<vmem>>)
      } else {
      }
      %mul3A_185 = arith.constant 4 : i32
      %mul3A_186 = arith.muli %scan3A_17, %mul3A_185 : i32
      %add3A_187 = arith.constant 2 : i32
      %add3A_188 = arith.addi %mul3A_186, %add3A_187 : i32
      %mul3A_189 = arith.constant 32 : i32
      %mul3A_190 = arith.muli %add3A_188, %mul3A_189 : i32
      %add3A_191 = arith.addi %add3A, %mul3A_190 : i32
      %lt3A_192 = arith.constant 1250 : i32
      %lt3A_193 = arith.cmpi slt, %add3A_191, %lt3A_192 : i32
      %convert_element_type3A_194 = arith.extui %lt3A_193 : i1 to i32
      %cond3A_195 = arith.constant 0 : i32
      %cond3A_196 = arith.cmpi ne, %convert_element_type3A_194, %cond3A_195 : i32
      scf.if %cond3A_196 {
        %mul3A_257 = arith.constant 128 : i32
        %mul3A_258 = arith.muli %add3A_191, %mul3A_257 : i32
        %dma_wait3A = arith.constant 2 : i32
        %dma_wait3A_259 = arith.constant 0 : i32
        %dma_wait3A_260 = arith.constant 0 : i32
        %dma_wait3A_261 = tpu.memref_slice %arg6[%dma_wait3A, %dma_wait3A_259, %dma_wait3A_260] : memref<4x128x16xf32, #tpu.memory_space<vmem>> -> memref<1x128x16xf32, #tpu.memory_space<vmem>>
        %dma_wait3A_262 = tpu.memref_squeeze %dma_wait3A_261 : memref<1x128x16xf32, #tpu.memory_space<vmem>> -> memref<128x16xf32, #tpu.memory_space<vmem>>
        %dma_wait3A_263 = arith.constant 0 : i32
        %dma_wait3A_264 = tpu.memref_slice %arg2[%mul3A_258, %dma_wait3A_263] : memref<160000x16xf32, #tpu.memory_space<hbm>> -> memref<128x16xf32, #tpu.memory_space<hbm>>
        %dma_wait3A_265 = arith.constant 0 : i32
        %dma_wait3A_266 = arith.constant 0 : i32
        %dma_wait3A_267 = tpu.memref_slice %arg6[%dma_wait3A, %dma_wait3A_265, %dma_wait3A_266] : memref<4x128x16xf32, #tpu.memory_space<vmem>> -> memref<1x128x16xf32, #tpu.memory_space<vmem>>
        %dma_wait3A_268 = tpu.memref_squeeze %dma_wait3A_267 : memref<1x128x16xf32, #tpu.memory_space<vmem>> -> memref<128x16xf32, #tpu.memory_space<vmem>>
        %dma_wait3A_269 = arith.constant 0 : i32
        %dma_wait3A_270 = tpu.memref_slice %arg2[%mul3A_258, %dma_wait3A_269] : memref<160000x16xf32, #tpu.memory_space<hbm>> -> memref<128x16xf32, #tpu.memory_space<hbm>>
        tpu.wait_dma2 semaphore(%arg10 : memref<!tpu.dma_semaphore, #tpu.memory_space<semaphore_mem>>) src(%dma_wait3A_270 : memref<128x16xf32, #tpu.memory_space<hbm>>) dst(%dma_wait3A_268 : memref<128x16xf32, #tpu.memory_space<vmem>>)
      } else {
      }
      %mul3A_197 = arith.constant 4 : i32
      %mul3A_198 = arith.muli %scan3A_17, %mul3A_197 : i32
      %add3A_199 = arith.constant 3 : i32
      %add3A_200 = arith.addi %mul3A_198, %add3A_199 : i32
      %mul3A_201 = arith.constant 32 : i32
      %mul3A_202 = arith.muli %add3A_200, %mul3A_201 : i32
      %add3A_203 = arith.addi %add3A, %mul3A_202 : i32
      %lt3A_204 = arith.constant 1250 : i32
      %lt3A_205 = arith.cmpi slt, %add3A_203, %lt3A_204 : i32
      %convert_element_type3A_206 = arith.extui %lt3A_205 : i1 to i32
      %cond3A_207 = arith.constant 0 : i32
      %cond3A_208 = arith.cmpi ne, %convert_element_type3A_206, %cond3A_207 : i32
      scf.if %cond3A_208 {
        %mul3A_257 = arith.constant 128 : i32
        %mul3A_258 = arith.muli %add3A_203, %mul3A_257 : i32
        %dma_wait3A = arith.constant 3 : i32
        %dma_wait3A_259 = arith.constant 0 : i32
        %dma_wait3A_260 = arith.constant 0 : i32
        %dma_wait3A_261 = tpu.memref_slice %arg6[%dma_wait3A, %dma_wait3A_259, %dma_wait3A_260] : memref<4x128x16xf32, #tpu.memory_space<vmem>> -> memref<1x128x16xf32, #tpu.memory_space<vmem>>
        %dma_wait3A_262 = tpu.memref_squeeze %dma_wait3A_261 : memref<1x128x16xf32, #tpu.memory_space<vmem>> -> memref<128x16xf32, #tpu.memory_space<vmem>>
        %dma_wait3A_263 = arith.constant 0 : i32
        %dma_wait3A_264 = tpu.memref_slice %arg2[%mul3A_258, %dma_wait3A_263] : memref<160000x16xf32, #tpu.memory_space<hbm>> -> memref<128x16xf32, #tpu.memory_space<hbm>>
        %dma_wait3A_265 = arith.constant 0 : i32
        %dma_wait3A_266 = arith.constant 0 : i32
        %dma_wait3A_267 = tpu.memref_slice %arg6[%dma_wait3A, %dma_wait3A_265, %dma_wait3A_266] : memref<4x128x16xf32, #tpu.memory_space<vmem>> -> memref<1x128x16xf32, #tpu.memory_space<vmem>>
        %dma_wait3A_268 = tpu.memref_squeeze %dma_wait3A_267 : memref<1x128x16xf32, #tpu.memory_space<vmem>> -> memref<128x16xf32, #tpu.memory_space<vmem>>
        %dma_wait3A_269 = arith.constant 0 : i32
        %dma_wait3A_270 = tpu.memref_slice %arg2[%mul3A_258, %dma_wait3A_269] : memref<160000x16xf32, #tpu.memory_space<hbm>> -> memref<128x16xf32, #tpu.memory_space<hbm>>
        tpu.wait_dma2 semaphore(%arg10 : memref<!tpu.dma_semaphore, #tpu.memory_space<semaphore_mem>>) src(%dma_wait3A_270 : memref<128x16xf32, #tpu.memory_space<hbm>>) dst(%dma_wait3A_268 : memref<128x16xf32, #tpu.memory_space<vmem>>)
      } else {
      }
      %mul3A_209 = arith.constant 4 : i32
      %mul3A_210 = arith.muli %scan3A_17, %mul3A_209 : i32
      %add3A_211 = arith.constant 0 : i32
      %add3A_212 = arith.addi %mul3A_210, %add3A_211 : i32
      %mul3A_213 = arith.constant 32 : i32
      %mul3A_214 = arith.muli %add3A_212, %mul3A_213 : i32
      %add3A_215 = arith.addi %add3A, %mul3A_214 : i32
      %lt3A_216 = arith.constant 1250 : i32
      %lt3A_217 = arith.cmpi slt, %add3A_215, %lt3A_216 : i32
      %convert_element_type3A_218 = arith.extui %lt3A_217 : i1 to i32
      %cond3A_219 = arith.constant 0 : i32
      %cond3A_220 = arith.cmpi ne, %convert_element_type3A_218, %cond3A_219 : i32
      scf.if %cond3A_220 {
        %mul3A_257 = arith.constant 128 : i32
        %mul3A_258 = arith.muli %add3A_215, %mul3A_257 : i32
        %run_scoped3A = arith.constant 0 : i32
        %run_scoped3A_259 = arith.constant 0 : i32
        "tpu.region"() ({
          %run_scoped3A_260 = tpu.sem_alloc : memref<!tpu.dma_semaphore, #tpu.memory_space<semaphore_mem>>
          %dma_start3A = arith.constant 0 : i32
          %dma_start3A_261 = arith.constant 0 : i32
          %dma_start3A_262 = tpu.memref_slice %arg6[%run_scoped3A, %dma_start3A, %dma_start3A_261] : memref<4x128x16xf32, #tpu.memory_space<vmem>> -> memref<1x128x16xf32, #tpu.memory_space<vmem>>
          %dma_start3A_263 = tpu.memref_squeeze %dma_start3A_262 : memref<1x128x16xf32, #tpu.memory_space<vmem>> -> memref<128x16xf32, #tpu.memory_space<vmem>>
          %dma_start3A_264 = arith.constant 0 : i32
          %dma_start3A_265 = tpu.memref_slice %arg5[%run_scoped3A_259, %dma_start3A_264] : memref<4x128xi32, #tpu.memory_space<vmem>> -> memref<1x128xi32, #tpu.memory_space<vmem>>
          %dma_start3A_266 = tpu.memref_squeeze %dma_start3A_265 : memref<1x128xi32, #tpu.memory_space<vmem>> -> memref<128xi32, #tpu.memory_space<vmem>>
          %dma_start3A_267 = arith.constant 0 : i32
          %dma_start3A_268 = arith.constant 0 : i32
          %dma_start3A_269 = tpu.memref_slice %arg8[%dma_start3A_267, %dma_start3A_268] : memref<10000x16xf32, #tpu.memory_space<vmem_shared>> -> memref<10000x16xf32, #tpu.memory_space<vmem_shared>>
          tpu.enqueue_indirect_dma source(%dma_start3A_263 : memref<128x16xf32, #tpu.memory_space<vmem>>) target(%dma_start3A_269 : memref<10000x16xf32, #tpu.memory_space<vmem_shared>>) offsets(%dma_start3A_266 : memref<128xi32, #tpu.memory_space<vmem>>) semaphore(%run_scoped3A_260 : memref<!tpu.dma_semaphore, #tpu.memory_space<semaphore_mem>>) {add = true}
          %dma_wait3A = arith.constant 0 : i32
          %dma_wait3A_270 = arith.constant 0 : i32
          %dma_wait3A_271 = tpu.memref_slice %arg6[%run_scoped3A, %dma_wait3A, %dma_wait3A_270] : memref<4x128x16xf32, #tpu.memory_space<vmem>> -> memref<1x128x16xf32, #tpu.memory_space<vmem>>
          %dma_wait3A_272 = tpu.memref_squeeze %dma_wait3A_271 : memref<1x128x16xf32, #tpu.memory_space<vmem>> -> memref<128x16xf32, #tpu.memory_space<vmem>>
          %dma_wait3A_273 = arith.constant 0 : i32
          %dma_wait3A_274 = tpu.memref_slice %arg5[%run_scoped3A_259, %dma_wait3A_273] : memref<4x128xi32, #tpu.memory_space<vmem>> -> memref<1x128xi32, #tpu.memory_space<vmem>>
          %dma_wait3A_275 = tpu.memref_squeeze %dma_wait3A_274 : memref<1x128xi32, #tpu.memory_space<vmem>> -> memref<128xi32, #tpu.memory_space<vmem>>
          %dma_wait3A_276 = arith.constant 0 : i32
          %dma_wait3A_277 = arith.constant 0 : i32
          %dma_wait3A_278 = tpu.memref_slice %arg8[%dma_wait3A_276, %dma_wait3A_277] : memref<10000x16xf32, #tpu.memory_space<vmem_shared>> -> memref<10000x16xf32, #tpu.memory_space<vmem_shared>>
          tpu.wait_indirect_dma semaphore(%run_scoped3A_260 : memref<!tpu.dma_semaphore, #tpu.memory_space<semaphore_mem>>) src(%dma_wait3A_272 : memref<128x16xf32, #tpu.memory_space<vmem>>) dst(%dma_wait3A_278 : memref<10000x16xf32, #tpu.memory_space<vmem_shared>>)
          tpu.yield
        }) : () -> ()
      } else {
      }
      %mul3A_221 = arith.constant 4 : i32
      %mul3A_222 = arith.muli %scan3A_17, %mul3A_221 : i32
      %add3A_223 = arith.constant 1 : i32
      %add3A_224 = arith.addi %mul3A_222, %add3A_223 : i32
      %mul3A_225 = arith.constant 32 : i32
      %mul3A_226 = arith.muli %add3A_224, %mul3A_225 : i32
      %add3A_227 = arith.addi %add3A, %mul3A_226 : i32
      %lt3A_228 = arith.constant 1250 : i32
      %lt3A_229 = arith.cmpi slt, %add3A_227, %lt3A_228 : i32
      %convert_element_type3A_230 = arith.extui %lt3A_229 : i1 to i32
      %cond3A_231 = arith.constant 0 : i32
      %cond3A_232 = arith.cmpi ne, %convert_element_type3A_230, %cond3A_231 : i32
      scf.if %cond3A_232 {
        %mul3A_257 = arith.constant 128 : i32
        %mul3A_258 = arith.muli %add3A_227, %mul3A_257 : i32
        %run_scoped3A = arith.constant 1 : i32
        %run_scoped3A_259 = arith.constant 1 : i32
        "tpu.region"() ({
          %run_scoped3A_260 = tpu.sem_alloc : memref<!tpu.dma_semaphore, #tpu.memory_space<semaphore_mem>>
          %dma_start3A = arith.constant 0 : i32
          %dma_start3A_261 = arith.constant 0 : i32
          %dma_start3A_262 = tpu.memref_slice %arg6[%run_scoped3A, %dma_start3A, %dma_start3A_261] : memref<4x128x16xf32, #tpu.memory_space<vmem>> -> memref<1x128x16xf32, #tpu.memory_space<vmem>>
          %dma_start3A_263 = tpu.memref_squeeze %dma_start3A_262 : memref<1x128x16xf32, #tpu.memory_space<vmem>> -> memref<128x16xf32, #tpu.memory_space<vmem>>
          %dma_start3A_264 = arith.constant 0 : i32
          %dma_start3A_265 = tpu.memref_slice %arg5[%run_scoped3A_259, %dma_start3A_264] : memref<4x128xi32, #tpu.memory_space<vmem>> -> memref<1x128xi32, #tpu.memory_space<vmem>>
          %dma_start3A_266 = tpu.memref_squeeze %dma_start3A_265 : memref<1x128xi32, #tpu.memory_space<vmem>> -> memref<128xi32, #tpu.memory_space<vmem>>
          %dma_start3A_267 = arith.constant 0 : i32
          %dma_start3A_268 = arith.constant 0 : i32
          %dma_start3A_269 = tpu.memref_slice %arg8[%dma_start3A_267, %dma_start3A_268] : memref<10000x16xf32, #tpu.memory_space<vmem_shared>> -> memref<10000x16xf32, #tpu.memory_space<vmem_shared>>
          tpu.enqueue_indirect_dma source(%dma_start3A_263 : memref<128x16xf32, #tpu.memory_space<vmem>>) target(%dma_start3A_269 : memref<10000x16xf32, #tpu.memory_space<vmem_shared>>) offsets(%dma_start3A_266 : memref<128xi32, #tpu.memory_space<vmem>>) semaphore(%run_scoped3A_260 : memref<!tpu.dma_semaphore, #tpu.memory_space<semaphore_mem>>) {add = true}
          %dma_wait3A = arith.constant 0 : i32
          %dma_wait3A_270 = arith.constant 0 : i32
          %dma_wait3A_271 = tpu.memref_slice %arg6[%run_scoped3A, %dma_wait3A, %dma_wait3A_270] : memref<4x128x16xf32, #tpu.memory_space<vmem>> -> memref<1x128x16xf32, #tpu.memory_space<vmem>>
          %dma_wait3A_272 = tpu.memref_squeeze %dma_wait3A_271 : memref<1x128x16xf32, #tpu.memory_space<vmem>> -> memref<128x16xf32, #tpu.memory_space<vmem>>
          %dma_wait3A_273 = arith.constant 0 : i32
          %dma_wait3A_274 = tpu.memref_slice %arg5[%run_scoped3A_259, %dma_wait3A_273] : memref<4x128xi32, #tpu.memory_space<vmem>> -> memref<1x128xi32, #tpu.memory_space<vmem>>
          %dma_wait3A_275 = tpu.memref_squeeze %dma_wait3A_274 : memref<1x128xi32, #tpu.memory_space<vmem>> -> memref<128xi32, #tpu.memory_space<vmem>>
          %dma_wait3A_276 = arith.constant 0 : i32
          %dma_wait3A_277 = arith.constant 0 : i32
          %dma_wait3A_278 = tpu.memref_slice %arg8[%dma_wait3A_276, %dma_wait3A_277] : memref<10000x16xf32, #tpu.memory_space<vmem_shared>> -> memref<10000x16xf32, #tpu.memory_space<vmem_shared>>
          tpu.wait_indirect_dma semaphore(%run_scoped3A_260 : memref<!tpu.dma_semaphore, #tpu.memory_space<semaphore_mem>>) src(%dma_wait3A_272 : memref<128x16xf32, #tpu.memory_space<vmem>>) dst(%dma_wait3A_278 : memref<10000x16xf32, #tpu.memory_space<vmem_shared>>)
          tpu.yield
        }) : () -> ()
      } else {
      }
      %mul3A_233 = arith.constant 4 : i32
      %mul3A_234 = arith.muli %scan3A_17, %mul3A_233 : i32
      %add3A_235 = arith.constant 2 : i32
      %add3A_236 = arith.addi %mul3A_234, %add3A_235 : i32
      %mul3A_237 = arith.constant 32 : i32
      %mul3A_238 = arith.muli %add3A_236, %mul3A_237 : i32
      %add3A_239 = arith.addi %add3A, %mul3A_238 : i32
      %lt3A_240 = arith.constant 1250 : i32
      %lt3A_241 = arith.cmpi slt, %add3A_239, %lt3A_240 : i32
      %convert_element_type3A_242 = arith.extui %lt3A_241 : i1 to i32
      %cond3A_243 = arith.constant 0 : i32
      %cond3A_244 = arith.cmpi ne, %convert_element_type3A_242, %cond3A_243 : i32
      scf.if %cond3A_244 {
        %mul3A_257 = arith.constant 128 : i32
        %mul3A_258 = arith.muli %add3A_239, %mul3A_257 : i32
        %run_scoped3A = arith.constant 2 : i32
        %run_scoped3A_259 = arith.constant 2 : i32
        "tpu.region"() ({
          %run_scoped3A_260 = tpu.sem_alloc : memref<!tpu.dma_semaphore, #tpu.memory_space<semaphore_mem>>
          %dma_start3A = arith.constant 0 : i32
          %dma_start3A_261 = arith.constant 0 : i32
          %dma_start3A_262 = tpu.memref_slice %arg6[%run_scoped3A, %dma_start3A, %dma_start3A_261] : memref<4x128x16xf32, #tpu.memory_space<vmem>> -> memref<1x128x16xf32, #tpu.memory_space<vmem>>
          %dma_start3A_263 = tpu.memref_squeeze %dma_start3A_262 : memref<1x128x16xf32, #tpu.memory_space<vmem>> -> memref<128x16xf32, #tpu.memory_space<vmem>>
          %dma_start3A_264 = arith.constant 0 : i32
          %dma_start3A_265 = tpu.memref_slice %arg5[%run_scoped3A_259, %dma_start3A_264] : memref<4x128xi32, #tpu.memory_space<vmem>> -> memref<1x128xi32, #tpu.memory_space<vmem>>
          %dma_start3A_266 = tpu.memref_squeeze %dma_start3A_265 : memref<1x128xi32, #tpu.memory_space<vmem>> -> memref<128xi32, #tpu.memory_space<vmem>>
          %dma_start3A_267 = arith.constant 0 : i32
          %dma_start3A_268 = arith.constant 0 : i32
          %dma_start3A_269 = tpu.memref_slice %arg8[%dma_start3A_267, %dma_start3A_268] : memref<10000x16xf32, #tpu.memory_space<vmem_shared>> -> memref<10000x16xf32, #tpu.memory_space<vmem_shared>>
          tpu.enqueue_indirect_dma source(%dma_start3A_263 : memref<128x16xf32, #tpu.memory_space<vmem>>) target(%dma_start3A_269 : memref<10000x16xf32, #tpu.memory_space<vmem_shared>>) offsets(%dma_start3A_266 : memref<128xi32, #tpu.memory_space<vmem>>) semaphore(%run_scoped3A_260 : memref<!tpu.dma_semaphore, #tpu.memory_space<semaphore_mem>>) {add = true}
          %dma_wait3A = arith.constant 0 : i32
          %dma_wait3A_270 = arith.constant 0 : i32
          %dma_wait3A_271 = tpu.memref_slice %arg6[%run_scoped3A, %dma_wait3A, %dma_wait3A_270] : memref<4x128x16xf32, #tpu.memory_space<vmem>> -> memref<1x128x16xf32, #tpu.memory_space<vmem>>
          %dma_wait3A_272 = tpu.memref_squeeze %dma_wait3A_271 : memref<1x128x16xf32, #tpu.memory_space<vmem>> -> memref<128x16xf32, #tpu.memory_space<vmem>>
          %dma_wait3A_273 = arith.constant 0 : i32
          %dma_wait3A_274 = tpu.memref_slice %arg5[%run_scoped3A_259, %dma_wait3A_273] : memref<4x128xi32, #tpu.memory_space<vmem>> -> memref<1x128xi32, #tpu.memory_space<vmem>>
          %dma_wait3A_275 = tpu.memref_squeeze %dma_wait3A_274 : memref<1x128xi32, #tpu.memory_space<vmem>> -> memref<128xi32, #tpu.memory_space<vmem>>
          %dma_wait3A_276 = arith.constant 0 : i32
          %dma_wait3A_277 = arith.constant 0 : i32
          %dma_wait3A_278 = tpu.memref_slice %arg8[%dma_wait3A_276, %dma_wait3A_277] : memref<10000x16xf32, #tpu.memory_space<vmem_shared>> -> memref<10000x16xf32, #tpu.memory_space<vmem_shared>>
          tpu.wait_indirect_dma semaphore(%run_scoped3A_260 : memref<!tpu.dma_semaphore, #tpu.memory_space<semaphore_mem>>) src(%dma_wait3A_272 : memref<128x16xf32, #tpu.memory_space<vmem>>) dst(%dma_wait3A_278 : memref<10000x16xf32, #tpu.memory_space<vmem_shared>>)
          tpu.yield
        }) : () -> ()
      } else {
      }
      %mul3A_245 = arith.constant 4 : i32
      %mul3A_246 = arith.muli %scan3A_17, %mul3A_245 : i32
      %add3A_247 = arith.constant 3 : i32
      %add3A_248 = arith.addi %mul3A_246, %add3A_247 : i32
      %mul3A_249 = arith.constant 32 : i32
      %mul3A_250 = arith.muli %add3A_248, %mul3A_249 : i32
      %add3A_251 = arith.addi %add3A, %mul3A_250 : i32
      %lt3A_252 = arith.constant 1250 : i32
      %lt3A_253 = arith.cmpi slt, %add3A_251, %lt3A_252 : i32
      %convert_element_type3A_254 = arith.extui %lt3A_253 : i1 to i32
      %cond3A_255 = arith.constant 0 : i32
      %cond3A_256 = arith.cmpi ne, %convert_element_type3A_254, %cond3A_255 : i32
      scf.if %cond3A_256 {
        %mul3A_257 = arith.constant 128 : i32
        %mul3A_258 = arith.muli %add3A_251, %mul3A_257 : i32
        %run_scoped3A = arith.constant 3 : i32
        %run_scoped3A_259 = arith.constant 3 : i32
        "tpu.region"() ({
          %run_scoped3A_260 = tpu.sem_alloc : memref<!tpu.dma_semaphore, #tpu.memory_space<semaphore_mem>>
          %dma_start3A = arith.constant 0 : i32
          %dma_start3A_261 = arith.constant 0 : i32
          %dma_start3A_262 = tpu.memref_slice %arg6[%run_scoped3A, %dma_start3A, %dma_start3A_261] : memref<4x128x16xf32, #tpu.memory_space<vmem>> -> memref<1x128x16xf32, #tpu.memory_space<vmem>>
          %dma_start3A_263 = tpu.memref_squeeze %dma_start3A_262 : memref<1x128x16xf32, #tpu.memory_space<vmem>> -> memref<128x16xf32, #tpu.memory_space<vmem>>
          %dma_start3A_264 = arith.constant 0 : i32
          %dma_start3A_265 = tpu.memref_slice %arg5[%run_scoped3A_259, %dma_start3A_264] : memref<4x128xi32, #tpu.memory_space<vmem>> -> memref<1x128xi32, #tpu.memory_space<vmem>>
          %dma_start3A_266 = tpu.memref_squeeze %dma_start3A_265 : memref<1x128xi32, #tpu.memory_space<vmem>> -> memref<128xi32, #tpu.memory_space<vmem>>
          %dma_start3A_267 = arith.constant 0 : i32
          %dma_start3A_268 = arith.constant 0 : i32
          %dma_start3A_269 = tpu.memref_slice %arg8[%dma_start3A_267, %dma_start3A_268] : memref<10000x16xf32, #tpu.memory_space<vmem_shared>> -> memref<10000x16xf32, #tpu.memory_space<vmem_shared>>
          tpu.enqueue_indirect_dma source(%dma_start3A_263 : memref<128x16xf32, #tpu.memory_space<vmem>>) target(%dma_start3A_269 : memref<10000x16xf32, #tpu.memory_space<vmem_shared>>) offsets(%dma_start3A_266 : memref<128xi32, #tpu.memory_space<vmem>>) semaphore(%run_scoped3A_260 : memref<!tpu.dma_semaphore, #tpu.memory_space<semaphore_mem>>) {add = true}
          %dma_wait3A = arith.constant 0 : i32
          %dma_wait3A_270 = arith.constant 0 : i32
          %dma_wait3A_271 = tpu.memref_slice %arg6[%run_scoped3A, %dma_wait3A, %dma_wait3A_270] : memref<4x128x16xf32, #tpu.memory_space<vmem>> -> memref<1x128x16xf32, #tpu.memory_space<vmem>>
          %dma_wait3A_272 = tpu.memref_squeeze %dma_wait3A_271 : memref<1x128x16xf32, #tpu.memory_space<vmem>> -> memref<128x16xf32, #tpu.memory_space<vmem>>
          %dma_wait3A_273 = arith.constant 0 : i32
          %dma_wait3A_274 = tpu.memref_slice %arg5[%run_scoped3A_259, %dma_wait3A_273] : memref<4x128xi32, #tpu.memory_space<vmem>> -> memref<1x128xi32, #tpu.memory_space<vmem>>
          %dma_wait3A_275 = tpu.memref_squeeze %dma_wait3A_274 : memref<1x128xi32, #tpu.memory_space<vmem>> -> memref<128xi32, #tpu.memory_space<vmem>>
          %dma_wait3A_276 = arith.constant 0 : i32
          %dma_wait3A_277 = arith.constant 0 : i32
          %dma_wait3A_278 = tpu.memref_slice %arg8[%dma_wait3A_276, %dma_wait3A_277] : memref<10000x16xf32, #tpu.memory_space<vmem_shared>> -> memref<10000x16xf32, #tpu.memory_space<vmem_shared>>
          tpu.wait_indirect_dma semaphore(%run_scoped3A_260 : memref<!tpu.dma_semaphore, #tpu.memory_space<semaphore_mem>>) src(%dma_wait3A_272 : memref<128x16xf32, #tpu.memory_space<vmem>>) dst(%dma_wait3A_278 : memref<10000x16xf32, #tpu.memory_space<vmem_shared>>)
          tpu.yield
        }) : () -> ()
      } else {
      }
    }
    %scan3A_13 = arith.constant 10 : i32
    %barrier3A_14 = arith.constant 0 : index
    tpu.barrier barrier_id(%barrier3A_14)
    %eq3A = arith.constant 0 : i32
    %eq3A_15 = arith.cmpi eq, %arg1, %eq3A : i32
    %convert_element_type3A = arith.extui %eq3A_15 : i1 to i32
    %cond3A = arith.constant 0 : i32
    %cond3A_16 = arith.cmpi ne, %convert_element_type3A, %cond3A : i32
    scf.if %cond3A_16 {
      "tpu.region"() ({
        %run_scoped3A = tpu.sem_alloc : memref<!tpu.dma_semaphore, #tpu.memory_space<semaphore_mem>>
        %dma_start3A = arith.constant 0 : i32
        %dma_start3A_17 = arith.constant 0 : i32
        %dma_start3A_18 = tpu.memref_slice %arg4[%arg0, %dma_start3A, %dma_start3A_17] : memref<2x10000x16xf32, #tpu.memory_space<hbm>> -> memref<1x10000x16xf32, #tpu.memory_space<hbm>>
        %dma_start3A_19 = tpu.memref_squeeze %dma_start3A_18 : memref<1x10000x16xf32, #tpu.memory_space<hbm>> -> memref<10000x16xf32, #tpu.memory_space<hbm>>
        tpu.enqueue_dma source(%arg8 : memref<10000x16xf32, #tpu.memory_space<vmem_shared>>) target(%dma_start3A_19 : memref<10000x16xf32, #tpu.memory_space<hbm>>) target_semaphore(%run_scoped3A : memref<!tpu.dma_semaphore, #tpu.memory_space<semaphore_mem>>)
        %dma_wait3A = arith.constant 0 : i32
        %dma_wait3A_20 = arith.constant 0 : i32
        %dma_wait3A_21 = tpu.memref_slice %arg4[%arg0, %dma_wait3A, %dma_wait3A_20] : memref<2x10000x16xf32, #tpu.memory_space<hbm>> -> memref<1x10000x16xf32, #tpu.memory_space<hbm>>
        %dma_wait3A_22 = tpu.memref_squeeze %dma_wait3A_21 : memref<1x10000x16xf32, #tpu.memory_space<hbm>> -> memref<10000x16xf32, #tpu.memory_space<hbm>>
        tpu.wait_dma2 semaphore(%run_scoped3A : memref<!tpu.dma_semaphore, #tpu.memory_space<semaphore_mem>>) src(%arg8 : memref<10000x16xf32, #tpu.memory_space<vmem_shared>>) dst(%dma_wait3A_22 : memref<10000x16xf32, #tpu.memory_space<hbm>>)
        tpu.yield
      }) : () -> ()
    } else {
    }
    return
  }
}

module attributes {stable_mosaic.version = 14 : i64} {
  func.func @body(%arg0: i32, %arg1: memref<640x16xf32, #tpu.memory_space<vmem>>, %arg2: memref<640x128xf32, #tpu.memory_space<vmem>>, %arg3: memref<16x1024xf32, #tpu.memory_space<vmem>>, %arg4: memref<1x1024xf32, #tpu.memory_space<vmem>>, %arg5: memref<1024x1024xbf16, #tpu.memory_space<vmem>>, %arg6: memref<1x1024xf32, #tpu.memory_space<vmem>>, %arg7: memref<40x128xf32, #tpu.memory_space<vmem>>, %arg8: memref<128x8xf32, #tpu.memory_space<vmem>>, %arg9: memref<1x8xf32, #tpu.memory_space<vmem>>, %arg10: memref<640x16xf32, #tpu.memory_space<vmem>>, %arg11: memref<40x8xf32, #tpu.memory_space<vmem>>) attributes {dimension_semantics = [#tpu.dimension_semantics<arbitrary>], iteration_bounds = array<i64: 250>, scalar_prefetch = 0 : i64, scratch_operands = 0 : i64, tpu.core_type = #tpu.core_type<tc>, window_params = [{transform_indices = @transform_0, window_bounds = array<i64: 640, 16>}, {transform_indices = @transform_1, window_bounds = array<i64: 640, 128>}, {pipeline_mode = #tpu.pipeline_mode<synchronous>, transform_indices = @transform_2, window_bounds = array<i64: 16, 1024>}, {pipeline_mode = #tpu.pipeline_mode<synchronous>, transform_indices = @transform_3, window_bounds = array<i64: 1, 1024>}, {pipeline_mode = #tpu.pipeline_mode<synchronous>, transform_indices = @transform_4, window_bounds = array<i64: 1024, 1024>}, {pipeline_mode = #tpu.pipeline_mode<synchronous>, transform_indices = @transform_5, window_bounds = array<i64: 1, 1024>}, {transform_indices = @transform_6, window_bounds = array<i64: 40, 128>}, {pipeline_mode = #tpu.pipeline_mode<synchronous>, transform_indices = @transform_7, window_bounds = array<i64: 128, 8>}, {pipeline_mode = #tpu.pipeline_mode<synchronous>, transform_indices = @transform_8, window_bounds = array<i64: 1, 8>}, {transform_indices = @transform_9, window_bounds = array<i64: 640, 16>}, {transform_indices = @transform_10, window_bounds = array<i64: 40, 8>}]} {
    %get3A = arith.constant 0 : index
    %get3A_0 = arith.constant 0 : index
    %get3A_1 = vector.load %arg1[%get3A, %get3A_0] : memref<640x16xf32, #tpu.memory_space<vmem>>, vector<640x16xf32>
    %get3A_2 = arith.constant 0 : index
    %get3A_3 = arith.constant 0 : index
    %get3A_4 = vector.load %arg3[%get3A_2, %get3A_3] : memref<16x1024xf32, #tpu.memory_space<vmem>>, vector<16x1024xf32>
    %dot_general3A = arith.constant dense<0.000000e+00> : vector<640x1024xf32>
    %dot_general3A_5 = tpu.matmul %get3A_1, %get3A_4, %dot_general3A {dimension_numbers = #tpu.dot_dimension_numbers<[1], [0], [0], [1], [0, 0, 1, 1], [], []>, transpose_lhs_hint = false} : vector<640x16xf32>, vector<16x1024xf32>, vector<640x1024xf32> -> vector<640x1024xf32>
    %get3A_6 = arith.constant 0 : index
    %get3A_7 = arith.constant 0 : index
    %get3A_8 = vector.load %arg4[%get3A_6, %get3A_7] : memref<1x1024xf32, #tpu.memory_space<vmem>>, vector<1x1024xf32>
    %add3A = vector.broadcast %get3A_8 : vector<1x1024xf32> to vector<640x1024xf32>
    %add3A_9 = arith.addf %dot_general3A_5, %add3A : vector<640x1024xf32>
    %max3A = arith.constant 0.000000e+00 : f32
    %max3A_10 = vector.broadcast %max3A : f32 to vector<640x1024xf32>
    %max3A_11 = arith.maximumf %add3A_9, %max3A_10 : vector<640x1024xf32>
    %convert_element_type3A = arith.truncf %max3A_11 : vector<640x1024xf32> to vector<640x1024xbf16>
    %get3A_12 = arith.constant 0 : index
    %get3A_13 = arith.constant 0 : index
    %get3A_14 = vector.load %arg5[%get3A_12, %get3A_13] : memref<1024x1024xbf16, #tpu.memory_space<vmem>>, vector<1024x1024xbf16>
    %dot_general3A_15 = arith.constant dense<0.000000e+00> : vector<640x1024xf32>
    %dot_general3A_16 = tpu.matmul %convert_element_type3A, %get3A_14, %dot_general3A_15 {dimension_numbers = #tpu.dot_dimension_numbers<[1], [0], [0], [1], [0, 0, 1, 1], [], []>, transpose_lhs_hint = false} : vector<640x1024xbf16>, vector<1024x1024xbf16>, vector<640x1024xf32> -> vector<640x1024xf32>
    %get3A_17 = arith.constant 0 : index
    %get3A_18 = arith.constant 0 : index
    %get3A_19 = vector.load %arg6[%get3A_17, %get3A_18] : memref<1x1024xf32, #tpu.memory_space<vmem>>, vector<1x1024xf32>
    %add3A_20 = vector.broadcast %get3A_19 : vector<1x1024xf32> to vector<640x1024xf32>
    %add3A_21 = arith.addf %dot_general3A_16, %add3A_20 : vector<640x1024xf32>
    %get3A_22 = arith.constant 0 : index
    %get3A_23 = arith.constant 0 : index
    %get3A_24 = vector.load %arg2[%get3A_22, %get3A_23] : memref<640x128xf32, #tpu.memory_space<vmem>>, vector<640x128xf32>
    %slice3A = vector.extract_strided_slice %add3A_21 {offsets = [0, 0], sizes = [640, 128], strides = [1, 1]} : vector<640x1024xf32> to vector<640x128xf32>
    %mul3A = arith.mulf %slice3A, %get3A_24 : vector<640x128xf32>
    %reduce_sum3A = arith.constant dense<0.000000e+00> : vector<640xf32>
    %reduce_sum3A_25 = vector.multi_reduction <add>, %mul3A, %reduce_sum3A [1] : vector<640x128xf32> to vector<640xf32>
    %broadcast_in_dim3A = vector.shape_cast %reduce_sum3A_25 : vector<640xf32> to vector<640x1xf32>
    %slice3A_26 = vector.extract_strided_slice %add3A_21 {offsets = [0, 128], sizes = [640, 128], strides = [1, 1]} : vector<640x1024xf32> to vector<640x128xf32>
    %mul3A_27 = arith.mulf %slice3A_26, %get3A_24 : vector<640x128xf32>
    %reduce_sum3A_28 = arith.constant dense<0.000000e+00> : vector<640xf32>
    %reduce_sum3A_29 = vector.multi_reduction <add>, %mul3A_27, %reduce_sum3A_28 [1] : vector<640x128xf32> to vector<640xf32>
    %broadcast_in_dim3A_30 = vector.shape_cast %reduce_sum3A_29 : vector<640xf32> to vector<640x1xf32>
    %slice3A_31 = vector.extract_strided_slice %add3A_21 {offsets = [0, 256], sizes = [640, 128], strides = [1, 1]} : vector<640x1024xf32> to vector<640x128xf32>
    %mul3A_32 = arith.mulf %slice3A_31, %get3A_24 : vector<640x128xf32>
    %reduce_sum3A_33 = arith.constant dense<0.000000e+00> : vector<640xf32>
    %reduce_sum3A_34 = vector.multi_reduction <add>, %mul3A_32, %reduce_sum3A_33 [1] : vector<640x128xf32> to vector<640xf32>
    %broadcast_in_dim3A_35 = vector.shape_cast %reduce_sum3A_34 : vector<640xf32> to vector<640x1xf32>
    %slice3A_36 = vector.extract_strided_slice %add3A_21 {offsets = [0, 384], sizes = [640, 128], strides = [1, 1]} : vector<640x1024xf32> to vector<640x128xf32>
    %mul3A_37 = arith.mulf %slice3A_36, %get3A_24 : vector<640x128xf32>
    %reduce_sum3A_38 = arith.constant dense<0.000000e+00> : vector<640xf32>
    %reduce_sum3A_39 = vector.multi_reduction <add>, %mul3A_37, %reduce_sum3A_38 [1] : vector<640x128xf32> to vector<640xf32>
    %broadcast_in_dim3A_40 = vector.shape_cast %reduce_sum3A_39 : vector<640xf32> to vector<640x1xf32>
    %slice3A_41 = vector.extract_strided_slice %add3A_21 {offsets = [0, 512], sizes = [640, 128], strides = [1, 1]} : vector<640x1024xf32> to vector<640x128xf32>
    %mul3A_42 = arith.mulf %slice3A_41, %get3A_24 : vector<640x128xf32>
    %reduce_sum3A_43 = arith.constant dense<0.000000e+00> : vector<640xf32>
    %reduce_sum3A_44 = vector.multi_reduction <add>, %mul3A_42, %reduce_sum3A_43 [1] : vector<640x128xf32> to vector<640xf32>
    %broadcast_in_dim3A_45 = vector.shape_cast %reduce_sum3A_44 : vector<640xf32> to vector<640x1xf32>
    %slice3A_46 = vector.extract_strided_slice %add3A_21 {offsets = [0, 640], sizes = [640, 128], strides = [1, 1]} : vector<640x1024xf32> to vector<640x128xf32>
    %mul3A_47 = arith.mulf %slice3A_46, %get3A_24 : vector<640x128xf32>
    %reduce_sum3A_48 = arith.constant dense<0.000000e+00> : vector<640xf32>
    %reduce_sum3A_49 = vector.multi_reduction <add>, %mul3A_47, %reduce_sum3A_48 [1] : vector<640x128xf32> to vector<640xf32>
    %broadcast_in_dim3A_50 = vector.shape_cast %reduce_sum3A_49 : vector<640xf32> to vector<640x1xf32>
    %slice3A_51 = vector.extract_strided_slice %add3A_21 {offsets = [0, 768], sizes = [640, 128], strides = [1, 1]} : vector<640x1024xf32> to vector<640x128xf32>
    %mul3A_52 = arith.mulf %slice3A_51, %get3A_24 : vector<640x128xf32>
    %reduce_sum3A_53 = arith.constant dense<0.000000e+00> : vector<640xf32>
    %reduce_sum3A_54 = vector.multi_reduction <add>, %mul3A_52, %reduce_sum3A_53 [1] : vector<640x128xf32> to vector<640xf32>
    %broadcast_in_dim3A_55 = vector.shape_cast %reduce_sum3A_54 : vector<640xf32> to vector<640x1xf32>
    %slice3A_56 = vector.extract_strided_slice %add3A_21 {offsets = [0, 896], sizes = [640, 128], strides = [1, 1]} : vector<640x1024xf32> to vector<640x128xf32>
    %mul3A_57 = arith.mulf %slice3A_56, %get3A_24 : vector<640x128xf32>
    %reduce_sum3A_58 = arith.constant dense<0.000000e+00> : vector<640xf32>
    %reduce_sum3A_59 = vector.multi_reduction <add>, %mul3A_57, %reduce_sum3A_58 [1] : vector<640x128xf32> to vector<640xf32>
    %broadcast_in_dim3A_60 = vector.shape_cast %reduce_sum3A_59 : vector<640xf32> to vector<640x1xf32>
    %broadcast_in_dim3A_61 = arith.constant 1.000000e+00 : f32
    %broadcast_in_dim3A_62 = vector.broadcast %broadcast_in_dim3A_61 : f32 to vector<640x1xf32>
    %broadcast_in_dim3A_63 = arith.constant 0.000000e+00 : f32
    %broadcast_in_dim3A_64 = vector.broadcast %broadcast_in_dim3A_63 : f32 to vector<640x7xf32>
    %concatenate3A = tpu.concatenate %broadcast_in_dim3A, %broadcast_in_dim3A_30, %broadcast_in_dim3A_35, %broadcast_in_dim3A_40, %broadcast_in_dim3A_45, %broadcast_in_dim3A_50, %broadcast_in_dim3A_55, %broadcast_in_dim3A_60, %broadcast_in_dim3A_62, %broadcast_in_dim3A_64 in 1 : vector<640x1xf32>, vector<640x1xf32>, vector<640x1xf32>, vector<640x1xf32>, vector<640x1xf32>, vector<640x1xf32>, vector<640x1xf32>, vector<640x1xf32>, vector<640x1xf32>, vector<640x7xf32> -> vector<640x16xf32>
    %swap3A = arith.constant 0 : index
    %swap3A_65 = arith.constant 0 : index
    %swap3A_66 = vector.load %arg10[%swap3A, %swap3A_65] : memref<640x16xf32, #tpu.memory_space<vmem>>, vector<640x16xf32>
    tpu.vector_store %arg10[%swap3A, %swap3A_65], %concatenate3A {strides = array<i32>} : memref<640x16xf32, #tpu.memory_space<vmem>>, vector<640x16xf32>,
    %get3A_67 = arith.constant 0 : index
    %get3A_68 = arith.constant 0 : index
    %get3A_69 = vector.load %arg7[%get3A_67, %get3A_68] : memref<40x128xf32, #tpu.memory_space<vmem>>, vector<40x128xf32>
    %get3A_70 = arith.constant 0 : index
    %get3A_71 = arith.constant 0 : index
    %get3A_72 = vector.load %arg8[%get3A_70, %get3A_71] : memref<128x8xf32, #tpu.memory_space<vmem>>, vector<128x8xf32>
    %dot_general3A_73 = arith.constant dense<0.000000e+00> : vector<40x8xf32>
    %dot_general3A_74 = tpu.matmul %get3A_69, %get3A_72, %dot_general3A_73 {dimension_numbers = #tpu.dot_dimension_numbers<[1], [0], [0], [1], [0, 0, 1, 1], [], []>, transpose_lhs_hint = false} : vector<40x128xf32>, vector<128x8xf32>, vector<40x8xf32> -> vector<40x8xf32>
    %get3A_75 = arith.constant 0 : index
    %get3A_76 = arith.constant 0 : index
    %get3A_77 = vector.load %arg9[%get3A_75, %get3A_76] : memref<1x8xf32, #tpu.memory_space<vmem>>, vector<1x8xf32>
    %add3A_78 = vector.broadcast %get3A_77 : vector<1x8xf32> to vector<40x8xf32>
    %add3A_79 = arith.addf %dot_general3A_74, %add3A_78 : vector<40x8xf32>
    %swap3A_80 = arith.constant 0 : index
    %swap3A_81 = arith.constant 0 : index
    %swap3A_82 = vector.load %arg11[%swap3A_80, %swap3A_81] : memref<40x8xf32, #tpu.memory_space<vmem>>, vector<40x8xf32>
    tpu.vector_store %arg11[%swap3A_80, %swap3A_81], %add3A_79 {strides = array<i32>} : memref<40x8xf32, #tpu.memory_space<vmem>>, vector<40x8xf32>,
    return
  }
  func.func @transform_0(%arg0: i32) -> (i32, i32) {
    %c0_i32 = arith.constant 0 : i32
    %c0_i32_0 = arith.constant 0 : i32
    return %arg0, %c0_i32 : i32, i32
  }
  func.func @transform_1(%arg0: i32) -> (i32, i32) {
    %c0_i32 = arith.constant 0 : i32
    %c0_i32_0 = arith.constant 0 : i32
    return %arg0, %c0_i32 : i32, i32
  }
  func.func @transform_2(%arg0: i32) -> (i32, i32) {
    %c0_i32 = arith.constant 0 : i32
    %c0_i32_0 = arith.constant 0 : i32
    %c0_i32_1 = arith.constant 0 : i32
    return %c0_i32, %c0_i32_0 : i32, i32
  }
  func.func @transform_3(%arg0: i32) -> (i32, i32) {
    %c0_i32 = arith.constant 0 : i32
    %c0_i32_0 = arith.constant 0 : i32
    %c0_i32_1 = arith.constant 0 : i32
    return %c0_i32, %c0_i32_0 : i32, i32
  }
  func.func @transform_4(%arg0: i32) -> (i32, i32) {
    %c0_i32 = arith.constant 0 : i32
    %c0_i32_0 = arith.constant 0 : i32
    %c0_i32_1 = arith.constant 0 : i32
    return %c0_i32, %c0_i32_0 : i32, i32
  }
  func.func @transform_5(%arg0: i32) -> (i32, i32) {
    %c0_i32 = arith.constant 0 : i32
    %c0_i32_0 = arith.constant 0 : i32
    %c0_i32_1 = arith.constant 0 : i32
    return %c0_i32, %c0_i32_0 : i32, i32
  }
  func.func @transform_6(%arg0: i32) -> (i32, i32) {
    %c0_i32 = arith.constant 0 : i32
    %c0_i32_0 = arith.constant 0 : i32
    return %arg0, %c0_i32 : i32, i32
  }
  func.func @transform_7(%arg0: i32) -> (i32, i32) {
    %c0_i32 = arith.constant 0 : i32
    %c0_i32_0 = arith.constant 0 : i32
    %c0_i32_1 = arith.constant 0 : i32
    return %c0_i32, %c0_i32_0 : i32, i32
  }
  func.func @transform_8(%arg0: i32) -> (i32, i32) {
    %c0_i32 = arith.constant 0 : i32
    %c0_i32_0 = arith.constant 0 : i32
    %c0_i32_1 = arith.constant 0 : i32
    return %c0_i32, %c0_i32_0 : i32, i32
  }
  func.func @transform_9(%arg0: i32) -> (i32, i32) {
    %c0_i32 = arith.constant 0 : i32
    %c0_i32_0 = arith.constant 0 : i32
    return %arg0, %c0_i32 : i32, i32
  }
  func.func @transform_10(%arg0: i32) -> (i32, i32) {
    %c0_i32 = arith.constant 0 : i32
    %c0_i32_0 = arith.constant 0 : i32
    return %arg0, %c0_i32 : i32, i32
  }
}

module attributes {stable_mosaic.version = 14 : i64} {
  func.func @body(%arg0: memref<2x10000x16xf32, #tpu.memory_space<vmem>>, %arg1: memref<10000x8xf32, #tpu.memory_space<vmem>>, %arg2: memref<8x8xf32, #tpu.memory_space<vmem>>, %arg3: memref<10000x16xf32, #tpu.memory_space<vmem>>) attributes {dimension_semantics = [], scalar_prefetch = 0 : i64, scratch_operands = 0 : i64, tpu.core_type = #tpu.core_type<tc>} {
    %get3A = arith.constant 0 : index
    %get3A_0 = arith.constant 0 : index
    %get3A_1 = arith.constant 0 : index
    %get3A_2 = vector.load %arg0[%get3A, %get3A_0, %get3A_1] : memref<2x10000x16xf32, #tpu.memory_space<vmem>>, vector<1x10000x8xf32>
    %get3A_3 = vector.shape_cast %get3A_2 : vector<1x10000x8xf32> to vector<10000x8xf32>
    %get3A_4 = arith.constant 1 : index
    %get3A_5 = arith.constant 0 : index
    %get3A_6 = arith.constant 0 : index
    %get3A_7 = vector.load %arg0[%get3A_4, %get3A_5, %get3A_6] : memref<2x10000x16xf32, #tpu.memory_space<vmem>>, vector<1x10000x8xf32>
    %get3A_8 = vector.shape_cast %get3A_7 : vector<1x10000x8xf32> to vector<10000x8xf32>
    %add3A = arith.addf %get3A_3, %get3A_8 : vector<10000x8xf32>
    %get3A_9 = arith.constant 0 : index
    %get3A_10 = arith.constant 0 : index
    %get3A_11 = arith.constant 8 : index
    %get3A_12 = vector.load %arg0[%get3A_9, %get3A_10, %get3A_11] : memref<2x10000x16xf32, #tpu.memory_space<vmem>>, vector<1x10000x1xf32>
    %get3A_13 = vector.shape_cast %get3A_12 : vector<1x10000x1xf32> to vector<10000x1xf32>
    %get3A_14 = arith.constant 1 : index
    %get3A_15 = arith.constant 0 : index
    %get3A_16 = arith.constant 8 : index
    %get3A_17 = vector.load %arg0[%get3A_14, %get3A_15, %get3A_16] : memref<2x10000x16xf32, #tpu.memory_space<vmem>>, vector<1x10000x1xf32>
    %get3A_18 = vector.shape_cast %get3A_17 : vector<1x10000x1xf32> to vector<10000x1xf32>
    %add3A_19 = arith.addf %get3A_13, %get3A_18 : vector<10000x1xf32>
    %add3A_20 = arith.constant 1.000000e+00 : f32
    %add3A_21 = vector.broadcast %add3A_20 : f32 to vector<10000x1xf32>
    %add3A_22 = arith.addf %add3A_19, %add3A_21 : vector<10000x1xf32>
    %get3A_23 = arith.constant 0 : index
    %get3A_24 = arith.constant 0 : index
    %get3A_25 = vector.load %arg1[%get3A_23, %get3A_24] : memref<10000x8xf32, #tpu.memory_space<vmem>>, vector<10000x8xf32>
    %add3A_26 = arith.addf %add3A, %get3A_25 : vector<10000x8xf32>
    %max3A = arith.constant 0.000000e+00 : f32
    %max3A_27 = vector.broadcast %max3A : f32 to vector<10000x8xf32>
    %max3A_28 = arith.maximumf %add3A_26, %max3A_27 : vector<10000x8xf32>
    %rsqrt3A = math.rsqrt %add3A_22 : vector<10000x1xf32>
    %get3A_29 = arith.constant 0 : index
    %get3A_30 = arith.constant 0 : index
    %get3A_31 = vector.load %arg2[%get3A_29, %get3A_30] : memref<8x8xf32, #tpu.memory_space<vmem>>, vector<8x8xf32>
    %dot_general3A = arith.constant dense<0.000000e+00> : vector<10000x8xf32>
    %dot_general3A_32 = tpu.matmul %max3A_28, %get3A_31, %dot_general3A {dimension_numbers = #tpu.dot_dimension_numbers<[1], [0], [0], [1], [0, 0, 1, 1], [], []>, transpose_lhs_hint = false} : vector<10000x8xf32>, vector<8x8xf32>, vector<10000x8xf32> -> vector<10000x8xf32>
    %mul3A = vector.broadcast %rsqrt3A : vector<10000x1xf32> to vector<10000x8xf32>
    %mul3A_33 = arith.mulf %dot_general3A_32, %mul3A : vector<10000x8xf32>
    %broadcast_in_dim3A = arith.constant 0.000000e+00 : f32
    %broadcast_in_dim3A_34 = vector.broadcast %broadcast_in_dim3A : f32 to vector<10000x7xf32>
    %concatenate3A = tpu.concatenate %mul3A_33, %rsqrt3A, %broadcast_in_dim3A_34 in 1 : vector<10000x8xf32>, vector<10000x1xf32>, vector<10000x7xf32> -> vector<10000x16xf32>
    %swap3A = arith.constant 0 : index
    %swap3A_35 = arith.constant 0 : index
    %swap3A_36 = vector.load %arg3[%swap3A, %swap3A_35] : memref<10000x16xf32, #tpu.memory_space<vmem>>, vector<10000x16xf32>
    tpu.vector_store %arg3[%swap3A, %swap3A_35], %concatenate3A {strides = array<i32>} : memref<10000x16xf32, #tpu.memory_space<vmem>>, vector<10000x16xf32>,
    return
  }
}

module attributes {stable_mosaic.version = 14 : i64} {
  func.func @body(%arg0: memref<2x10000x16xf32, #tpu.memory_space<vmem>>, %arg1: memref<10000x16xf32, #tpu.memory_space<vmem>>, %arg2: memref<1x8xf32, #tpu.memory_space<vmem>>, %arg3: memref<1x16xf32, #tpu.memory_space<vmem>>, %arg4: memref<1x1xf32, #tpu.memory_space<vmem>>, %arg5: memref<10000x16xf32, #tpu.memory_space<vmem>>) attributes {dimension_semantics = [], scalar_prefetch = 0 : i64, scratch_operands = 0 : i64, tpu.core_type = #tpu.core_type<tc>} {
    %get3A = arith.constant 0 : index
    %get3A_0 = arith.constant 8 : index
    %get3A_1 = vector.load %arg1[%get3A, %get3A_0] : memref<10000x16xf32, #tpu.memory_space<vmem>>, vector<10000x1xf32>
    %get3A_2 = arith.constant 0 : index
    %get3A_3 = arith.constant 0 : index
    %get3A_4 = arith.constant 0 : index
    %get3A_5 = vector.load %arg0[%get3A_2, %get3A_3, %get3A_4] : memref<2x10000x16xf32, #tpu.memory_space<vmem>>, vector<1x10000x8xf32>
    %get3A_6 = vector.shape_cast %get3A_5 : vector<1x10000x8xf32> to vector<10000x8xf32>
    %get3A_7 = arith.constant 1 : index
    %get3A_8 = arith.constant 0 : index
    %get3A_9 = arith.constant 0 : index
    %get3A_10 = vector.load %arg0[%get3A_7, %get3A_8, %get3A_9] : memref<2x10000x16xf32, #tpu.memory_space<vmem>>, vector<1x10000x8xf32>
    %get3A_11 = vector.shape_cast %get3A_10 : vector<1x10000x8xf32> to vector<10000x8xf32>
    %add3A = arith.addf %get3A_6, %get3A_11 : vector<10000x8xf32>
    %get3A_12 = arith.constant 0 : index
    %get3A_13 = arith.constant 0 : index
    %get3A_14 = vector.load %arg1[%get3A_12, %get3A_13] : memref<10000x16xf32, #tpu.memory_space<vmem>>, vector<10000x8xf32>
    %add3A_15 = arith.addf %add3A, %get3A_14 : vector<10000x8xf32>
    %mul3A = vector.broadcast %get3A_1 : vector<10000x1xf32> to vector<10000x8xf32>
    %mul3A_16 = arith.mulf %add3A_15, %mul3A : vector<10000x8xf32>
    %get3A_17 = arith.constant 0 : index
    %get3A_18 = arith.constant 0 : index
    %get3A_19 = vector.load %arg2[%get3A_17, %get3A_18] : memref<1x8xf32, #tpu.memory_space<vmem>>, vector<1x8xf32>
    %add3A_20 = vector.broadcast %get3A_19 : vector<1x8xf32> to vector<10000x8xf32>
    %add3A_21 = arith.addf %mul3A_16, %add3A_20 : vector<10000x8xf32>
    %get3A_22 = arith.constant 0 : index
    %get3A_23 = arith.constant 0 : index
    %get3A_24 = vector.load %arg3[%get3A_22, %get3A_23] : memref<1x16xf32, #tpu.memory_space<vmem>>, vector<1x8xf32>
    %get3A_25 = arith.constant 0 : index
    %get3A_26 = arith.constant 8 : index
    %get3A_27 = vector.load %arg3[%get3A_25, %get3A_26] : memref<1x16xf32, #tpu.memory_space<vmem>>, vector<1x8xf32>
    %mul3A_28 = vector.broadcast %get3A_24 : vector<1x8xf32> to vector<10000x8xf32>
    %mul3A_29 = arith.mulf %add3A_21, %mul3A_28 : vector<10000x8xf32>
    %reduce_sum3A = arith.constant dense<0.000000e+00> : vector<10000xf32>
    %reduce_sum3A_30 = vector.multi_reduction <add>, %mul3A_29, %reduce_sum3A [1] : vector<10000x8xf32> to vector<10000xf32>
    %broadcast_in_dim3A = vector.shape_cast %reduce_sum3A_30 : vector<10000xf32> to vector<10000x1xf32>
    %get3A_31 = arith.constant 0 : index
    %get3A_32 = arith.constant 0 : index
    %get3A_33 = vector.load %arg4[%get3A_31, %get3A_32] : memref<1x1xf32, #tpu.memory_space<vmem>>, vector<1x1xf32>
    %add3A_34 = vector.broadcast %get3A_33 : vector<1x1xf32> to vector<10000x1xf32>
    %add3A_35 = arith.addf %broadcast_in_dim3A, %add3A_34 : vector<10000x1xf32>
    %mul3A_36 = vector.broadcast %get3A_27 : vector<1x8xf32> to vector<10000x8xf32>
    %mul3A_37 = arith.mulf %add3A_21, %mul3A_36 : vector<10000x8xf32>
    %reduce_sum3A_38 = arith.constant dense<0.000000e+00> : vector<10000xf32>
    %reduce_sum3A_39 = vector.multi_reduction <add>, %mul3A_37, %reduce_sum3A_38 [1] : vector<10000x8xf32> to vector<10000xf32>
    %broadcast_in_dim3A_40 = vector.shape_cast %reduce_sum3A_39 : vector<10000xf32> to vector<10000x1xf32>
    %broadcast_in_dim3A_41 = arith.constant 0.000000e+00 : f32
    %broadcast_in_dim3A_42 = vector.broadcast %broadcast_in_dim3A_41 : f32 to vector<10000x14xf32>
    %concatenate3A = tpu.concatenate %add3A_35, %broadcast_in_dim3A_40, %broadcast_in_dim3A_42 in 1 : vector<10000x1xf32>, vector<10000x1xf32>, vector<10000x14xf32> -> vector<10000x16xf32>
    %swap3A = arith.constant 0 : index
    %swap3A_43 = arith.constant 0 : index
    %swap3A_44 = vector.load %arg5[%swap3A, %swap3A_43] : memref<10000x16xf32, #tpu.memory_space<vmem>>, vector<10000x16xf32>
    tpu.vector_store %arg5[%swap3A, %swap3A_43], %concatenate3A {strides = array<i32>} : memref<10000x16xf32, #tpu.memory_space<vmem>>, vector<10000x16xf32>,
    return
  }
}

module attributes {stable_mosaic.version = 14 : i64} {
  func.func @body(%arg0: memref<1250x128xf32, #tpu.memory_space<vmem>>, %arg1: memref<1250x128xf32, #tpu.memory_space<vmem>>) attributes {dimension_semantics = [], scalar_prefetch = 0 : i64, scratch_operands = 0 : i64, tpu.core_type = #tpu.core_type<tc>} {
    %get3A = arith.constant 0 : index
    %get3A_0 = arith.constant 0 : index
    %get3A_1 = vector.load %arg0[%get3A, %get3A_0] : memref<1250x128xf32, #tpu.memory_space<vmem>>, vector<1250x128xf32>
    %logistic3A = arith.negf %get3A_1 : vector<1250x128xf32>
    %logistic3A_2 = math.exp %logistic3A : vector<1250x128xf32>
    %logistic3A_3 = arith.constant 1.000000e+00 : f32
    %logistic3A_4 = vector.broadcast %logistic3A_3 : f32 to vector<1250x128xf32>
    %logistic3A_5 = arith.addf %logistic3A_4, %logistic3A_2 : vector<1250x128xf32>
    %logistic3A_6 = arith.divf %logistic3A_4, %logistic3A_5 : vector<1250x128xf32>
    %swap3A = arith.constant 0 : index
    %swap3A_7 = arith.constant 0 : index
    %swap3A_8 = vector.load %arg1[%swap3A, %swap3A_7] : memref<1250x128xf32, #tpu.memory_space<vmem>>, vector<1250x128xf32>
    tpu.vector_store %arg1[%swap3A, %swap3A_7], %logistic3A_6 {strides = array<i32>} : memref<1250x128xf32, #tpu.memory_space<vmem>>, vector<1250x128xf32>,
    return
  }
}

</mosaic_0001>

<sc_bundles>
// kernel: kernel.10.cloned.1.call-start
scs
__scs_entry_jumppad:
0x0: {  	(pc) =	sbr.rel $0x88, $3  }
0x1: {  	(tag) =	ssettag $0x0;
	lr =	simm.s32 $0x1  }
0x2: {  	[smem:$0x3F94] =	sst lr;
	_ =	strace $0xD0000000  }
0x3: {  	_ = 	snop  }
0x4: {  	_ = 	snop  }
0x5: {  	_ = 	snop  }
0x6: {  	_ = 	snop  }
0x7: {  	_ = 	snop  }
__scs_overlays_trampoline_lowered:
0x8: {  	[smem:$0x3FA3] =	sst s0  }
0x9: {  	[smem:$0x3FA4] =	sst s1  }
0xa: {  	[smem:$0x3FA5] =	sst s2  }
0xb: {  	[smem:$0x3FA6] =	sst s3  }
0xc: {  	[smem:$0x3FA7] =	sst s4  }
0xd: {  	[smem:$0x3FA8] =	sst s5  }
0xe: {  	[smem:$0x3FA9] =	sst s6  }
0xf: {  	[smem:$0x3FAA] =	sst s7  }
0x10: {  	[smem:$0x3FAB] =	sst s8  }
0x11: {  	[smem:$0x3FAC] =	sst s9;
	s0 =	simm.s32 @!p0 $0x0  }
0x12: {  	s1 =	sld [smem:$0x3F92];
	s0 =	simm.s32 @p0 $0x1  }
0x13: {  	[smem:$0x3FAD] =	sst s0;
	s0 =	simm.s32 @!p1 $0x0  }
0x14: {  	s2 =	sld [smem:$0x3F91];
	s0 =	simm.s32 @p1 $0x1  }
0x15: {  	[smem:$0x3FAE] =	sst s0;
	s0 =	simm.s32 @!p2 $0x0  }
0x16: {  	s3 =	sld [smem:$0x3FDB];
	s0 =	simm.s32 @p2 $0x1  }
0x17: {  	s4 =	simm.s32 $0x1BF5;
	[smem:$0x3FB0] =	sst s0  }
0x18: {  	s0 =	sld [smem:$0x3F93];
	_ =	swait.ge [sflag:s4], $0x0  }
0x19: {  	s7 =	sld [smem:$0x3F94]  }
0x1a: {  	s8 =	sadd.s32 $0xFFFFE003, lr  }
0x1b: {  	s9 =	sadd.s32 $0xFFFFFEF7, lr;
	s5 =	simm.s32 $0xFFFFFFFF;
	p2 =	slt.u32 s8, $0xFFFFF086  }
0x1c: {  	p1 =	slt.u32 s9, $0xF7A;
	s5 =	simm.s32 @!p2 $0x0  }
0x1d: {  	s5 =	simm.s32 @p1 $0x1;
	p0 =	seq.s32 s7, s2  }
0x1e: {  	s7 =	smul.u32 @!p0 $0xF7A, s2;
	p2 =	seq.s32 @!p0 s5, $0x0  }
0x1f: {  	s9 =	smul.u32 $0xF7A, s1;
	s8 =	simm.s32 @!p0 $0x1BF5;
	p2 =	por !p2, p0  }
0x20: {  	[sflag:s8] =	ssyncset.s32 @!p0 $0xFFFFF086;
	s6 =	sadd.s32 @!p0 s3, s7;
	s7 =	simm.s32 @!p0 $0x108  }
0x21: {  	s3 =	sadd.s32 s3, s9;
	s6 =	sadd.s32 @!p0 $0x88, s6;
	s7 =	simm.s32 @p2 $0x1082  }
0x22: {  	[simem:s7], [sflag:s8] =	dma.local @!p0 [hbm:s6], $0xF7A  }
0x23: {  	s9 =	sor.u32 $0xD0000000, s2;
	s6 =	simm.s32 $0x108;
	_ =	swait.ge @!p0 [sflag:s8], $0x0  }
0x24: {  	s3 =	sadd.s32 $0x88, s3;
	s6 =	simm.s32 @!p1 $0x1082;
	[sflag:s4] =	ssyncset.s32 $0xFFFFF086  }
0x25: {  	[simem:s6], [sflag:s4] =	dma.local [hbm:s3], $0xF7A  }
0x26: {  	[smem:$0x3F94] =	sst s1;
	(tag) =	ssettag s2;
	_ =	strace s9  }
0x27: {  	s1 =	sld [smem:$0x3FA4]  }
0x28: {  	s2 =	sld [smem:$0x3FA5]  }
0x29: {  	s4 =	sld [smem:$0x3FA7]  }
0x2a: {  	p0 =	seq.s32 s5, $0x0;
	s5 =	sld [smem:$0x3FA8]  }
0x2b: {  	s6 =	sld [smem:$0x3FA9]  }
0x2c: {  	s7 =	sld [smem:$0x3FAA]  }
0x2d: {  	s3 =	simm.s32 $0x108;
	s8 =	sld [smem:$0x3FAB]  }
0x2e: {  	s3 =	simm.s32 @!p0 $0x1082;
	s9 =	sld [smem:$0x3FAC]  }
0x2f: {  	lr =	sadd.s32 s0, s3;
	s0 =	sld [smem:$0x3FA3]  }
0x30: {  	s3 =	sld [smem:$0x3FA6]  }
0x31: {  	[smem:$0x3FAF] =	sst s10  }
0x32: {  	s10 =	sld [smem:$0x3FAD];
	_ =	sdelay $0x3  }
0x33: {  	p0 =	seq.s32 s10, $0x1;
	s10 =	sld [smem:$0x3FAF];
	_ =	sdelay $0x3  }
0x34: {  	[smem:$0x3FAF] =	sst s10  }
0x35: {  	s10 =	sld [smem:$0x3FAE];
	_ =	sdelay $0x3  }
0x36: {  	p1 =	seq.s32 s10, $0x1;
	s10 =	sld [smem:$0x3FAF];
	_ =	sdelay $0x3  }
0x37: {  	[smem:$0x3FAF] =	sst s10  }
0x38: {  	s10 =	sld [smem:$0x3FB0]  }
0x39: {  	_ = 	snop;
	(pc) =	sbr.ind lr, $3  }
0x3a: {  	_ = 	snop  }
0x3b: {  	_ = 	snop  }
0x3c: {  	p2 =	seq.s32 s10, $0x1;
	s10 =	sld [smem:$0x3FAF]  }
0x3d: {  	_ =	shalt  }
0x3e: {  	_ =	shalt  }
0x3f: {  	_ =	shalt  }
0x40: {  	_ =	shalt  }
0x41: {  	_ =	shalt  }
0x42: {  	_ =	shalt  }
0x43: {  	_ =	shalt  }
0x44: {  	_ =	shalt  }
0x45: {  	_ =	shalt  }
0x46: {  	_ =	shalt  }
0x47: {  	_ =	shalt  }
0x48: {  	_ =	shalt  }
0x49: {  	_ =	shalt  }
0x4a: {  	_ =	shalt  }
0x4b: {  	_ =	shalt  }
0x4c: {  	_ =	shalt  }
0x4d: {  	_ =	shalt  }
0x4e: {  	_ =	shalt  }
0x4f: {  	_ =	shalt  }
0x50: {  	_ =	shalt  }
0x51: {  	_ =	shalt  }
0x52: {  	_ =	shalt  }
0x53: {  	_ =	shalt  }
0x54: {  	_ =	shalt  }
0x55: {  	_ =	shalt  }
0x56: {  	_ =	shalt  }
0x57: {  	_ =	shalt  }
0x58: {  	_ =	shalt  }
0x59: {  	_ =	shalt  }
0x5a: {  	_ =	shalt  }
0x5b: {  	_ =	shalt  }
0x5c: {  	_ =	shalt  }
0x5d: {  	_ =	shalt  }
0x5e: {  	_ =	shalt  }
0x5f: {  	_ =	shalt  }
0x60: {  	_ =	shalt  }
0x61: {  	_ =	shalt  }
0x62: {  	_ =	shalt  }
0x63: {  	_ =	shalt  }
0x64: {  	_ =	shalt  }
0x65: {  	_ =	shalt  }
0x66: {  	_ =	shalt  }
0x67: {  	_ =	shalt  }
0x68: {  	_ =	shalt  }
0x69: {  	_ =	shalt  }
0x6a: {  	_ =	shalt  }
0x6b: {  	_ =	shalt  }
0x6c: {  	_ =	shalt  }
0x6d: {  	_ =	shalt  }
0x6e: {  	_ =	shalt  }
0x6f: {  	_ =	shalt  }
0x70: {  	_ =	shalt  }
0x71: {  	_ =	shalt  }
0x72: {  	_ =	shalt  }
0x73: {  	_ =	shalt  }
0x74: {  	_ =	shalt  }
0x75: {  	_ =	shalt  }
0x76: {  	_ =	shalt  }
0x77: {  	_ =	shalt  }
0x78: {  	_ =	shalt  }
0x79: {  	_ =	shalt  }
0x7a: {  	_ =	shalt  }
0x7b: {  	_ =	shalt  }
0x7c: {  	_ =	shalt  }
0x7d: {  	_ =	shalt  }
0x7e: {  	_ =	shalt  }
0x7f: {  	_ =	shalt  }
0x80: {  	_ =	shalt  }
0x81: {  	_ =	shalt  }
0x82: {  	_ =	shalt  }
0x83: {  	_ =	shalt  }
0x84: {  	_ =	shalt  }
0x85: {  	_ =	shalt  }
0x86: {  	_ =	shalt  }
0x87: {  	_ =	shalt  }
.Lfunc_end0:
.L_simem_size_0:
called_computation_lowered:
.L_overlay_start_0:
0x88: {  	s2 =	sld [smem:$0x3FD9]  }
0x89: {  	s3 =	sld [smem:$0x3FFE];
	_ =	sdelay $0x1  }
0x8a: {  	s1 =	srdreg.scid  }
0x8b: {  	s0 =	sand.u32 $0x1, s1  }
0x8c: {  	s17 =	sshll.u32 s0, $0xA;
	s2 =	sadd.s32 s3, s2  }
0x8d: {  	s2 =	sadd.s32 s2, s17  }
0x8e: {  	[smem:$0x3FBB] =	sst s2  }
0x8f: {  	_ = 	snop  }
0x90: {  	s2 =	sld [smem:$0x3FC9];
	(tm) =	ssettm $0x1  }
0x91: {  	s18 =	sld [smem:$0x3FFB];
	_ =	sdelay $0x3  }
0x92: {  	_ =	strace s18  }
0x93: {  	s3 =	sld [smem:$0x3FFC];
	_ =	sdelay $0x3  }
0x94: {  	_ =	strace s3  }
0x95: {  	s3 =	sld [smem:$0x3FFD];
	_ =	sdelay $0x3  }
0x96: {  	_ =	strace s3  }
0x97: {  	_ =	strace $0x8FFFFFFF  }
0x98: {  	s19 =	sld [smem:$0x3FDB];
	_ =	sdelay $0x1  }
0x99: {  	s4 =	simm.s32 $_scs_section_size  }
0x9a: {  	s5 =	simm.s32 $_size__tile_overlayer_lowered;
	s6 =	simm.s32 $_tile_overlayer_lowered  }
0x9b: {  	s22 =	simm.s32 $0x1BFF;
	s21 =	sshll.u32 s6, $0x1;
	s3 =	sadd.s32 s4, s19  }
0x9c: {  	s7 =	simm.s32 $0x0;
	s20 =	sshll.u32 s5, $0x1;
	s5 =	sadd.s32 s21, s3  }
0x9d: {  	[timem:s7], [sflag:s22] =	dma.local [hbm:s5], s20  }
0x9e: {  	_ =	swait.ge [sflag:s22], s20  }
0x9f: {  	s4 =	ssub.s32 $0x0, s20;
	[sflag:s22] =	ssyncset.done $0x0  }
0xa0: {  	[sflag:s22] =	ssyncadd.s32 s4;
	_ =	sdelay $0x1  }
0xa1: {  	s23 =	simm.s32 $0x1B8B  }
0xa2: {  	_ =	swait.ge [sflag:s23], $0x1  }
0xa3: {  	[sflag:s23] =	ssyncset.done $0x0  }
0xa4: {  	s25 =	simm.s32 $0x1B8E;
	s24 =	sld [smem:$0x3FFE];
	[sflag:s23] =	ssyncadd.s32 $0xFFFFFFFF  }
0xa5: {  	s26 =	simm.s32 $execute0_lowered;
	[smem:$0x3FD2] =	sst s25  }
0xa6: {  	s5 =	sshll.u32 s26, $0x1;
	_ =	strace $0x80000046;
	[dreg:$0x1] =	wrdreg $0xFFFFFFFF  }
0xa7: {  	s28 =	simm.s32 $_size_execute0_lowered;
	s3 =	sadd.s32 s3, s5;
	[dreg:$0x0] =	wrdreg $0x0  }
0xa8: {  	s5 =	sshll.u32 s28, $0x1;
	[dreg:$0x2] =	wrdreg s3  }
0xa9: {  	[dreg:$0x3] =	wrdreg s5  }
0xaa: {  	[dreg:$0x4] =	wrdreg $0xC0  }
0xab: {  	_ =	task [dreg:s7], $0x5FFFF  }
0xac: {  	[dreg:$0x1] =	wrdreg $0xFFFFFFFF  }
0xad: {  	[dreg:$0x0] =	wrdreg $0x60  }
0xae: {  	[dreg:$0x2] =	wrdreg s2  }
0xaf: {  	[dreg:$0x3] =	wrdreg s24  }
0xb0: {  	[dreg:$0x4] =	wrdreg $0x9  }
0xb1: {  	_ =	task.clear_ibuf [dreg:s7], $0x5FFFF;
	_ =	strace $0x90000046  }
0xb2: {  	s29 =	simm.s32 $0x9;
	_ =	strace $0x80000048  }
0xb3: {  	_ =	swait.ge [sflag:s29], $0x1  }
0xb4: {  	[sflag:s29] =	ssyncadd.s32 $0xFFFFFFFF  }
0xb5: {  	_ =	strace $0x90000048  }
0xb6: {  	_ =	sfence  }
0xb7: {  	s30 =	sld [smem:$0x0];
	_ =	sdelay $0x2  }
0xb8: {  	s31 =	sshll.u32 s1, $0xD;
	s1 =	sshrl.u32 s1, $0x2  }
0xb9: {  	s3 =	sand.u32 $0x4000, s31;
	s1 =	sadd.s32 s1, s30  }
0xba: {  	s0 =	sor.u32 s3, s0;
	s1 =	sshll.u32 s1, $0x11  }
0xbb: {  	s0 =	sor.u32 s1, s0  }
0xbc: {  	s0 =	sadd.s32 $0x8F2B, s0  }
0xbd: {  	[sflag:s0] =	ssyncadd.remote.s32 $0x1  }
0xbe: {  	_ =	sfence.sel $0xFFFF  }
0xbf: {  	[dreg:$0x0] =	wrdreg $0xFFFFFFFF;
	(pc) =	sbr.abs _section_cstart, $3  }
0xc0: {  	[dreg:$0x1] =	wrdreg $0xFFFFFFFF  }
0xc1: {  	_ =	task.clear_ibuf [dreg:s7], $0x2FFFF;
	_ =	strace $0x9FFFFFFF  }
0xc2: {  	(tm) =	ssettm $0x7FFFFFFF  }
0xc3: {  	_ =	shalt  }
tec
execute0_lowered:
.L_overlay_start_1:
0x0: {  	(tag) =	ssettag $0x1  }
0x1: {  	s1 =	rddreg [dreg:$0x0]  }
0x2: {  	s4 =	rddreg [dreg:$0x1]  }
0x3: {  	s0 =	rddreg [dreg:$0x2]  }
0x4: {  	s3 =	simm.s32 $0x0;
	s5 =	srdreg.scid;
	s2 =	stileid.u32  }
0x5: {  	s26 =	simm.s32 $0x80;
	s28 =	simm.s32 $0x100;
	s29 =	simm.s32 $0x200  }
0x6: {  	s30 =	simm.s32 $0x4200;
	s31 =	simm.s32 $0x8200;
	s10 =	simm.s32 $0x0  }
0x7: {  	[smem:$0x7FF] =	sst s3;
	s7 =	sand.u32 $0x1, s5;
	s22 =	sshll.u32 s2, $0x5  }
0x8: {  	s6 =	sshll.u32 s2, $0xC;
	_ =	strace $0x80000047;
	[dreg:$0x3] =	wrdreg s26  }
0x9: {  	s24 =	sshll.u32 s2, $0x1;
	s8 =	ssub.s32 $0x2, s7;
	[dreg:$0x4] =	wrdreg s28  }
0xa: {  	s5 =	sadd.s32 s22, s4;
	s6 =	sadd.s32 s6, s4;
	[dreg:$0x5] =	wrdreg s29  }
0xb: {  	s9 =	sshll.u32 s7, $0x4;
	s25 =	sshll.u32 s7, $0xB;
	[dreg:$0x6] =	wrdreg s30  }
0xc: {  	s7 =	sor.u32 s7, s24;
	[dreg:$0x7] =	wrdreg s31;
	s23 =	sshrl.u32 s8, $0x1  }
0xd: {  	s5 =	sadd.s32 s9, s5;
	s6 =	sadd.s32 s25, s6;
	s7 =	sor.u32 $0x60, s7  }
0xe: {  	s9 =	simm.s32 $0x3;
	s4 =	ssub.s32 s8, s23;
	s5 =	sadd.s32 $0x1E00, s5  }
0xf: {  	s6 =	sadd.s32 $0x6E00, s6;
	s8 =	simm.s32 $0x2;
	s4 =	smax.u32 s4, $0x1  }
.LBB2_1:
0x10: {  	s11 =	sadd.s32 $0x0, s5  }
0x11: {  	[tilespmem:s3], [sflag:$0x1] =	stream.linear.gather [hbm4b:s11+s3], $0x80, $0x38;
	[tilespmem:$0x10200] =	vst v63  }
0x12: {  	s12 =	rddreg [dreg:$0x3];
	s13 =	sadd.s32 $0x200, s11  }
0x13: {  	[tilespmem:s12], [sflag:$0x1] =	stream.linear.gather [hbm4b:s13+s3], $0x80, $0x38;
	[tilespmem:$0x10200] =	vst v63  }
0x14: {  	s14 =	rddreg [dreg:$0x4];
	p0 =	sgt.u32 s7, $0x4E1;
	s11 =	sadd.s32 $0x400, s11  }
0x15: {  	[tilespmem:s14], [sflag:$0x1] =	stream.linear.gather [hbm4b:s11+s3], $0x80, $0x38;
	[tilespmem:$0x10200] =	vst v63  }
0x16: {  	s11 =	simm.s32 @p0 $0x1  }
0x17: {  	_ =	swait.ge @p0 [sflag:s11], $0x80  }
0x18: {  	[sflag:s11] =	ssyncset.done @p0 $0x0  }
0x19: {  	[sflag:s11] =	ssyncadd.s32 @p0 $0xFFFFFF80  }
0x1a: {  	_ =	swait.ge @p0 [sflag:s11], $0x80  }
0x1b: {  	[sflag:s11] =	ssyncset.done @p0 $0x0  }
0x1c: {  	[sflag:s11] =	ssyncadd.s32 @p0 $0xFFFFFF80  }
0x1d: {  	_ =	swait.ge @p0 [sflag:s11], $0x80  }
0x1e: {  	s12 =	simm.s32 @p0 $0x200;
	[sflag:s11] =	ssyncset.done @p0 $0x0  }
0x1f: {  	s13 =	simm.s32 @p0 $0x80;
	s14 =	simm.s32 @p0 $0x0;
	[sflag:s11] =	ssyncadd.s32 @p0 $0xFFFFFF80  }
0x20: {  	[tilespmem:s12], [sflag:$0x2] =	stream.indirect.gather @p0 [hbm4b:s1+s13], $0x80, s14, s13, $0xb8;
	[tilespmem:$0x10200] =	vst v63  }
0x21: {  	s11 =	sadd.s32 @!p0 $0x0, s5;
	s12 =	simm.s32 @p0 $0x4200  }
0x22: {  	[tilespmem:s12], [sflag:$0x2] =	stream.indirect.gather @p0 [hbm4b:s1+s13], $0x80, s13, s13, $0xb8;
	[tilespmem:$0x10200] =	vst v63  }
0x23: {  	s11 =	sadd.s32 @!p0 $0x600, s11;
	s14 =	simm.s32 @p0 $0x8200;
	s12 =	simm.s32 @p0 $0x100  }
0x24: {  	[tilespmem:s14], [sflag:$0x2] =	stream.indirect.gather @p0 [hbm4b:s1+s13], $0x80, s12, s13, $0xb8;
	[tilespmem:$0x10200] =	vst v63  }
0x25: {  	s12 =	simm.s32 @!p0 $0x0;
	s13 =	simm.s32 @!p0 $0x180;
	s14 =	simm.s32 @!p0 $0x1  }
0x26: {  	[tilespmem:s13], [sflag:$0x1] =	stream.linear.gather @!p0 [hbm4b:s11+s12], $0x80, $0x38;
	[tilespmem:$0x10200] =	vst v63  }
0x27: {  	_ =	swait.ge @!p0 [sflag:s14], $0x80  }
0x28: {  	[sflag:s14] =	ssyncset.done @!p0 $0x0  }
0x29: {  	[sflag:s14] =	ssyncadd.s32 @!p0 $0xFFFFFF80  }
0x2a: {  	_ =	swait.ge @!p0 [sflag:s14], $0x80  }
0x2b: {  	[sflag:s14] =	ssyncset.done @!p0 $0x0  }
0x2c: {  	[sflag:s14] =	ssyncadd.s32 @!p0 $0xFFFFFF80  }
0x2d: {  	_ =	swait.ge @!p0 [sflag:s14], $0x80  }
0x2e: {  	[sflag:s14] =	ssyncset.done @!p0 $0x0  }
0x2f: {  	[sflag:s14] =	ssyncadd.s32 @!p0 $0xFFFFFF80  }
0x30: {  	_ =	swait.ge @!p0 [sflag:s14], $0x80  }
0x31: {  	[sflag:s14] =	ssyncset.done @!p0 $0x0  }
0x32: {  	s15 =	simm.s32 @!p0 $0x200;
	s11 =	simm.s32 @!p0 $0x80;
	[sflag:s14] =	ssyncadd.s32 @!p0 $0xFFFFFF80  }
0x33: {  	[tilespmem:s15], [sflag:$0x2] =	stream.indirect.gather @!p0 [hbm4b:s1+s11], $0x80, s12, s11, $0xb8;
	[tilespmem:$0x10200] =	vst v63  }
0x34: {  	s14 =	simm.s32 @!p0 $0x4200  }
0x35: {  	[tilespmem:s14], [sflag:$0x2] =	stream.indirect.gather @!p0 [hbm4b:s1+s11], $0x80, s11, s11, $0xb8;
	[tilespmem:$0x10200] =	vst v63  }
0x36: {  	s15 =	simm.s32 @!p0 $0x8200;
	s14 =	simm.s32 @!p0 $0x100  }
0x37: {  	[tilespmem:s15], [sflag:$0x2] =	stream.indirect.gather @!p0 [hbm4b:s1+s11], $0x80, s14, s11, $0xb8;
	[tilespmem:$0x10200] =	vst v63  }
0x38: {  	s14 =	simm.s32 @!p0 $0xC200  }
0x39: {  	[tilespmem:s14], [sflag:$0x2] =	stream.indirect.gather @!p0 [hbm4b:s1+s11], $0x80, s13, s11, $0xb8;
	[tilespmem:$0x10200] =	vst v63  }
0x3a: {  	_ =	swait.ge [sflag:s8], $0x4000  }
0x3b: {  	[sflag:s8] =	ssyncset.done $0x0  }
0x3c: {  	[sflag:s8] =	ssyncadd.s32 $0xFFFFC000  }
0x3d: {  	_ =	swait.ge [sflag:s8], $0x4000  }
0x3e: {  	[sflag:s8] =	ssyncset.done $0x0  }
0x3f: {  	[sflag:s8] =	ssyncadd.s32 $0xFFFFC000  }
0x40: {  	_ =	swait.ge [sflag:s8], $0x4000  }
0x41: {  	[sflag:s8] =	ssyncset.done $0x0  }
0x42: {  	s11 =	simm.s32 @!p0 $0x2;
	[sflag:s8] =	ssyncadd.s32 $0xFFFFC000  }
0x43: {  	_ =	swait.ge @!p0 [sflag:s11], $0x4000  }
0x44: {  	[sflag:s11] =	ssyncset.done @!p0 $0x0  }
0x45: {  	s26 =	rddreg [dreg:$0x5];
	[sflag:s11] =	ssyncadd.s32 @!p0 $0xFFFFC000  }
0x46: {  	[hbm4b:s6+s3] =	stream.linear.scatter [tilespmem:s26], [sflag:$0x3], $0x4000, $0x38;
	[tilespmem:$0x10200] =	vst v63  }
0x47: {  	s29 =	sadd.s32 $0x10000, s6;
	s28 =	rddreg [dreg:$0x6]  }
0x48: {  	[hbm4b:s29+s3] =	stream.linear.scatter [tilespmem:s28], [sflag:$0x3], $0x4000, $0x38;
	[tilespmem:$0x10200] =	vst v63  }
0x49: {  	s31 =	sadd.s32 $0x20000, s6;
	s30 =	rddreg [dreg:$0x7]  }
0x4a: {  	[hbm4b:s31+s3] =	stream.linear.scatter [tilespmem:s30], [sflag:$0x3], $0x4000, $0x38;
	[tilespmem:$0x10200] =	vst v63  }
0x4b: {  	s13 =	simm.s32 @!p0 $0x3;
	s11 =	sadd.s32 @!p0 $0x30000, s6  }
0x4c: {  	[hbm4b:s11+s12] =	stream.linear.scatter @!p0 [tilespmem:s14], [sflag:$0x3], $0x4000, $0x38;
	[tilespmem:$0x10200] =	vst v63  }
0x4d: {  	_ =	swait.ge @!p0 [sflag:s13], $0x4000  }
0x4e: {  	[sflag:s13] =	ssyncset.done @!p0 $0x0  }
0x4f: {  	[sflag:s13] =	ssyncadd.s32 @!p0 $0xFFFFC000  }
0x50: {  	_ =	swait.ge [sflag:s9], $0x4000  }
0x51: {  	[sflag:s9] =	ssyncset.done $0x0  }
0x52: {  	[sflag:s9] =	ssyncadd.s32 $0xFFFFC000  }
0x53: {  	_ =	swait.ge [sflag:s9], $0x4000  }
0x54: {  	[sflag:s9] =	ssyncset.done $0x0  }
0x55: {  	s11 =	simm.s32 $0x800;
	[sflag:s9] =	ssyncadd.s32 $0xFFFFC000  }
0x56: {  	s12 =	sadd.s32 $0x80, s7;
	s13 =	smov.u32 s6;
	_ =	swait.ge [sflag:s9], $0x4000  }
.LBB2_2:
0x57: {  	[sflag:s9] =	ssyncset.done $0x0;
	s14 =	smov.u32 s11  }
0x58: {  	s15 =	sadd.s32 s14, s5;
	[sflag:s9] =	ssyncadd.s32 $0xFFFFC000  }
0x59: {  	[tilespmem:s3], [sflag:$0x1] =	stream.linear.gather [hbm4b:s15+s3], $0x80, $0x38;
	[tilespmem:$0x10200] =	vst v63  }
0x5a: {  	s16 =	rddreg [dreg:$0x3];
	s17 =	sadd.s32 $0x200, s15  }
0x5b: {  	[tilespmem:s16], [sflag:$0x1] =	stream.linear.gather [hbm4b:s17+s3], $0x80, $0x38;
	[tilespmem:$0x10200] =	vst v63  }
0x5c: {  	s18 =	rddreg [dreg:$0x4];
	p1 =	sgt.u32 s12, $0x4E1;
	s15 =	sadd.s32 $0x400, s15  }
0x5d: {  	[tilespmem:s18], [sflag:$0x1] =	stream.linear.gather [hbm4b:s15+s3], $0x80, $0x38;
	[tilespmem:$0x10200] =	vst v63  }
0x5e: {  	s15 =	simm.s32 @p1 $0x1  }
0x5f: {  	_ =	swait.ge @p1 [sflag:s15], $0x80  }
0x60: {  	[sflag:s15] =	ssyncset.done @p1 $0x0  }
0x61: {  	[sflag:s15] =	ssyncadd.s32 @p1 $0xFFFFFF80  }
0x62: {  	_ =	swait.ge @p1 [sflag:s15], $0x80  }
0x63: {  	[sflag:s15] =	ssyncset.done @p1 $0x0  }
0x64: {  	[sflag:s15] =	ssyncadd.s32 @p1 $0xFFFFFF80  }
0x65: {  	s14 =	sadd.s32 @!p1 s14, s5;
	_ =	swait.ge @p1 [sflag:s15], $0x80  }
0x66: {  	s16 =	sadd.s32 @!p1 $0x600, s14;
	s14 =	simm.s32 @p1 $0x200;
	[sflag:s15] =	ssyncset.done @p1 $0x0  }
0x67: {  	s17 =	simm.s32 @p1 $0x80;
	s18 =	simm.s32 @p1 $0x0;
	[sflag:s15] =	ssyncadd.s32 @p1 $0xFFFFFF80  }
0x68: {  	[tilespmem:s14], [sflag:$0x2] =	stream.indirect.gather @p1 [hbm4b:s1+s17], $0x80, s18, s17, $0xb8;
	[tilespmem:$0x10200] =	vst v63  }
0x69: {  	s15 =	simm.s32 @p1 $0x4200  }
0x6a: {  	[tilespmem:s15], [sflag:$0x2] =	stream.indirect.gather @p1 [hbm4b:s1+s17], $0x80, s17, s17, $0xb8;
	[tilespmem:$0x10200] =	vst v63  }
0x6b: {  	s19 =	simm.s32 @p1 $0x8200;
	s18 =	simm.s32 @p1 $0x100  }
0x6c: {  	[tilespmem:s19], [sflag:$0x2] =	stream.indirect.gather @p1 [hbm4b:s1+s17], $0x80, s18, s17, $0xb8;
	[tilespmem:$0x10200] =	vst v63  }
0x6d: {  	s14 =	simm.s32 @!p1 $0x0;
	s15 =	simm.s32 @!p1 $0x180;
	s17 =	simm.s32 @!p1 $0x1  }
0x6e: {  	[tilespmem:s15], [sflag:$0x1] =	stream.linear.gather @!p1 [hbm4b:s16+s14], $0x80, $0x38;
	[tilespmem:$0x10200] =	vst v63  }
0x6f: {  	_ =	swait.ge @!p1 [sflag:s17], $0x80  }
0x70: {  	[sflag:s17] =	ssyncset.done @!p1 $0x0  }
0x71: {  	[sflag:s17] =	ssyncadd.s32 @!p1 $0xFFFFFF80  }
0x72: {  	_ =	swait.ge @!p1 [sflag:s17], $0x80  }
0x73: {  	[sflag:s17] =	ssyncset.done @!p1 $0x0  }
0x74: {  	[sflag:s17] =	ssyncadd.s32 @!p1 $0xFFFFFF80  }
0x75: {  	_ =	swait.ge @!p1 [sflag:s17], $0x80  }
0x76: {  	[sflag:s17] =	ssyncset.done @!p1 $0x0  }
0x77: {  	[sflag:s17] =	ssyncadd.s32 @!p1 $0xFFFFFF80  }
0x78: {  	_ =	swait.ge @!p1 [sflag:s17], $0x80  }
0x79: {  	[sflag:s17] =	ssyncset.done @!p1 $0x0  }
0x7a: {  	s18 =	simm.s32 @!p1 $0x200;
	s16 =	simm.s32 @!p1 $0x80;
	[sflag:s17] =	ssyncadd.s32 @!p1 $0xFFFFFF80  }
0x7b: {  	[tilespmem:s18], [sflag:$0x2] =	stream.indirect.gather @!p1 [hbm4b:s1+s16], $0x80, s14, s16, $0xb8;
	[tilespmem:$0x10200] =	vst v63  }
0x7c: {  	s17 =	simm.s32 @!p1 $0x4200  }
0x7d: {  	[tilespmem:s17], [sflag:$0x2] =	stream.indirect.gather @!p1 [hbm4b:s1+s16], $0x80, s16, s16, $0xb8;
	[tilespmem:$0x10200] =	vst v63  }
0x7e: {  	s19 =	simm.s32 @!p1 $0x8200;
	s18 =	simm.s32 @!p1 $0x100  }
0x7f: {  	[tilespmem:s19], [sflag:$0x2] =	stream.indirect.gather @!p1 [hbm4b:s1+s16], $0x80, s18, s16, $0xb8;
	[tilespmem:$0x10200] =	vst v63  }
0x80: {  	s17 =	simm.s32 @!p1 $0xC200  }
0x81: {  	[tilespmem:s17], [sflag:$0x2] =	stream.indirect.gather @!p1 [hbm4b:s1+s16], $0x80, s15, s16, $0xb8;
	[tilespmem:$0x10200] =	vst v63  }
0x82: {  	_ =	swait.ge [sflag:s8], $0x4000  }
0x83: {  	[sflag:s8] =	ssyncset.done $0x0  }
0x84: {  	[sflag:s8] =	ssyncadd.s32 $0xFFFFC000  }
0x85: {  	_ =	swait.ge [sflag:s8], $0x4000  }
0x86: {  	[sflag:s8] =	ssyncset.done $0x0  }
0x87: {  	[sflag:s8] =	ssyncadd.s32 $0xFFFFC000  }
0x88: {  	_ =	swait.ge [sflag:s8], $0x4000  }
0x89: {  	[sflag:s8] =	ssyncset.done $0x0  }
0x8a: {  	s15 =	simm.s32 @!p1 $0x2;
	[sflag:s8] =	ssyncadd.s32 $0xFFFFC000  }
0x8b: {  	_ =	swait.ge @!p1 [sflag:s15], $0x4000  }
0x8c: {  	[sflag:s15] =	ssyncset.done @!p1 $0x0  }
0x8d: {  	s13 =	sadd.s32 $0x40000, s13;
	s26 =	rddreg [dreg:$0x5];
	[sflag:s15] =	ssyncadd.s32 @!p1 $0xFFFFC000  }
0x8e: {  	[hbm4b:s13+s3] =	stream.linear.scatter [tilespmem:s26], [sflag:$0x3], $0x4000, $0x38;
	[tilespmem:$0x10200] =	vst v63  }
0x8f: {  	s29 =	sadd.s32 $0x10000, s13;
	s28 =	rddreg [dreg:$0x6]  }
0x90: {  	[hbm4b:s29+s3] =	stream.linear.scatter [tilespmem:s28], [sflag:$0x3], $0x4000, $0x38;
	[tilespmem:$0x10200] =	vst v63  }
0x91: {  	s31 =	sadd.s32 $0x20000, s13;
	s30 =	rddreg [dreg:$0x7]  }
0x92: {  	[hbm4b:s31+s3] =	stream.linear.scatter [tilespmem:s30], [sflag:$0x3], $0x4000, $0x38;
	[tilespmem:$0x10200] =	vst v63  }
0x93: {  	s16 =	simm.s32 @!p1 $0x3;
	s15 =	sadd.s32 @!p1 $0x30000, s13  }
0x94: {  	[hbm4b:s15+s14] =	stream.linear.scatter @!p1 [tilespmem:s17], [sflag:$0x3], $0x4000, $0x38;
	[tilespmem:$0x10200] =	vst v63  }
0x95: {  	_ =	swait.ge @!p1 [sflag:s16], $0x4000  }
0x96: {  	[sflag:s16] =	ssyncset.done @!p1 $0x0  }
0x97: {  	[sflag:s16] =	ssyncadd.s32 @!p1 $0xFFFFC000  }
0x98: {  	s11 =	sadd.s32 $0x800, s11;
	_ =	swait.ge [sflag:s9], $0x4000  }
0x99: {  	p0 =	sne.s32 s11, $0x5000;
	[sflag:s9] =	ssyncset.done $0x0  }
.Ltmp0:
0x9a: {  	[sflag:s9] =	ssyncadd.s32 $0xFFFFC000;
	(pc) =	sbr.rel @p0 .LBB2_2-.Ltmp0, $4  }
0x9b: {  	_ =	swait.ge [sflag:s9], $0x4000  }
0x9c: {  	[sflag:s9] =	ssyncset.done $0x0  }
0x9d: {  	[sflag:s9] =	ssyncadd.s32 $0xFFFFC000  }
0x9e: {  	s12 =	sadd.s32 $0x80, s12;
	_ =	swait.ge [sflag:s9], $0x4000  }
0x9f: {  	s10 =	sadd.s32 $0x1, s10  }
0xa0: {  	p0 =	sne.s32 s10, s4  }
.Ltmp1:
0xa1: {  	_ = 	snop;
	(pc) =	sbr.rel @p0 .LBB2_1-.Ltmp1, $3  }
0xa2: {  	_ =	sdelay $0x1  }
0xa3: {  	[sflag:s9] =	ssyncset.done $0x0  }
0xa4: {  	[sflag:s9] =	ssyncadd.s32 $0xFFFFC000  }
0xa5: {  	_ =	sfence.sel $0x180000  }
0xa6: {  	[bflag:$0x0] =	sbarrier.arrive $0xFFFF  }
0xa7: {  	p0 =	sne.s32 s2, $0x0;
	_ =	strace $0x90000047  }
0xa8: {  	s0 =	sadd.s32 @!p0 $0x100000, s0;
	[bflag:$0x2] =	sbarrier.arrive $0xFFFF  }
0xa9: {  	[sflag:s0] =	ssyncadd.tile.s32 @!p0 $0x1;
	_ =	shalt  }
.Lfunc_end2:
_tile_overlayer_lowered:
.L_overlay_start_2:
0xaa: {  	(tag) =	ssettag $0x2  }
0xab: {  	s0 =	rddreg [dreg:$0x0];
	s2 =	stileid.u32  }
0xac: {  	s1 =	rddreg [dreg:$0x1];
	p0 =	sne.s32 s2, $0x0  }
0xad: {  	s3 =	rddreg [dreg:$0x2];
	[bflag:$0x3] =	sbarrier.arrive $0xFFFF;
	s2 =	simm.s32 @!p0 $0x1C04  }
0xae: {  	[timem:s3], [sflag:s2] =	dma.local @!p0 [hbm:s0], s1  }
0xaf: {  	s0 =	simm.s32 @!p0 $0x4  }
0xb0: {  	_ =	swait.ge @!p0 [sflag:s0], s1  }
0xb1: {  	s1 =	ssub.s32 @!p0 $0x0, s1;
	[sflag:s0] =	ssyncset.done @!p0 $0x0  }
0xb2: {  	[sflag:s0] =	ssyncadd.s32 @!p0 s1  }
0xb3: {  	[bflag:$0x3] =	sbarrier.arrive $0xFFFF  }
0xb4: {  	_ =	shalt  }

// kernel: kernel.13.cloned.1.call-start
scs
__scs_entry_jumppad:
0x0: {  	(pc) =	sbr.rel $0x88, $3  }
0x1: {  	(tag) =	ssettag $0x0;
	lr =	simm.s32 $0x1  }
0x2: {  	[smem:$0x3F94] =	sst lr;
	_ =	strace $0xD0000000  }
0x3: {  	_ = 	snop  }
0x4: {  	_ = 	snop  }
0x5: {  	_ = 	snop  }
0x6: {  	_ = 	snop  }
0x7: {  	_ = 	snop  }
__scs_overlays_trampoline_lowered:
0x8: {  	[smem:$0x3FA3] =	sst s0  }
0x9: {  	[smem:$0x3FA4] =	sst s1  }
0xa: {  	[smem:$0x3FA5] =	sst s2  }
0xb: {  	[smem:$0x3FA6] =	sst s3  }
0xc: {  	[smem:$0x3FA7] =	sst s4  }
0xd: {  	[smem:$0x3FA8] =	sst s5  }
0xe: {  	[smem:$0x3FA9] =	sst s6  }
0xf: {  	[smem:$0x3FAA] =	sst s7  }
0x10: {  	[smem:$0x3FAB] =	sst s8  }
0x11: {  	[smem:$0x3FAC] =	sst s9;
	s0 =	simm.s32 @!p0 $0x0  }
0x12: {  	s1 =	sld [smem:$0x3F92];
	s0 =	simm.s32 @p0 $0x1  }
0x13: {  	[smem:$0x3FAD] =	sst s0;
	s0 =	simm.s32 @!p1 $0x0  }
0x14: {  	s2 =	sld [smem:$0x3F91];
	s0 =	simm.s32 @p1 $0x1  }
0x15: {  	[smem:$0x3FAE] =	sst s0;
	s0 =	simm.s32 @!p2 $0x0  }
0x16: {  	s3 =	sld [smem:$0x3FDB];
	s0 =	simm.s32 @p2 $0x1  }
0x17: {  	s4 =	simm.s32 $0x1BF5;
	[smem:$0x3FB0] =	sst s0  }
0x18: {  	s0 =	sld [smem:$0x3F93];
	_ =	swait.ge [sflag:s4], $0x0  }
0x19: {  	s7 =	sld [smem:$0x3F94]  }
0x1a: {  	s8 =	sadd.s32 $0xFFFFE003, lr  }
0x1b: {  	s9 =	sadd.s32 $0xFFFFFEF7, lr;
	s5 =	simm.s32 $0xFFFFFFFF;
	p2 =	slt.u32 s8, $0xFFFFF086  }
0x1c: {  	p1 =	slt.u32 s9, $0xF7A;
	s5 =	simm.s32 @!p2 $0x0  }
0x1d: {  	s5 =	simm.s32 @p1 $0x1;
	p0 =	seq.s32 s7, s2  }
0x1e: {  	s7 =	smul.u32 @!p0 $0xF7A, s2;
	p2 =	seq.s32 @!p0 s5, $0x0  }
0x1f: {  	s9 =	smul.u32 $0xF7A, s1;
	s8 =	simm.s32 @!p0 $0x1BF5;
	p2 =	por !p2, p0  }
0x20: {  	[sflag:s8] =	ssyncset.s32 @!p0 $0xFFFFF086;
	s6 =	sadd.s32 @!p0 s3, s7;
	s7 =	simm.s32 @!p0 $0x108  }
0x21: {  	s3 =	sadd.s32 s3, s9;
	s6 =	sadd.s32 @!p0 $0x88, s6;
	s7 =	simm.s32 @p2 $0x1082  }
0x22: {  	[simem:s7], [sflag:s8] =	dma.local @!p0 [hbm:s6], $0xF7A  }
0x23: {  	s9 =	sor.u32 $0xD0000000, s2;
	s6 =	simm.s32 $0x108;
	_ =	swait.ge @!p0 [sflag:s8], $0x0  }
0x24: {  	s3 =	sadd.s32 $0x88, s3;
	s6 =	simm.s32 @!p1 $0x1082;
	[sflag:s4] =	ssyncset.s32 $0xFFFFF086  }
0x25: {  	[simem:s6], [sflag:s4] =	dma.local [hbm:s3], $0xF7A  }
0x26: {  	[smem:$0x3F94] =	sst s1;
	(tag) =	ssettag s2;
	_ =	strace s9  }
0x27: {  	s1 =	sld [smem:$0x3FA4]  }
0x28: {  	s2 =	sld [smem:$0x3FA5]  }
0x29: {  	s4 =	sld [smem:$0x3FA7]  }
0x2a: {  	p0 =	seq.s32 s5, $0x0;
	s5 =	sld [smem:$0x3FA8]  }
0x2b: {  	s6 =	sld [smem:$0x3FA9]  }
0x2c: {  	s7 =	sld [smem:$0x3FAA]  }
0x2d: {  	s3 =	simm.s32 $0x108;
	s8 =	sld [smem:$0x3FAB]  }
0x2e: {  	s3 =	simm.s32 @!p0 $0x1082;
	s9 =	sld [smem:$0x3FAC]  }
0x2f: {  	lr =	sadd.s32 s0, s3;
	s0 =	sld [smem:$0x3FA3]  }
0x30: {  	s3 =	sld [smem:$0x3FA6]  }
0x31: {  	[smem:$0x3FAF] =	sst s10  }
0x32: {  	s10 =	sld [smem:$0x3FAD];
	_ =	sdelay $0x3  }
0x33: {  	p0 =	seq.s32 s10, $0x1;
	s10 =	sld [smem:$0x3FAF];
	_ =	sdelay $0x3  }
0x34: {  	[smem:$0x3FAF] =	sst s10  }
0x35: {  	s10 =	sld [smem:$0x3FAE];
	_ =	sdelay $0x3  }
0x36: {  	p1 =	seq.s32 s10, $0x1;
	s10 =	sld [smem:$0x3FAF];
	_ =	sdelay $0x3  }
0x37: {  	[smem:$0x3FAF] =	sst s10  }
0x38: {  	s10 =	sld [smem:$0x3FB0]  }
0x39: {  	_ = 	snop;
	(pc) =	sbr.ind lr, $3  }
0x3a: {  	_ = 	snop  }
0x3b: {  	_ = 	snop  }
0x3c: {  	p2 =	seq.s32 s10, $0x1;
	s10 =	sld [smem:$0x3FAF]  }
0x3d: {  	_ =	shalt  }
0x3e: {  	_ =	shalt  }
0x3f: {  	_ =	shalt  }
0x40: {  	_ =	shalt  }
0x41: {  	_ =	shalt  }
0x42: {  	_ =	shalt  }
0x43: {  	_ =	shalt  }
0x44: {  	_ =	shalt  }
0x45: {  	_ =	shalt  }
0x46: {  	_ =	shalt  }
0x47: {  	_ =	shalt  }
0x48: {  	_ =	shalt  }
0x49: {  	_ =	shalt  }
0x4a: {  	_ =	shalt  }
0x4b: {  	_ =	shalt  }
0x4c: {  	_ =	shalt  }
0x4d: {  	_ =	shalt  }
0x4e: {  	_ =	shalt  }
0x4f: {  	_ =	shalt  }
0x50: {  	_ =	shalt  }
0x51: {  	_ =	shalt  }
0x52: {  	_ =	shalt  }
0x53: {  	_ =	shalt  }
0x54: {  	_ =	shalt  }
0x55: {  	_ =	shalt  }
0x56: {  	_ =	shalt  }
0x57: {  	_ =	shalt  }
0x58: {  	_ =	shalt  }
0x59: {  	_ =	shalt  }
0x5a: {  	_ =	shalt  }
0x5b: {  	_ =	shalt  }
0x5c: {  	_ =	shalt  }
0x5d: {  	_ =	shalt  }
0x5e: {  	_ =	shalt  }
0x5f: {  	_ =	shalt  }
0x60: {  	_ =	shalt  }
0x61: {  	_ =	shalt  }
0x62: {  	_ =	shalt  }
0x63: {  	_ =	shalt  }
0x64: {  	_ =	shalt  }
0x65: {  	_ =	shalt  }
0x66: {  	_ =	shalt  }
0x67: {  	_ =	shalt  }
0x68: {  	_ =	shalt  }
0x69: {  	_ =	shalt  }
0x6a: {  	_ =	shalt  }
0x6b: {  	_ =	shalt  }
0x6c: {  	_ =	shalt  }
0x6d: {  	_ =	shalt  }
0x6e: {  	_ =	shalt  }
0x6f: {  	_ =	shalt  }
0x70: {  	_ =	shalt  }
0x71: {  	_ =	shalt  }
0x72: {  	_ =	shalt  }
0x73: {  	_ =	shalt  }
0x74: {  	_ =	shalt  }
0x75: {  	_ =	shalt  }
0x76: {  	_ =	shalt  }
0x77: {  	_ =	shalt  }
0x78: {  	_ =	shalt  }
0x79: {  	_ =	shalt  }
0x7a: {  	_ =	shalt  }
0x7b: {  	_ =	shalt  }
0x7c: {  	_ =	shalt  }
0x7d: {  	_ =	shalt  }
0x7e: {  	_ =	shalt  }
0x7f: {  	_ =	shalt  }
0x80: {  	_ =	shalt  }
0x81: {  	_ =	shalt  }
0x82: {  	_ =	shalt  }
0x83: {  	_ =	shalt  }
0x84: {  	_ =	shalt  }
0x85: {  	_ =	shalt  }
0x86: {  	_ =	shalt  }
0x87: {  	_ =	shalt  }
.Lfunc_end0:
.L_simem_size_0:
called_computation.1_lowered:
.L_overlay_start_0:
0x88: {  	s2 =	sld [smem:$0x3FD9]  }
0x89: {  	s3 =	sld [smem:$0x3FFE];
	_ =	sdelay $0x1  }
0x8a: {  	s1 =	srdreg.scid  }
0x8b: {  	s0 =	sand.u32 $0x1, s1  }
0x8c: {  	s17 =	sshll.u32 s0, $0xA;
	s2 =	sadd.s32 s3, s2  }
0x8d: {  	s2 =	sadd.s32 s2, s17  }
0x8e: {  	[smem:$0x3FBB] =	sst s2  }
0x8f: {  	_ = 	snop  }
0x90: {  	s2 =	sld [smem:$0x3FD0];
	(tm) =	ssettm $0x1  }
0x91: {  	s18 =	sld [smem:$0x3FFB];
	_ =	sdelay $0x3  }
0x92: {  	_ =	strace s18  }
0x93: {  	s3 =	sld [smem:$0x3FFC];
	_ =	sdelay $0x3  }
0x94: {  	_ =	strace s3  }
0x95: {  	s3 =	sld [smem:$0x3FFD];
	_ =	sdelay $0x3  }
0x96: {  	_ =	strace s3  }
0x97: {  	_ =	strace $0x8FFFFFFF  }
0x98: {  	s19 =	sld [smem:$0x3FDB];
	_ =	sdelay $0x1  }
0x99: {  	s4 =	simm.s32 $_scs_section_size  }
0x9a: {  	s5 =	simm.s32 $_size__tile_overlayer_lowered;
	s6 =	simm.s32 $_tile_overlayer_lowered  }
0x9b: {  	s22 =	simm.s32 $0x1BFF;
	s21 =	sshll.u32 s6, $0x1;
	s3 =	sadd.s32 s4, s19  }
0x9c: {  	s7 =	simm.s32 $0x0;
	s20 =	sshll.u32 s5, $0x1;
	s5 =	sadd.s32 s21, s3  }
0x9d: {  	[timem:s7], [sflag:s22] =	dma.local [hbm:s5], s20  }
0x9e: {  	_ =	swait.ge [sflag:s22], s20  }
0x9f: {  	s4 =	ssub.s32 $0x0, s20;
	[sflag:s22] =	ssyncset.done $0x0  }
0xa0: {  	[sflag:s22] =	ssyncadd.s32 s4;
	_ =	sdelay $0x1  }
0xa1: {  	s23 =	simm.s32 $0x1B8B  }
0xa2: {  	_ =	swait.ge [sflag:s23], $0x1  }
0xa3: {  	[sflag:s23] =	ssyncset.done $0x0  }
0xa4: {  	s25 =	simm.s32 $0x1B8E;
	s24 =	sld [smem:$0x3FFE];
	[sflag:s23] =	ssyncadd.s32 $0xFFFFFFFF  }
0xa5: {  	s26 =	simm.s32 $execute0_lowered;
	[smem:$0x3FD2] =	sst s25  }
0xa6: {  	s5 =	sshll.u32 s26, $0x1;
	_ =	strace $0x80000049;
	[dreg:$0x1] =	wrdreg $0xFFFFFFFF  }
0xa7: {  	s28 =	simm.s32 $_size_execute0_lowered;
	s3 =	sadd.s32 s3, s5;
	[dreg:$0x0] =	wrdreg $0x0  }
0xa8: {  	s5 =	sshll.u32 s28, $0x1;
	[dreg:$0x2] =	wrdreg s3  }
0xa9: {  	[dreg:$0x3] =	wrdreg s5  }
0xaa: {  	[dreg:$0x4] =	wrdreg $0xC0  }
0xab: {  	_ =	task [dreg:s7], $0x5FFFF  }
0xac: {  	[dreg:$0x1] =	wrdreg $0xFFFFFFFF  }
0xad: {  	[dreg:$0x0] =	wrdreg $0x60  }
0xae: {  	[dreg:$0x2] =	wrdreg s24  }
0xaf: {  	[dreg:$0x3] =	wrdreg s2  }
0xb0: {  	[dreg:$0x4] =	wrdreg $0x49100  }
0xb1: {  	[dreg:$0x5] =	wrdreg $0x9  }
0xb2: {  	_ =	task.clear_ibuf [dreg:s7], $0x6FFFF;
	_ =	strace $0x90000049  }
0xb3: {  	s29 =	simm.s32 $0x9;
	_ =	strace $0x8000004B  }
0xb4: {  	_ =	swait.ge [sflag:s29], $0x1  }
0xb5: {  	[sflag:s29] =	ssyncadd.s32 $0xFFFFFFFF  }
0xb6: {  	_ =	strace $0x9000004B  }
0xb7: {  	_ =	sfence  }
0xb8: {  	s30 =	sld [smem:$0x0];
	_ =	sdelay $0x2  }
0xb9: {  	s31 =	sshll.u32 s1, $0xD;
	s1 =	sshrl.u32 s1, $0x2  }
0xba: {  	s3 =	sand.u32 $0x4000, s31;
	s1 =	sadd.s32 s1, s30  }
0xbb: {  	s0 =	sor.u32 s3, s0;
	s1 =	sshll.u32 s1, $0x11  }
0xbc: {  	s0 =	sor.u32 s1, s0  }
0xbd: {  	s0 =	sadd.s32 $0x8F2B, s0  }
0xbe: {  	[sflag:s0] =	ssyncadd.remote.s32 $0x1  }
0xbf: {  	_ =	sfence.sel $0xFFFF  }
0xc0: {  	[dreg:$0x0] =	wrdreg $0xFFFFFFFF;
	(pc) =	sbr.abs _section_cstart, $3  }
0xc1: {  	[dreg:$0x1] =	wrdreg $0xFFFFFFFF  }
0xc2: {  	_ =	task.clear_ibuf [dreg:s7], $0x2FFFF;
	_ =	strace $0x9FFFFFFF  }
0xc3: {  	(tm) =	ssettm $0x7FFFFFFF  }
tec
execute0_lowered:
.L_overlay_start_1:
0x0: {  	(tag) =	ssettag $0x1  }
0x1: {  	s3 =	rddreg [dreg:$0x0]  }
0x2: {  	s6 =	rddreg [dreg:$0x1]  }
0x3: {  	s1 =	rddreg [dreg:$0x2]  }
0x4: {  	s0 =	rddreg [dreg:$0x3];
	s2 =	simm.s32 $0x0  }
0x5: {  	s4 =	srdreg.scid;
	s19 =	stileid.u32;
	s12 =	simm.s32 $0x100  }
0x6: {  	s13 =	simm.s32 $0x200;
	s14 =	simm.s32 $0xA00;
	s15 =	simm.s32 $0x1200  }
0x7: {  	s16 =	simm.s32 $0x1;
	s17 =	simm.s32 $0x2;
	s18 =	simm.s32 $0x4  }
0x8: {  	[smem:$0x7FF] =	sst s2;
	s7 =	sand.u32 $0x1, s4;
	s5 =	sshll.u32 s19, $0x9  }
0x9: {  	s9 =	smul.u32 $0x9C40, s19;
	s28 =	sshll.u32 s19, $0x1;
	s30 =	sshll.u32 s19, $0x5  }
0xa: {  	p0 =	sne.s32 s19, $0x0;
	s19 =	simm.s32 $0x0;
	_ =	strace $0x8000004A  }
0xb: {  	s4 =	smul.u32 $0x4E20, s7;
	s8 =	ssub.s32 $0x2, s7;
	s10 =	sadd.s32 s5, s3  }
0xc: {  	s6 =	sadd.s32 s30, s6;
	s31 =	sshll.u32 s7, $0x8;
	s11 =	sshll.u32 s7, $0x4  }
0xd: {  	s25 =	sshrl.u32 s8, $0x1;
	s29 =	sshrl.u32 s9, $0x2;
	s9 =	sadd.s32 s31, s10  }
0xe: {  	s6 =	sadd.s32 s11, s6;
	s10 =	simm.s32 $0x3;
	s11 =	simm.s32 $0x80  }
0xf: {  	s4 =	sadd.s32 s4, s3;
	s26 =	ssub.s32 s8, s25;
	s3 =	sadd.s32 s29, s1  }
0x10: {  	s8 =	sor.u32 s7, s28;
	s7 =	sadd.s32 $0x6E00, s9;
	s9 =	simm.s32 $0x2200  }
0x11: {  	v0 =	vimm.f32 $0.0e+00;
	s4 =	sadd.s32 $0x55000, s4;
	s5 =	smax.u32 s26, $0x1;
	s8 =	sor.u32 $0x60, s8  }
.LBB2_1:
0x12: {  	s20 =	simm.s32 $0x40;
	s21 =	simm.s32 $0x0  }
.LBB2_2:
0x13: {  	p1 =	sne.s32 s20, $0x9C00;
	[tilespmem:s21+$0x2200] =	vst v0;
	s21 =	smov.u32 s20;
	s20 =	sadd.s32 $0x40, s20  }
.Ltmp0:
0x14: {  	(pc) =	sbr.rel @p1 .LBB2_2-.Ltmp0, $2  }
0x15: {  	_ =	sdelay $0x2  }
0x16: {  	s21 =	sshra.s32 s21, $0x2  }
0x17: {  	[tilespmem:s21+$0x2200] =	vst v0  }
0x18: {  	[spmem:s3] =	stream.linear.scatter [tilespmem:s9], [sflag:$0x3], $0x2710, $0x38;
	[tilespmem:$0x7020] =	vst v63  }
0x19: {  	_ =	swait.ge [sflag:s10], $0x2710  }
0x1a: {  	[sflag:s10] =	ssyncset.done $0x0  }
0x1b: {  	[sflag:s10] =	ssyncadd.s32 $0xFFFFD8F0  }
0x1c: {  	s20 =	sadd.s32 $0x0, s6;
	[bflag:$0x0] =	sbarrier.arrive $0xFFFF  }
0x1d: {  	[tilespmem:s2], [sflag:$0x1] =	stream.linear.gather [hbm4b:s20+s2], $0x80, $0x38;
	[tilespmem:$0x7020] =	vst v63  }
0x1e: {  	s29 =	sadd.s32 $0x200, s20  }
0x1f: {  	[tilespmem:s11], [sflag:$0x1] =	stream.linear.gather [hbm4b:s29+s2], $0x80, $0x38;
	[tilespmem:$0x7020] =	vst v63  }
0x20: {  	p1 =	sgt.u32 s8, $0x4E1;
	s20 =	sadd.s32 $0x400, s20  }
0x21: {  	[tilespmem:s12], [sflag:$0x1] =	stream.linear.gather [hbm4b:s20+s2], $0x80, $0x38;
	[tilespmem:$0x7020] =	vst v63  }
0x22: {  	s20 =	sadd.s32 @!p1 $0x0, s6  }
0x23: {  	s21 =	simm.s32 @!p1 $0x0;
	s22 =	simm.s32 @!p1 $0x180;
	s20 =	sadd.s32 @!p1 $0x600, s20  }
0x24: {  	[tilespmem:s22], [sflag:$0x1] =	stream.linear.gather @!p1 [hbm4b:s20+s21], $0x80, $0x38;
	[tilespmem:$0x7020] =	vst v63  }
0x25: {  	_ = 	snop  }
0x26: {  	[tilespmem:s13], [sflag:$0x2] =	stream.linear.gather [hbm4b:s7+s2], $0x800, $0x38;
	[tilespmem:$0x7020] =	vst v63  }
0x27: {  	s30 =	sadd.s32 $0x2000, s7  }
0x28: {  	[tilespmem:s14], [sflag:$0x2] =	stream.linear.gather [hbm4b:s30+s2], $0x800, $0x38;
	[tilespmem:$0x7020] =	vst v63  }
0x29: {  	s31 =	sadd.s32 $0x4000, s7  }
0x2a: {  	[tilespmem:s15], [sflag:$0x2] =	stream.linear.gather [hbm4b:s31+s2], $0x800, $0x38;
	[tilespmem:$0x7020] =	vst v63  }
0x2b: {  	s23 =	simm.s32 @!p1 $0x1A00;
	s24 =	simm.s32 @!p1 $0x1;
	s20 =	sadd.s32 @!p1 $0x6000, s7  }
0x2c: {  	[tilespmem:s23], [sflag:$0x2] =	stream.linear.gather @!p1 [hbm4b:s20+s21], $0x800, $0x38;
	[tilespmem:$0x7020] =	vst v63  }
0x2d: {  	_ =	swait.ge @!p1 [sflag:s24], $0x80  }
0x2e: {  	[sflag:s24] =	ssyncset.done @!p1 $0x0  }
0x2f: {  	[sflag:s24] =	ssyncadd.s32 @!p1 $0xFFFFFF80  }
0x30: {  	_ =	swait.ge [sflag:s16], $0x80  }
0x31: {  	[sflag:s16] =	ssyncset.done $0x0  }
0x32: {  	[sflag:s16] =	ssyncadd.s32 $0xFFFFFF80  }
0x33: {  	_ =	swait.ge [sflag:s16], $0x80  }
0x34: {  	[sflag:s16] =	ssyncset.done $0x0  }
0x35: {  	[sflag:s16] =	ssyncadd.s32 $0xFFFFFF80  }
0x36: {  	_ =	swait.ge [sflag:s16], $0x80  }
0x37: {  	[sflag:s16] =	ssyncset.done $0x0  }
0x38: {  	[sflag:s16] =	ssyncadd.s32 $0xFFFFFF80  }
0x39: {  	_ =	swait.ge [sflag:s17], $0x800  }
0x3a: {  	[sflag:s17] =	ssyncset.done $0x0  }
0x3b: {  	[sflag:s17] =	ssyncadd.s32 $0xFFFFF800  }
0x3c: {  	_ =	swait.ge [sflag:s17], $0x800  }
0x3d: {  	[sflag:s17] =	ssyncset.done $0x0  }
0x3e: {  	[sflag:s17] =	ssyncadd.s32 $0xFFFFF800  }
0x3f: {  	_ =	swait.ge [sflag:s17], $0x800  }
0x40: {  	[sflag:s17] =	ssyncset.done $0x0  }
0x41: {  	s20 =	simm.s32 @!p1 $0x2;
	[sflag:s17] =	ssyncadd.s32 $0xFFFFF800  }
0x42: {  	_ =	swait.ge @!p1 [sflag:s20], $0x800  }
0x43: {  	[sflag:s20] =	ssyncset.done @!p1 $0x0  }
0x44: {  	[sflag:s20] =	ssyncadd.s32 @!p1 $0xFFFFF800  }
0x45: {  	[spmem:s1] =	stream.indirect.scatter.add.f32 [tilespmem:s13], [sflag:$0x4], $0x10, s2, s11, $0xb8;
	[tilespmem:$0x7020] =	vst v63  }
0x46: {  	_ =	swait.ge [sflag:s18], $0x800  }
0x47: {  	[sflag:s18] =	ssyncset.done $0x0  }
0x48: {  	[sflag:s18] =	ssyncadd.s32 $0xFFFFF800  }
0x49: {  	[spmem:s1] =	stream.indirect.scatter.add.f32 [tilespmem:s14], [sflag:$0x4], $0x10, s11, s11, $0xb8;
	[tilespmem:$0x7020] =	vst v63  }
0x4a: {  	_ =	swait.ge [sflag:s18], $0x800  }
0x4b: {  	[sflag:s18] =	ssyncset.done $0x0  }
0x4c: {  	[sflag:s18] =	ssyncadd.s32 $0xFFFFF800  }
0x4d: {  	[spmem:s1] =	stream.indirect.scatter.add.f32 [tilespmem:s15], [sflag:$0x4], $0x10, s12, s11, $0xb8;
	[tilespmem:$0x7020] =	vst v63  }
0x4e: {  	_ =	swait.ge [sflag:s18], $0x800  }
0x4f: {  	s25 =	simm.s32 @!p1 $0x3;
	[sflag:s18] =	ssyncset.done $0x0  }
0x50: {  	s21 =	sadd.s32 $0x80, s8;
	s20 =	simm.s32 @!p1 $0x80;
	[sflag:s18] =	ssyncadd.s32 $0xFFFFF800  }
0x51: {  	[spmem:s1] =	stream.indirect.scatter.add.f32 @!p1 [tilespmem:s23], [sflag:$0x3], $0x10, s22, s20, $0xb8;
	[tilespmem:$0x7020] =	vst v63  }
0x52: {  	s20 =	simm.s32 $0x800;
	s22 =	smov.u32 s7;
	_ =	swait.ge @!p1 [sflag:s25], $0x800  }
.LBB2_4:
0x53: {  	[sflag:s25] =	ssyncset.done @!p1 $0x0  }
0x54: {  	s22 =	sadd.s32 $0x8000, s22;
	s23 =	smov.u32 s20;
	s20 =	sadd.s32 $0x800, s20  }
0x55: {  	s24 =	sadd.s32 s23, s6;
	p2 =	sne.s32 s20, $0x5000;
	[sflag:s25] =	ssyncadd.s32 @!p1 $0xFFFFF800  }
0x56: {  	[tilespmem:s2], [sflag:$0x1] =	stream.linear.gather [hbm4b:s24+s2], $0x80, $0x38;
	[tilespmem:$0x7020] =	vst v63  }
0x57: {  	s25 =	sadd.s32 $0x200, s24  }
0x58: {  	[tilespmem:s11], [sflag:$0x1] =	stream.linear.gather [hbm4b:s25+s2], $0x80, $0x38;
	[tilespmem:$0x7020] =	vst v63  }
0x59: {  	p1 =	sgt.u32 s21, $0x4E1;
	s24 =	sadd.s32 $0x400, s24  }
0x5a: {  	[tilespmem:s12], [sflag:$0x1] =	stream.linear.gather [hbm4b:s24+s2], $0x80, $0x38;
	[tilespmem:$0x7020] =	vst v63  }
0x5b: {  	s25 =	simm.s32 @!p1 $0x0;
	s24 =	sadd.s32 @!p1 s23, s6;
	s23 =	simm.s32 @!p1 $0x180  }
0x5c: {  	s24 =	sadd.s32 @!p1 $0x600, s24  }
0x5d: {  	[tilespmem:s23], [sflag:$0x1] =	stream.linear.gather @!p1 [hbm4b:s24+s25], $0x80, $0x38;
	[tilespmem:$0x7020] =	vst v63  }
0x5e: {  	s24 =	sadd.s32 $0x2000, s22  }
0x5f: {  	[tilespmem:s13], [sflag:$0x2] =	stream.linear.gather [hbm4b:s22+s2], $0x800, $0x38;
	[tilespmem:$0x7020] =	vst v63  }
0x60: {  	s26 =	sadd.s32 $0x4000, s22  }
0x61: {  	[tilespmem:s14], [sflag:$0x2] =	stream.linear.gather [hbm4b:s24+s2], $0x800, $0x38;
	[tilespmem:$0x7020] =	vst v63  }
0x62: {  	s28 =	sadd.s32 @!p1 $0x6000, s22;
	s24 =	simm.s32 @!p1 $0x1A00  }
0x63: {  	[tilespmem:s15], [sflag:$0x2] =	stream.linear.gather [hbm4b:s26+s2], $0x800, $0x38;
	[tilespmem:$0x7020] =	vst v63  }
0x64: {  	s26 =	simm.s32 @!p1 $0x1  }
0x65: {  	[tilespmem:s24], [sflag:$0x2] =	stream.linear.gather @!p1 [hbm4b:s28+s25], $0x800, $0x38;
	[tilespmem:$0x7020] =	vst v63  }
0x66: {  	_ =	swait.ge @!p1 [sflag:s26], $0x80  }
0x67: {  	[sflag:s26] =	ssyncset.done @!p1 $0x0  }
0x68: {  	[sflag:s26] =	ssyncadd.s32 @!p1 $0xFFFFFF80  }
0x69: {  	_ =	swait.ge [sflag:s16], $0x80  }
0x6a: {  	[sflag:s16] =	ssyncset.done $0x0  }
0x6b: {  	[sflag:s16] =	ssyncadd.s32 $0xFFFFFF80  }
0x6c: {  	_ =	swait.ge [sflag:s16], $0x80  }
0x6d: {  	[sflag:s16] =	ssyncset.done $0x0  }
0x6e: {  	[sflag:s16] =	ssyncadd.s32 $0xFFFFFF80  }
0x6f: {  	_ =	swait.ge [sflag:s16], $0x80  }
0x70: {  	[sflag:s16] =	ssyncset.done $0x0  }
0x71: {  	[sflag:s16] =	ssyncadd.s32 $0xFFFFFF80  }
0x72: {  	_ =	swait.ge [sflag:s17], $0x800  }
0x73: {  	[sflag:s17] =	ssyncset.done $0x0  }
0x74: {  	[sflag:s17] =	ssyncadd.s32 $0xFFFFF800  }
0x75: {  	_ =	swait.ge [sflag:s17], $0x800  }
0x76: {  	[sflag:s17] =	ssyncset.done $0x0  }
0x77: {  	[sflag:s17] =	ssyncadd.s32 $0xFFFFF800  }
0x78: {  	_ =	swait.ge [sflag:s17], $0x800  }
0x79: {  	s25 =	simm.s32 @!p1 $0x2;
	[sflag:s17] =	ssyncset.done $0x0  }
0x7a: {  	[sflag:s17] =	ssyncadd.s32 $0xFFFFF800  }
0x7b: {  	_ =	swait.ge @!p1 [sflag:s25], $0x800  }
0x7c: {  	[sflag:s25] =	ssyncset.done @!p1 $0x0  }
0x7d: {  	[sflag:s25] =	ssyncadd.s32 @!p1 $0xFFFFF800  }
0x7e: {  	[spmem:s1] =	stream.indirect.scatter.add.f32 [tilespmem:s13], [sflag:$0x4], $0x10, s2, s11, $0xb8;
	[tilespmem:$0x7020] =	vst v63  }
0x7f: {  	_ =	swait.ge [sflag:s18], $0x800  }
0x80: {  	[sflag:s18] =	ssyncset.done $0x0  }
0x81: {  	[sflag:s18] =	ssyncadd.s32 $0xFFFFF800  }
0x82: {  	[spmem:s1] =	stream.indirect.scatter.add.f32 [tilespmem:s14], [sflag:$0x4], $0x10, s11, s11, $0xb8;
	[tilespmem:$0x7020] =	vst v63  }
0x83: {  	_ =	swait.ge [sflag:s18], $0x800  }
0x84: {  	[sflag:s18] =	ssyncset.done $0x0  }
0x85: {  	[sflag:s18] =	ssyncadd.s32 $0xFFFFF800  }
0x86: {  	[spmem:s1] =	stream.indirect.scatter.add.f32 [tilespmem:s15], [sflag:$0x4], $0x10, s12, s11, $0xb8;
	[tilespmem:$0x7020] =	vst v63  }
.Ltmp1:
0x87: {  	_ =	swait.ge [sflag:s18], $0x800;
	(pc) =	sbr.rel @p2 .LBB2_4-.Ltmp1, $4  }
0x88: {  	s26 =	simm.s32 @!p1 $0x80;
	[sflag:s18] =	ssyncset.done $0x0  }
0x89: {  	s25 =	simm.s32 @!p1 $0x3;
	[sflag:s18] =	ssyncadd.s32 $0xFFFFF800  }
0x8a: {  	[spmem:s1] =	stream.indirect.scatter.add.f32 @!p1 [tilespmem:s24], [sflag:$0x3], $0x10, s23, s26, $0xb8;
	[tilespmem:$0x7020] =	vst v63  }
0x8b: {  	s21 =	sadd.s32 $0x80, s21;
	_ =	swait.ge @!p1 [sflag:s25], $0x800  }
0x8c: {  	[sflag:s25] =	ssyncset.done @!p1 $0x0  }
0x8d: {  	s20 =	sshrl.u32 @!p0 s1, $0x3;
	s19 =	sadd.s32 $0x1, s19;
	[sflag:s25] =	ssyncadd.s32 @!p1 $0xFFFFF800  }
0x8e: {  	s21 =	simm.s32 @!p0 $0x1C03;
	p1 =	sne.s32 s19, s5;
	[bflag:$0x0] =	sbarrier.arrive $0xFFFF  }
0x8f: {  	[hbm:s4], [sflag:s21] =	dma.local @!p0 [spmem:s20], $0x4E20  }
.Ltmp2:
0x90: {  	_ = 	snop;
	(pc) =	sbr.rel @p1 .LBB2_1-.Ltmp2, $4  }
0x91: {  	s20 =	simm.s32 @!p0 $0x3  }
0x92: {  	_ =	swait.ge @!p0 [sflag:s20], $0x4E20  }
0x93: {  	[sflag:s20] =	ssyncset.done @!p0 $0x0  }
0x94: {  	[sflag:s20] =	ssyncadd.s32 @!p0 $0xFFFFB1E0  }
0x95: {  	_ =	sfence.sel $0x180000  }
0x96: {  	[bflag:$0x0] =	sbarrier.arrive $0xFFFF  }
0x97: {  	_ =	strace $0x9000004A  }
0x98: {  	s0 =	sadd.s32 @!p0 $0x100000, s0;
	[bflag:$0x2] =	sbarrier.arrive $0xFFFF  }
0x99: {  	[sflag:s0] =	ssyncadd.tile.s32 @!p0 $0x1;
	_ =	shalt  }
.Lfunc_end2:
_tile_overlayer_lowered:
.L_overlay_start_2:
0x9a: {  	(tag) =	ssettag $0x2  }
0x9b: {  	s0 =	rddreg [dreg:$0x0];
	s2 =	stileid.u32  }
0x9c: {  	s1 =	rddreg [dreg:$0x1];
	p0 =	sne.s32 s2, $0x0  }
0x9d: {  	s3 =	rddreg [dreg:$0x2];
	[bflag:$0x3] =	sbarrier.arrive $0xFFFF;
	s2 =	simm.s32 @!p0 $0x1C03  }
0x9e: {  	[timem:s3], [sflag:s2] =	dma.local @!p0 [hbm:s0], s1  }
0x9f: {  	s0 =	simm.s32 @!p0 $0x3  }
0xa0: {  	_ =	swait.ge @!p0 [sflag:s0], s1  }
0xa1: {  	s1 =	ssub.s32 @!p0 $0x0, s1;
	[sflag:s0] =	ssyncset.done @!p0 $0x0  }
0xa2: {  	[sflag:s0] =	ssyncadd.s32 @!p0 s1  }
0xa3: {  	[bflag:$0x3] =	sbarrier.arrive $0xFFFF  }
0xa4: {  	_ =	shalt  }

// kernel: kernel.16.cloned.1.call-start
scs
__scs_entry_jumppad:
0x0: {  	(pc) =	sbr.rel $0x88, $3  }
0x1: {  	(tag) =	ssettag $0x0;
	lr =	simm.s32 $0x1  }
0x2: {  	[smem:$0x3F94] =	sst lr;
	_ =	strace $0xD0000000  }
0x3: {  	_ = 	snop  }
0x4: {  	_ = 	snop  }
0x5: {  	_ = 	snop  }
0x6: {  	_ = 	snop  }
0x7: {  	_ = 	snop  }
__scs_overlays_trampoline_lowered:
0x8: {  	[smem:$0x3FA3] =	sst s0  }
0x9: {  	[smem:$0x3FA4] =	sst s1  }
0xa: {  	[smem:$0x3FA5] =	sst s2  }
0xb: {  	[smem:$0x3FA6] =	sst s3  }
0xc: {  	[smem:$0x3FA7] =	sst s4  }
0xd: {  	[smem:$0x3FA8] =	sst s5  }
0xe: {  	[smem:$0x3FA9] =	sst s6  }
0xf: {  	[smem:$0x3FAA] =	sst s7  }
0x10: {  	[smem:$0x3FAB] =	sst s8  }
0x11: {  	[smem:$0x3FAC] =	sst s9;
	s0 =	simm.s32 @!p0 $0x0  }
0x12: {  	s1 =	sld [smem:$0x3F92];
	s0 =	simm.s32 @p0 $0x1  }
0x13: {  	[smem:$0x3FAD] =	sst s0;
	s0 =	simm.s32 @!p1 $0x0  }
0x14: {  	s2 =	sld [smem:$0x3F91];
	s0 =	simm.s32 @p1 $0x1  }
0x15: {  	[smem:$0x3FAE] =	sst s0;
	s0 =	simm.s32 @!p2 $0x0  }
0x16: {  	s3 =	sld [smem:$0x3FDB];
	s0 =	simm.s32 @p2 $0x1  }
0x17: {  	s4 =	simm.s32 $0x1BF5;
	[smem:$0x3FB0] =	sst s0  }
0x18: {  	s0 =	sld [smem:$0x3F93];
	_ =	swait.ge [sflag:s4], $0x0  }
0x19: {  	s7 =	sld [smem:$0x3F94]  }
0x1a: {  	s8 =	sadd.s32 $0xFFFFE003, lr  }
0x1b: {  	s9 =	sadd.s32 $0xFFFFFEF7, lr;
	s5 =	simm.s32 $0xFFFFFFFF;
	p2 =	slt.u32 s8, $0xFFFFF086  }
0x1c: {  	p1 =	slt.u32 s9, $0xF7A;
	s5 =	simm.s32 @!p2 $0x0  }
0x1d: {  	s5 =	simm.s32 @p1 $0x1;
	p0 =	seq.s32 s7, s2  }
0x1e: {  	s7 =	smul.u32 @!p0 $0xF7A, s2;
	p2 =	seq.s32 @!p0 s5, $0x0  }
0x1f: {  	s9 =	smul.u32 $0xF7A, s1;
	s8 =	simm.s32 @!p0 $0x1BF5;
	p2 =	por !p2, p0  }
0x20: {  	[sflag:s8] =	ssyncset.s32 @!p0 $0xFFFFF086;
	s6 =	sadd.s32 @!p0 s3, s7;
	s7 =	simm.s32 @!p0 $0x108  }
0x21: {  	s3 =	sadd.s32 s3, s9;
	s6 =	sadd.s32 @!p0 $0x88, s6;
	s7 =	simm.s32 @p2 $0x1082  }
0x22: {  	[simem:s7], [sflag:s8] =	dma.local @!p0 [hbm:s6], $0xF7A  }
0x23: {  	s9 =	sor.u32 $0xD0000000, s2;
	s6 =	simm.s32 $0x108;
	_ =	swait.ge @!p0 [sflag:s8], $0x0  }
0x24: {  	s3 =	sadd.s32 $0x88, s3;
	s6 =	simm.s32 @!p1 $0x1082;
	[sflag:s4] =	ssyncset.s32 $0xFFFFF086  }
0x25: {  	[simem:s6], [sflag:s4] =	dma.local [hbm:s3], $0xF7A  }
0x26: {  	[smem:$0x3F94] =	sst s1;
	(tag) =	ssettag s2;
	_ =	strace s9  }
0x27: {  	s1 =	sld [smem:$0x3FA4]  }
0x28: {  	s2 =	sld [smem:$0x3FA5]  }
0x29: {  	s4 =	sld [smem:$0x3FA7]  }
0x2a: {  	p0 =	seq.s32 s5, $0x0;
	s5 =	sld [smem:$0x3FA8]  }
0x2b: {  	s6 =	sld [smem:$0x3FA9]  }
0x2c: {  	s7 =	sld [smem:$0x3FAA]  }
0x2d: {  	s3 =	simm.s32 $0x108;
	s8 =	sld [smem:$0x3FAB]  }
0x2e: {  	s3 =	simm.s32 @!p0 $0x1082;
	s9 =	sld [smem:$0x3FAC]  }
0x2f: {  	lr =	sadd.s32 s0, s3;
	s0 =	sld [smem:$0x3FA3]  }
0x30: {  	s3 =	sld [smem:$0x3FA6]  }
0x31: {  	[smem:$0x3FAF] =	sst s10  }
0x32: {  	s10 =	sld [smem:$0x3FAD];
	_ =	sdelay $0x3  }
0x33: {  	p0 =	seq.s32 s10, $0x1;
	s10 =	sld [smem:$0x3FAF];
	_ =	sdelay $0x3  }
0x34: {  	[smem:$0x3FAF] =	sst s10  }
0x35: {  	s10 =	sld [smem:$0x3FAE];
	_ =	sdelay $0x3  }
0x36: {  	p1 =	seq.s32 s10, $0x1;
	s10 =	sld [smem:$0x3FAF];
	_ =	sdelay $0x3  }
0x37: {  	[smem:$0x3FAF] =	sst s10  }
0x38: {  	s10 =	sld [smem:$0x3FB0]  }
0x39: {  	_ = 	snop;
	(pc) =	sbr.ind lr, $3  }
0x3a: {  	_ = 	snop  }
0x3b: {  	_ = 	snop  }
0x3c: {  	p2 =	seq.s32 s10, $0x1;
	s10 =	sld [smem:$0x3FAF]  }
0x3d: {  	_ =	shalt  }
0x3e: {  	_ =	shalt  }
0x3f: {  	_ =	shalt  }
0x40: {  	_ =	shalt  }
0x41: {  	_ =	shalt  }
0x42: {  	_ =	shalt  }
0x43: {  	_ =	shalt  }
0x44: {  	_ =	shalt  }
0x45: {  	_ =	shalt  }
0x46: {  	_ =	shalt  }
0x47: {  	_ =	shalt  }
0x48: {  	_ =	shalt  }
0x49: {  	_ =	shalt  }
0x4a: {  	_ =	shalt  }
0x4b: {  	_ =	shalt  }
0x4c: {  	_ =	shalt  }
0x4d: {  	_ =	shalt  }
0x4e: {  	_ =	shalt  }
0x4f: {  	_ =	shalt  }
0x50: {  	_ =	shalt  }
0x51: {  	_ =	shalt  }
0x52: {  	_ =	shalt  }
0x53: {  	_ =	shalt  }
0x54: {  	_ =	shalt  }
0x55: {  	_ =	shalt  }
0x56: {  	_ =	shalt  }
0x57: {  	_ =	shalt  }
0x58: {  	_ =	shalt  }
0x59: {  	_ =	shalt  }
0x5a: {  	_ =	shalt  }
0x5b: {  	_ =	shalt  }
0x5c: {  	_ =	shalt  }
0x5d: {  	_ =	shalt  }
0x5e: {  	_ =	shalt  }
0x5f: {  	_ =	shalt  }
0x60: {  	_ =	shalt  }
0x61: {  	_ =	shalt  }
0x62: {  	_ =	shalt  }
0x63: {  	_ =	shalt  }
0x64: {  	_ =	shalt  }
0x65: {  	_ =	shalt  }
0x66: {  	_ =	shalt  }
0x67: {  	_ =	shalt  }
0x68: {  	_ =	shalt  }
0x69: {  	_ =	shalt  }
0x6a: {  	_ =	shalt  }
0x6b: {  	_ =	shalt  }
0x6c: {  	_ =	shalt  }
0x6d: {  	_ =	shalt  }
0x6e: {  	_ =	shalt  }
0x6f: {  	_ =	shalt  }
0x70: {  	_ =	shalt  }
0x71: {  	_ =	shalt  }
0x72: {  	_ =	shalt  }
0x73: {  	_ =	shalt  }
0x74: {  	_ =	shalt  }
0x75: {  	_ =	shalt  }
0x76: {  	_ =	shalt  }
0x77: {  	_ =	shalt  }
0x78: {  	_ =	shalt  }
0x79: {  	_ =	shalt  }
0x7a: {  	_ =	shalt  }
0x7b: {  	_ =	shalt  }
0x7c: {  	_ =	shalt  }
0x7d: {  	_ =	shalt  }
0x7e: {  	_ =	shalt  }
0x7f: {  	_ =	shalt  }
0x80: {  	_ =	shalt  }
0x81: {  	_ =	shalt  }
0x82: {  	_ =	shalt  }
0x83: {  	_ =	shalt  }
0x84: {  	_ =	shalt  }
0x85: {  	_ =	shalt  }
0x86: {  	_ =	shalt  }
0x87: {  	_ =	shalt  }
.Lfunc_end0:
.L_simem_size_0:
called_computation.2_lowered:
.L_overlay_start_0:
0x88: {  	s2 =	sld [smem:$0x3FD9]  }
0x89: {  	s3 =	sld [smem:$0x3FFE];
	_ =	sdelay $0x1  }
0x8a: {  	s1 =	srdreg.scid  }
0x8b: {  	s0 =	sand.u32 $0x1, s1  }
0x8c: {  	s17 =	sshll.u32 s0, $0xA;
	s2 =	sadd.s32 s3, s2  }
0x8d: {  	s2 =	sadd.s32 s2, s17  }
0x8e: {  	[smem:$0x3FBB] =	sst s2  }
0x8f: {  	_ = 	snop  }
0x90: {  	s2 =	sld [smem:$0x3FD0];
	(tm) =	ssettm $0x1  }
0x91: {  	s18 =	sld [smem:$0x3FFB];
	_ =	sdelay $0x3  }
0x92: {  	_ =	strace s18  }
0x93: {  	s3 =	sld [smem:$0x3FFC];
	_ =	sdelay $0x3  }
0x94: {  	_ =	strace s3  }
0x95: {  	s3 =	sld [smem:$0x3FFD];
	_ =	sdelay $0x3  }
0x96: {  	_ =	strace s3  }
0x97: {  	_ =	strace $0x8FFFFFFF  }
0x98: {  	s19 =	sld [smem:$0x3FDB];
	_ =	sdelay $0x1  }
0x99: {  	s4 =	simm.s32 $_scs_section_size  }
0x9a: {  	s5 =	simm.s32 $_size__tile_overlayer_lowered;
	s6 =	simm.s32 $_tile_overlayer_lowered  }
0x9b: {  	s22 =	simm.s32 $0x1BFF;
	s21 =	sshll.u32 s6, $0x1;
	s3 =	sadd.s32 s4, s19  }
0x9c: {  	s7 =	simm.s32 $0x0;
	s20 =	sshll.u32 s5, $0x1;
	s5 =	sadd.s32 s21, s3  }
0x9d: {  	[timem:s7], [sflag:s22] =	dma.local [hbm:s5], s20  }
0x9e: {  	_ =	swait.ge [sflag:s22], s20  }
0x9f: {  	s4 =	ssub.s32 $0x0, s20;
	[sflag:s22] =	ssyncset.done $0x0  }
0xa0: {  	[sflag:s22] =	ssyncadd.s32 s4;
	_ =	sdelay $0x1  }
0xa1: {  	s23 =	simm.s32 $0x1B8B  }
0xa2: {  	_ =	swait.ge [sflag:s23], $0x1  }
0xa3: {  	[sflag:s23] =	ssyncset.done $0x0  }
0xa4: {  	s25 =	simm.s32 $0x1B8E;
	s24 =	sld [smem:$0x3FFE];
	[sflag:s23] =	ssyncadd.s32 $0xFFFFFFFF  }
0xa5: {  	s26 =	simm.s32 $execute0_lowered;
	[smem:$0x3FD2] =	sst s25  }
0xa6: {  	s5 =	sshll.u32 s26, $0x1;
	_ =	strace $0x8000004C;
	[dreg:$0x1] =	wrdreg $0xFFFFFFFF  }
0xa7: {  	s28 =	simm.s32 $_size_execute0_lowered;
	s3 =	sadd.s32 s3, s5;
	[dreg:$0x0] =	wrdreg $0x0  }
0xa8: {  	s5 =	sshll.u32 s28, $0x1;
	[dreg:$0x2] =	wrdreg s3  }
0xa9: {  	[dreg:$0x3] =	wrdreg s5  }
0xaa: {  	[dreg:$0x4] =	wrdreg $0xC0  }
0xab: {  	_ =	task [dreg:s7], $0x5FFFF  }
0xac: {  	[dreg:$0x1] =	wrdreg $0xFFFFFFFF  }
0xad: {  	[dreg:$0x0] =	wrdreg $0x60  }
0xae: {  	[dreg:$0x2] =	wrdreg s24  }
0xaf: {  	[dreg:$0x3] =	wrdreg s2  }
0xb0: {  	[dreg:$0x4] =	wrdreg $0x4B100  }
0xb1: {  	[dreg:$0x5] =	wrdreg $0x9  }
0xb2: {  	_ =	task.clear_ibuf [dreg:s7], $0x6FFFF;
	_ =	strace $0x9000004C  }
0xb3: {  	s29 =	simm.s32 $0x9;
	_ =	strace $0x8000004E  }
0xb4: {  	_ =	swait.ge [sflag:s29], $0x1  }
0xb5: {  	[sflag:s29] =	ssyncadd.s32 $0xFFFFFFFF  }
0xb6: {  	_ =	strace $0x9000004E  }
0xb7: {  	_ =	sfence  }
0xb8: {  	s30 =	sld [smem:$0x0];
	_ =	sdelay $0x2  }
0xb9: {  	s31 =	sshll.u32 s1, $0xD;
	s1 =	sshrl.u32 s1, $0x2  }
0xba: {  	s3 =	sand.u32 $0x4000, s31;
	s1 =	sadd.s32 s1, s30  }
0xbb: {  	s0 =	sor.u32 s3, s0;
	s1 =	sshll.u32 s1, $0x11  }
0xbc: {  	s0 =	sor.u32 s1, s0  }
0xbd: {  	s0 =	sadd.s32 $0x8F2B, s0  }
0xbe: {  	[sflag:s0] =	ssyncadd.remote.s32 $0x1  }
0xbf: {  	_ =	sfence.sel $0xFFFF  }
0xc0: {  	[dreg:$0x0] =	wrdreg $0xFFFFFFFF;
	(pc) =	sbr.abs _section_cstart, $3  }
0xc1: {  	[dreg:$0x1] =	wrdreg $0xFFFFFFFF  }
0xc2: {  	_ =	task.clear_ibuf [dreg:s7], $0x2FFFF;
	_ =	strace $0x9FFFFFFF  }
0xc3: {  	(tm) =	ssettm $0x7FFFFFFF  }
tec
execute0_lowered:
.L_overlay_start_1:
0x0: {  	(tag) =	ssettag $0x1  }
0x1: {  	s4 =	rddreg [dreg:$0x0]  }
0x2: {  	s8 =	rddreg [dreg:$0x1]  }
0x3: {  	s1 =	rddreg [dreg:$0x2]  }
0x4: {  	s0 =	rddreg [dreg:$0x3];
	s2 =	simm.s32 $0x0  }
0x5: {  	s3 =	srdreg.scid;
	s19 =	stileid.u32;
	s30 =	simm.s32 $0x100  }
0x6: {  	s14 =	simm.s32 $0x280;
	s15 =	simm.s32 $0x300;
	s16 =	simm.s32 $0x2  }
0x7: {  	s18 =	simm.s32 $0x400;
	s17 =	simm.s32 $0x3;
	s20 =	simm.s32 $0xC00  }
0x8: {  	s31 =	simm.s32 $0x1400;
	[smem:$0x7FF] =	sst s2;
	s9 =	sand.u32 $0x1, s3  }
0x9: {  	s10 =	sshll.u32 s19, $0x5;
	s7 =	smul.u32 $0x9C40, s19;
	s3 =	sadd.s32 $0x6E00, s4  }
0xa: {  	s28 =	sshll.u32 s19, $0x1;
	p0 =	sne.s32 s19, $0x0;
	s19 =	simm.s32 $0x0  }
0xb: {  	_ =	strace $0x8000004D;
	s5 =	smul.u32 $0x4E20, s9;
	s6 =	ssub.s32 $0x2, s9  }
0xc: {  	s11 =	sadd.s32 s10, s4;
	s13 =	sshll.u32 s9, $0x4;
	[dreg:$0x4] =	wrdreg s30  }
0xd: {  	s8 =	sadd.s32 s10, s8;
	s9 =	sor.u32 s9, s28;
	[dreg:$0x5] =	wrdreg s18  }
0xe: {  	s10 =	simm.s32 $0x2400;
	s18 =	simm.s32 $0x5;
	[dreg:$0x6] =	wrdreg s20  }
0xf: {  	[dreg:$0x7] =	wrdreg s31;
	s12 =	sshrl.u32 s6, $0x1;
	s26 =	sshrl.u32 s7, $0x2  }
0x10: {  	s29 =	sadd.s32 s13, s11;
	s8 =	sadd.s32 s13, s8;
	s9 =	sor.u32 $0x60, s9  }
0x11: {  	s11 =	simm.s32 $0x4;
	s13 =	simm.s32 $0x200;
	s5 =	sadd.s32 s5, s4  }
0x12: {  	s6 =	ssub.s32 s6, s12;
	s4 =	sadd.s32 s26, s1;
	s7 =	sadd.s32 $0x1E00, s29  }
0x13: {  	v0 =	vimm.f32 $0.0e+00;
	s12 =	simm.s32 $0x80;
	s5 =	sadd.s32 $0xBE00, s5;
	s6 =	smax.u32 s6, $0x1  }
.LBB2_1:
0x14: {  	s20 =	simm.s32 $0x40;
	s21 =	simm.s32 $0x0  }
.LBB2_2:
0x15: {  	p1 =	sne.s32 s20, $0x9C00;
	[tilespmem:s21+$0x2400] =	vst v0;
	s21 =	smov.u32 s20;
	s20 =	sadd.s32 $0x40, s20  }
.Ltmp0:
0x16: {  	(pc) =	sbr.rel @p1 .LBB2_2-.Ltmp0, $2  }
0x17: {  	_ =	sdelay $0x2  }
0x18: {  	s21 =	sshra.s32 s21, $0x2  }
0x19: {  	[tilespmem:s21+$0x2400] =	vst v0  }
0x1a: {  	[spmem:s4] =	stream.linear.scatter [tilespmem:s10], [sflag:$0x4], $0x2710, $0x38;
	[tilespmem:$0x7220] =	vst v63  }
0x1b: {  	_ =	swait.ge [sflag:s11], $0x2710  }
0x1c: {  	[sflag:s11] =	ssyncset.done $0x0  }
0x1d: {  	[sflag:s11] =	ssyncadd.s32 $0xFFFFD8F0  }
0x1e: {  	s20 =	sadd.s32 $0x0, s7;
	[bflag:$0x0] =	sbarrier.arrive $0xFFFF  }
0x1f: {  	[tilespmem:s2], [sflag:$0x1] =	stream.linear.gather [hbm4b:s20+s2], $0x80, $0x38;
	[tilespmem:$0x7220] =	vst v63  }
0x20: {  	s26 =	sadd.s32 $0x200, s20  }
0x21: {  	[tilespmem:s12], [sflag:$0x1] =	stream.linear.gather [hbm4b:s26+s2], $0x80, $0x38;
	[tilespmem:$0x7220] =	vst v63  }
0x22: {  	p1 =	sgt.u32 s9, $0x4E1;
	s22 =	rddreg [dreg:$0x4];
	s20 =	sadd.s32 $0x400, s20  }
0x23: {  	[tilespmem:s22], [sflag:$0x1] =	stream.linear.gather [hbm4b:s20+s2], $0x80, $0x38;
	[tilespmem:$0x7220] =	vst v63  }
0x24: {  	s20 =	sadd.s32 @!p1 $0x0, s7  }
0x25: {  	s21 =	simm.s32 @!p1 $0x0;
	s22 =	simm.s32 @!p1 $0x180;
	s20 =	sadd.s32 @!p1 $0x600, s20  }
0x26: {  	[tilespmem:s22], [sflag:$0x1] =	stream.linear.gather @!p1 [hbm4b:s20+s21], $0x80, $0x38;
	[tilespmem:$0x7220] =	vst v63  }
0x27: {  	s28 =	sadd.s32 $0x0, s8  }
0x28: {  	[tilespmem:s13], [sflag:$0x2] =	stream.linear.gather [hbm4b:s28+s2], $0x80, $0x38;
	[tilespmem:$0x7220] =	vst v63  }
0x29: {  	s23 =	sadd.s32 $0x200, s28  }
0x2a: {  	[tilespmem:s14], [sflag:$0x2] =	stream.linear.gather [hbm4b:s23+s2], $0x80, $0x38;
	[tilespmem:$0x7220] =	vst v63  }
0x2b: {  	s20 =	sadd.s32 $0x400, s28;
	s23 =	simm.s32 @p1 $0x1  }
0x2c: {  	[tilespmem:s15], [sflag:$0x2] =	stream.linear.gather [hbm4b:s20+s2], $0x80, $0x38;
	[tilespmem:$0x7220] =	vst v63  }
0x2d: {  	_ =	swait.ge @p1 [sflag:s23], $0x80  }
0x2e: {  	[sflag:s23] =	ssyncset.done @p1 $0x0  }
0x2f: {  	[sflag:s23] =	ssyncadd.s32 @p1 $0xFFFFFF80  }
0x30: {  	_ =	swait.ge @p1 [sflag:s23], $0x80  }
0x31: {  	[sflag:s23] =	ssyncset.done @p1 $0x0  }
0x32: {  	[sflag:s23] =	ssyncadd.s32 @p1 $0xFFFFFF80  }
0x33: {  	_ =	swait.ge @p1 [sflag:s23], $0x80  }
0x34: {  	s24 =	simm.s32 @p1 $0x80;
	[sflag:s23] =	ssyncset.done @p1 $0x0  }
0x35: {  	s25 =	simm.s32 @p1 $0x0;
	s20 =	simm.s32 @p1 $0x400;
	[sflag:s23] =	ssyncadd.s32 @p1 $0xFFFFFF80  }
0x36: {  	[tilespmem:s20], [sflag:$0x3] =	stream.indirect.gather @p1 [hbm4b:s3+s24], $0x10, s25, s24, $0xb8;
	[tilespmem:$0x7220] =	vst v63  }
0x37: {  	s20 =	simm.s32 @p1 $0xC00  }
0x38: {  	[tilespmem:s20], [sflag:$0x3] =	stream.indirect.gather @p1 [hbm4b:s3+s24], $0x10, s24, s24, $0xb8;
	[tilespmem:$0x7220] =	vst v63  }
0x39: {  	s23 =	simm.s32 @p1 $0x100;
	s25 =	simm.s32 @p1 $0x1400;
	s20 =	sadd.s32 @!p1 $0x0, s8  }
0x3a: {  	[tilespmem:s25], [sflag:$0x3] =	stream.indirect.gather @p1 [hbm4b:s3+s24], $0x10, s23, s24, $0xb8;
	[tilespmem:$0x7220] =	vst v63  }
0x3b: {  	s23 =	sadd.s32 @!p1 $0x600, s20;
	s20 =	simm.s32 @!p1 $0x380;
	s24 =	simm.s32 @!p1 $0x1  }
0x3c: {  	[tilespmem:s20], [sflag:$0x2] =	stream.linear.gather @!p1 [hbm4b:s23+s21], $0x80, $0x38;
	[tilespmem:$0x7220] =	vst v63  }
0x3d: {  	_ =	swait.ge @!p1 [sflag:s24], $0x80  }
0x3e: {  	[sflag:s24] =	ssyncset.done @!p1 $0x0  }
0x3f: {  	[sflag:s24] =	ssyncadd.s32 @!p1 $0xFFFFFF80  }
0x40: {  	_ =	swait.ge @!p1 [sflag:s24], $0x80  }
0x41: {  	[sflag:s24] =	ssyncset.done @!p1 $0x0  }
0x42: {  	[sflag:s24] =	ssyncadd.s32 @!p1 $0xFFFFFF80  }
0x43: {  	_ =	swait.ge @!p1 [sflag:s24], $0x80  }
0x44: {  	[sflag:s24] =	ssyncset.done @!p1 $0x0  }
0x45: {  	[sflag:s24] =	ssyncadd.s32 @!p1 $0xFFFFFF80  }
0x46: {  	_ =	swait.ge @!p1 [sflag:s24], $0x80  }
0x47: {  	[sflag:s24] =	ssyncset.done @!p1 $0x0  }
0x48: {  	s25 =	simm.s32 @!p1 $0x400;
	s23 =	simm.s32 @!p1 $0x80;
	[sflag:s24] =	ssyncadd.s32 @!p1 $0xFFFFFF80  }
0x49: {  	[tilespmem:s25], [sflag:$0x3] =	stream.indirect.gather @!p1 [hbm4b:s3+s23], $0x10, s21, s23, $0xb8;
	[tilespmem:$0x7220] =	vst v63  }
0x4a: {  	s21 =	simm.s32 @!p1 $0xC00  }
0x4b: {  	[tilespmem:s21], [sflag:$0x3] =	stream.indirect.gather @!p1 [hbm4b:s3+s23], $0x10, s23, s23, $0xb8;
	[tilespmem:$0x7220] =	vst v63  }
0x4c: {  	s24 =	simm.s32 @!p1 $0x1400;
	s21 =	simm.s32 @!p1 $0x100  }
0x4d: {  	[tilespmem:s24], [sflag:$0x3] =	stream.indirect.gather @!p1 [hbm4b:s3+s23], $0x10, s21, s23, $0xb8;
	[tilespmem:$0x7220] =	vst v63  }
0x4e: {  	s21 =	simm.s32 @!p1 $0x1C00  }
0x4f: {  	[tilespmem:s21], [sflag:$0x3] =	stream.indirect.gather @!p1 [hbm4b:s3+s23], $0x10, s22, s23, $0xb8;
	[tilespmem:$0x7220] =	vst v63  }
0x50: {  	_ =	swait.ge [sflag:s16], $0x80  }
0x51: {  	[sflag:s16] =	ssyncset.done $0x0  }
0x52: {  	[sflag:s16] =	ssyncadd.s32 $0xFFFFFF80  }
0x53: {  	_ =	swait.ge [sflag:s16], $0x80  }
0x54: {  	[sflag:s16] =	ssyncset.done $0x0  }
0x55: {  	[sflag:s16] =	ssyncadd.s32 $0xFFFFFF80  }
0x56: {  	_ =	swait.ge [sflag:s16], $0x80  }
0x57: {  	[sflag:s16] =	ssyncset.done $0x0  }
0x58: {  	s22 =	simm.s32 @!p1 $0x2;
	[sflag:s16] =	ssyncadd.s32 $0xFFFFFF80  }
0x59: {  	_ =	swait.ge @!p1 [sflag:s22], $0x80  }
0x5a: {  	[sflag:s22] =	ssyncset.done @!p1 $0x0  }
0x5b: {  	s24 =	simm.s32 @!p1 $0x3;
	[sflag:s22] =	ssyncadd.s32 @!p1 $0xFFFFFF80  }
0x5c: {  	_ =	swait.ge @!p1 [sflag:s24], $0x800  }
0x5d: {  	[sflag:s24] =	ssyncset.done @!p1 $0x0  }
0x5e: {  	[sflag:s24] =	ssyncadd.s32 @!p1 $0xFFFFF800  }
0x5f: {  	_ =	swait.ge [sflag:s17], $0x800  }
0x60: {  	[sflag:s17] =	ssyncset.done $0x0  }
0x61: {  	[sflag:s17] =	ssyncadd.s32 $0xFFFFF800  }
0x62: {  	_ =	swait.ge [sflag:s17], $0x800  }
0x63: {  	[sflag:s17] =	ssyncset.done $0x0  }
0x64: {  	[sflag:s17] =	ssyncadd.s32 $0xFFFFF800  }
0x65: {  	_ =	swait.ge [sflag:s17], $0x800  }
0x66: {  	[sflag:s17] =	ssyncset.done $0x0  }
0x67: {  	s29 =	rddreg [dreg:$0x5];
	[sflag:s17] =	ssyncadd.s32 $0xFFFFF800  }
0x68: {  	[spmem:s1] =	stream.indirect.scatter.add.f32 [tilespmem:s29], [sflag:$0x5], $0x10, s13, s12, $0xb8;
	[tilespmem:$0x7220] =	vst v63  }
0x69: {  	_ =	swait.ge [sflag:s18], $0x800  }
0x6a: {  	[sflag:s18] =	ssyncset.done $0x0  }
0x6b: {  	s30 =	rddreg [dreg:$0x6];
	[sflag:s18] =	ssyncadd.s32 $0xFFFFF800  }
0x6c: {  	[spmem:s1] =	stream.indirect.scatter.add.f32 [tilespmem:s30], [sflag:$0x5], $0x10, s14, s12, $0xb8;
	[tilespmem:$0x7220] =	vst v63  }
0x6d: {  	_ =	swait.ge [sflag:s18], $0x800  }
0x6e: {  	[sflag:s18] =	ssyncset.done $0x0  }
0x6f: {  	s31 =	rddreg [dreg:$0x7];
	[sflag:s18] =	ssyncadd.s32 $0xFFFFF800  }
0x70: {  	[spmem:s1] =	stream.indirect.scatter.add.f32 [tilespmem:s31], [sflag:$0x5], $0x10, s15, s12, $0xb8;
	[tilespmem:$0x7220] =	vst v63  }
0x71: {  	_ =	swait.ge [sflag:s18], $0x800  }
0x72: {  	[sflag:s18] =	ssyncset.done $0x0  }
0x73: {  	s24 =	simm.s32 @!p1 $0x4;
	[sflag:s18] =	ssyncadd.s32 $0xFFFFF800  }
0x74: {  	[spmem:s1] =	stream.indirect.scatter.add.f32 @!p1 [tilespmem:s21], [sflag:$0x4], $0x10, s20, s23, $0xb8;
	[tilespmem:$0x7220] =	vst v63  }
0x75: {  	s20 =	simm.s32 $0x800;
	s21 =	smov.u32 s9;
	_ =	swait.ge @!p1 [sflag:s24], $0x800  }
.LBB2_4:
0x76: {  	[sflag:s24] =	ssyncset.done @!p1 $0x0;
	s22 =	smov.u32 s20  }
0x77: {  	s23 =	sadd.s32 s22, s7;
	[sflag:s24] =	ssyncadd.s32 @!p1 $0xFFFFF800  }
0x78: {  	[tilespmem:s2], [sflag:$0x1] =	stream.linear.gather [hbm4b:s23+s2], $0x80, $0x38;
	[tilespmem:$0x7220] =	vst v63  }
0x79: {  	s21 =	sadd.s32 $0x80, s21;
	s30 =	sadd.s32 $0x200, s23  }
0x7a: {  	[tilespmem:s12], [sflag:$0x1] =	stream.linear.gather [hbm4b:s30+s2], $0x80, $0x38;
	[tilespmem:$0x7220] =	vst v63  }
0x7b: {  	s25 =	rddreg [dreg:$0x4];
	p1 =	sgt.u32 s21, $0x4E1;
	s23 =	sadd.s32 $0x400, s23  }
0x7c: {  	[tilespmem:s25], [sflag:$0x1] =	stream.linear.gather [hbm4b:s23+s2], $0x80, $0x38;
	[tilespmem:$0x7220] =	vst v63  }
0x7d: {  	s23 =	sadd.s32 @!p1 s22, s7  }
0x7e: {  	s24 =	simm.s32 @!p1 $0x180;
	s25 =	simm.s32 @!p1 $0x0;
	s23 =	sadd.s32 @!p1 $0x600, s23  }
0x7f: {  	[tilespmem:s24], [sflag:$0x1] =	stream.linear.gather @!p1 [hbm4b:s23+s25], $0x80, $0x38;
	[tilespmem:$0x7220] =	vst v63  }
0x80: {  	s26 =	sadd.s32 s22, s8  }
0x81: {  	[tilespmem:s13], [sflag:$0x2] =	stream.linear.gather [hbm4b:s26+s2], $0x80, $0x38;
	[tilespmem:$0x7220] =	vst v63  }
0x82: {  	s31 =	sadd.s32 $0x200, s26  }
0x83: {  	[tilespmem:s14], [sflag:$0x2] =	stream.linear.gather [hbm4b:s31+s2], $0x80, $0x38;
	[tilespmem:$0x7220] =	vst v63  }
0x84: {  	s23 =	simm.s32 @p1 $0x1;
	s26 =	sadd.s32 $0x400, s26  }
0x85: {  	[tilespmem:s15], [sflag:$0x2] =	stream.linear.gather [hbm4b:s26+s2], $0x80, $0x38;
	[tilespmem:$0x7220] =	vst v63  }
0x86: {  	_ =	swait.ge @p1 [sflag:s23], $0x80  }
0x87: {  	[sflag:s23] =	ssyncset.done @p1 $0x0  }
0x88: {  	[sflag:s23] =	ssyncadd.s32 @p1 $0xFFFFFF80  }
0x89: {  	_ =	swait.ge @p1 [sflag:s23], $0x80  }
0x8a: {  	[sflag:s23] =	ssyncset.done @p1 $0x0  }
0x8b: {  	[sflag:s23] =	ssyncadd.s32 @p1 $0xFFFFFF80  }
0x8c: {  	s22 =	sadd.s32 @!p1 s22, s8;
	_ =	swait.ge @p1 [sflag:s23], $0x80  }
0x8d: {  	s29 =	simm.s32 @p1 $0x0;
	s28 =	sadd.s32 @!p1 $0x600, s22;
	[sflag:s23] =	ssyncset.done @p1 $0x0  }
0x8e: {  	s22 =	simm.s32 @p1 $0x400;
	s26 =	simm.s32 @p1 $0x80;
	[sflag:s23] =	ssyncadd.s32 @p1 $0xFFFFFF80  }
0x8f: {  	[tilespmem:s22], [sflag:$0x3] =	stream.indirect.gather @p1 [hbm4b:s3+s26], $0x10, s29, s26, $0xb8;
	[tilespmem:$0x7220] =	vst v63  }
0x90: {  	s23 =	simm.s32 @p1 $0xC00  }
0x91: {  	[tilespmem:s23], [sflag:$0x3] =	stream.indirect.gather @p1 [hbm4b:s3+s26], $0x10, s26, s26, $0xb8;
	[tilespmem:$0x7220] =	vst v63  }
0x92: {  	s30 =	simm.s32 @p1 $0x1400;
	s29 =	simm.s32 @p1 $0x100  }
0x93: {  	[tilespmem:s30], [sflag:$0x3] =	stream.indirect.gather @p1 [hbm4b:s3+s26], $0x10, s29, s26, $0xb8;
	[tilespmem:$0x7220] =	vst v63  }
0x94: {  	s22 =	simm.s32 @!p1 $0x380;
	s26 =	simm.s32 @!p1 $0x1  }
0x95: {  	[tilespmem:s22], [sflag:$0x2] =	stream.linear.gather @!p1 [hbm4b:s28+s25], $0x80, $0x38;
	[tilespmem:$0x7220] =	vst v63  }
0x96: {  	_ =	swait.ge @!p1 [sflag:s26], $0x80  }
0x97: {  	[sflag:s26] =	ssyncset.done @!p1 $0x0  }
0x98: {  	[sflag:s26] =	ssyncadd.s32 @!p1 $0xFFFFFF80  }
0x99: {  	_ =	swait.ge @!p1 [sflag:s26], $0x80  }
0x9a: {  	[sflag:s26] =	ssyncset.done @!p1 $0x0  }
0x9b: {  	[sflag:s26] =	ssyncadd.s32 @!p1 $0xFFFFFF80  }
0x9c: {  	_ =	swait.ge @!p1 [sflag:s26], $0x80  }
0x9d: {  	[sflag:s26] =	ssyncset.done @!p1 $0x0  }
0x9e: {  	[sflag:s26] =	ssyncadd.s32 @!p1 $0xFFFFFF80  }
0x9f: {  	_ =	swait.ge @!p1 [sflag:s26], $0x80  }
0xa0: {  	[sflag:s26] =	ssyncset.done @!p1 $0x0  }
0xa1: {  	s23 =	simm.s32 @!p1 $0x80;
	s28 =	simm.s32 @!p1 $0x400;
	[sflag:s26] =	ssyncadd.s32 @!p1 $0xFFFFFF80  }
0xa2: {  	[tilespmem:s28], [sflag:$0x3] =	stream.indirect.gather @!p1 [hbm4b:s3+s23], $0x10, s25, s23, $0xb8;
	[tilespmem:$0x7220] =	vst v63  }
0xa3: {  	s26 =	simm.s32 @!p1 $0xC00  }
0xa4: {  	[tilespmem:s26], [sflag:$0x3] =	stream.indirect.gather @!p1 [hbm4b:s3+s23], $0x10, s23, s23, $0xb8;
	[tilespmem:$0x7220] =	vst v63  }
0xa5: {  	s29 =	simm.s32 @!p1 $0x1400;
	s28 =	simm.s32 @!p1 $0x100  }
0xa6: {  	[tilespmem:s29], [sflag:$0x3] =	stream.indirect.gather @!p1 [hbm4b:s3+s23], $0x10, s28, s23, $0xb8;
	[tilespmem:$0x7220] =	vst v63  }
0xa7: {  	s25 =	simm.s32 @!p1 $0x1C00  }
0xa8: {  	[tilespmem:s25], [sflag:$0x3] =	stream.indirect.gather @!p1 [hbm4b:s3+s23], $0x10, s24, s23, $0xb8;
	[tilespmem:$0x7220] =	vst v63  }
0xa9: {  	_ =	swait.ge [sflag:s16], $0x80  }
0xaa: {  	[sflag:s16] =	ssyncset.done $0x0  }
0xab: {  	[sflag:s16] =	ssyncadd.s32 $0xFFFFFF80  }
0xac: {  	_ =	swait.ge [sflag:s16], $0x80  }
0xad: {  	[sflag:s16] =	ssyncset.done $0x0  }
0xae: {  	[sflag:s16] =	ssyncadd.s32 $0xFFFFFF80  }
0xaf: {  	_ =	swait.ge [sflag:s16], $0x80  }
0xb0: {  	[sflag:s16] =	ssyncset.done $0x0  }
0xb1: {  	s24 =	simm.s32 @!p1 $0x2;
	[sflag:s16] =	ssyncadd.s32 $0xFFFFFF80  }
0xb2: {  	_ =	swait.ge @!p1 [sflag:s24], $0x80  }
0xb3: {  	[sflag:s24] =	ssyncset.done @!p1 $0x0  }
0xb4: {  	s26 =	simm.s32 @!p1 $0x3;
	[sflag:s24] =	ssyncadd.s32 @!p1 $0xFFFFFF80  }
0xb5: {  	_ =	swait.ge @!p1 [sflag:s26], $0x800  }
0xb6: {  	[sflag:s26] =	ssyncset.done @!p1 $0x0  }
0xb7: {  	[sflag:s26] =	ssyncadd.s32 @!p1 $0xFFFFF800  }
0xb8: {  	_ =	swait.ge [sflag:s17], $0x800  }
0xb9: {  	[sflag:s17] =	ssyncset.done $0x0  }
0xba: {  	[sflag:s17] =	ssyncadd.s32 $0xFFFFF800  }
0xbb: {  	_ =	swait.ge [sflag:s17], $0x800  }
0xbc: {  	[sflag:s17] =	ssyncset.done $0x0  }
0xbd: {  	[sflag:s17] =	ssyncadd.s32 $0xFFFFF800  }
0xbe: {  	_ =	swait.ge [sflag:s17], $0x800  }
0xbf: {  	[sflag:s17] =	ssyncset.done $0x0  }
0xc0: {  	s29 =	rddreg [dreg:$0x5];
	[sflag:s17] =	ssyncadd.s32 $0xFFFFF800  }
0xc1: {  	[spmem:s1] =	stream.indirect.scatter.add.f32 [tilespmem:s29], [sflag:$0x5], $0x10, s13, s12, $0xb8;
	[tilespmem:$0x7220] =	vst v63  }
0xc2: {  	_ =	swait.ge [sflag:s18], $0x800  }
0xc3: {  	[sflag:s18] =	ssyncset.done $0x0  }
0xc4: {  	s30 =	rddreg [dreg:$0x6];
	[sflag:s18] =	ssyncadd.s32 $0xFFFFF800  }
0xc5: {  	[spmem:s1] =	stream.indirect.scatter.add.f32 [tilespmem:s30], [sflag:$0x5], $0x10, s14, s12, $0xb8;
	[tilespmem:$0x7220] =	vst v63  }
0xc6: {  	_ =	swait.ge [sflag:s18], $0x800  }
0xc7: {  	s20 =	sadd.s32 $0x800, s20;
	[sflag:s18] =	ssyncset.done $0x0  }
0xc8: {  	p2 =	sne.s32 s20, $0x5000;
	s31 =	rddreg [dreg:$0x7];
	[sflag:s18] =	ssyncadd.s32 $0xFFFFF800  }
0xc9: {  	[spmem:s1] =	stream.indirect.scatter.add.f32 [tilespmem:s31], [sflag:$0x5], $0x10, s15, s12, $0xb8;
	[tilespmem:$0x7220] =	vst v63  }
.Ltmp1:
0xca: {  	_ =	swait.ge [sflag:s18], $0x800;
	(pc) =	sbr.rel @p2 .LBB2_4-.Ltmp1, $4  }
0xcb: {  	[sflag:s18] =	ssyncset.done $0x0  }
0xcc: {  	s24 =	simm.s32 @!p1 $0x4;
	[sflag:s18] =	ssyncadd.s32 $0xFFFFF800  }
0xcd: {  	[spmem:s1] =	stream.indirect.scatter.add.f32 @!p1 [tilespmem:s25], [sflag:$0x4], $0x10, s22, s23, $0xb8;
	[tilespmem:$0x7220] =	vst v63  }
0xce: {  	_ =	swait.ge @!p1 [sflag:s24], $0x800  }
0xcf: {  	[sflag:s24] =	ssyncset.done @!p1 $0x0  }
0xd0: {  	s20 =	sshrl.u32 @!p0 s1, $0x3;
	s19 =	sadd.s32 $0x1, s19;
	[sflag:s24] =	ssyncadd.s32 @!p1 $0xFFFFF800  }
0xd1: {  	s21 =	simm.s32 @!p0 $0x1C04;
	p1 =	sne.s32 s19, s6;
	[bflag:$0x0] =	sbarrier.arrive $0xFFFF  }
0xd2: {  	[hbm:s5], [sflag:s21] =	dma.local @!p0 [spmem:s20], $0x4E20  }
.Ltmp2:
0xd3: {  	_ = 	snop;
	(pc) =	sbr.rel @p1 .LBB2_1-.Ltmp2, $4  }
0xd4: {  	s20 =	simm.s32 @!p0 $0x4  }
0xd5: {  	_ =	swait.ge @!p0 [sflag:s20], $0x4E20  }
0xd6: {  	[sflag:s20] =	ssyncset.done @!p0 $0x0  }
0xd7: {  	[sflag:s20] =	ssyncadd.s32 @!p0 $0xFFFFB1E0  }
0xd8: {  	_ =	sfence.sel $0x180000  }
0xd9: {  	[bflag:$0x0] =	sbarrier.arrive $0xFFFF  }
0xda: {  	_ =	strace $0x9000004D  }
0xdb: {  	s0 =	sadd.s32 @!p0 $0x100000, s0;
	[bflag:$0x2] =	sbarrier.arrive $0xFFFF  }
0xdc: {  	[sflag:s0] =	ssyncadd.tile.s32 @!p0 $0x1;
	_ =	shalt  }
.Lfunc_end2:
_tile_overlayer_lowered:
.L_overlay_start_2:
0xdd: {  	(tag) =	ssettag $0x2  }
0xde: {  	s0 =	rddreg [dreg:$0x0];
	s2 =	stileid.u32  }
0xdf: {  	s1 =	rddreg [dreg:$0x1];
	p0 =	sne.s32 s2, $0x0  }
0xe0: {  	s3 =	rddreg [dreg:$0x2];
	[bflag:$0x3] =	sbarrier.arrive $0xFFFF;
	s2 =	simm.s32 @!p0 $0x1C04  }
0xe1: {  	[timem:s3], [sflag:s2] =	dma.local @!p0 [hbm:s0], s1  }
0xe2: {  	s0 =	simm.s32 @!p0 $0x4  }
0xe3: {  	_ =	swait.ge @!p0 [sflag:s0], s1  }
0xe4: {  	s1 =	ssub.s32 @!p0 $0x0, s1;
	[sflag:s0] =	ssyncset.done @!p0 $0x0  }
0xe5: {  	[sflag:s0] =	ssyncadd.s32 @!p0 s1  }
0xe6: {  	[bflag:$0x3] =	sbarrier.arrive $0xFFFF  }
0xe7: {  	_ =	shalt  }

// kernel: kernel.19.cloned.1.call-start
scs
__scs_entry_jumppad:
0x0: {  	(pc) =	sbr.rel $0x88, $3  }
0x1: {  	(tag) =	ssettag $0x0;
	lr =	simm.s32 $0x1  }
0x2: {  	[smem:$0x3F94] =	sst lr;
	_ =	strace $0xD0000000  }
0x3: {  	_ = 	snop  }
0x4: {  	_ = 	snop  }
0x5: {  	_ = 	snop  }
0x6: {  	_ = 	snop  }
0x7: {  	_ = 	snop  }
__scs_overlays_trampoline_lowered:
0x8: {  	[smem:$0x3FA3] =	sst s0  }
0x9: {  	[smem:$0x3FA4] =	sst s1  }
0xa: {  	[smem:$0x3FA5] =	sst s2  }
0xb: {  	[smem:$0x3FA6] =	sst s3  }
0xc: {  	[smem:$0x3FA7] =	sst s4  }
0xd: {  	[smem:$0x3FA8] =	sst s5  }
0xe: {  	[smem:$0x3FA9] =	sst s6  }
0xf: {  	[smem:$0x3FAA] =	sst s7  }
0x10: {  	[smem:$0x3FAB] =	sst s8  }
0x11: {  	[smem:$0x3FAC] =	sst s9;
	s0 =	simm.s32 @!p0 $0x0  }
0x12: {  	s1 =	sld [smem:$0x3F92];
	s0 =	simm.s32 @p0 $0x1  }
0x13: {  	[smem:$0x3FAD] =	sst s0;
	s0 =	simm.s32 @!p1 $0x0  }
0x14: {  	s2 =	sld [smem:$0x3F91];
	s0 =	simm.s32 @p1 $0x1  }
0x15: {  	[smem:$0x3FAE] =	sst s0;
	s0 =	simm.s32 @!p2 $0x0  }
0x16: {  	s3 =	sld [smem:$0x3FDB];
	s0 =	simm.s32 @p2 $0x1  }
0x17: {  	s4 =	simm.s32 $0x1BF5;
	[smem:$0x3FB0] =	sst s0  }
0x18: {  	s0 =	sld [smem:$0x3F93];
	_ =	swait.ge [sflag:s4], $0x0  }
0x19: {  	s7 =	sld [smem:$0x3F94]  }
0x1a: {  	s8 =	sadd.s32 $0xFFFFE003, lr  }
0x1b: {  	s9 =	sadd.s32 $0xFFFFFEF7, lr;
	s5 =	simm.s32 $0xFFFFFFFF;
	p2 =	slt.u32 s8, $0xFFFFF086  }
0x1c: {  	p1 =	slt.u32 s9, $0xF7A;
	s5 =	simm.s32 @!p2 $0x0  }
0x1d: {  	s5 =	simm.s32 @p1 $0x1;
	p0 =	seq.s32 s7, s2  }
0x1e: {  	s7 =	smul.u32 @!p0 $0xF7A, s2;
	p2 =	seq.s32 @!p0 s5, $0x0  }
0x1f: {  	s9 =	smul.u32 $0xF7A, s1;
	s8 =	simm.s32 @!p0 $0x1BF5;
	p2 =	por !p2, p0  }
0x20: {  	[sflag:s8] =	ssyncset.s32 @!p0 $0xFFFFF086;
	s6 =	sadd.s32 @!p0 s3, s7;
	s7 =	simm.s32 @!p0 $0x108  }
0x21: {  	s3 =	sadd.s32 s3, s9;
	s6 =	sadd.s32 @!p0 $0x88, s6;
	s7 =	simm.s32 @p2 $0x1082  }
0x22: {  	[simem:s7], [sflag:s8] =	dma.local @!p0 [hbm:s6], $0xF7A  }
0x23: {  	s9 =	sor.u32 $0xD0000000, s2;
	s6 =	simm.s32 $0x108;
	_ =	swait.ge @!p0 [sflag:s8], $0x0  }
0x24: {  	s3 =	sadd.s32 $0x88, s3;
	s6 =	simm.s32 @!p1 $0x1082;
	[sflag:s4] =	ssyncset.s32 $0xFFFFF086  }
0x25: {  	[simem:s6], [sflag:s4] =	dma.local [hbm:s3], $0xF7A  }
0x26: {  	[smem:$0x3F94] =	sst s1;
	(tag) =	ssettag s2;
	_ =	strace s9  }
0x27: {  	s1 =	sld [smem:$0x3FA4]  }
0x28: {  	s2 =	sld [smem:$0x3FA5]  }
0x29: {  	s4 =	sld [smem:$0x3FA7]  }
0x2a: {  	p0 =	seq.s32 s5, $0x0;
	s5 =	sld [smem:$0x3FA8]  }
0x2b: {  	s6 =	sld [smem:$0x3FA9]  }
0x2c: {  	s7 =	sld [smem:$0x3FAA]  }
0x2d: {  	s3 =	simm.s32 $0x108;
	s8 =	sld [smem:$0x3FAB]  }
0x2e: {  	s3 =	simm.s32 @!p0 $0x1082;
	s9 =	sld [smem:$0x3FAC]  }
0x2f: {  	lr =	sadd.s32 s0, s3;
	s0 =	sld [smem:$0x3FA3]  }
0x30: {  	s3 =	sld [smem:$0x3FA6]  }
0x31: {  	[smem:$0x3FAF] =	sst s10  }
0x32: {  	s10 =	sld [smem:$0x3FAD];
	_ =	sdelay $0x3  }
0x33: {  	p0 =	seq.s32 s10, $0x1;
	s10 =	sld [smem:$0x3FAF];
	_ =	sdelay $0x3  }
0x34: {  	[smem:$0x3FAF] =	sst s10  }
0x35: {  	s10 =	sld [smem:$0x3FAE];
	_ =	sdelay $0x3  }
0x36: {  	p1 =	seq.s32 s10, $0x1;
	s10 =	sld [smem:$0x3FAF];
	_ =	sdelay $0x3  }
0x37: {  	[smem:$0x3FAF] =	sst s10  }
0x38: {  	s10 =	sld [smem:$0x3FB0]  }
0x39: {  	_ = 	snop;
	(pc) =	sbr.ind lr, $3  }
0x3a: {  	_ = 	snop  }
0x3b: {  	_ = 	snop  }
0x3c: {  	p2 =	seq.s32 s10, $0x1;
	s10 =	sld [smem:$0x3FAF]  }
0x3d: {  	_ =	shalt  }
0x3e: {  	_ =	shalt  }
0x3f: {  	_ =	shalt  }
0x40: {  	_ =	shalt  }
0x41: {  	_ =	shalt  }
0x42: {  	_ =	shalt  }
0x43: {  	_ =	shalt  }
0x44: {  	_ =	shalt  }
0x45: {  	_ =	shalt  }
0x46: {  	_ =	shalt  }
0x47: {  	_ =	shalt  }
0x48: {  	_ =	shalt  }
0x49: {  	_ =	shalt  }
0x4a: {  	_ =	shalt  }
0x4b: {  	_ =	shalt  }
0x4c: {  	_ =	shalt  }
0x4d: {  	_ =	shalt  }
0x4e: {  	_ =	shalt  }
0x4f: {  	_ =	shalt  }
0x50: {  	_ =	shalt  }
0x51: {  	_ =	shalt  }
0x52: {  	_ =	shalt  }
0x53: {  	_ =	shalt  }
0x54: {  	_ =	shalt  }
0x55: {  	_ =	shalt  }
0x56: {  	_ =	shalt  }
0x57: {  	_ =	shalt  }
0x58: {  	_ =	shalt  }
0x59: {  	_ =	shalt  }
0x5a: {  	_ =	shalt  }
0x5b: {  	_ =	shalt  }
0x5c: {  	_ =	shalt  }
0x5d: {  	_ =	shalt  }
0x5e: {  	_ =	shalt  }
0x5f: {  	_ =	shalt  }
0x60: {  	_ =	shalt  }
0x61: {  	_ =	shalt  }
0x62: {  	_ =	shalt  }
0x63: {  	_ =	shalt  }
0x64: {  	_ =	shalt  }
0x65: {  	_ =	shalt  }
0x66: {  	_ =	shalt  }
0x67: {  	_ =	shalt  }
0x68: {  	_ =	shalt  }
0x69: {  	_ =	shalt  }
0x6a: {  	_ =	shalt  }
0x6b: {  	_ =	shalt  }
0x6c: {  	_ =	shalt  }
0x6d: {  	_ =	shalt  }
0x6e: {  	_ =	shalt  }
0x6f: {  	_ =	shalt  }
0x70: {  	_ =	shalt  }
0x71: {  	_ =	shalt  }
0x72: {  	_ =	shalt  }
0x73: {  	_ =	shalt  }
0x74: {  	_ =	shalt  }
0x75: {  	_ =	shalt  }
0x76: {  	_ =	shalt  }
0x77: {  	_ =	shalt  }
0x78: {  	_ =	shalt  }
0x79: {  	_ =	shalt  }
0x7a: {  	_ =	shalt  }
0x7b: {  	_ =	shalt  }
0x7c: {  	_ =	shalt  }
0x7d: {  	_ =	shalt  }
0x7e: {  	_ =	shalt  }
0x7f: {  	_ =	shalt  }
0x80: {  	_ =	shalt  }
0x81: {  	_ =	shalt  }
0x82: {  	_ =	shalt  }
0x83: {  	_ =	shalt  }
0x84: {  	_ =	shalt  }
0x85: {  	_ =	shalt  }
0x86: {  	_ =	shalt  }
0x87: {  	_ =	shalt  }
.Lfunc_end0:
.L_simem_size_0:
called_computation.3_lowered:
.L_overlay_start_0:
0x88: {  	s2 =	sld [smem:$0x3FD9]  }
0x89: {  	s3 =	sld [smem:$0x3FFE];
	_ =	sdelay $0x1  }
0x8a: {  	s1 =	srdreg.scid  }
0x8b: {  	s0 =	sand.u32 $0x1, s1  }
0x8c: {  	s17 =	sshll.u32 s0, $0xA;
	s2 =	sadd.s32 s3, s2  }
0x8d: {  	s2 =	sadd.s32 s2, s17  }
0x8e: {  	[smem:$0x3FBB] =	sst s2  }
0x8f: {  	_ = 	snop  }
0x90: {  	s2 =	sld [smem:$0x3FD0];
	(tm) =	ssettm $0x1  }
0x91: {  	s18 =	sld [smem:$0x3FFB];
	_ =	sdelay $0x3  }
0x92: {  	_ =	strace s18  }
0x93: {  	s3 =	sld [smem:$0x3FFC];
	_ =	sdelay $0x3  }
0x94: {  	_ =	strace s3  }
0x95: {  	s3 =	sld [smem:$0x3FFD];
	_ =	sdelay $0x3  }
0x96: {  	_ =	strace s3  }
0x97: {  	_ =	strace $0x8FFFFFFF  }
0x98: {  	s19 =	sld [smem:$0x3FDB];
	_ =	sdelay $0x1  }
0x99: {  	s4 =	simm.s32 $_scs_section_size  }
0x9a: {  	s5 =	simm.s32 $_size__tile_overlayer_lowered;
	s6 =	simm.s32 $_tile_overlayer_lowered  }
0x9b: {  	s22 =	simm.s32 $0x1BFF;
	s21 =	sshll.u32 s6, $0x1;
	s3 =	sadd.s32 s4, s19  }
0x9c: {  	s7 =	simm.s32 $0x0;
	s20 =	sshll.u32 s5, $0x1;
	s5 =	sadd.s32 s21, s3  }
0x9d: {  	[timem:s7], [sflag:s22] =	dma.local [hbm:s5], s20  }
0x9e: {  	_ =	swait.ge [sflag:s22], s20  }
0x9f: {  	s4 =	ssub.s32 $0x0, s20;
	[sflag:s22] =	ssyncset.done $0x0  }
0xa0: {  	[sflag:s22] =	ssyncadd.s32 s4;
	_ =	sdelay $0x1  }
0xa1: {  	s23 =	simm.s32 $0x1B8B  }
0xa2: {  	_ =	swait.ge [sflag:s23], $0x1  }
0xa3: {  	[sflag:s23] =	ssyncset.done $0x0  }
0xa4: {  	s25 =	simm.s32 $0x1B8E;
	s24 =	sld [smem:$0x3FFE];
	[sflag:s23] =	ssyncadd.s32 $0xFFFFFFFF  }
0xa5: {  	s26 =	simm.s32 $execute0_lowered;
	[smem:$0x3FD2] =	sst s25  }
0xa6: {  	s5 =	sshll.u32 s26, $0x1;
	_ =	strace $0x8000004F;
	[dreg:$0x1] =	wrdreg $0xFFFFFFFF  }
0xa7: {  	s28 =	simm.s32 $_size_execute0_lowered;
	s3 =	sadd.s32 s3, s5;
	[dreg:$0x0] =	wrdreg $0x0  }
0xa8: {  	s5 =	sshll.u32 s28, $0x1;
	[dreg:$0x2] =	wrdreg s3  }
0xa9: {  	[dreg:$0x3] =	wrdreg s5  }
0xaa: {  	[dreg:$0x4] =	wrdreg $0xC0  }
0xab: {  	_ =	task [dreg:s7], $0x5FFFF  }
0xac: {  	[dreg:$0x1] =	wrdreg $0xFFFFFFFF  }
0xad: {  	[dreg:$0x0] =	wrdreg $0x60  }
0xae: {  	[dreg:$0x2] =	wrdreg s24  }
0xaf: {  	[dreg:$0x3] =	wrdreg s2  }
0xb0: {  	[dreg:$0x4] =	wrdreg $0x9  }
0xb1: {  	_ =	task.clear_ibuf [dreg:s7], $0x5FFFF;
	_ =	strace $0x9000004F  }
0xb2: {  	s29 =	simm.s32 $0x9;
	_ =	strace $0x80000051  }
0xb3: {  	_ =	swait.ge [sflag:s29], $0x1  }
0xb4: {  	[sflag:s29] =	ssyncadd.s32 $0xFFFFFFFF  }
0xb5: {  	_ =	strace $0x90000051  }
0xb6: {  	_ =	sfence  }
0xb7: {  	s30 =	sld [smem:$0x0];
	_ =	sdelay $0x2  }
0xb8: {  	s31 =	sshll.u32 s1, $0xD;
	s1 =	sshrl.u32 s1, $0x2  }
0xb9: {  	s3 =	sand.u32 $0x4000, s31;
	s1 =	sadd.s32 s1, s30  }
0xba: {  	s0 =	sor.u32 s3, s0;
	s1 =	sshll.u32 s1, $0x11  }
0xbb: {  	s0 =	sor.u32 s1, s0  }
0xbc: {  	s0 =	sadd.s32 $0x8F2B, s0  }
0xbd: {  	[sflag:s0] =	ssyncadd.remote.s32 $0x1  }
0xbe: {  	_ =	sfence.sel $0xFFFF  }
0xbf: {  	[dreg:$0x0] =	wrdreg $0xFFFFFFFF;
	(pc) =	sbr.abs _section_cstart, $3  }
0xc0: {  	[dreg:$0x1] =	wrdreg $0xFFFFFFFF  }
0xc1: {  	_ =	task.clear_ibuf [dreg:s7], $0x2FFFF;
	_ =	strace $0x9FFFFFFF  }
0xc2: {  	(tm) =	ssettm $0x7FFFFFFF  }
0xc3: {  	_ =	shalt  }
tec
execute0_lowered:
.L_overlay_start_1:
0x0: {  	(tag) =	ssettag $0x1  }
0x1: {  	s5 =	rddreg [dreg:$0x0]  }
0x2: {  	s7 =	rddreg [dreg:$0x1]  }
0x3: {  	s0 =	rddreg [dreg:$0x2];
	s1 =	simm.s32 $0x0;
	s2 =	srdreg.scid  }
0x4: {  	s24 =	simm.s32 $0x4E20;
	s25 =	simm.s32 $0x4EA0;
	[smem:$0x7FF] =	sst s1  }
0x5: {  	s26 =	simm.s32 $0x4F20;
	_ =	strace $0x80000050;
	[dreg:$0x3] =	wrdreg s24  }
0x6: {  	s28 =	simm.s32 $0x5020;
	s29 =	simm.s32 $0x50A0;
	[dreg:$0x4] =	wrdreg s25  }
0x7: {  	s30 =	simm.s32 $0x5120;
	s13 =	simm.s32 $0x5220;
	[dreg:$0x5] =	wrdreg s26  }
0x8: {  	s14 =	simm.s32 $0x52A0;
	s31 =	simm.s32 $0x5320;
	[dreg:$0x6] =	wrdreg s28  }
0x9: {  	s15 =	simm.s32 $0x0;
	s9 =	sand.u32 $0x1, s2;
	[dreg:$0x7] =	wrdreg s29  }
0xa: {  	s3 =	sadd.s32 $0x7400, s5;
	s2 =	stileid.u32;
	[dreg:$0x8] =	wrdreg s30  }
0xb: {  	s4 =	sadd.s32 $0x6E00, s5;
	s6 =	ssub.s32 $0x2, s9;
	[dreg:$0x9] =	wrdreg s13  }
0xc: {  	s8 =	sshll.u32 s2, $0x5;
	s23 =	sshll.u32 s9, $0x4;
	[dreg:$0xa] =	wrdreg s14  }
0xd: {  	s12 =	sshll.u32 s2, $0x1;
	s13 =	simm.s32 $0x2;
	[dreg:$0xb] =	wrdreg s31  }
0xe: {  	s14 =	simm.s32 $0x3;
	s10 =	sshrl.u32 s6, $0x1;
	s11 =	sadd.s32 s8, s5  }
0xf: {  	s7 =	sadd.s32 s8, s7;
	s9 =	sor.u32 s9, s12;
	s12 =	simm.s32 $0x1  }
0x10: {  	s22 =	ssub.s32 s6, s10;
	s11 =	sadd.s32 s23, s11;
	s7 =	sadd.s32 s23, s7  }
0x11: {  	s9 =	sor.u32 $0x60, s9;
	s10 =	simm.s32 $0x4;
	s5 =	smax.u32 s22, $0x1  }
0x12: {  	s6 =	sadd.s32 $0x1E00, s11;
	s8 =	sadd.s32 $0x7A00, s11;
	s11 =	simm.s32 $0x2710  }
.LBB2_1:
0x13: {  	[tilespmem:s1], [sflag:$0x4] =	stream.linear.gather [hbm4b:s3+s1], $0x2710, $0x38;
	[tilespmem:$0x5420] =	vst v63  }
0x14: {  	_ =	swait.ge [sflag:s10], $0x2710  }
0x15: {  	[sflag:s10] =	ssyncset.done $0x0  }
0x16: {  	[sflag:s10] =	ssyncadd.s32 $0xFFFFD8F0  }
0x17: {  	[tilespmem:s11], [sflag:$0x4] =	stream.linear.gather [hbm4b:s4+s1], $0x2710, $0x38;
	[tilespmem:$0x5420] =	vst v63  }
0x18: {  	_ =	swait.ge [sflag:s10], $0x2710  }
0x19: {  	[sflag:s10] =	ssyncset.done $0x0  }
0x1a: {  	s16 =	smov.u32 s9;
	s17 =	simm.s32 $0x0;
	[sflag:s10] =	ssyncadd.s32 $0xFFFFD8F0  }
.LBB2_2:
0x1b: {  	s18 =	rddreg [dreg:$0x3];
	s19 =	sadd.s32 s17, s6  }
0x1c: {  	[tilespmem:s18], [sflag:$0x1] =	stream.linear.gather [hbm4b:s19+s1], $0x80, $0x38;
	[tilespmem:$0x5420] =	vst v63  }
0x1d: {  	s20 =	rddreg [dreg:$0x4];
	p0 =	sgt.u32 s16, $0x4E1;
	s31 =	sadd.s32 $0x200, s19  }
0x1e: {  	[tilespmem:s20], [sflag:$0x1] =	stream.linear.gather [hbm4b:s31+s1], $0x80, $0x38;
	[tilespmem:$0x5420] =	vst v63  }
0x1f: {  	s21 =	rddreg [dreg:$0x5];
	s18 =	sadd.s32 @!p0 s17, s6;
	s20 =	sadd.s32 $0x400, s19  }
0x20: {  	[tilespmem:s21], [sflag:$0x1] =	stream.linear.gather [hbm4b:s20+s1], $0x80, $0x38;
	[tilespmem:$0x5420] =	vst v63  }
0x21: {  	s19 =	sadd.s32 @!p0 $0x600, s18;
	s18 =	simm.s32 @!p0 $0x0;
	s20 =	simm.s32 @!p0 $0x4FA0  }
0x22: {  	[tilespmem:s20], [sflag:$0x1] =	stream.linear.gather @!p0 [hbm4b:s19+s18], $0x80, $0x38;
	[tilespmem:$0x5420] =	vst v63  }
0x23: {  	s22 =	rddreg [dreg:$0x6];
	s23 =	sadd.s32 s17, s7  }
0x24: {  	[tilespmem:s22], [sflag:$0x2] =	stream.linear.gather [hbm4b:s23+s1], $0x80, $0x38;
	[tilespmem:$0x5420] =	vst v63  }
0x25: {  	s24 =	rddreg [dreg:$0x7];
	s25 =	sadd.s32 $0x200, s23  }
0x26: {  	[tilespmem:s24], [sflag:$0x2] =	stream.linear.gather [hbm4b:s25+s1], $0x80, $0x38;
	[tilespmem:$0x5420] =	vst v63  }
0x27: {  	s19 =	sadd.s32 $0x400, s23;
	s22 =	rddreg [dreg:$0x8]  }
0x28: {  	[tilespmem:s22], [sflag:$0x2] =	stream.linear.gather [hbm4b:s19+s1], $0x80, $0x38;
	[tilespmem:$0x5420] =	vst v63  }
0x29: {  	s19 =	sadd.s32 @!p0 s17, s7  }
0x2a: {  	s20 =	simm.s32 @!p0 $0x51A0;
	s19 =	sadd.s32 @!p0 $0x600, s19  }
0x2b: {  	[tilespmem:s20], [sflag:$0x2] =	stream.linear.gather @!p0 [hbm4b:s19+s18], $0x80, $0x38;
	[tilespmem:$0x5420] =	vst v63  }
0x2c: {  	s19 =	simm.s32 @!p0 $0x1  }
0x2d: {  	_ =	swait.ge @!p0 [sflag:s19], $0x80  }
0x2e: {  	[sflag:s19] =	ssyncset.done @!p0 $0x0  }
0x2f: {  	[sflag:s19] =	ssyncadd.s32 @!p0 $0xFFFFFF80  }
0x30: {  	_ =	swait.ge [sflag:s12], $0x80  }
0x31: {  	[sflag:s12] =	ssyncset.done $0x0  }
0x32: {  	[sflag:s12] =	ssyncadd.s32 $0xFFFFFF80  }
0x33: {  	_ =	swait.ge [sflag:s12], $0x80  }
0x34: {  	[sflag:s12] =	ssyncset.done $0x0  }
0x35: {  	[sflag:s12] =	ssyncadd.s32 $0xFFFFFF80  }
0x36: {  	_ =	swait.ge [sflag:s12], $0x80  }
0x37: {  	[sflag:s12] =	ssyncset.done $0x0  }
0x38: {  	[sflag:s12] =	ssyncadd.s32 $0xFFFFFF80  }
0x39: {  	_ =	swait.ge [sflag:s13], $0x80  }
0x3a: {  	[sflag:s13] =	ssyncset.done $0x0  }
0x3b: {  	[sflag:s13] =	ssyncadd.s32 $0xFFFFFF80  }
0x3c: {  	_ =	swait.ge [sflag:s13], $0x80  }
0x3d: {  	[sflag:s13] =	ssyncset.done $0x0  }
0x3e: {  	[sflag:s13] =	ssyncadd.s32 $0xFFFFFF80  }
0x3f: {  	_ =	swait.ge [sflag:s13], $0x80  }
0x40: {  	[sflag:s13] =	ssyncset.done $0x0  }
0x41: {  	s19 =	simm.s32 @!p0 $0x2;
	[sflag:s13] =	ssyncadd.s32 $0xFFFFFF80  }
0x42: {  	_ =	swait.ge @!p0 [sflag:s19], $0x80  }
0x43: {  	[sflag:s19] =	ssyncset.done @!p0 $0x0  }
0x44: {  	[sflag:s19] =	ssyncadd.s32 @!p0 $0xFFFFFF80  }
0x45: {  	v0 =	vld [tilespmem:$0x4E20]  }
0x46: {  	v1 =	vld [tilespmem:$0x5020];
	_ =	sdelay $0x5  }
0x47: {  	v2 =	vld [tilespmem:$0x4E30]  }
0x48: {  	v0 =	vld.idx.msk [tilespmem:v0+s1+$0x0], $0xffff  }
0x49: {  	v1 =	vld.idx.msk [tilespmem:v1+s11+$0x0], $0xffff  }
0x4a: {  	v3 =	vld [tilespmem:$0x5030];
	_ =	sdelay $0x3  }
0x4b: {  	v0 =	vadd.f32 v1, v0;
	_ =	sdelay $0x1  }
0x4c: {  	v58 =	vld [tilespmem:$0x4E40];
	[tilespmem:$0x5220] =	vst v0  }
0x4d: {  	v0 =	vld.idx.msk [tilespmem:v2+s1+$0x0], $0xffff  }
0x4e: {  	v57 =	vld.idx.msk [tilespmem:v3+s11+$0x0], $0xffff  }
0x4f: {  	v59 =	vld [tilespmem:$0x5040];
	_ =	sdelay $0x3  }
0x50: {  	v0 =	vadd.f32 v57, v0;
	_ =	sdelay $0x1  }
0x51: {  	v61 =	vld [tilespmem:$0x4E50];
	[tilespmem:$0x5230] =	vst v0  }
0x52: {  	v0 =	vld.idx.msk [tilespmem:v58+s1+$0x0], $0xffff  }
0x53: {  	v60 =	vld.idx.msk [tilespmem:v59+s11+$0x0], $0xffff  }
0x54: {  	v62 =	vld [tilespmem:$0x5050];
	_ =	sdelay $0x3  }
0x55: {  	v0 =	vadd.f32 v60, v0;
	_ =	sdelay $0x1  }
0x56: {  	v6 =	vld [tilespmem:$0x4E60];
	[tilespmem:$0x5240] =	vst v0  }
0x57: {  	v0 =	vld.idx.msk [tilespmem:v61+s1+$0x0], $0xffff  }
0x58: {  	v63 =	vld.idx.msk [tilespmem:v62+s11+$0x0], $0xffff  }
0x59: {  	v7 =	vld [tilespmem:$0x5060];
	_ =	sdelay $0x3  }
0x5a: {  	v0 =	vadd.f32 v63, v0;
	_ =	sdelay $0x1  }
0x5b: {  	v9 =	vld [tilespmem:$0x4E70];
	[tilespmem:$0x5250] =	vst v0  }
0x5c: {  	v0 =	vld.idx.msk [tilespmem:v6+s1+$0x0], $0xffff  }
0x5d: {  	v8 =	vld.idx.msk [tilespmem:v7+s11+$0x0], $0xffff  }
0x5e: {  	v10 =	vld [tilespmem:$0x5070];
	_ =	sdelay $0x3  }
0x5f: {  	v0 =	vadd.f32 v8, v0;
	_ =	sdelay $0x1  }
0x60: {  	v12 =	vld [tilespmem:$0x4E80];
	[tilespmem:$0x5260] =	vst v0  }
0x61: {  	v0 =	vld.idx.msk [tilespmem:v9+s1+$0x0], $0xffff  }
0x62: {  	v11 =	vld.idx.msk [tilespmem:v10+s11+$0x0], $0xffff  }
0x63: {  	v13 =	vld [tilespmem:$0x5080];
	_ =	sdelay $0x3  }
0x64: {  	v0 =	vadd.f32 v11, v0;
	_ =	sdelay $0x1  }
0x65: {  	v15 =	vld [tilespmem:$0x4E90];
	[tilespmem:$0x5270] =	vst v0  }
0x66: {  	v0 =	vld.idx.msk [tilespmem:v12+s1+$0x0], $0xffff  }
0x67: {  	v14 =	vld.idx.msk [tilespmem:v13+s11+$0x0], $0xffff  }
0x68: {  	v16 =	vld [tilespmem:$0x5090];
	_ =	sdelay $0x3  }
0x69: {  	v0 =	vadd.f32 v14, v0;
	_ =	sdelay $0x1  }
0x6a: {  	[tilespmem:$0x5280] =	vst v0  }
0x6b: {  	v0 =	vld.idx.msk [tilespmem:v15+s1+$0x0], $0xffff  }
0x6c: {  	v17 =	vld.idx.msk [tilespmem:v16+s11+$0x0], $0xffff;
	_ =	sdelay $0x4  }
0x6d: {  	v0 =	vadd.f32 v17, v0;
	_ =	sdelay $0x1  }
0x6e: {  	s28 =	sadd.s32 s17, s8;
	s26 =	rddreg [dreg:$0x9];
	[tilespmem:$0x5290] =	vst v0  }
0x6f: {  	[hbm4b:s28+s1] =	stream.linear.scatter [tilespmem:s26], [sflag:$0x3], $0x80, $0x38;
	[tilespmem:$0x5420] =	vst v63  }
0x70: {  	v18 =	vld [tilespmem:$0x4EA0]  }
0x71: {  	v19 =	vld [tilespmem:$0x50A0];
	_ =	sdelay $0x5  }
0x72: {  	v20 =	vld [tilespmem:$0x4EB0]  }
0x73: {  	v0 =	vld.idx.msk [tilespmem:v18+s1+$0x0], $0xffff  }
0x74: {  	v1 =	vld.idx.msk [tilespmem:v19+s11+$0x0], $0xffff  }
0x75: {  	v21 =	vld [tilespmem:$0x50B0];
	_ =	sdelay $0x3  }
0x76: {  	v0 =	vadd.f32 v1, v0;
	_ =	sdelay $0x1  }
0x77: {  	v23 =	vld [tilespmem:$0x4EC0];
	[tilespmem:$0x52A0] =	vst v0  }
0x78: {  	v0 =	vld.idx.msk [tilespmem:v20+s1+$0x0], $0xffff  }
0x79: {  	v22 =	vld.idx.msk [tilespmem:v21+s11+$0x0], $0xffff  }
0x7a: {  	v24 =	vld [tilespmem:$0x50C0];
	_ =	sdelay $0x3  }
0x7b: {  	v0 =	vadd.f32 v22, v0;
	_ =	sdelay $0x1  }
0x7c: {  	v26 =	vld [tilespmem:$0x4ED0];
	[tilespmem:$0x52B0] =	vst v0  }
0x7d: {  	v0 =	vld.idx.msk [tilespmem:v23+s1+$0x0], $0xffff  }
0x7e: {  	v25 =	vld.idx.msk [tilespmem:v24+s11+$0x0], $0xffff  }
0x7f: {  	v27 =	vld [tilespmem:$0x50D0];
	_ =	sdelay $0x3  }
0x80: {  	v0 =	vadd.f32 v25, v0;
	_ =	sdelay $0x1  }
0x81: {  	v29 =	vld [tilespmem:$0x4EE0];
	[tilespmem:$0x52C0] =	vst v0  }
0x82: {  	v0 =	vld.idx.msk [tilespmem:v26+s1+$0x0], $0xffff  }
0x83: {  	v28 =	vld.idx.msk [tilespmem:v27+s11+$0x0], $0xffff  }
0x84: {  	v30 =	vld [tilespmem:$0x50E0];
	_ =	sdelay $0x3  }
0x85: {  	v0 =	vadd.f32 v28, v0;
	_ =	sdelay $0x1  }
0x86: {  	v32 =	vld [tilespmem:$0x4EF0];
	[tilespmem:$0x52D0] =	vst v0  }
0x87: {  	v0 =	vld.idx.msk [tilespmem:v29+s1+$0x0], $0xffff  }
0x88: {  	v31 =	vld.idx.msk [tilespmem:v30+s11+$0x0], $0xffff  }
0x89: {  	v33 =	vld [tilespmem:$0x50F0];
	_ =	sdelay $0x3  }
0x8a: {  	v0 =	vadd.f32 v31, v0;
	_ =	sdelay $0x1  }
0x8b: {  	v35 =	vld [tilespmem:$0x4F00];
	[tilespmem:$0x52E0] =	vst v0  }
0x8c: {  	v0 =	vld.idx.msk [tilespmem:v32+s1+$0x0], $0xffff  }
0x8d: {  	v34 =	vld.idx.msk [tilespmem:v33+s11+$0x0], $0xffff  }
0x8e: {  	v36 =	vld [tilespmem:$0x5100];
	_ =	sdelay $0x3  }
0x8f: {  	v0 =	vadd.f32 v34, v0;
	_ =	sdelay $0x1  }
0x90: {  	v38 =	vld [tilespmem:$0x4F10];
	[tilespmem:$0x52F0] =	vst v0  }
0x91: {  	v0 =	vld.idx.msk [tilespmem:v35+s1+$0x0], $0xffff  }
0x92: {  	v37 =	vld.idx.msk [tilespmem:v36+s11+$0x0], $0xffff  }
0x93: {  	v39 =	vld [tilespmem:$0x5110];
	_ =	sdelay $0x3  }
0x94: {  	v0 =	vadd.f32 v37, v0;
	_ =	sdelay $0x1  }
0x95: {  	[tilespmem:$0x5300] =	vst v0  }
0x96: {  	v0 =	vld.idx.msk [tilespmem:v38+s1+$0x0], $0xffff  }
0x97: {  	v40 =	vld.idx.msk [tilespmem:v39+s11+$0x0], $0xffff;
	_ =	sdelay $0x4  }
0x98: {  	v0 =	vadd.f32 v40, v0;
	_ =	sdelay $0x1  }
0x99: {  	s30 =	sadd.s32 $0x200, s28;
	s29 =	rddreg [dreg:$0xa];
	[tilespmem:$0x5310] =	vst v0  }
0x9a: {  	[hbm4b:s30+s1] =	stream.linear.scatter [tilespmem:s29], [sflag:$0x3], $0x80, $0x38;
	[tilespmem:$0x5420] =	vst v63  }
0x9b: {  	v41 =	vld [tilespmem:$0x4F20]  }
0x9c: {  	v42 =	vld [tilespmem:$0x5120];
	_ =	sdelay $0x5  }
0x9d: {  	v43 =	vld [tilespmem:$0x4F30]  }
0x9e: {  	v0 =	vld.idx.msk [tilespmem:v41+s1+$0x0], $0xffff  }
0x9f: {  	v1 =	vld.idx.msk [tilespmem:v42+s11+$0x0], $0xffff  }
0xa0: {  	v44 =	vld [tilespmem:$0x5130];
	_ =	sdelay $0x3  }
0xa1: {  	v0 =	vadd.f32 v1, v0;
	_ =	sdelay $0x1  }
0xa2: {  	v46 =	vld [tilespmem:$0x4F40];
	[tilespmem:$0x5320] =	vst v0  }
0xa3: {  	v0 =	vld.idx.msk [tilespmem:v43+s1+$0x0], $0xffff  }
0xa4: {  	v45 =	vld.idx.msk [tilespmem:v44+s11+$0x0], $0xffff  }
0xa5: {  	v47 =	vld [tilespmem:$0x5140];
	_ =	sdelay $0x3  }
0xa6: {  	v0 =	vadd.f32 v45, v0;
	_ =	sdelay $0x1  }
0xa7: {  	v49 =	vld [tilespmem:$0x4F50];
	[tilespmem:$0x5330] =	vst v0  }
0xa8: {  	v0 =	vld.idx.msk [tilespmem:v46+s1+$0x0], $0xffff  }
0xa9: {  	v48 =	vld.idx.msk [tilespmem:v47+s11+$0x0], $0xffff  }
0xaa: {  	v50 =	vld [tilespmem:$0x5150];
	_ =	sdelay $0x3  }
0xab: {  	v0 =	vadd.f32 v48, v0;
	_ =	sdelay $0x1  }
0xac: {  	v52 =	vld [tilespmem:$0x4F60];
	[tilespmem:$0x5340] =	vst v0  }
0xad: {  	v0 =	vld.idx.msk [tilespmem:v49+s1+$0x0], $0xffff  }
0xae: {  	v51 =	vld.idx.msk [tilespmem:v50+s11+$0x0], $0xffff  }
0xaf: {  	v53 =	vld [tilespmem:$0x5160];
	_ =	sdelay $0x3  }
0xb0: {  	v0 =	vadd.f32 v51, v0;
	_ =	sdelay $0x1  }
0xb1: {  	v55 =	vld [tilespmem:$0x4F70];
	[tilespmem:$0x5350] =	vst v0  }
0xb2: {  	v0 =	vld.idx.msk [tilespmem:v52+s1+$0x0], $0xffff  }
0xb3: {  	v54 =	vld.idx.msk [tilespmem:v53+s11+$0x0], $0xffff  }
0xb4: {  	v56 =	vld [tilespmem:$0x5170];
	_ =	sdelay $0x3  }
0xb5: {  	v0 =	vadd.f32 v54, v0;
	_ =	sdelay $0x1  }
0xb6: {  	v58 =	vld [tilespmem:$0x4F80];
	[tilespmem:$0x5360] =	vst v0  }
0xb7: {  	v0 =	vld.idx.msk [tilespmem:v55+s1+$0x0], $0xffff  }
0xb8: {  	v57 =	vld.idx.msk [tilespmem:v56+s11+$0x0], $0xffff  }
0xb9: {  	v59 =	vld [tilespmem:$0x5180];
	_ =	sdelay $0x3  }
0xba: {  	v0 =	vadd.f32 v57, v0;
	_ =	sdelay $0x1  }
0xbb: {  	v61 =	vld [tilespmem:$0x4F90];
	[tilespmem:$0x5370] =	vst v0  }
0xbc: {  	v0 =	vld.idx.msk [tilespmem:v58+s1+$0x0], $0xffff  }
0xbd: {  	v60 =	vld.idx.msk [tilespmem:v59+s11+$0x0], $0xffff  }
0xbe: {  	v62 =	vld [tilespmem:$0x5190];
	_ =	sdelay $0x3  }
0xbf: {  	v0 =	vadd.f32 v60, v0;
	_ =	sdelay $0x1  }
0xc0: {  	[tilespmem:$0x5380] =	vst v0  }
0xc1: {  	v0 =	vld.idx.msk [tilespmem:v61+s1+$0x0], $0xffff  }
0xc2: {  	v63 =	vld.idx.msk [tilespmem:v62+s11+$0x0], $0xffff;
	_ =	sdelay $0x4  }
0xc3: {  	v0 =	vadd.f32 v63, v0;
	_ =	sdelay $0x1  }
0xc4: {  	s31 =	rddreg [dreg:$0xb];
	s19 =	sadd.s32 $0x400, s28;
	[tilespmem:$0x5390] =	vst v0  }
0xc5: {  	[hbm4b:s19+s1] =	stream.linear.scatter [tilespmem:s31], [sflag:$0x3], $0x80, $0x38;
	[tilespmem:$0x5420] =	vst v63  }
0xc6: {  	v0 =	vld @!p0 [tilespmem:$0x4FA0]  }
0xc7: {  	v1 =	vld @!p0 [tilespmem:$0x51A0];
	_ =	sdelay $0x5  }
0xc8: {  	v2 =	vld @!p0 [tilespmem:$0x4FB0]  }
0xc9: {  	s19 =	simm.s32 @!p0 $0x2710;
	v0 =	vld.idx.msk @!p0 [tilespmem:v0+s18+$0x0], $0xffff  }
0xca: {  	v1 =	vld.idx.msk @!p0 [tilespmem:v1+s19+$0x0], $0xffff  }
0xcb: {  	v3 =	vld @!p0 [tilespmem:$0x51B0];
	_ =	sdelay $0x3  }
0xcc: {  	v0 =	vadd.f32 @!p0 v1, v0;
	_ =	sdelay $0x1  }
0xcd: {  	[tilespmem:$0x53A0] =	vst @!p0 v0  }
0xce: {  	v0 =	vld.idx.msk @!p0 [tilespmem:v2+s18+$0x0], $0xffff  }
0xcf: {  	v1 =	vld.idx.msk @!p0 [tilespmem:v3+s19+$0x0], $0xffff  }
0xd0: {  	v2 =	vld @!p0 [tilespmem:$0x4FC0]  }
0xd1: {  	v3 =	vld @!p0 [tilespmem:$0x51C0];
	_ =	sdelay $0x3  }
0xd2: {  	v0 =	vadd.f32 @!p0 v1, v0;
	_ =	sdelay $0x1  }
0xd3: {  	[tilespmem:$0x53B0] =	vst @!p0 v0  }
0xd4: {  	v0 =	vld.idx.msk @!p0 [tilespmem:v2+s18+$0x0], $0xffff  }
0xd5: {  	v1 =	vld.idx.msk @!p0 [tilespmem:v3+s19+$0x0], $0xffff  }
0xd6: {  	v2 =	vld @!p0 [tilespmem:$0x4FD0]  }
0xd7: {  	v3 =	vld @!p0 [tilespmem:$0x51D0];
	_ =	sdelay $0x3  }
0xd8: {  	v0 =	vadd.f32 @!p0 v1, v0;
	_ =	sdelay $0x1  }
0xd9: {  	[tilespmem:$0x53C0] =	vst @!p0 v0  }
0xda: {  	v0 =	vld.idx.msk @!p0 [tilespmem:v2+s18+$0x0], $0xffff  }
0xdb: {  	v1 =	vld.idx.msk @!p0 [tilespmem:v3+s19+$0x0], $0xffff  }
0xdc: {  	v2 =	vld @!p0 [tilespmem:$0x4FE0]  }
0xdd: {  	v3 =	vld @!p0 [tilespmem:$0x51E0];
	_ =	sdelay $0x3  }
0xde: {  	v0 =	vadd.f32 @!p0 v1, v0;
	_ =	sdelay $0x1  }
0xdf: {  	[tilespmem:$0x53D0] =	vst @!p0 v0  }
0xe0: {  	v0 =	vld.idx.msk @!p0 [tilespmem:v2+s18+$0x0], $0xffff  }
0xe1: {  	v1 =	vld.idx.msk @!p0 [tilespmem:v3+s19+$0x0], $0xffff  }
0xe2: {  	v2 =	vld @!p0 [tilespmem:$0x4FF0]  }
0xe3: {  	v3 =	vld @!p0 [tilespmem:$0x51F0];
	_ =	sdelay $0x3  }
0xe4: {  	v0 =	vadd.f32 @!p0 v1, v0;
	_ =	sdelay $0x1  }
0xe5: {  	[tilespmem:$0x53E0] =	vst @!p0 v0  }
0xe6: {  	v0 =	vld.idx.msk @!p0 [tilespmem:v2+s18+$0x0], $0xffff  }
0xe7: {  	v1 =	vld.idx.msk @!p0 [tilespmem:v3+s19+$0x0], $0xffff  }
0xe8: {  	v2 =	vld @!p0 [tilespmem:$0x5000]  }
0xe9: {  	v3 =	vld @!p0 [tilespmem:$0x5200];
	_ =	sdelay $0x3  }
0xea: {  	v0 =	vadd.f32 @!p0 v1, v0;
	_ =	sdelay $0x1  }
0xeb: {  	[tilespmem:$0x53F0] =	vst @!p0 v0  }
0xec: {  	v0 =	vld.idx.msk @!p0 [tilespmem:v2+s18+$0x0], $0xffff  }
0xed: {  	v1 =	vld.idx.msk @!p0 [tilespmem:v3+s19+$0x0], $0xffff  }
0xee: {  	v2 =	vld @!p0 [tilespmem:$0x5010]  }
0xef: {  	v3 =	vld @!p0 [tilespmem:$0x5210];
	_ =	sdelay $0x3  }
0xf0: {  	v0 =	vadd.f32 @!p0 v1, v0;
	_ =	sdelay $0x1  }
0xf1: {  	[tilespmem:$0x5400] =	vst @!p0 v0  }
0xf2: {  	v0 =	vld.idx.msk @!p0 [tilespmem:v2+s18+$0x0], $0xffff  }
0xf3: {  	v1 =	vld.idx.msk @!p0 [tilespmem:v3+s19+$0x0], $0xffff;
	_ =	sdelay $0x4  }
0xf4: {  	v0 =	vadd.f32 @!p0 v1, v0  }
0xf5: {  	s19 =	sadd.s32 @!p0 s17, s8  }
0xf6: {  	s20 =	simm.s32 @!p0 $0x53A0;
	s19 =	sadd.s32 @!p0 $0x600, s19;
	[tilespmem:$0x5410] =	vst @!p0 v0  }
0xf7: {  	[hbm4b:s19+s18] =	stream.linear.scatter @!p0 [tilespmem:s20], [sflag:$0x3], $0x80, $0x38;
	[tilespmem:$0x5420] =	vst v63  }
0xf8: {  	s18 =	simm.s32 @!p0 $0x3  }
0xf9: {  	_ =	swait.ge @!p0 [sflag:s18], $0x80  }
0xfa: {  	[sflag:s18] =	ssyncset.done @!p0 $0x0  }
0xfb: {  	[sflag:s18] =	ssyncadd.s32 @!p0 $0xFFFFFF80  }
0xfc: {  	_ =	swait.ge [sflag:s14], $0x80  }
0xfd: {  	[sflag:s14] =	ssyncset.done $0x0  }
0xfe: {  	s17 =	sadd.s32 $0x800, s17;
	[sflag:s14] =	ssyncadd.s32 $0xFFFFFF80  }
0xff: {  	p0 =	sne.s32 s17, $0x5000;
	_ =	swait.ge [sflag:s14], $0x80  }
.Ltmp0:
0x100: {  	[sflag:s14] =	ssyncset.done $0x0;
	(pc) =	sbr.rel @p0 .LBB2_2-.Ltmp0, $4  }
0x101: {  	[sflag:s14] =	ssyncadd.s32 $0xFFFFFF80  }
0x102: {  	_ =	swait.ge [sflag:s14], $0x80  }
0x103: {  	[sflag:s14] =	ssyncset.done $0x0  }
0x104: {  	s16 =	sadd.s32 $0x80, s16;
	[sflag:s14] =	ssyncadd.s32 $0xFFFFFF80  }
0x105: {  	s15 =	sadd.s32 $0x1, s15  }
0x106: {  	p0 =	sne.s32 s15, s5  }
.Ltmp1:
0x107: {  	_ = 	snop;
	(pc) =	sbr.rel @p0 .LBB2_1-.Ltmp1, $1  }
0x108: {  	_ =	sdelay $0x3  }
0x109: {  	_ =	sfence.sel $0x180000  }
0x10a: {  	[bflag:$0x0] =	sbarrier.arrive $0xFFFF  }
0x10b: {  	p0 =	sne.s32 s2, $0x0;
	_ =	strace $0x90000050  }
0x10c: {  	s0 =	sadd.s32 @!p0 $0x100000, s0;
	[bflag:$0x2] =	sbarrier.arrive $0xFFFF  }
0x10d: {  	[sflag:s0] =	ssyncadd.tile.s32 @!p0 $0x1;
	_ =	shalt  }
.Lfunc_end2:
_tile_overlayer_lowered:
.L_overlay_start_2:
0x10e: {  	(tag) =	ssettag $0x2  }
0x10f: {  	s0 =	rddreg [dreg:$0x0];
	s2 =	stileid.u32  }
0x110: {  	s1 =	rddreg [dreg:$0x1];
	p0 =	sne.s32 s2, $0x0  }
0x111: {  	s3 =	rddreg [dreg:$0x2];
	[bflag:$0x3] =	sbarrier.arrive $0xFFFF;
	s2 =	simm.s32 @!p0 $0x1C04  }
0x112: {  	[timem:s3], [sflag:s2] =	dma.local @!p0 [hbm:s0], s1  }
0x113: {  	s0 =	simm.s32 @!p0 $0x4  }
0x114: {  	_ =	swait.ge @!p0 [sflag:s0], s1  }
0x115: {  	s1 =	ssub.s32 @!p0 $0x0, s1;
	[sflag:s0] =	ssyncset.done @!p0 $0x0  }
0x116: {  	[sflag:s0] =	ssyncadd.s32 @!p0 s1  }
0x117: {  	[bflag:$0x3] =	sbarrier.arrive $0xFFFF  }
0x118: {  	_ =	shalt  }

</sc_bundles>
